<compile_context>
chip_gen: v7x
topology: tpu7x:2x2x1
jax: 0.10.2.dev20260603
libtpu: 0.0.44.dev20260713+nightly
codegen_flags: <defaults>
</compile_context>

<pallas_src>
import functools
import math

import jax
import jax.numpy as jnp
from jax import lax
from jax.experimental import pallas as pl
from jax.experimental.pallas import tpu as pltpu
from jax.experimental.pallas import tpu_sc as plsc

_B = 4
_S = 4096
_D = 1024
_ROWS = _B * _S
_NW = 32
_S_PER_W = _S // _NW
_CS = 8
_N_ROUNDS = _S_PER_W // _CS
_GR = _B * _CS
_VECS_PER_ROW = _D // 16
_SCALE = math.sqrt(_D)
_NBUF = 3

_mesh = plsc.VectorSubcoreMesh(core_axis_name="c", subcore_axis_name="s")


@functools.partial(
    pl.kernel,
    out_type=jax.ShapeDtypeStruct((_ROWS, _D), jnp.float32),
    mesh=_mesh,
    scratch_types=[
        pltpu.VMEM((_N_ROUNDS * _GR,), jnp.int32),
        pltpu.VMEM((_GR, _D), jnp.float32),
        pltpu.VMEM((_GR, _D), jnp.float32),
        pltpu.VMEM((_GR, _D), jnp.float32),
        pltpu.VMEM((_CS, _D), jnp.float32),
        pltpu.VMEM((_CS, _D), jnp.float32),
        pltpu.VMEM((_CS, _D), jnp.float32),
        pltpu.SemaphoreType.DMA,
        pltpu.SemaphoreType.DMA,
        pltpu.SemaphoreType.DMA,
        pltpu.SemaphoreType.DMA,
        pltpu.SemaphoreType.DMA,
        pltpu.SemaphoreType.DMA,
        pltpu.SemaphoreType.DMA,
        pltpu.SemaphoreType.DMA,
        pltpu.SemaphoreType.DMA,
    ],
)
def _embed(perm_hbm, table_hbm, pos_hbm, out_hbm, idx_all,
           stg0, stg1, stg2, pos0, pos1, pos2,
           gsem0, gsem1, gsem2, psem0, psem1, psem2,
           osem0, osem1, osem2):
    wid = lax.axis_index("s") * 2 + lax.axis_index("c")
    s0 = wid * _S_PER_W

    stg = (stg0, stg1, stg2)
    pos = (pos0, pos1, pos2)
    gsem = (gsem0, gsem1, gsem2)
    psem = (psem0, psem1, psem2)
    osem = (osem0, osem1, osem2)

    pltpu.sync_copy(perm_hbm.at[wid], idx_all)

    def issue(r, j):
        idx_sl = idx_all.at[pl.ds(r * _GR, _GR)]
        pltpu.async_copy(table_hbm.at[idx_sl], stg[j], gsem[j])
        pltpu.async_copy(pos_hbm.at[pl.ds(s0 + r * _CS, _CS)], pos[j], psem[j])

    def do_round(r, j, tail):
        idx_sl = idx_all.at[pl.ds(r * _GR, _GR)]
        pltpu.make_async_copy(table_hbm.at[idx_sl], stg[j], gsem[j]).wait()
        pltpu.make_async_copy(pos_hbm.at[pl.ds(0, _CS)], pos[j],
                              psem[j]).wait()

        def vec_body(v, _):
            col = v * 16
            for i in range(_CS):
                ps = pos[j][i, pl.ds(col, 16)] * _SCALE
                for b in range(_B):
                    row = b * _CS + i
                    stg[j][row, pl.ds(col, 16)] = (
                        stg[j][row, pl.ds(col, 16)] * _SCALE + ps
                    )
            return 0

        lax.fori_loop(0, _VECS_PER_ROW, vec_body, 0)

        if not tail:
            jn = (j + 2) % _NBUF

            @pl.when(jnp.logical_and(r >= 1, r + 2 < _N_ROUNDS))
            def _():
                pltpu.make_async_copy(
                    stg[jn], out_hbm.at[pl.ds(0, _GR)], osem[jn]).wait()

            @pl.when(r + 2 < _N_ROUNDS)
            def _():
                issue(r + 2, jn)

        for b in range(_B):
            pltpu.async_copy(
                stg[j].at[pl.ds(b * _CS, _CS)],
                out_hbm.at[pl.ds(b * _S + s0 + r * _CS, _CS)],
                osem[j])

    issue(0, 0)
    issue(1, 1)

    def block_body(g, _):
        r0 = g * _NBUF
        for k in range(_NBUF):
            do_round(r0 + k, k, tail=False)
        return 0

    lax.fori_loop(0, (_N_ROUNDS - 1) // _NBUF, block_body, 0)
    do_round(_N_ROUNDS - 1, (_N_ROUNDS - 1) % _NBUF, tail=True)

    for r in range(_N_ROUNDS - _NBUF, _N_ROUNDS):
        j = r % _NBUF
        pltpu.make_async_copy(stg[j], out_hbm.at[pl.ds(0, _GR)],
                              osem[j]).wait()


def kernel(tokens, token_table, pos_table):
    batch, seq = tokens.shape
    perm = (
        tokens.astype(jnp.int32)
        .reshape(batch, _NW, _N_ROUNDS, _CS)
        .transpose(1, 2, 0, 3)
        .reshape(_NW, _N_ROUNDS * _GR)
    )
    out = _embed(perm, token_table, pos_table)
    return out.reshape(batch, seq, _D)

# --- scband reference (transcript-rebuilt; emitter-appended) ---
"""Pipeline reference for scband-token-embedding-16793322127863 (READ-ONLY COPY).

The authoritative reference and input builder live on the scoring server;
editing this copy changes nothing except your own understanding.
"""

import jax, jax.numpy as jnp
import numpy as np
import math

VOCAB = 100000
D_MODEL = 1024
MAX_SEQ = 4096
BATCH = 4
SEQ = 4096

def setup_inputs(seed: int = 0) -> dict:
    key = jax.random.key(seed)
    k1, k2, k3 = jax.random.split(key, 3)
    tokens = jax.random.randint(k1, (BATCH, SEQ), 0, VOCAB, dtype=jnp.int64) if jax.config.jax_enable_x64 else jax.random.randint(k1, (BATCH, SEQ), 0, VOCAB, dtype=jnp.int32)
    token_table = jax.random.normal(k2, (VOCAB, D_MODEL), dtype=jnp.float32) * 0.02
    pos_table = jax.random.normal(k3, (MAX_SEQ, D_MODEL), dtype=jnp.float32) * 0.02
    return {"tokens": tokens, "token_table": token_table, "pos_table": pos_table}

def reference(tokens, token_table, pos_table):
    batch_size, seq_len = tokens.shape
    positions = jnp.broadcast_to(jnp.arange(seq_len)[None, :], (batch_size, seq_len))
    token_emb = jnp.take(token_table, tokens, axis=0)
    pos_emb = jnp.take(pos_table, positions, axis=0)
    embeddings = (token_emb + pos_emb) * math.sqrt(D_MODEL)
    # dropout p=0.0 / eval mode -> identity
    return embeddings

if __name__ == "__main__":
    import jax
    _d = setup_inputs()
    print(jax.jit(kernel)(*tuple(_d.values())))

</pallas_src>

<mosaic_0001>
#map = affine_map<(d0, d1) -> (0, 0)>
module attributes {stable_mosaic.version = 14 : i64} {
  func.func @_embed(%arg0: i32, %arg1: i32, %arg2: memref<32x512xi32, #tpu.memory_space<hbm>>, %arg3: memref<100000x1024xf32, #tpu.memory_space<hbm>>, %arg4: memref<4096x1024xf32, #tpu.memory_space<hbm>>, %arg5: memref<16384x1024xf32, #tpu.memory_space<hbm>>, %arg6: memref<512xi32, #tpu.memory_space<vmem>>, %arg7: memref<32x1024xf32, #tpu.memory_space<vmem>>, %arg8: memref<32x1024xf32, #tpu.memory_space<vmem>>, %arg9: memref<32x1024xf32, #tpu.memory_space<vmem>>, %arg10: memref<8x1024xf32, #tpu.memory_space<vmem>>, %arg11: memref<8x1024xf32, #tpu.memory_space<vmem>>, %arg12: memref<8x1024xf32, #tpu.memory_space<vmem>>, %arg13: memref<!tpu.dma_semaphore, #tpu.memory_space<semaphore_mem>>, %arg14: memref<!tpu.dma_semaphore, #tpu.memory_space<semaphore_mem>>, %arg15: memref<!tpu.dma_semaphore, #tpu.memory_space<semaphore_mem>>, %arg16: memref<!tpu.dma_semaphore, #tpu.memory_space<semaphore_mem>>, %arg17: memref<!tpu.dma_semaphore, #tpu.memory_space<semaphore_mem>>, %arg18: memref<!tpu.dma_semaphore, #tpu.memory_space<semaphore_mem>>, %arg19: memref<!tpu.dma_semaphore, #tpu.memory_space<semaphore_mem>>, %arg20: memref<!tpu.dma_semaphore, #tpu.memory_space<semaphore_mem>>, %arg21: memref<!tpu.dma_semaphore, #tpu.memory_space<semaphore_mem>>) attributes {dimension_semantics = [#tpu.dimension_semantics<core_parallel>, #tpu.dimension_semantics<subcore_parallel>], iteration_bounds = array<i64: 2, 16>, scalar_prefetch = 0 : i64, scratch_operands = 16 : i64, tpu.core_type = #tpu.core_type<sc_vector_subcore>, window_params = [{transform_indices = #map}, {transform_indices = #map}, {transform_indices = #map}, {transform_indices = #map}]} {
    %mul3A = arith.constant 2 : i32
    %mul3A_0 = arith.muli %arg1, %mul3A : i32
    %add3A = arith.addi %mul3A_0, %arg0 : i32
    %mul3A_1 = arith.constant 128 : i32
    %mul3A_2 = arith.muli %add3A, %mul3A_1 : i32
    "tpu.region"() ({
      %run_scoped3A = tpu.sem_alloc : memref<!tpu.dma_semaphore, #tpu.memory_space<semaphore_mem>>
      %dma_start3A_121 = arith.constant 0 : i32
      %dma_start3A_122 = tpu.memref_slice %arg2[%add3A, %dma_start3A_121] : memref<32x512xi32, #tpu.memory_space<hbm>> -> memref<1x512xi32, #tpu.memory_space<hbm>>
      %dma_start3A_123 = tpu.memref_squeeze %dma_start3A_122 : memref<1x512xi32, #tpu.memory_space<hbm>> -> memref<512xi32, #tpu.memory_space<hbm>>
      %dma_start3A_124 = arith.constant 0 : i32
      %dma_start3A_125 = tpu.memref_slice %arg2[%add3A, %dma_start3A_124] : memref<32x512xi32, #tpu.memory_space<hbm>> -> memref<1x512xi32, #tpu.memory_space<hbm>>
      %dma_start3A_126 = tpu.memref_squeeze %dma_start3A_125 : memref<1x512xi32, #tpu.memory_space<hbm>> -> memref<512xi32, #tpu.memory_space<hbm>>
      tpu.enqueue_dma source(%dma_start3A_126 : memref<512xi32, #tpu.memory_space<hbm>>) target(%arg6 : memref<512xi32, #tpu.memory_space<vmem>>) target_semaphore(%run_scoped3A : memref<!tpu.dma_semaphore, #tpu.memory_space<semaphore_mem>>)
      %dma_wait3A_127 = arith.constant 0 : i32
      %dma_wait3A_128 = tpu.memref_slice %arg2[%add3A, %dma_wait3A_127] : memref<32x512xi32, #tpu.memory_space<hbm>> -> memref<1x512xi32, #tpu.memory_space<hbm>>
      %dma_wait3A_129 = tpu.memref_squeeze %dma_wait3A_128 : memref<1x512xi32, #tpu.memory_space<hbm>> -> memref<512xi32, #tpu.memory_space<hbm>>
      %dma_wait3A_130 = arith.constant 0 : i32
      %dma_wait3A_131 = tpu.memref_slice %arg2[%add3A, %dma_wait3A_130] : memref<32x512xi32, #tpu.memory_space<hbm>> -> memref<1x512xi32, #tpu.memory_space<hbm>>
      %dma_wait3A_132 = tpu.memref_squeeze %dma_wait3A_131 : memref<1x512xi32, #tpu.memory_space<hbm>> -> memref<512xi32, #tpu.memory_space<hbm>>
      tpu.wait_dma2 semaphore(%run_scoped3A : memref<!tpu.dma_semaphore, #tpu.memory_space<semaphore_mem>>) src(%dma_wait3A_132 : memref<512xi32, #tpu.memory_space<hbm>>) dst(%arg6 : memref<512xi32, #tpu.memory_space<vmem>>)
      tpu.yield
    }) : () -> ()
    %dma_start3A = arith.constant 0 : i32
    %dma_start3A_3 = tpu.memref_slice %arg6[%dma_start3A] : memref<512xi32, #tpu.memory_space<vmem>> -> memref<32xi32, #tpu.memory_space<vmem>>
    %dma_start3A_4 = arith.constant 0 : i32
    %dma_start3A_5 = arith.constant 0 : i32
    %dma_start3A_6 = tpu.memref_slice %arg3[%dma_start3A_4, %dma_start3A_5] : memref<100000x1024xf32, #tpu.memory_space<hbm>> -> memref<100000x1024xf32, #tpu.memory_space<hbm>>
    tpu.enqueue_indirect_dma source(%dma_start3A_6 : memref<100000x1024xf32, #tpu.memory_space<hbm>>) target(%arg7 : memref<32x1024xf32, #tpu.memory_space<vmem>>) offsets(%dma_start3A_3 : memref<32xi32, #tpu.memory_space<vmem>>) semaphore(%arg13 : memref<!tpu.dma_semaphore, #tpu.memory_space<semaphore_mem>>)
    %add3A_7 = arith.constant 0 : i32
    %add3A_8 = arith.addi %mul3A_2, %add3A_7 : i32
    %dma_start3A_9 = arith.constant 0 : i32
    %dma_start3A_10 = tpu.memref_slice %arg4[%add3A_8, %dma_start3A_9] : memref<4096x1024xf32, #tpu.memory_space<hbm>> -> memref<8x1024xf32, #tpu.memory_space<hbm>>
    %dma_start3A_11 = arith.constant 0 : i32
    %dma_start3A_12 = tpu.memref_slice %arg4[%add3A_8, %dma_start3A_11] : memref<4096x1024xf32, #tpu.memory_space<hbm>> -> memref<8x1024xf32, #tpu.memory_space<hbm>>
    tpu.enqueue_dma source(%dma_start3A_12 : memref<8x1024xf32, #tpu.memory_space<hbm>>) target(%arg10 : memref<8x1024xf32, #tpu.memory_space<vmem>>) target_semaphore(%arg16 : memref<!tpu.dma_semaphore, #tpu.memory_space<semaphore_mem>>)
    %dma_start3A_13 = arith.constant 32 : i32
    %dma_start3A_14 = tpu.memref_slice %arg6[%dma_start3A_13] : memref<512xi32, #tpu.memory_space<vmem>> -> memref<32xi32, #tpu.memory_space<vmem>>
    %dma_start3A_15 = arith.constant 0 : i32
    %dma_start3A_16 = arith.constant 0 : i32
    %dma_start3A_17 = tpu.memref_slice %arg3[%dma_start3A_15, %dma_start3A_16] : memref<100000x1024xf32, #tpu.memory_space<hbm>> -> memref<100000x1024xf32, #tpu.memory_space<hbm>>
    tpu.enqueue_indirect_dma source(%dma_start3A_17 : memref<100000x1024xf32, #tpu.memory_space<hbm>>) target(%arg8 : memref<32x1024xf32, #tpu.memory_space<vmem>>) offsets(%dma_start3A_14 : memref<32xi32, #tpu.memory_space<vmem>>) semaphore(%arg14 : memref<!tpu.dma_semaphore, #tpu.memory_space<semaphore_mem>>)
    %add3A_18 = arith.constant 8 : i32
    %add3A_19 = arith.addi %mul3A_2, %add3A_18 : i32
    %dma_start3A_20 = arith.constant 0 : i32
    %dma_start3A_21 = tpu.memref_slice %arg4[%add3A_19, %dma_start3A_20] : memref<4096x1024xf32, #tpu.memory_space<hbm>> -> memref<8x1024xf32, #tpu.memory_space<hbm>>
    %dma_start3A_22 = arith.constant 0 : i32
    %dma_start3A_23 = tpu.memref_slice %arg4[%add3A_19, %dma_start3A_22] : memref<4096x1024xf32, #tpu.memory_space<hbm>> -> memref<8x1024xf32, #tpu.memory_space<hbm>>
    tpu.enqueue_dma source(%dma_start3A_23 : memref<8x1024xf32, #tpu.memory_space<hbm>>) target(%arg11 : memref<8x1024xf32, #tpu.memory_space<vmem>>) target_semaphore(%arg17 : memref<!tpu.dma_semaphore, #tpu.memory_space<semaphore_mem>>)
    %scan3A = arith.constant 0 : i32
    %scan3A_24 = arith.constant 0 : i32
    %scan3A_25 = arith.constant 5 : i32
    %scan3A_26 = arith.addi %scan3A_24, %scan3A_25 : i32
    %scan3A_27 = arith.constant 1 : i32
    %scan3A_28 = scf.for %scan3A_121 = %scan3A_24 to %scan3A_26 step %scan3A_27 iter_args(%scan3A_122 = %scan3A) -> (i32)  : i32 {
      %mul3A_123 = arith.constant 3 : i32
      %mul3A_124 = arith.muli %scan3A_121, %mul3A_123 : i32
      %add3A_125 = arith.constant 0 : i32
      %add3A_126 = arith.addi %mul3A_124, %add3A_125 : i32
      %mul3A_127 = arith.constant 32 : i32
      %mul3A_128 = arith.muli %add3A_126, %mul3A_127 : i32
      %dma_wait3A_129 = tpu.memref_slice %arg6[%mul3A_128] : memref<512xi32, #tpu.memory_space<vmem>> -> memref<32xi32, #tpu.memory_space<vmem>>
      %dma_wait3A_130 = arith.constant 0 : i32
      %dma_wait3A_131 = arith.constant 0 : i32
      %dma_wait3A_132 = tpu.memref_slice %arg3[%dma_wait3A_130, %dma_wait3A_131] : memref<100000x1024xf32, #tpu.memory_space<hbm>> -> memref<100000x1024xf32, #tpu.memory_space<hbm>>
      tpu.wait_indirect_dma semaphore(%arg13 : memref<!tpu.dma_semaphore, #tpu.memory_space<semaphore_mem>>) src(%dma_wait3A_132 : memref<100000x1024xf32, #tpu.memory_space<hbm>>) dst(%arg7 : memref<32x1024xf32, #tpu.memory_space<vmem>>)
      %dma_wait3A_133 = arith.constant 0 : i32
      %dma_wait3A_134 = arith.constant 0 : i32
      %dma_wait3A_135 = tpu.memref_slice %arg4[%dma_wait3A_133, %dma_wait3A_134] : memref<4096x1024xf32, #tpu.memory_space<hbm>> -> memref<8x1024xf32, #tpu.memory_space<hbm>>
      %dma_wait3A_136 = arith.constant 0 : i32
      %dma_wait3A_137 = arith.constant 0 : i32
      %dma_wait3A_138 = tpu.memref_slice %arg4[%dma_wait3A_136, %dma_wait3A_137] : memref<4096x1024xf32, #tpu.memory_space<hbm>> -> memref<8x1024xf32, #tpu.memory_space<hbm>>
      tpu.wait_dma2 semaphore(%arg16 : memref<!tpu.dma_semaphore, #tpu.memory_space<semaphore_mem>>) src(%dma_wait3A_138 : memref<8x1024xf32, #tpu.memory_space<hbm>>) dst(%arg10 : memref<8x1024xf32, #tpu.memory_space<vmem>>)
      %scan3A_139 = arith.constant 0 : i32
      %scan3A_140 = arith.constant 0 : i32
      %scan3A_141 = arith.constant 64 : i32
      %scan3A_142 = arith.addi %scan3A_140, %scan3A_141 : i32
      %scan3A_143 = arith.constant 1 : i32
      %scan3A_144 = scf.for %scan3A_415 = %scan3A_140 to %scan3A_142 step %scan3A_143 iter_args(%scan3A_416 = %scan3A_139) -> (i32)  : i32 {
        %mul3A_417 = arith.constant 16 : i32
        %mul3A_418 = arith.muli %scan3A_415, %mul3A_417 : i32
        %get3A = arith.constant 0 : i32
        %get3A_419 = arith.index_cast %get3A : i32 to index
        %get3A_420 = arith.index_cast %mul3A_418 : i32 to index
        %get3A_421 = tpu.vector_load %arg10[%get3A_419, %get3A_420] {strides = array<i32>} : memref<8x1024xf32, #tpu.memory_space<vmem>>, vector<1x16xf32>,
        %get3A_422 = vector.shape_cast %get3A_421 : vector<1x16xf32> to vector<16xf32>
        %mul3A_423 = arith.constant 3.200000e+01 : f32
        %mul3A_424 = vector.broadcast %mul3A_423 : f32 to vector<16xf32>
        %mul3A_425 = arith.mulf %get3A_422, %mul3A_424 : vector<16xf32>
        %get3A_426 = arith.constant 0 : i32
        %get3A_427 = arith.index_cast %get3A_426 : i32 to index
        %get3A_428 = arith.index_cast %mul3A_418 : i32 to index
        %get3A_429 = tpu.vector_load %arg7[%get3A_427, %get3A_428] {strides = array<i32>} : memref<32x1024xf32, #tpu.memory_space<vmem>>, vector<1x16xf32>,
        %get3A_430 = vector.shape_cast %get3A_429 : vector<1x16xf32> to vector<16xf32>
        %mul3A_431 = arith.constant 3.200000e+01 : f32
        %mul3A_432 = vector.broadcast %mul3A_431 : f32 to vector<16xf32>
        %mul3A_433 = arith.mulf %get3A_430, %mul3A_432 : vector<16xf32>
        %add3A_434 = arith.addf %mul3A_433, %mul3A_425 : vector<16xf32>
        %swap3A = arith.constant 0 : i32
        %swap3A_435 = arith.index_cast %swap3A : i32 to index
        %swap3A_436 = arith.index_cast %mul3A_418 : i32 to index
        %swap3A_437 = tpu.vector_load %arg7[%swap3A_435, %swap3A_436] {strides = array<i32>} : memref<32x1024xf32, #tpu.memory_space<vmem>>, vector<1x16xf32>,
        %swap3A_438 = vector.shape_cast %swap3A_437 : vector<1x16xf32> to vector<16xf32>
        %swap3A_439 = vector.shape_cast %add3A_434 : vector<16xf32> to vector<1x16xf32>
        tpu.vector_store %arg7[%swap3A_435, %swap3A_436], %swap3A_439 {strides = array<i32>} : memref<32x1024xf32, #tpu.memory_space<vmem>>, vector<1x16xf32>,
        %get3A_440 = arith.constant 8 : i32
        %get3A_441 = arith.index_cast %get3A_440 : i32 to index
        %get3A_442 = arith.index_cast %mul3A_418 : i32 to index
        %get3A_443 = tpu.vector_load %arg7[%get3A_441, %get3A_442] {strides = array<i32>} : memref<32x1024xf32, #tpu.memory_space<vmem>>, vector<1x16xf32>,
        %get3A_444 = vector.shape_cast %get3A_443 : vector<1x16xf32> to vector<16xf32>
        %mul3A_445 = arith.constant 3.200000e+01 : f32
        %mul3A_446 = vector.broadcast %mul3A_445 : f32 to vector<16xf32>
        %mul3A_447 = arith.mulf %get3A_444, %mul3A_446 : vector<16xf32>
        %add3A_448 = arith.addf %mul3A_447, %mul3A_425 : vector<16xf32>
        %swap3A_449 = arith.constant 8 : i32
        %swap3A_450 = arith.index_cast %swap3A_449 : i32 to index
        %swap3A_451 = arith.index_cast %mul3A_418 : i32 to index
        %swap3A_452 = tpu.vector_load %arg7[%swap3A_450, %swap3A_451] {strides = array<i32>} : memref<32x1024xf32, #tpu.memory_space<vmem>>, vector<1x16xf32>,
        %swap3A_453 = vector.shape_cast %swap3A_452 : vector<1x16xf32> to vector<16xf32>
        %swap3A_454 = vector.shape_cast %add3A_448 : vector<16xf32> to vector<1x16xf32>
        tpu.vector_store %arg7[%swap3A_450, %swap3A_451], %swap3A_454 {strides = array<i32>} : memref<32x1024xf32, #tpu.memory_space<vmem>>, vector<1x16xf32>,
        %get3A_455 = arith.constant 16 : i32
        %get3A_456 = arith.index_cast %get3A_455 : i32 to index
        %get3A_457 = arith.index_cast %mul3A_418 : i32 to index
        %get3A_458 = tpu.vector_load %arg7[%get3A_456, %get3A_457] {strides = array<i32>} : memref<32x1024xf32, #tpu.memory_space<vmem>>, vector<1x16xf32>,
        %get3A_459 = vector.shape_cast %get3A_458 : vector<1x16xf32> to vector<16xf32>
        %mul3A_460 = arith.constant 3.200000e+01 : f32
        %mul3A_461 = vector.broadcast %mul3A_460 : f32 to vector<16xf32>
        %mul3A_462 = arith.mulf %get3A_459, %mul3A_461 : vector<16xf32>
        %add3A_463 = arith.addf %mul3A_462, %mul3A_425 : vector<16xf32>
        %swap3A_464 = arith.constant 16 : i32
        %swap3A_465 = arith.index_cast %swap3A_464 : i32 to index
        %swap3A_466 = arith.index_cast %mul3A_418 : i32 to index
        %swap3A_467 = tpu.vector_load %arg7[%swap3A_465, %swap3A_466] {strides = array<i32>} : memref<32x1024xf32, #tpu.memory_space<vmem>>, vector<1x16xf32>,
        %swap3A_468 = vector.shape_cast %swap3A_467 : vector<1x16xf32> to vector<16xf32>
        %swap3A_469 = vector.shape_cast %add3A_463 : vector<16xf32> to vector<1x16xf32>
        tpu.vector_store %arg7[%swap3A_465, %swap3A_466], %swap3A_469 {strides = array<i32>} : memref<32x1024xf32, #tpu.memory_space<vmem>>, vector<1x16xf32>,
        %get3A_470 = arith.constant 24 : i32
        %get3A_471 = arith.index_cast %get3A_470 : i32 to index
        %get3A_472 = arith.index_cast %mul3A_418 : i32 to index
        %get3A_473 = tpu.vector_load %arg7[%get3A_471, %get3A_472] {strides = array<i32>} : memref<32x1024xf32, #tpu.memory_space<vmem>>, vector<1x16xf32>,
        %get3A_474 = vector.shape_cast %get3A_473 : vector<1x16xf32> to vector<16xf32>
        %mul3A_475 = arith.constant 3.200000e+01 : f32
        %mul3A_476 = vector.broadcast %mul3A_475 : f32 to vector<16xf32>
        %mul3A_477 = arith.mulf %get3A_474, %mul3A_476 : vector<16xf32>
        %add3A_478 = arith.addf %mul3A_477, %mul3A_425 : vector<16xf32>
        %swap3A_479 = arith.constant 24 : i32
        %swap3A_480 = arith.index_cast %swap3A_479 : i32 to index
        %swap3A_481 = arith.index_cast %mul3A_418 : i32 to index
        %swap3A_482 = tpu.vector_load %arg7[%swap3A_480, %swap3A_481] {strides = array<i32>} : memref<32x1024xf32, #tpu.memory_space<vmem>>, vector<1x16xf32>,
        %swap3A_483 = vector.shape_cast %swap3A_482 : vector<1x16xf32> to vector<16xf32>
        %swap3A_484 = vector.shape_cast %add3A_478 : vector<16xf32> to vector<1x16xf32>
        tpu.vector_store %arg7[%swap3A_480, %swap3A_481], %swap3A_484 {strides = array<i32>} : memref<32x1024xf32, #tpu.memory_space<vmem>>, vector<1x16xf32>,
        %get3A_485 = arith.constant 1 : i32
        %get3A_486 = arith.index_cast %get3A_485 : i32 to index
        %get3A_487 = arith.index_cast %mul3A_418 : i32 to index
        %get3A_488 = tpu.vector_load %arg10[%get3A_486, %get3A_487] {strides = array<i32>} : memref<8x1024xf32, #tpu.memory_space<vmem>>, vector<1x16xf32>,
        %get3A_489 = vector.shape_cast %get3A_488 : vector<1x16xf32> to vector<16xf32>
        %mul3A_490 = arith.constant 3.200000e+01 : f32
        %mul3A_491 = vector.broadcast %mul3A_490 : f32 to vector<16xf32>
        %mul3A_492 = arith.mulf %get3A_489, %mul3A_491 : vector<16xf32>
        %get3A_493 = arith.constant 1 : i32
        %get3A_494 = arith.index_cast %get3A_493 : i32 to index
        %get3A_495 = arith.index_cast %mul3A_418 : i32 to index
        %get3A_496 = tpu.vector_load %arg7[%get3A_494, %get3A_495] {strides = array<i32>} : memref<32x1024xf32, #tpu.memory_space<vmem>>, vector<1x16xf32>,
        %get3A_497 = vector.shape_cast %get3A_496 : vector<1x16xf32> to vector<16xf32>
        %mul3A_498 = arith.constant 3.200000e+01 : f32
        %mul3A_499 = vector.broadcast %mul3A_498 : f32 to vector<16xf32>
        %mul3A_500 = arith.mulf %get3A_497, %mul3A_499 : vector<16xf32>
        %add3A_501 = arith.addf %mul3A_500, %mul3A_492 : vector<16xf32>
        %swap3A_502 = arith.constant 1 : i32
        %swap3A_503 = arith.index_cast %swap3A_502 : i32 to index
        %swap3A_504 = arith.index_cast %mul3A_418 : i32 to index
        %swap3A_505 = tpu.vector_load %arg7[%swap3A_503, %swap3A_504] {strides = array<i32>} : memref<32x1024xf32, #tpu.memory_space<vmem>>, vector<1x16xf32>,
        %swap3A_506 = vector.shape_cast %swap3A_505 : vector<1x16xf32> to vector<16xf32>
        %swap3A_507 = vector.shape_cast %add3A_501 : vector<16xf32> to vector<1x16xf32>
        tpu.vector_store %arg7[%swap3A_503, %swap3A_504], %swap3A_507 {strides = array<i32>} : memref<32x1024xf32, #tpu.memory_space<vmem>>, vector<1x16xf32>,
        %get3A_508 = arith.constant 9 : i32
        %get3A_509 = arith.index_cast %get3A_508 : i32 to index
        %get3A_510 = arith.index_cast %mul3A_418 : i32 to index
        %get3A_511 = tpu.vector_load %arg7[%get3A_509, %get3A_510] {strides = array<i32>} : memref<32x1024xf32, #tpu.memory_space<vmem>>, vector<1x16xf32>,
        %get3A_512 = vector.shape_cast %get3A_511 : vector<1x16xf32> to vector<16xf32>
        %mul3A_513 = arith.constant 3.200000e+01 : f32
        %mul3A_514 = vector.broadcast %mul3A_513 : f32 to vector<16xf32>
        %mul3A_515 = arith.mulf %get3A_512, %mul3A_514 : vector<16xf32>
        %add3A_516 = arith.addf %mul3A_515, %mul3A_492 : vector<16xf32>
        %swap3A_517 = arith.constant 9 : i32
        %swap3A_518 = arith.index_cast %swap3A_517 : i32 to index
        %swap3A_519 = arith.index_cast %mul3A_418 : i32 to index
        %swap3A_520 = tpu.vector_load %arg7[%swap3A_518, %swap3A_519] {strides = array<i32>} : memref<32x1024xf32, #tpu.memory_space<vmem>>, vector<1x16xf32>,
        %swap3A_521 = vector.shape_cast %swap3A_520 : vector<1x16xf32> to vector<16xf32>
        %swap3A_522 = vector.shape_cast %add3A_516 : vector<16xf32> to vector<1x16xf32>
        tpu.vector_store %arg7[%swap3A_518, %swap3A_519], %swap3A_522 {strides = array<i32>} : memref<32x1024xf32, #tpu.memory_space<vmem>>, vector<1x16xf32>,
        %get3A_523 = arith.constant 17 : i32
        %get3A_524 = arith.index_cast %get3A_523 : i32 to index
        %get3A_525 = arith.index_cast %mul3A_418 : i32 to index
        %get3A_526 = tpu.vector_load %arg7[%get3A_524, %get3A_525] {strides = array<i32>} : memref<32x1024xf32, #tpu.memory_space<vmem>>, vector<1x16xf32>,
        %get3A_527 = vector.shape_cast %get3A_526 : vector<1x16xf32> to vector<16xf32>
        %mul3A_528 = arith.constant 3.200000e+01 : f32
        %mul3A_529 = vector.broadcast %mul3A_528 : f32 to vector<16xf32>
        %mul3A_530 = arith.mulf %get3A_527, %mul3A_529 : vector<16xf32>
        %add3A_531 = arith.addf %mul3A_530, %mul3A_492 : vector<16xf32>
        %swap3A_532 = arith.constant 17 : i32
        %swap3A_533 = arith.index_cast %swap3A_532 : i32 to index
        %swap3A_534 = arith.index_cast %mul3A_418 : i32 to index
        %swap3A_535 = tpu.vector_load %arg7[%swap3A_533, %swap3A_534] {strides = array<i32>} : memref<32x1024xf32, #tpu.memory_space<vmem>>, vector<1x16xf32>,
        %swap3A_536 = vector.shape_cast %swap3A_535 : vector<1x16xf32> to vector<16xf32>
        %swap3A_537 = vector.shape_cast %add3A_531 : vector<16xf32> to vector<1x16xf32>
        tpu.vector_store %arg7[%swap3A_533, %swap3A_534], %swap3A_537 {strides = array<i32>} : memref<32x1024xf32, #tpu.memory_space<vmem>>, vector<1x16xf32>,
        %get3A_538 = arith.constant 25 : i32
        %get3A_539 = arith.index_cast %get3A_538 : i32 to index
        %get3A_540 = arith.index_cast %mul3A_418 : i32 to index
        %get3A_541 = tpu.vector_load %arg7[%get3A_539, %get3A_540] {strides = array<i32>} : memref<32x1024xf32, #tpu.memory_space<vmem>>, vector<1x16xf32>,
        %get3A_542 = vector.shape_cast %get3A_541 : vector<1x16xf32> to vector<16xf32>
        %mul3A_543 = arith.constant 3.200000e+01 : f32
        %mul3A_544 = vector.broadcast %mul3A_543 : f32 to vector<16xf32>
        %mul3A_545 = arith.mulf %get3A_542, %mul3A_544 : vector<16xf32>
        %add3A_546 = arith.addf %mul3A_545, %mul3A_492 : vector<16xf32>
        %swap3A_547 = arith.constant 25 : i32
        %swap3A_548 = arith.index_cast %swap3A_547 : i32 to index
        %swap3A_549 = arith.index_cast %mul3A_418 : i32 to index
        %swap3A_550 = tpu.vector_load %arg7[%swap3A_548, %swap3A_549] {strides = array<i32>} : memref<32x1024xf32, #tpu.memory_space<vmem>>, vector<1x16xf32>,
        %swap3A_551 = vector.shape_cast %swap3A_550 : vector<1x16xf32> to vector<16xf32>
        %swap3A_552 = vector.shape_cast %add3A_546 : vector<16xf32> to vector<1x16xf32>
        tpu.vector_store %arg7[%swap3A_548, %swap3A_549], %swap3A_552 {strides = array<i32>} : memref<32x1024xf32, #tpu.memory_space<vmem>>, vector<1x16xf32>,
        %get3A_553 = arith.constant 2 : i32
        %get3A_554 = arith.index_cast %get3A_553 : i32 to index
        %get3A_555 = arith.index_cast %mul3A_418 : i32 to index
        %get3A_556 = tpu.vector_load %arg10[%get3A_554, %get3A_555] {strides = array<i32>} : memref<8x1024xf32, #tpu.memory_space<vmem>>, vector<1x16xf32>,
        %get3A_557 = vector.shape_cast %get3A_556 : vector<1x16xf32> to vector<16xf32>
        %mul3A_558 = arith.constant 3.200000e+01 : f32
        %mul3A_559 = vector.broadcast %mul3A_558 : f32 to vector<16xf32>
        %mul3A_560 = arith.mulf %get3A_557, %mul3A_559 : vector<16xf32>
        %get3A_561 = arith.constant 2 : i32
        %get3A_562 = arith.index_cast %get3A_561 : i32 to index
        %get3A_563 = arith.index_cast %mul3A_418 : i32 to index
        %get3A_564 = tpu.vector_load %arg7[%get3A_562, %get3A_563] {strides = array<i32>} : memref<32x1024xf32, #tpu.memory_space<vmem>>, vector<1x16xf32>,
        %get3A_565 = vector.shape_cast %get3A_564 : vector<1x16xf32> to vector<16xf32>
        %mul3A_566 = arith.constant 3.200000e+01 : f32
        %mul3A_567 = vector.broadcast %mul3A_566 : f32 to vector<16xf32>
        %mul3A_568 = arith.mulf %get3A_565, %mul3A_567 : vector<16xf32>
        %add3A_569 = arith.addf %mul3A_568, %mul3A_560 : vector<16xf32>
        %swap3A_570 = arith.constant 2 : i32
        %swap3A_571 = arith.index_cast %swap3A_570 : i32 to index
        %swap3A_572 = arith.index_cast %mul3A_418 : i32 to index
        %swap3A_573 = tpu.vector_load %arg7[%swap3A_571, %swap3A_572] {strides = array<i32>} : memref<32x1024xf32, #tpu.memory_space<vmem>>, vector<1x16xf32>,
        %swap3A_574 = vector.shape_cast %swap3A_573 : vector<1x16xf32> to vector<16xf32>
        %swap3A_575 = vector.shape_cast %add3A_569 : vector<16xf32> to vector<1x16xf32>
        tpu.vector_store %arg7[%swap3A_571, %swap3A_572], %swap3A_575 {strides = array<i32>} : memref<32x1024xf32, #tpu.memory_space<vmem>>, vector<1x16xf32>,
        %get3A_576 = arith.constant 10 : i32
        %get3A_577 = arith.index_cast %get3A_576 : i32 to index
        %get3A_578 = arith.index_cast %mul3A_418 : i32 to index
        %get3A_579 = tpu.vector_load %arg7[%get3A_577, %get3A_578] {strides = array<i32>} : memref<32x1024xf32, #tpu.memory_space<vmem>>, vector<1x16xf32>,
        %get3A_580 = vector.shape_cast %get3A_579 : vector<1x16xf32> to vector<16xf32>
        %mul3A_581 = arith.constant 3.200000e+01 : f32
        %mul3A_582 = vector.broadcast %mul3A_581 : f32 to vector<16xf32>
        %mul3A_583 = arith.mulf %get3A_580, %mul3A_582 : vector<16xf32>
        %add3A_584 = arith.addf %mul3A_583, %mul3A_560 : vector<16xf32>
        %swap3A_585 = arith.constant 10 : i32
        %swap3A_586 = arith.index_cast %swap3A_585 : i32 to index
        %swap3A_587 = arith.index_cast %mul3A_418 : i32 to index
        %swap3A_588 = tpu.vector_load %arg7[%swap3A_586, %swap3A_587] {strides = array<i32>} : memref<32x1024xf32, #tpu.memory_space<vmem>>, vector<1x16xf32>,
        %swap3A_589 = vector.shape_cast %swap3A_588 : vector<1x16xf32> to vector<16xf32>
        %swap3A_590 = vector.shape_cast %add3A_584 : vector<16xf32> to vector<1x16xf32>
        tpu.vector_store %arg7[%swap3A_586, %swap3A_587], %swap3A_590 {strides = array<i32>} : memref<32x1024xf32, #tpu.memory_space<vmem>>, vector<1x16xf32>,
        %get3A_591 = arith.constant 18 : i32
        %get3A_592 = arith.index_cast %get3A_591 : i32 to index
        %get3A_593 = arith.index_cast %mul3A_418 : i32 to index
        %get3A_594 = tpu.vector_load %arg7[%get3A_592, %get3A_593] {strides = array<i32>} : memref<32x1024xf32, #tpu.memory_space<vmem>>, vector<1x16xf32>,
        %get3A_595 = vector.shape_cast %get3A_594 : vector<1x16xf32> to vector<16xf32>
        %mul3A_596 = arith.constant 3.200000e+01 : f32
        %mul3A_597 = vector.broadcast %mul3A_596 : f32 to vector<16xf32>
        %mul3A_598 = arith.mulf %get3A_595, %mul3A_597 : vector<16xf32>
        %add3A_599 = arith.addf %mul3A_598, %mul3A_560 : vector<16xf32>
        %swap3A_600 = arith.constant 18 : i32
        %swap3A_601 = arith.index_cast %swap3A_600 : i32 to index
        %swap3A_602 = arith.index_cast %mul3A_418 : i32 to index
        %swap3A_603 = tpu.vector_load %arg7[%swap3A_601, %swap3A_602] {strides = array<i32>} : memref<32x1024xf32, #tpu.memory_space<vmem>>, vector<1x16xf32>,
        %swap3A_604 = vector.shape_cast %swap3A_603 : vector<1x16xf32> to vector<16xf32>
        %swap3A_605 = vector.shape_cast %add3A_599 : vector<16xf32> to vector<1x16xf32>
        tpu.vector_store %arg7[%swap3A_601, %swap3A_602], %swap3A_605 {strides = array<i32>} : memref<32x1024xf32, #tpu.memory_space<vmem>>, vector<1x16xf32>,
        %get3A_606 = arith.constant 26 : i32
        %get3A_607 = arith.index_cast %get3A_606 : i32 to index
        %get3A_608 = arith.index_cast %mul3A_418 : i32 to index
        %get3A_609 = tpu.vector_load %arg7[%get3A_607, %get3A_608] {strides = array<i32>} : memref<32x1024xf32, #tpu.memory_space<vmem>>, vector<1x16xf32>,
        %get3A_610 = vector.shape_cast %get3A_609 : vector<1x16xf32> to vector<16xf32>
        %mul3A_611 = arith.constant 3.200000e+01 : f32
        %mul3A_612 = vector.broadcast %mul3A_611 : f32 to vector<16xf32>
        %mul3A_613 = arith.mulf %get3A_610, %mul3A_612 : vector<16xf32>
        %add3A_614 = arith.addf %mul3A_613, %mul3A_560 : vector<16xf32>
        %swap3A_615 = arith.constant 26 : i32
        %swap3A_616 = arith.index_cast %swap3A_615 : i32 to index
        %swap3A_617 = arith.index_cast %mul3A_418 : i32 to index
        %swap3A_618 = tpu.vector_load %arg7[%swap3A_616, %swap3A_617] {strides = array<i32>} : memref<32x1024xf32, #tpu.memory_space<vmem>>, vector<1x16xf32>,
        %swap3A_619 = vector.shape_cast %swap3A_618 : vector<1x16xf32> to vector<16xf32>
        %swap3A_620 = vector.shape_cast %add3A_614 : vector<16xf32> to vector<1x16xf32>
        tpu.vector_store %arg7[%swap3A_616, %swap3A_617], %swap3A_620 {strides = array<i32>} : memref<32x1024xf32, #tpu.memory_space<vmem>>, vector<1x16xf32>,
        %get3A_621 = arith.constant 3 : i32
        %get3A_622 = arith.index_cast %get3A_621 : i32 to index
        %get3A_623 = arith.index_cast %mul3A_418 : i32 to index
        %get3A_624 = tpu.vector_load %arg10[%get3A_622, %get3A_623] {strides = array<i32>} : memref<8x1024xf32, #tpu.memory_space<vmem>>, vector<1x16xf32>,
        %get3A_625 = vector.shape_cast %get3A_624 : vector<1x16xf32> to vector<16xf32>
        %mul3A_626 = arith.constant 3.200000e+01 : f32
        %mul3A_627 = vector.broadcast %mul3A_626 : f32 to vector<16xf32>
        %mul3A_628 = arith.mulf %get3A_625, %mul3A_627 : vector<16xf32>
        %get3A_629 = arith.constant 3 : i32
        %get3A_630 = arith.index_cast %get3A_629 : i32 to index
        %get3A_631 = arith.index_cast %mul3A_418 : i32 to index
        %get3A_632 = tpu.vector_load %arg7[%get3A_630, %get3A_631] {strides = array<i32>} : memref<32x1024xf32, #tpu.memory_space<vmem>>, vector<1x16xf32>,
        %get3A_633 = vector.shape_cast %get3A_632 : vector<1x16xf32> to vector<16xf32>
        %mul3A_634 = arith.constant 3.200000e+01 : f32
        %mul3A_635 = vector.broadcast %mul3A_634 : f32 to vector<16xf32>
        %mul3A_636 = arith.mulf %get3A_633, %mul3A_635 : vector<16xf32>
        %add3A_637 = arith.addf %mul3A_636, %mul3A_628 : vector<16xf32>
        %swap3A_638 = arith.constant 3 : i32
        %swap3A_639 = arith.index_cast %swap3A_638 : i32 to index
        %swap3A_640 = arith.index_cast %mul3A_418 : i32 to index
        %swap3A_641 = tpu.vector_load %arg7[%swap3A_639, %swap3A_640] {strides = array<i32>} : memref<32x1024xf32, #tpu.memory_space<vmem>>, vector<1x16xf32>,
        %swap3A_642 = vector.shape_cast %swap3A_641 : vector<1x16xf32> to vector<16xf32>
        %swap3A_643 = vector.shape_cast %add3A_637 : vector<16xf32> to vector<1x16xf32>
        tpu.vector_store %arg7[%swap3A_639, %swap3A_640], %swap3A_643 {strides = array<i32>} : memref<32x1024xf32, #tpu.memory_space<vmem>>, vector<1x16xf32>,
        %get3A_644 = arith.constant 11 : i32
        %get3A_645 = arith.index_cast %get3A_644 : i32 to index
        %get3A_646 = arith.index_cast %mul3A_418 : i32 to index
        %get3A_647 = tpu.vector_load %arg7[%get3A_645, %get3A_646] {strides = array<i32>} : memref<32x1024xf32, #tpu.memory_space<vmem>>, vector<1x16xf32>,
        %get3A_648 = vector.shape_cast %get3A_647 : vector<1x16xf32> to vector<16xf32>
        %mul3A_649 = arith.constant 3.200000e+01 : f32
        %mul3A_650 = vector.broadcast %mul3A_649 : f32 to vector<16xf32>
        %mul3A_651 = arith.mulf %get3A_648, %mul3A_650 : vector<16xf32>
        %add3A_652 = arith.addf %mul3A_651, %mul3A_628 : vector<16xf32>
        %swap3A_653 = arith.constant 11 : i32
        %swap3A_654 = arith.index_cast %swap3A_653 : i32 to index
        %swap3A_655 = arith.index_cast %mul3A_418 : i32 to index
        %swap3A_656 = tpu.vector_load %arg7[%swap3A_654, %swap3A_655] {strides = array<i32>} : memref<32x1024xf32, #tpu.memory_space<vmem>>, vector<1x16xf32>,
        %swap3A_657 = vector.shape_cast %swap3A_656 : vector<1x16xf32> to vector<16xf32>
        %swap3A_658 = vector.shape_cast %add3A_652 : vector<16xf32> to vector<1x16xf32>
        tpu.vector_store %arg7[%swap3A_654, %swap3A_655], %swap3A_658 {strides = array<i32>} : memref<32x1024xf32, #tpu.memory_space<vmem>>, vector<1x16xf32>,
        %get3A_659 = arith.constant 19 : i32
        %get3A_660 = arith.index_cast %get3A_659 : i32 to index
        %get3A_661 = arith.index_cast %mul3A_418 : i32 to index
        %get3A_662 = tpu.vector_load %arg7[%get3A_660, %get3A_661] {strides = array<i32>} : memref<32x1024xf32, #tpu.memory_space<vmem>>, vector<1x16xf32>,
        %get3A_663 = vector.shape_cast %get3A_662 : vector<1x16xf32> to vector<16xf32>
        %mul3A_664 = arith.constant 3.200000e+01 : f32
        %mul3A_665 = vector.broadcast %mul3A_664 : f32 to vector<16xf32>
        %mul3A_666 = arith.mulf %get3A_663, %mul3A_665 : vector<16xf32>
        %add3A_667 = arith.addf %mul3A_666, %mul3A_628 : vector<16xf32>
        %swap3A_668 = arith.constant 19 : i32
        %swap3A_669 = arith.index_cast %swap3A_668 : i32 to index
        %swap3A_670 = arith.index_cast %mul3A_418 : i32 to index
        %swap3A_671 = tpu.vector_load %arg7[%swap3A_669, %swap3A_670] {strides = array<i32>} : memref<32x1024xf32, #tpu.memory_space<vmem>>, vector<1x16xf32>,
        %swap3A_672 = vector.shape_cast %swap3A_671 : vector<1x16xf32> to vector<16xf32>
        %swap3A_673 = vector.shape_cast %add3A_667 : vector<16xf32> to vector<1x16xf32>
        tpu.vector_store %arg7[%swap3A_669, %swap3A_670], %swap3A_673 {strides = array<i32>} : memref<32x1024xf32, #tpu.memory_space<vmem>>, vector<1x16xf32>,
        %get3A_674 = arith.constant 27 : i32
        %get3A_675 = arith.index_cast %get3A_674 : i32 to index
        %get3A_676 = arith.index_cast %mul3A_418 : i32 to index
        %get3A_677 = tpu.vector_load %arg7[%get3A_675, %get3A_676] {strides = array<i32>} : memref<32x1024xf32, #tpu.memory_space<vmem>>, vector<1x16xf32>,
        %get3A_678 = vector.shape_cast %get3A_677 : vector<1x16xf32> to vector<16xf32>
        %mul3A_679 = arith.constant 3.200000e+01 : f32
        %mul3A_680 = vector.broadcast %mul3A_679 : f32 to vector<16xf32>
        %mul3A_681 = arith.mulf %get3A_678, %mul3A_680 : vector<16xf32>
        %add3A_682 = arith.addf %mul3A_681, %mul3A_628 : vector<16xf32>
        %swap3A_683 = arith.constant 27 : i32
        %swap3A_684 = arith.index_cast %swap3A_683 : i32 to index
        %swap3A_685 = arith.index_cast %mul3A_418 : i32 to index
        %swap3A_686 = tpu.vector_load %arg7[%swap3A_684, %swap3A_685] {strides = array<i32>} : memref<32x1024xf32, #tpu.memory_space<vmem>>, vector<1x16xf32>,
        %swap3A_687 = vector.shape_cast %swap3A_686 : vector<1x16xf32> to vector<16xf32>
        %swap3A_688 = vector.shape_cast %add3A_682 : vector<16xf32> to vector<1x16xf32>
        tpu.vector_store %arg7[%swap3A_684, %swap3A_685], %swap3A_688 {strides = array<i32>} : memref<32x1024xf32, #tpu.memory_space<vmem>>, vector<1x16xf32>,
        %get3A_689 = arith.constant 4 : i32
        %get3A_690 = arith.index_cast %get3A_689 : i32 to index
        %get3A_691 = arith.index_cast %mul3A_418 : i32 to index
        %get3A_692 = tpu.vector_load %arg10[%get3A_690, %get3A_691] {strides = array<i32>} : memref<8x1024xf32, #tpu.memory_space<vmem>>, vector<1x16xf32>,
        %get3A_693 = vector.shape_cast %get3A_692 : vector<1x16xf32> to vector<16xf32>
        %mul3A_694 = arith.constant 3.200000e+01 : f32
        %mul3A_695 = vector.broadcast %mul3A_694 : f32 to vector<16xf32>
        %mul3A_696 = arith.mulf %get3A_693, %mul3A_695 : vector<16xf32>
        %get3A_697 = arith.constant 4 : i32
        %get3A_698 = arith.index_cast %get3A_697 : i32 to index
        %get3A_699 = arith.index_cast %mul3A_418 : i32 to index
        %get3A_700 = tpu.vector_load %arg7[%get3A_698, %get3A_699] {strides = array<i32>} : memref<32x1024xf32, #tpu.memory_space<vmem>>, vector<1x16xf32>,
        %get3A_701 = vector.shape_cast %get3A_700 : vector<1x16xf32> to vector<16xf32>
        %mul3A_702 = arith.constant 3.200000e+01 : f32
        %mul3A_703 = vector.broadcast %mul3A_702 : f32 to vector<16xf32>
        %mul3A_704 = arith.mulf %get3A_701, %mul3A_703 : vector<16xf32>
        %add3A_705 = arith.addf %mul3A_704, %mul3A_696 : vector<16xf32>
        %swap3A_706 = arith.constant 4 : i32
        %swap3A_707 = arith.index_cast %swap3A_706 : i32 to index
        %swap3A_708 = arith.index_cast %mul3A_418 : i32 to index
        %swap3A_709 = tpu.vector_load %arg7[%swap3A_707, %swap3A_708] {strides = array<i32>} : memref<32x1024xf32, #tpu.memory_space<vmem>>, vector<1x16xf32>,
        %swap3A_710 = vector.shape_cast %swap3A_709 : vector<1x16xf32> to vector<16xf32>
        %swap3A_711 = vector.shape_cast %add3A_705 : vector<16xf32> to vector<1x16xf32>
        tpu.vector_store %arg7[%swap3A_707, %swap3A_708], %swap3A_711 {strides = array<i32>} : memref<32x1024xf32, #tpu.memory_space<vmem>>, vector<1x16xf32>,
        %get3A_712 = arith.constant 12 : i32
        %get3A_713 = arith.index_cast %get3A_712 : i32 to index
        %get3A_714 = arith.index_cast %mul3A_418 : i32 to index
        %get3A_715 = tpu.vector_load %arg7[%get3A_713, %get3A_714] {strides = array<i32>} : memref<32x1024xf32, #tpu.memory_space<vmem>>, vector<1x16xf32>,
        %get3A_716 = vector.shape_cast %get3A_715 : vector<1x16xf32> to vector<16xf32>
        %mul3A_717 = arith.constant 3.200000e+01 : f32
        %mul3A_718 = vector.broadcast %mul3A_717 : f32 to vector<16xf32>
        %mul3A_719 = arith.mulf %get3A_716, %mul3A_718 : vector<16xf32>
        %add3A_720 = arith.addf %mul3A_719, %mul3A_696 : vector<16xf32>
        %swap3A_721 = arith.constant 12 : i32
        %swap3A_722 = arith.index_cast %swap3A_721 : i32 to index
        %swap3A_723 = arith.index_cast %mul3A_418 : i32 to index
        %swap3A_724 = tpu.vector_load %arg7[%swap3A_722, %swap3A_723] {strides = array<i32>} : memref<32x1024xf32, #tpu.memory_space<vmem>>, vector<1x16xf32>,
        %swap3A_725 = vector.shape_cast %swap3A_724 : vector<1x16xf32> to vector<16xf32>
        %swap3A_726 = vector.shape_cast %add3A_720 : vector<16xf32> to vector<1x16xf32>
        tpu.vector_store %arg7[%swap3A_722, %swap3A_723], %swap3A_726 {strides = array<i32>} : memref<32x1024xf32, #tpu.memory_space<vmem>>, vector<1x16xf32>,
        %get3A_727 = arith.constant 20 : i32
        %get3A_728 = arith.index_cast %get3A_727 : i32 to index
        %get3A_729 = arith.index_cast %mul3A_418 : i32 to index
        %get3A_730 = tpu.vector_load %arg7[%get3A_728, %get3A_729] {strides = array<i32>} : memref<32x1024xf32, #tpu.memory_space<vmem>>, vector<1x16xf32>,
        %get3A_731 = vector.shape_cast %get3A_730 : vector<1x16xf32> to vector<16xf32>
        %mul3A_732 = arith.constant 3.200000e+01 : f32
        %mul3A_733 = vector.broadcast %mul3A_732 : f32 to vector<16xf32>
        %mul3A_734 = arith.mulf %get3A_731, %mul3A_733 : vector<16xf32>
        %add3A_735 = arith.addf %mul3A_734, %mul3A_696 : vector<16xf32>
        %swap3A_736 = arith.constant 20 : i32
        %swap3A_737 = arith.index_cast %swap3A_736 : i32 to index
        %swap3A_738 = arith.index_cast %mul3A_418 : i32 to index
        %swap3A_739 = tpu.vector_load %arg7[%swap3A_737, %swap3A_738] {strides = array<i32>} : memref<32x1024xf32, #tpu.memory_space<vmem>>, vector<1x16xf32>,
        %swap3A_740 = vector.shape_cast %swap3A_739 : vector<1x16xf32> to vector<16xf32>
        %swap3A_741 = vector.shape_cast %add3A_735 : vector<16xf32> to vector<1x16xf32>
        tpu.vector_store %arg7[%swap3A_737, %swap3A_738], %swap3A_741 {strides = array<i32>} : memref<32x1024xf32, #tpu.memory_space<vmem>>, vector<1x16xf32>,
        %get3A_742 = arith.constant 28 : i32
        %get3A_743 = arith.index_cast %get3A_742 : i32 to index
        %get3A_744 = arith.index_cast %mul3A_418 : i32 to index
        %get3A_745 = tpu.vector_load %arg7[%get3A_743, %get3A_744] {strides = array<i32>} : memref<32x1024xf32, #tpu.memory_space<vmem>>, vector<1x16xf32>,
        %get3A_746 = vector.shape_cast %get3A_745 : vector<1x16xf32> to vector<16xf32>
        %mul3A_747 = arith.constant 3.200000e+01 : f32
        %mul3A_748 = vector.broadcast %mul3A_747 : f32 to vector<16xf32>
        %mul3A_749 = arith.mulf %get3A_746, %mul3A_748 : vector<16xf32>
        %add3A_750 = arith.addf %mul3A_749, %mul3A_696 : vector<16xf32>
        %swap3A_751 = arith.constant 28 : i32
        %swap3A_752 = arith.index_cast %swap3A_751 : i32 to index
        %swap3A_753 = arith.index_cast %mul3A_418 : i32 to index
        %swap3A_754 = tpu.vector_load %arg7[%swap3A_752, %swap3A_753] {strides = array<i32>} : memref<32x1024xf32, #tpu.memory_space<vmem>>, vector<1x16xf32>,
        %swap3A_755 = vector.shape_cast %swap3A_754 : vector<1x16xf32> to vector<16xf32>
        %swap3A_756 = vector.shape_cast %add3A_750 : vector<16xf32> to vector<1x16xf32>
        tpu.vector_store %arg7[%swap3A_752, %swap3A_753], %swap3A_756 {strides = array<i32>} : memref<32x1024xf32, #tpu.memory_space<vmem>>, vector<1x16xf32>,
        %get3A_757 = arith.constant 5 : i32
        %get3A_758 = arith.index_cast %get3A_757 : i32 to index
        %get3A_759 = arith.index_cast %mul3A_418 : i32 to index
        %get3A_760 = tpu.vector_load %arg10[%get3A_758, %get3A_759] {strides = array<i32>} : memref<8x1024xf32, #tpu.memory_space<vmem>>, vector<1x16xf32>,
        %get3A_761 = vector.shape_cast %get3A_760 : vector<1x16xf32> to vector<16xf32>
        %mul3A_762 = arith.constant 3.200000e+01 : f32
        %mul3A_763 = vector.broadcast %mul3A_762 : f32 to vector<16xf32>
        %mul3A_764 = arith.mulf %get3A_761, %mul3A_763 : vector<16xf32>
        %get3A_765 = arith.constant 5 : i32
        %get3A_766 = arith.index_cast %get3A_765 : i32 to index
        %get3A_767 = arith.index_cast %mul3A_418 : i32 to index
        %get3A_768 = tpu.vector_load %arg7[%get3A_766, %get3A_767] {strides = array<i32>} : memref<32x1024xf32, #tpu.memory_space<vmem>>, vector<1x16xf32>,
        %get3A_769 = vector.shape_cast %get3A_768 : vector<1x16xf32> to vector<16xf32>
        %mul3A_770 = arith.constant 3.200000e+01 : f32
        %mul3A_771 = vector.broadcast %mul3A_770 : f32 to vector<16xf32>
        %mul3A_772 = arith.mulf %get3A_769, %mul3A_771 : vector<16xf32>
        %add3A_773 = arith.addf %mul3A_772, %mul3A_764 : vector<16xf32>
        %swap3A_774 = arith.constant 5 : i32
        %swap3A_775 = arith.index_cast %swap3A_774 : i32 to index
        %swap3A_776 = arith.index_cast %mul3A_418 : i32 to index
        %swap3A_777 = tpu.vector_load %arg7[%swap3A_775, %swap3A_776] {strides = array<i32>} : memref<32x1024xf32, #tpu.memory_space<vmem>>, vector<1x16xf32>,
        %swap3A_778 = vector.shape_cast %swap3A_777 : vector<1x16xf32> to vector<16xf32>
        %swap3A_779 = vector.shape_cast %add3A_773 : vector<16xf32> to vector<1x16xf32>
        tpu.vector_store %arg7[%swap3A_775, %swap3A_776], %swap3A_779 {strides = array<i32>} : memref<32x1024xf32, #tpu.memory_space<vmem>>, vector<1x16xf32>,
        %get3A_780 = arith.constant 13 : i32
        %get3A_781 = arith.index_cast %get3A_780 : i32 to index
        %get3A_782 = arith.index_cast %mul3A_418 : i32 to index
        %get3A_783 = tpu.vector_load %arg7[%get3A_781, %get3A_782] {strides = array<i32>} : memref<32x1024xf32, #tpu.memory_space<vmem>>, vector<1x16xf32>,
        %get3A_784 = vector.shape_cast %get3A_783 : vector<1x16xf32> to vector<16xf32>
        %mul3A_785 = arith.constant 3.200000e+01 : f32
        %mul3A_786 = vector.broadcast %mul3A_785 : f32 to vector<16xf32>
        %mul3A_787 = arith.mulf %get3A_784, %mul3A_786 : vector<16xf32>
        %add3A_788 = arith.addf %mul3A_787, %mul3A_764 : vector<16xf32>
        %swap3A_789 = arith.constant 13 : i32
        %swap3A_790 = arith.index_cast %swap3A_789 : i32 to index
        %swap3A_791 = arith.index_cast %mul3A_418 : i32 to index
        %swap3A_792 = tpu.vector_load %arg7[%swap3A_790, %swap3A_791] {strides = array<i32>} : memref<32x1024xf32, #tpu.memory_space<vmem>>, vector<1x16xf32>,
        %swap3A_793 = vector.shape_cast %swap3A_792 : vector<1x16xf32> to vector<16xf32>
        %swap3A_794 = vector.shape_cast %add3A_788 : vector<16xf32> to vector<1x16xf32>
        tpu.vector_store %arg7[%swap3A_790, %swap3A_791], %swap3A_794 {strides = array<i32>} : memref<32x1024xf32, #tpu.memory_space<vmem>>, vector<1x16xf32>,
        %get3A_795 = arith.constant 21 : i32
        %get3A_796 = arith.index_cast %get3A_795 : i32 to index
        %get3A_797 = arith.index_cast %mul3A_418 : i32 to index
        %get3A_798 = tpu.vector_load %arg7[%get3A_796, %get3A_797] {strides = array<i32>} : memref<32x1024xf32, #tpu.memory_space<vmem>>, vector<1x16xf32>,
        %get3A_799 = vector.shape_cast %get3A_798 : vector<1x16xf32> to vector<16xf32>
        %mul3A_800 = arith.constant 3.200000e+01 : f32
        %mul3A_801 = vector.broadcast %mul3A_800 : f32 to vector<16xf32>
        %mul3A_802 = arith.mulf %get3A_799, %mul3A_801 : vector<16xf32>
        %add3A_803 = arith.addf %mul3A_802, %mul3A_764 : vector<16xf32>
        %swap3A_804 = arith.constant 21 : i32
        %swap3A_805 = arith.index_cast %swap3A_804 : i32 to index
        %swap3A_806 = arith.index_cast %mul3A_418 : i32 to index
        %swap3A_807 = tpu.vector_load %arg7[%swap3A_805, %swap3A_806] {strides = array<i32>} : memref<32x1024xf32, #tpu.memory_space<vmem>>, vector<1x16xf32>,
        %swap3A_808 = vector.shape_cast %swap3A_807 : vector<1x16xf32> to vector<16xf32>
        %swap3A_809 = vector.shape_cast %add3A_803 : vector<16xf32> to vector<1x16xf32>
        tpu.vector_store %arg7[%swap3A_805, %swap3A_806], %swap3A_809 {strides = array<i32>} : memref<32x1024xf32, #tpu.memory_space<vmem>>, vector<1x16xf32>,
        %get3A_810 = arith.constant 29 : i32
        %get3A_811 = arith.index_cast %get3A_810 : i32 to index
        %get3A_812 = arith.index_cast %mul3A_418 : i32 to index
        %get3A_813 = tpu.vector_load %arg7[%get3A_811, %get3A_812] {strides = array<i32>} : memref<32x1024xf32, #tpu.memory_space<vmem>>, vector<1x16xf32>,
        %get3A_814 = vector.shape_cast %get3A_813 : vector<1x16xf32> to vector<16xf32>
        %mul3A_815 = arith.constant 3.200000e+01 : f32
        %mul3A_816 = vector.broadcast %mul3A_815 : f32 to vector<16xf32>
        %mul3A_817 = arith.mulf %get3A_814, %mul3A_816 : vector<16xf32>
        %add3A_818 = arith.addf %mul3A_817, %mul3A_764 : vector<16xf32>
        %swap3A_819 = arith.constant 29 : i32
        %swap3A_820 = arith.index_cast %swap3A_819 : i32 to index
        %swap3A_821 = arith.index_cast %mul3A_418 : i32 to index
        %swap3A_822 = tpu.vector_load %arg7[%swap3A_820, %swap3A_821] {strides = array<i32>} : memref<32x1024xf32, #tpu.memory_space<vmem>>, vector<1x16xf32>,
        %swap3A_823 = vector.shape_cast %swap3A_822 : vector<1x16xf32> to vector<16xf32>
        %swap3A_824 = vector.shape_cast %add3A_818 : vector<16xf32> to vector<1x16xf32>
        tpu.vector_store %arg7[%swap3A_820, %swap3A_821], %swap3A_824 {strides = array<i32>} : memref<32x1024xf32, #tpu.memory_space<vmem>>, vector<1x16xf32>,
        %get3A_825 = arith.constant 6 : i32
        %get3A_826 = arith.index_cast %get3A_825 : i32 to index
        %get3A_827 = arith.index_cast %mul3A_418 : i32 to index
        %get3A_828 = tpu.vector_load %arg10[%get3A_826, %get3A_827] {strides = array<i32>} : memref<8x1024xf32, #tpu.memory_space<vmem>>, vector<1x16xf32>,
        %get3A_829 = vector.shape_cast %get3A_828 : vector<1x16xf32> to vector<16xf32>
        %mul3A_830 = arith.constant 3.200000e+01 : f32
        %mul3A_831 = vector.broadcast %mul3A_830 : f32 to vector<16xf32>
        %mul3A_832 = arith.mulf %get3A_829, %mul3A_831 : vector<16xf32>
        %get3A_833 = arith.constant 6 : i32
        %get3A_834 = arith.index_cast %get3A_833 : i32 to index
        %get3A_835 = arith.index_cast %mul3A_418 : i32 to index
        %get3A_836 = tpu.vector_load %arg7[%get3A_834, %get3A_835] {strides = array<i32>} : memref<32x1024xf32, #tpu.memory_space<vmem>>, vector<1x16xf32>,
        %get3A_837 = vector.shape_cast %get3A_836 : vector<1x16xf32> to vector<16xf32>
        %mul3A_838 = arith.constant 3.200000e+01 : f32
        %mul3A_839 = vector.broadcast %mul3A_838 : f32 to vector<16xf32>
        %mul3A_840 = arith.mulf %get3A_837, %mul3A_839 : vector<16xf32>
        %add3A_841 = arith.addf %mul3A_840, %mul3A_832 : vector<16xf32>
        %swap3A_842 = arith.constant 6 : i32
        %swap3A_843 = arith.index_cast %swap3A_842 : i32 to index
        %swap3A_844 = arith.index_cast %mul3A_418 : i32 to index
        %swap3A_845 = tpu.vector_load %arg7[%swap3A_843, %swap3A_844] {strides = array<i32>} : memref<32x1024xf32, #tpu.memory_space<vmem>>, vector<1x16xf32>,
        %swap3A_846 = vector.shape_cast %swap3A_845 : vector<1x16xf32> to vector<16xf32>
        %swap3A_847 = vector.shape_cast %add3A_841 : vector<16xf32> to vector<1x16xf32>
        tpu.vector_store %arg7[%swap3A_843, %swap3A_844], %swap3A_847 {strides = array<i32>} : memref<32x1024xf32, #tpu.memory_space<vmem>>, vector<1x16xf32>,
        %get3A_848 = arith.constant 14 : i32
        %get3A_849 = arith.index_cast %get3A_848 : i32 to index
        %get3A_850 = arith.index_cast %mul3A_418 : i32 to index
        %get3A_851 = tpu.vector_load %arg7[%get3A_849, %get3A_850] {strides = array<i32>} : memref<32x1024xf32, #tpu.memory_space<vmem>>, vector<1x16xf32>,
        %get3A_852 = vector.shape_cast %get3A_851 : vector<1x16xf32> to vector<16xf32>
        %mul3A_853 = arith.constant 3.200000e+01 : f32
        %mul3A_854 = vector.broadcast %mul3A_853 : f32 to vector<16xf32>
        %mul3A_855 = arith.mulf %get3A_852, %mul3A_854 : vector<16xf32>
        %add3A_856 = arith.addf %mul3A_855, %mul3A_832 : vector<16xf32>
        %swap3A_857 = arith.constant 14 : i32
        %swap3A_858 = arith.index_cast %swap3A_857 : i32 to index
        %swap3A_859 = arith.index_cast %mul3A_418 : i32 to index
        %swap3A_860 = tpu.vector_load %arg7[%swap3A_858, %swap3A_859] {strides = array<i32>} : memref<32x1024xf32, #tpu.memory_space<vmem>>, vector<1x16xf32>,
        %swap3A_861 = vector.shape_cast %swap3A_860 : vector<1x16xf32> to vector<16xf32>
        %swap3A_862 = vector.shape_cast %add3A_856 : vector<16xf32> to vector<1x16xf32>
        tpu.vector_store %arg7[%swap3A_858, %swap3A_859], %swap3A_862 {strides = array<i32>} : memref<32x1024xf32, #tpu.memory_space<vmem>>, vector<1x16xf32>,
        %get3A_863 = arith.constant 22 : i32
        %get3A_864 = arith.index_cast %get3A_863 : i32 to index
        %get3A_865 = arith.index_cast %mul3A_418 : i32 to index
        %get3A_866 = tpu.vector_load %arg7[%get3A_864, %get3A_865] {strides = array<i32>} : memref<32x1024xf32, #tpu.memory_space<vmem>>, vector<1x16xf32>,
        %get3A_867 = vector.shape_cast %get3A_866 : vector<1x16xf32> to vector<16xf32>
        %mul3A_868 = arith.constant 3.200000e+01 : f32
        %mul3A_869 = vector.broadcast %mul3A_868 : f32 to vector<16xf32>
        %mul3A_870 = arith.mulf %get3A_867, %mul3A_869 : vector<16xf32>
        %add3A_871 = arith.addf %mul3A_870, %mul3A_832 : vector<16xf32>
        %swap3A_872 = arith.constant 22 : i32
        %swap3A_873 = arith.index_cast %swap3A_872 : i32 to index
        %swap3A_874 = arith.index_cast %mul3A_418 : i32 to index
        %swap3A_875 = tpu.vector_load %arg7[%swap3A_873, %swap3A_874] {strides = array<i32>} : memref<32x1024xf32, #tpu.memory_space<vmem>>, vector<1x16xf32>,
        %swap3A_876 = vector.shape_cast %swap3A_875 : vector<1x16xf32> to vector<16xf32>
        %swap3A_877 = vector.shape_cast %add3A_871 : vector<16xf32> to vector<1x16xf32>
        tpu.vector_store %arg7[%swap3A_873, %swap3A_874], %swap3A_877 {strides = array<i32>} : memref<32x1024xf32, #tpu.memory_space<vmem>>, vector<1x16xf32>,
        %get3A_878 = arith.constant 30 : i32
        %get3A_879 = arith.index_cast %get3A_878 : i32 to index
        %get3A_880 = arith.index_cast %mul3A_418 : i32 to index
        %get3A_881 = tpu.vector_load %arg7[%get3A_879, %get3A_880] {strides = array<i32>} : memref<32x1024xf32, #tpu.memory_space<vmem>>, vector<1x16xf32>,
        %get3A_882 = vector.shape_cast %get3A_881 : vector<1x16xf32> to vector<16xf32>
        %mul3A_883 = arith.constant 3.200000e+01 : f32
        %mul3A_884 = vector.broadcast %mul3A_883 : f32 to vector<16xf32>
        %mul3A_885 = arith.mulf %get3A_882, %mul3A_884 : vector<16xf32>
        %add3A_886 = arith.addf %mul3A_885, %mul3A_832 : vector<16xf32>
        %swap3A_887 = arith.constant 30 : i32
        %swap3A_888 = arith.index_cast %swap3A_887 : i32 to index
        %swap3A_889 = arith.index_cast %mul3A_418 : i32 to index
        %swap3A_890 = tpu.vector_load %arg7[%swap3A_888, %swap3A_889] {strides = array<i32>} : memref<32x1024xf32, #tpu.memory_space<vmem>>, vector<1x16xf32>,
        %swap3A_891 = vector.shape_cast %swap3A_890 : vector<1x16xf32> to vector<16xf32>
        %swap3A_892 = vector.shape_cast %add3A_886 : vector<16xf32> to vector<1x16xf32>
        tpu.vector_store %arg7[%swap3A_888, %swap3A_889], %swap3A_892 {strides = array<i32>} : memref<32x1024xf32, #tpu.memory_space<vmem>>, vector<1x16xf32>,
        %get3A_893 = arith.constant 7 : i32
        %get3A_894 = arith.index_cast %get3A_893 : i32 to index
        %get3A_895 = arith.index_cast %mul3A_418 : i32 to index
        %get3A_896 = tpu.vector_load %arg10[%get3A_894, %get3A_895] {strides = array<i32>} : memref<8x1024xf32, #tpu.memory_space<vmem>>, vector<1x16xf32>,
        %get3A_897 = vector.shape_cast %get3A_896 : vector<1x16xf32> to vector<16xf32>
        %mul3A_898 = arith.constant 3.200000e+01 : f32
        %mul3A_899 = vector.broadcast %mul3A_898 : f32 to vector<16xf32>
        %mul3A_900 = arith.mulf %get3A_897, %mul3A_899 : vector<16xf32>
        %get3A_901 = arith.constant 7 : i32
        %get3A_902 = arith.index_cast %get3A_901 : i32 to index
        %get3A_903 = arith.index_cast %mul3A_418 : i32 to index
        %get3A_904 = tpu.vector_load %arg7[%get3A_902, %get3A_903] {strides = array<i32>} : memref<32x1024xf32, #tpu.memory_space<vmem>>, vector<1x16xf32>,
        %get3A_905 = vector.shape_cast %get3A_904 : vector<1x16xf32> to vector<16xf32>
        %mul3A_906 = arith.constant 3.200000e+01 : f32
        %mul3A_907 = vector.broadcast %mul3A_906 : f32 to vector<16xf32>
        %mul3A_908 = arith.mulf %get3A_905, %mul3A_907 : vector<16xf32>
        %add3A_909 = arith.addf %mul3A_908, %mul3A_900 : vector<16xf32>
        %swap3A_910 = arith.constant 7 : i32
        %swap3A_911 = arith.index_cast %swap3A_910 : i32 to index
        %swap3A_912 = arith.index_cast %mul3A_418 : i32 to index
        %swap3A_913 = tpu.vector_load %arg7[%swap3A_911, %swap3A_912] {strides = array<i32>} : memref<32x1024xf32, #tpu.memory_space<vmem>>, vector<1x16xf32>,
        %swap3A_914 = vector.shape_cast %swap3A_913 : vector<1x16xf32> to vector<16xf32>
        %swap3A_915 = vector.shape_cast %add3A_909 : vector<16xf32> to vector<1x16xf32>
        tpu.vector_store %arg7[%swap3A_911, %swap3A_912], %swap3A_915 {strides = array<i32>} : memref<32x1024xf32, #tpu.memory_space<vmem>>, vector<1x16xf32>,
        %get3A_916 = arith.constant 15 : i32
        %get3A_917 = arith.index_cast %get3A_916 : i32 to index
        %get3A_918 = arith.index_cast %mul3A_418 : i32 to index
        %get3A_919 = tpu.vector_load %arg7[%get3A_917, %get3A_918] {strides = array<i32>} : memref<32x1024xf32, #tpu.memory_space<vmem>>, vector<1x16xf32>,
        %get3A_920 = vector.shape_cast %get3A_919 : vector<1x16xf32> to vector<16xf32>
        %mul3A_921 = arith.constant 3.200000e+01 : f32
        %mul3A_922 = vector.broadcast %mul3A_921 : f32 to vector<16xf32>
        %mul3A_923 = arith.mulf %get3A_920, %mul3A_922 : vector<16xf32>
        %add3A_924 = arith.addf %mul3A_923, %mul3A_900 : vector<16xf32>
        %swap3A_925 = arith.constant 15 : i32
        %swap3A_926 = arith.index_cast %swap3A_925 : i32 to index
        %swap3A_927 = arith.index_cast %mul3A_418 : i32 to index
        %swap3A_928 = tpu.vector_load %arg7[%swap3A_926, %swap3A_927] {strides = array<i32>} : memref<32x1024xf32, #tpu.memory_space<vmem>>, vector<1x16xf32>,
        %swap3A_929 = vector.shape_cast %swap3A_928 : vector<1x16xf32> to vector<16xf32>
        %swap3A_930 = vector.shape_cast %add3A_924 : vector<16xf32> to vector<1x16xf32>
        tpu.vector_store %arg7[%swap3A_926, %swap3A_927], %swap3A_930 {strides = array<i32>} : memref<32x1024xf32, #tpu.memory_space<vmem>>, vector<1x16xf32>,
        %get3A_931 = arith.constant 23 : i32
        %get3A_932 = arith.index_cast %get3A_931 : i32 to index
        %get3A_933 = arith.index_cast %mul3A_418 : i32 to index
        %get3A_934 = tpu.vector_load %arg7[%get3A_932, %get3A_933] {strides = array<i32>} : memref<32x1024xf32, #tpu.memory_space<vmem>>, vector<1x16xf32>,
        %get3A_935 = vector.shape_cast %get3A_934 : vector<1x16xf32> to vector<16xf32>
        %mul3A_936 = arith.constant 3.200000e+01 : f32
        %mul3A_937 = vector.broadcast %mul3A_936 : f32 to vector<16xf32>
        %mul3A_938 = arith.mulf %get3A_935, %mul3A_937 : vector<16xf32>
        %add3A_939 = arith.addf %mul3A_938, %mul3A_900 : vector<16xf32>
        %swap3A_940 = arith.constant 23 : i32
        %swap3A_941 = arith.index_cast %swap3A_940 : i32 to index
        %swap3A_942 = arith.index_cast %mul3A_418 : i32 to index
        %swap3A_943 = tpu.vector_load %arg7[%swap3A_941, %swap3A_942] {strides = array<i32>} : memref<32x1024xf32, #tpu.memory_space<vmem>>, vector<1x16xf32>,
        %swap3A_944 = vector.shape_cast %swap3A_943 : vector<1x16xf32> to vector<16xf32>
        %swap3A_945 = vector.shape_cast %add3A_939 : vector<16xf32> to vector<1x16xf32>
        tpu.vector_store %arg7[%swap3A_941, %swap3A_942], %swap3A_945 {strides = array<i32>} : memref<32x1024xf32, #tpu.memory_space<vmem>>, vector<1x16xf32>,
        %get3A_946 = arith.constant 31 : i32
        %get3A_947 = arith.index_cast %get3A_946 : i32 to index
        %get3A_948 = arith.index_cast %mul3A_418 : i32 to index
        %get3A_949 = tpu.vector_load %arg7[%get3A_947, %get3A_948] {strides = array<i32>} : memref<32x1024xf32, #tpu.memory_space<vmem>>, vector<1x16xf32>,
        %get3A_950 = vector.shape_cast %get3A_949 : vector<1x16xf32> to vector<16xf32>
        %mul3A_951 = arith.constant 3.200000e+01 : f32
        %mul3A_952 = vector.broadcast %mul3A_951 : f32 to vector<16xf32>
        %mul3A_953 = arith.mulf %get3A_950, %mul3A_952 : vector<16xf32>
        %add3A_954 = arith.addf %mul3A_953, %mul3A_900 : vector<16xf32>
        %swap3A_955 = arith.constant 31 : i32
        %swap3A_956 = arith.index_cast %swap3A_955 : i32 to index
        %swap3A_957 = arith.index_cast %mul3A_418 : i32 to index
        %swap3A_958 = tpu.vector_load %arg7[%swap3A_956, %swap3A_957] {strides = array<i32>} : memref<32x1024xf32, #tpu.memory_space<vmem>>, vector<1x16xf32>,
        %swap3A_959 = vector.shape_cast %swap3A_958 : vector<1x16xf32> to vector<16xf32>
        %swap3A_960 = vector.shape_cast %add3A_954 : vector<16xf32> to vector<1x16xf32>
        tpu.vector_store %arg7[%swap3A_956, %swap3A_957], %swap3A_960 {strides = array<i32>} : memref<32x1024xf32, #tpu.memory_space<vmem>>, vector<1x16xf32>,
        %scan3A_961 = arith.constant 0 : i32
        scf.yield %scan3A_961 : i32
      }
      %scan3A_145 = arith.constant 64 : i32
      %ge3A = arith.constant 1 : i32
      %ge3A_146 = arith.cmpi sge, %add3A_126, %ge3A : i32
      %add3A_147 = arith.constant 2 : i32
      %add3A_148 = arith.addi %add3A_126, %add3A_147 : i32
      %lt3A = arith.constant 16 : i32
      %lt3A_149 = arith.cmpi slt, %add3A_148, %lt3A : i32
      %and3A = arith.andi %ge3A_146, %lt3A_149 : i1
      %convert_element_type3A = arith.extui %and3A : i1 to i32
      %cond3A = arith.constant 0 : i32
      %cond3A_150 = arith.cmpi ne, %convert_element_type3A, %cond3A : i32
      scf.if %cond3A_150 {
        %dma_wait3A_415 = arith.constant 0 : i32
        %dma_wait3A_416 = arith.constant 0 : i32
        %dma_wait3A_417 = tpu.memref_slice %arg5[%dma_wait3A_415, %dma_wait3A_416] : memref<16384x1024xf32, #tpu.memory_space<hbm>> -> memref<32x1024xf32, #tpu.memory_space<hbm>>
        %dma_wait3A_418 = arith.constant 0 : i32
        %dma_wait3A_419 = arith.constant 0 : i32
        %dma_wait3A_420 = tpu.memref_slice %arg5[%dma_wait3A_418, %dma_wait3A_419] : memref<16384x1024xf32, #tpu.memory_space<hbm>> -> memref<32x1024xf32, #tpu.memory_space<hbm>>
        tpu.wait_dma2 semaphore(%arg21 : memref<!tpu.dma_semaphore, #tpu.memory_space<semaphore_mem>>) src(%arg9 : memref<32x1024xf32, #tpu.memory_space<vmem>>) dst(%dma_wait3A_420 : memref<32x1024xf32, #tpu.memory_space<hbm>>)
      } else {
      }
      %add3A_151 = arith.constant 2 : i32
      %add3A_152 = arith.addi %add3A_126, %add3A_151 : i32
      %lt3A_153 = arith.constant 16 : i32
      %lt3A_154 = arith.cmpi slt, %add3A_152, %lt3A_153 : i32
      %convert_element_type3A_155 = arith.extui %lt3A_154 : i1 to i32
      %cond3A_156 = arith.constant 0 : i32
      %cond3A_157 = arith.cmpi ne, %convert_element_type3A_155, %cond3A_156 : i32
      scf.if %cond3A_157 {
        %add3A_415 = arith.constant 2 : i32
        %add3A_416 = arith.addi %add3A_126, %add3A_415 : i32
        %mul3A_417 = arith.constant 32 : i32
        %mul3A_418 = arith.muli %add3A_416, %mul3A_417 : i32
        %dma_start3A_419 = tpu.memref_slice %arg6[%mul3A_418] : memref<512xi32, #tpu.memory_space<vmem>> -> memref<32xi32, #tpu.memory_space<vmem>>
        %dma_start3A_420 = arith.constant 0 : i32
        %dma_start3A_421 = arith.constant 0 : i32
        %dma_start3A_422 = tpu.memref_slice %arg3[%dma_start3A_420, %dma_start3A_421] : memref<100000x1024xf32, #tpu.memory_space<hbm>> -> memref<100000x1024xf32, #tpu.memory_space<hbm>>
        tpu.enqueue_indirect_dma source(%dma_start3A_422 : memref<100000x1024xf32, #tpu.memory_space<hbm>>) target(%arg9 : memref<32x1024xf32, #tpu.memory_space<vmem>>) offsets(%dma_start3A_419 : memref<32xi32, #tpu.memory_space<vmem>>) semaphore(%arg15 : memref<!tpu.dma_semaphore, #tpu.memory_space<semaphore_mem>>)
        %mul3A_423 = arith.constant 8 : i32
        %mul3A_424 = arith.muli %add3A_416, %mul3A_423 : i32
        %add3A_425 = arith.addi %mul3A_2, %mul3A_424 : i32
        %dma_start3A_426 = arith.constant 0 : i32
        %dma_start3A_427 = tpu.memref_slice %arg4[%add3A_425, %dma_start3A_426] : memref<4096x1024xf32, #tpu.memory_space<hbm>> -> memref<8x1024xf32, #tpu.memory_space<hbm>>
        %dma_start3A_428 = arith.constant 0 : i32
        %dma_start3A_429 = tpu.memref_slice %arg4[%add3A_425, %dma_start3A_428] : memref<4096x1024xf32, #tpu.memory_space<hbm>> -> memref<8x1024xf32, #tpu.memory_space<hbm>>
        tpu.enqueue_dma source(%dma_start3A_429 : memref<8x1024xf32, #tpu.memory_space<hbm>>) target(%arg12 : memref<8x1024xf32, #tpu.memory_space<vmem>>) target_semaphore(%arg18 : memref<!tpu.dma_semaphore, #tpu.memory_space<semaphore_mem>>)
      } else {
      }
      %add3A_158 = arith.constant 0 : i32
      %add3A_159 = arith.addi %add3A_158, %mul3A_2 : i32
      %mul3A_160 = arith.constant 8 : i32
      %mul3A_161 = arith.muli %add3A_126, %mul3A_160 : i32
      %add3A_162 = arith.addi %add3A_159, %mul3A_161 : i32
      %dma_start3A_163 = arith.constant 0 : i32
      %dma_start3A_164 = arith.constant 0 : i32
      %dma_start3A_165 = tpu.memref_slice %arg7[%dma_start3A_163, %dma_start3A_164] : memref<32x1024xf32, #tpu.memory_space<vmem>> -> memref<8x1024xf32, #tpu.memory_space<vmem>>
      %dma_start3A_166 = arith.constant 0 : i32
      %dma_start3A_167 = tpu.memref_slice %arg5[%add3A_162, %dma_start3A_166] : memref<16384x1024xf32, #tpu.memory_space<hbm>> -> memref<8x1024xf32, #tpu.memory_space<hbm>>
      %dma_start3A_168 = arith.constant 0 : i32
      %dma_start3A_169 = tpu.memref_slice %arg5[%add3A_162, %dma_start3A_168] : memref<16384x1024xf32, #tpu.memory_space<hbm>> -> memref<8x1024xf32, #tpu.memory_space<hbm>>
      %dma_start3A_170 = arith.constant 0 : i32
      %dma_start3A_171 = arith.constant 0 : i32
      %dma_start3A_172 = tpu.memref_slice %arg7[%dma_start3A_170, %dma_start3A_171] : memref<32x1024xf32, #tpu.memory_space<vmem>> -> memref<8x1024xf32, #tpu.memory_space<vmem>>
      tpu.enqueue_dma source(%dma_start3A_172 : memref<8x1024xf32, #tpu.memory_space<vmem>>) target(%dma_start3A_169 : memref<8x1024xf32, #tpu.memory_space<hbm>>) target_semaphore(%arg19 : memref<!tpu.dma_semaphore, #tpu.memory_space<semaphore_mem>>)
      %add3A_173 = arith.constant 4096 : i32
      %add3A_174 = arith.addi %add3A_173, %mul3A_2 : i32
      %mul3A_175 = arith.constant 8 : i32
      %mul3A_176 = arith.muli %add3A_126, %mul3A_175 : i32
      %add3A_177 = arith.addi %add3A_174, %mul3A_176 : i32
      %dma_start3A_178 = arith.constant 8 : i32
      %dma_start3A_179 = arith.constant 0 : i32
      %dma_start3A_180 = tpu.memref_slice %arg7[%dma_start3A_178, %dma_start3A_179] : memref<32x1024xf32, #tpu.memory_space<vmem>> -> memref<8x1024xf32, #tpu.memory_space<vmem>>
      %dma_start3A_181 = arith.constant 0 : i32
      %dma_start3A_182 = tpu.memref_slice %arg5[%add3A_177, %dma_start3A_181] : memref<16384x1024xf32, #tpu.memory_space<hbm>> -> memref<8x1024xf32, #tpu.memory_space<hbm>>
      %dma_start3A_183 = arith.constant 0 : i32
      %dma_start3A_184 = tpu.memref_slice %arg5[%add3A_177, %dma_start3A_183] : memref<16384x1024xf32, #tpu.memory_space<hbm>> -> memref<8x1024xf32, #tpu.memory_space<hbm>>
      %dma_start3A_185 = arith.constant 8 : i32
      %dma_start3A_186 = arith.constant 0 : i32
      %dma_start3A_187 = tpu.memref_slice %arg7[%dma_start3A_185, %dma_start3A_186] : memref<32x1024xf32, #tpu.memory_space<vmem>> -> memref<8x1024xf32, #tpu.memory_space<vmem>>
      tpu.enqueue_dma source(%dma_start3A_187 : memref<8x1024xf32, #tpu.memory_space<vmem>>) target(%dma_start3A_184 : memref<8x1024xf32, #tpu.memory_space<hbm>>) target_semaphore(%arg19 : memref<!tpu.dma_semaphore, #tpu.memory_space<semaphore_mem>>)
      %add3A_188 = arith.constant 8192 : i32
      %add3A_189 = arith.addi %add3A_188, %mul3A_2 : i32
      %mul3A_190 = arith.constant 8 : i32
      %mul3A_191 = arith.muli %add3A_126, %mul3A_190 : i32
      %add3A_192 = arith.addi %add3A_189, %mul3A_191 : i32
      %dma_start3A_193 = arith.constant 16 : i32
      %dma_start3A_194 = arith.constant 0 : i32
      %dma_start3A_195 = tpu.memref_slice %arg7[%dma_start3A_193, %dma_start3A_194] : memref<32x1024xf32, #tpu.memory_space<vmem>> -> memref<8x1024xf32, #tpu.memory_space<vmem>>
      %dma_start3A_196 = arith.constant 0 : i32
      %dma_start3A_197 = tpu.memref_slice %arg5[%add3A_192, %dma_start3A_196] : memref<16384x1024xf32, #tpu.memory_space<hbm>> -> memref<8x1024xf32, #tpu.memory_space<hbm>>
      %dma_start3A_198 = arith.constant 0 : i32
      %dma_start3A_199 = tpu.memref_slice %arg5[%add3A_192, %dma_start3A_198] : memref<16384x1024xf32, #tpu.memory_space<hbm>> -> memref<8x1024xf32, #tpu.memory_space<hbm>>
      %dma_start3A_200 = arith.constant 16 : i32
      %dma_start3A_201 = arith.constant 0 : i32
      %dma_start3A_202 = tpu.memref_slice %arg7[%dma_start3A_200, %dma_start3A_201] : memref<32x1024xf32, #tpu.memory_space<vmem>> -> memref<8x1024xf32, #tpu.memory_space<vmem>>
      tpu.enqueue_dma source(%dma_start3A_202 : memref<8x1024xf32, #tpu.memory_space<vmem>>) target(%dma_start3A_199 : memref<8x1024xf32, #tpu.memory_space<hbm>>) target_semaphore(%arg19 : memref<!tpu.dma_semaphore, #tpu.memory_space<semaphore_mem>>)
      %add3A_203 = arith.constant 12288 : i32
      %add3A_204 = arith.addi %add3A_203, %mul3A_2 : i32
      %mul3A_205 = arith.constant 8 : i32
      %mul3A_206 = arith.muli %add3A_126, %mul3A_205 : i32
      %add3A_207 = arith.addi %add3A_204, %mul3A_206 : i32
      %dma_start3A_208 = arith.constant 24 : i32
      %dma_start3A_209 = arith.constant 0 : i32
      %dma_start3A_210 = tpu.memref_slice %arg7[%dma_start3A_208, %dma_start3A_209] : memref<32x1024xf32, #tpu.memory_space<vmem>> -> memref<8x1024xf32, #tpu.memory_space<vmem>>
      %dma_start3A_211 = arith.constant 0 : i32
      %dma_start3A_212 = tpu.memref_slice %arg5[%add3A_207, %dma_start3A_211] : memref<16384x1024xf32, #tpu.memory_space<hbm>> -> memref<8x1024xf32, #tpu.memory_space<hbm>>
      %dma_start3A_213 = arith.constant 0 : i32
      %dma_start3A_214 = tpu.memref_slice %arg5[%add3A_207, %dma_start3A_213] : memref<16384x1024xf32, #tpu.memory_space<hbm>> -> memref<8x1024xf32, #tpu.memory_space<hbm>>
      %dma_start3A_215 = arith.constant 24 : i32
      %dma_start3A_216 = arith.constant 0 : i32
      %dma_start3A_217 = tpu.memref_slice %arg7[%dma_start3A_215, %dma_start3A_216] : memref<32x1024xf32, #tpu.memory_space<vmem>> -> memref<8x1024xf32, #tpu.memory_space<vmem>>
      tpu.enqueue_dma source(%dma_start3A_217 : memref<8x1024xf32, #tpu.memory_space<vmem>>) target(%dma_start3A_214 : memref<8x1024xf32, #tpu.memory_space<hbm>>) target_semaphore(%arg19 : memref<!tpu.dma_semaphore, #tpu.memory_space<semaphore_mem>>)
      %add3A_218 = arith.constant 1 : i32
      %add3A_219 = arith.addi %mul3A_124, %add3A_218 : i32
      %mul3A_220 = arith.constant 32 : i32
      %mul3A_221 = arith.muli %add3A_219, %mul3A_220 : i32
      %dma_wait3A_222 = tpu.memref_slice %arg6[%mul3A_221] : memref<512xi32, #tpu.memory_space<vmem>> -> memref<32xi32, #tpu.memory_space<vmem>>
      %dma_wait3A_223 = arith.constant 0 : i32
      %dma_wait3A_224 = arith.constant 0 : i32
      %dma_wait3A_225 = tpu.memref_slice %arg3[%dma_wait3A_223, %dma_wait3A_224] : memref<100000x1024xf32, #tpu.memory_space<hbm>> -> memref<100000x1024xf32, #tpu.memory_space<hbm>>
      tpu.wait_indirect_dma semaphore(%arg14 : memref<!tpu.dma_semaphore, #tpu.memory_space<semaphore_mem>>) src(%dma_wait3A_225 : memref<100000x1024xf32, #tpu.memory_space<hbm>>) dst(%arg8 : memref<32x1024xf32, #tpu.memory_space<vmem>>)
      %dma_wait3A_226 = arith.constant 0 : i32
      %dma_wait3A_227 = arith.constant 0 : i32
      %dma_wait3A_228 = tpu.memref_slice %arg4[%dma_wait3A_226, %dma_wait3A_227] : memref<4096x1024xf32, #tpu.memory_space<hbm>> -> memref<8x1024xf32, #tpu.memory_space<hbm>>
      %dma_wait3A_229 = arith.constant 0 : i32
      %dma_wait3A_230 = arith.constant 0 : i32
      %dma_wait3A_231 = tpu.memref_slice %arg4[%dma_wait3A_229, %dma_wait3A_230] : memref<4096x1024xf32, #tpu.memory_space<hbm>> -> memref<8x1024xf32, #tpu.memory_space<hbm>>
      tpu.wait_dma2 semaphore(%arg17 : memref<!tpu.dma_semaphore, #tpu.memory_space<semaphore_mem>>) src(%dma_wait3A_231 : memref<8x1024xf32, #tpu.memory_space<hbm>>) dst(%arg11 : memref<8x1024xf32, #tpu.memory_space<vmem>>)
      %scan3A_232 = arith.constant 0 : i32
      %scan3A_233 = arith.constant 0 : i32
      %scan3A_234 = arith.constant 64 : i32
      %scan3A_235 = arith.addi %scan3A_233, %scan3A_234 : i32
      %scan3A_236 = arith.constant 1 : i32
      %scan3A_237 = scf.for %scan3A_415 = %scan3A_233 to %scan3A_235 step %scan3A_236 iter_args(%scan3A_416 = %scan3A_232) -> (i32)  : i32 {
        %mul3A_417 = arith.constant 16 : i32
        %mul3A_418 = arith.muli %scan3A_415, %mul3A_417 : i32
        %get3A = arith.constant 0 : i32
        %get3A_419 = arith.index_cast %get3A : i32 to index
        %get3A_420 = arith.index_cast %mul3A_418 : i32 to index
        %get3A_421 = tpu.vector_load %arg11[%get3A_419, %get3A_420] {strides = array<i32>} : memref<8x1024xf32, #tpu.memory_space<vmem>>, vector<1x16xf32>,
        %get3A_422 = vector.shape_cast %get3A_421 : vector<1x16xf32> to vector<16xf32>
        %mul3A_423 = arith.constant 3.200000e+01 : f32
        %mul3A_424 = vector.broadcast %mul3A_423 : f32 to vector<16xf32>
        %mul3A_425 = arith.mulf %get3A_422, %mul3A_424 : vector<16xf32>
        %get3A_426 = arith.constant 0 : i32
        %get3A_427 = arith.index_cast %get3A_426 : i32 to index
        %get3A_428 = arith.index_cast %mul3A_418 : i32 to index
        %get3A_429 = tpu.vector_load %arg8[%get3A_427, %get3A_428] {strides = array<i32>} : memref<32x1024xf32, #tpu.memory_space<vmem>>, vector<1x16xf32>,
        %get3A_430 = vector.shape_cast %get3A_429 : vector<1x16xf32> to vector<16xf32>
        %mul3A_431 = arith.constant 3.200000e+01 : f32
        %mul3A_432 = vector.broadcast %mul3A_431 : f32 to vector<16xf32>
        %mul3A_433 = arith.mulf %get3A_430, %mul3A_432 : vector<16xf32>
        %add3A_434 = arith.addf %mul3A_433, %mul3A_425 : vector<16xf32>
        %swap3A = arith.constant 0 : i32
        %swap3A_435 = arith.index_cast %swap3A : i32 to index
        %swap3A_436 = arith.index_cast %mul3A_418 : i32 to index
        %swap3A_437 = tpu.vector_load %arg8[%swap3A_435, %swap3A_436] {strides = array<i32>} : memref<32x1024xf32, #tpu.memory_space<vmem>>, vector<1x16xf32>,
        %swap3A_438 = vector.shape_cast %swap3A_437 : vector<1x16xf32> to vector<16xf32>
        %swap3A_439 = vector.shape_cast %add3A_434 : vector<16xf32> to vector<1x16xf32>
        tpu.vector_store %arg8[%swap3A_435, %swap3A_436], %swap3A_439 {strides = array<i32>} : memref<32x1024xf32, #tpu.memory_space<vmem>>, vector<1x16xf32>,
        %get3A_440 = arith.constant 8 : i32
        %get3A_441 = arith.index_cast %get3A_440 : i32 to index
        %get3A_442 = arith.index_cast %mul3A_418 : i32 to index
        %get3A_443 = tpu.vector_load %arg8[%get3A_441, %get3A_442] {strides = array<i32>} : memref<32x1024xf32, #tpu.memory_space<vmem>>, vector<1x16xf32>,
        %get3A_444 = vector.shape_cast %get3A_443 : vector<1x16xf32> to vector<16xf32>
        %mul3A_445 = arith.constant 3.200000e+01 : f32
        %mul3A_446 = vector.broadcast %mul3A_445 : f32 to vector<16xf32>
        %mul3A_447 = arith.mulf %get3A_444, %mul3A_446 : vector<16xf32>
        %add3A_448 = arith.addf %mul3A_447, %mul3A_425 : vector<16xf32>
        %swap3A_449 = arith.constant 8 : i32
        %swap3A_450 = arith.index_cast %swap3A_449 : i32 to index
        %swap3A_451 = arith.index_cast %mul3A_418 : i32 to index
        %swap3A_452 = tpu.vector_load %arg8[%swap3A_450, %swap3A_451] {strides = array<i32>} : memref<32x1024xf32, #tpu.memory_space<vmem>>, vector<1x16xf32>,
        %swap3A_453 = vector.shape_cast %swap3A_452 : vector<1x16xf32> to vector<16xf32>
        %swap3A_454 = vector.shape_cast %add3A_448 : vector<16xf32> to vector<1x16xf32>
        tpu.vector_store %arg8[%swap3A_450, %swap3A_451], %swap3A_454 {strides = array<i32>} : memref<32x1024xf32, #tpu.memory_space<vmem>>, vector<1x16xf32>,
        %get3A_455 = arith.constant 16 : i32
        %get3A_456 = arith.index_cast %get3A_455 : i32 to index
        %get3A_457 = arith.index_cast %mul3A_418 : i32 to index
        %get3A_458 = tpu.vector_load %arg8[%get3A_456, %get3A_457] {strides = array<i32>} : memref<32x1024xf32, #tpu.memory_space<vmem>>, vector<1x16xf32>,
        %get3A_459 = vector.shape_cast %get3A_458 : vector<1x16xf32> to vector<16xf32>
        %mul3A_460 = arith.constant 3.200000e+01 : f32
        %mul3A_461 = vector.broadcast %mul3A_460 : f32 to vector<16xf32>
        %mul3A_462 = arith.mulf %get3A_459, %mul3A_461 : vector<16xf32>
        %add3A_463 = arith.addf %mul3A_462, %mul3A_425 : vector<16xf32>
        %swap3A_464 = arith.constant 16 : i32
        %swap3A_465 = arith.index_cast %swap3A_464 : i32 to index
        %swap3A_466 = arith.index_cast %mul3A_418 : i32 to index
        %swap3A_467 = tpu.vector_load %arg8[%swap3A_465, %swap3A_466] {strides = array<i32>} : memref<32x1024xf32, #tpu.memory_space<vmem>>, vector<1x16xf32>,
        %swap3A_468 = vector.shape_cast %swap3A_467 : vector<1x16xf32> to vector<16xf32>
        %swap3A_469 = vector.shape_cast %add3A_463 : vector<16xf32> to vector<1x16xf32>
        tpu.vector_store %arg8[%swap3A_465, %swap3A_466], %swap3A_469 {strides = array<i32>} : memref<32x1024xf32, #tpu.memory_space<vmem>>, vector<1x16xf32>,
        %get3A_470 = arith.constant 24 : i32
        %get3A_471 = arith.index_cast %get3A_470 : i32 to index
        %get3A_472 = arith.index_cast %mul3A_418 : i32 to index
        %get3A_473 = tpu.vector_load %arg8[%get3A_471, %get3A_472] {strides = array<i32>} : memref<32x1024xf32, #tpu.memory_space<vmem>>, vector<1x16xf32>,
        %get3A_474 = vector.shape_cast %get3A_473 : vector<1x16xf32> to vector<16xf32>
        %mul3A_475 = arith.constant 3.200000e+01 : f32
        %mul3A_476 = vector.broadcast %mul3A_475 : f32 to vector<16xf32>
        %mul3A_477 = arith.mulf %get3A_474, %mul3A_476 : vector<16xf32>
        %add3A_478 = arith.addf %mul3A_477, %mul3A_425 : vector<16xf32>
        %swap3A_479 = arith.constant 24 : i32
        %swap3A_480 = arith.index_cast %swap3A_479 : i32 to index
        %swap3A_481 = arith.index_cast %mul3A_418 : i32 to index
        %swap3A_482 = tpu.vector_load %arg8[%swap3A_480, %swap3A_481] {strides = array<i32>} : memref<32x1024xf32, #tpu.memory_space<vmem>>, vector<1x16xf32>,
        %swap3A_483 = vector.shape_cast %swap3A_482 : vector<1x16xf32> to vector<16xf32>
        %swap3A_484 = vector.shape_cast %add3A_478 : vector<16xf32> to vector<1x16xf32>
        tpu.vector_store %arg8[%swap3A_480, %swap3A_481], %swap3A_484 {strides = array<i32>} : memref<32x1024xf32, #tpu.memory_space<vmem>>, vector<1x16xf32>,
        %get3A_485 = arith.constant 1 : i32
        %get3A_486 = arith.index_cast %get3A_485 : i32 to index
        %get3A_487 = arith.index_cast %mul3A_418 : i32 to index
        %get3A_488 = tpu.vector_load %arg11[%get3A_486, %get3A_487] {strides = array<i32>} : memref<8x1024xf32, #tpu.memory_space<vmem>>, vector<1x16xf32>,
        %get3A_489 = vector.shape_cast %get3A_488 : vector<1x16xf32> to vector<16xf32>
        %mul3A_490 = arith.constant 3.200000e+01 : f32
        %mul3A_491 = vector.broadcast %mul3A_490 : f32 to vector<16xf32>
        %mul3A_492 = arith.mulf %get3A_489, %mul3A_491 : vector<16xf32>
        %get3A_493 = arith.constant 1 : i32
        %get3A_494 = arith.index_cast %get3A_493 : i32 to index
        %get3A_495 = arith.index_cast %mul3A_418 : i32 to index
        %get3A_496 = tpu.vector_load %arg8[%get3A_494, %get3A_495] {strides = array<i32>} : memref<32x1024xf32, #tpu.memory_space<vmem>>, vector<1x16xf32>,
        %get3A_497 = vector.shape_cast %get3A_496 : vector<1x16xf32> to vector<16xf32>
        %mul3A_498 = arith.constant 3.200000e+01 : f32
        %mul3A_499 = vector.broadcast %mul3A_498 : f32 to vector<16xf32>
        %mul3A_500 = arith.mulf %get3A_497, %mul3A_499 : vector<16xf32>
        %add3A_501 = arith.addf %mul3A_500, %mul3A_492 : vector<16xf32>
        %swap3A_502 = arith.constant 1 : i32
        %swap3A_503 = arith.index_cast %swap3A_502 : i32 to index
        %swap3A_504 = arith.index_cast %mul3A_418 : i32 to index
        %swap3A_505 = tpu.vector_load %arg8[%swap3A_503, %swap3A_504] {strides = array<i32>} : memref<32x1024xf32, #tpu.memory_space<vmem>>, vector<1x16xf32>,
        %swap3A_506 = vector.shape_cast %swap3A_505 : vector<1x16xf32> to vector<16xf32>
        %swap3A_507 = vector.shape_cast %add3A_501 : vector<16xf32> to vector<1x16xf32>
        tpu.vector_store %arg8[%swap3A_503, %swap3A_504], %swap3A_507 {strides = array<i32>} : memref<32x1024xf32, #tpu.memory_space<vmem>>, vector<1x16xf32>,
        %get3A_508 = arith.constant 9 : i32
        %get3A_509 = arith.index_cast %get3A_508 : i32 to index
        %get3A_510 = arith.index_cast %mul3A_418 : i32 to index
        %get3A_511 = tpu.vector_load %arg8[%get3A_509, %get3A_510] {strides = array<i32>} : memref<32x1024xf32, #tpu.memory_space<vmem>>, vector<1x16xf32>,
        %get3A_512 = vector.shape_cast %get3A_511 : vector<1x16xf32> to vector<16xf32>
        %mul3A_513 = arith.constant 3.200000e+01 : f32
        %mul3A_514 = vector.broadcast %mul3A_513 : f32 to vector<16xf32>
        %mul3A_515 = arith.mulf %get3A_512, %mul3A_514 : vector<16xf32>
        %add3A_516 = arith.addf %mul3A_515, %mul3A_492 : vector<16xf32>
        %swap3A_517 = arith.constant 9 : i32
        %swap3A_518 = arith.index_cast %swap3A_517 : i32 to index
        %swap3A_519 = arith.index_cast %mul3A_418 : i32 to index
        %swap3A_520 = tpu.vector_load %arg8[%swap3A_518, %swap3A_519] {strides = array<i32>} : memref<32x1024xf32, #tpu.memory_space<vmem>>, vector<1x16xf32>,
        %swap3A_521 = vector.shape_cast %swap3A_520 : vector<1x16xf32> to vector<16xf32>
        %swap3A_522 = vector.shape_cast %add3A_516 : vector<16xf32> to vector<1x16xf32>
        tpu.vector_store %arg8[%swap3A_518, %swap3A_519], %swap3A_522 {strides = array<i32>} : memref<32x1024xf32, #tpu.memory_space<vmem>>, vector<1x16xf32>,
        %get3A_523 = arith.constant 17 : i32
        %get3A_524 = arith.index_cast %get3A_523 : i32 to index
        %get3A_525 = arith.index_cast %mul3A_418 : i32 to index
        %get3A_526 = tpu.vector_load %arg8[%get3A_524, %get3A_525] {strides = array<i32>} : memref<32x1024xf32, #tpu.memory_space<vmem>>, vector<1x16xf32>,
        %get3A_527 = vector.shape_cast %get3A_526 : vector<1x16xf32> to vector<16xf32>
        %mul3A_528 = arith.constant 3.200000e+01 : f32
        %mul3A_529 = vector.broadcast %mul3A_528 : f32 to vector<16xf32>
        %mul3A_530 = arith.mulf %get3A_527, %mul3A_529 : vector<16xf32>
        %add3A_531 = arith.addf %mul3A_530, %mul3A_492 : vector<16xf32>
        %swap3A_532 = arith.constant 17 : i32
        %swap3A_533 = arith.index_cast %swap3A_532 : i32 to index
        %swap3A_534 = arith.index_cast %mul3A_418 : i32 to index
        %swap3A_535 = tpu.vector_load %arg8[%swap3A_533, %swap3A_534] {strides = array<i32>} : memref<32x1024xf32, #tpu.memory_space<vmem>>, vector<1x16xf32>,
        %swap3A_536 = vector.shape_cast %swap3A_535 : vector<1x16xf32> to vector<16xf32>
        %swap3A_537 = vector.shape_cast %add3A_531 : vector<16xf32> to vector<1x16xf32>
        tpu.vector_store %arg8[%swap3A_533, %swap3A_534], %swap3A_537 {strides = array<i32>} : memref<32x1024xf32, #tpu.memory_space<vmem>>, vector<1x16xf32>,
        %get3A_538 = arith.constant 25 : i32
        %get3A_539 = arith.index_cast %get3A_538 : i32 to index
        %get3A_540 = arith.index_cast %mul3A_418 : i32 to index
        %get3A_541 = tpu.vector_load %arg8[%get3A_539, %get3A_540] {strides = array<i32>} : memref<32x1024xf32, #tpu.memory_space<vmem>>, vector<1x16xf32>,
        %get3A_542 = vector.shape_cast %get3A_541 : vector<1x16xf32> to vector<16xf32>
        %mul3A_543 = arith.constant 3.200000e+01 : f32
        %mul3A_544 = vector.broadcast %mul3A_543 : f32 to vector<16xf32>
        %mul3A_545 = arith.mulf %get3A_542, %mul3A_544 : vector<16xf32>
        %add3A_546 = arith.addf %mul3A_545, %mul3A_492 : vector<16xf32>
        %swap3A_547 = arith.constant 25 : i32
        %swap3A_548 = arith.index_cast %swap3A_547 : i32 to index
        %swap3A_549 = arith.index_cast %mul3A_418 : i32 to index
        %swap3A_550 = tpu.vector_load %arg8[%swap3A_548, %swap3A_549] {strides = array<i32>} : memref<32x1024xf32, #tpu.memory_space<vmem>>, vector<1x16xf32>,
        %swap3A_551 = vector.shape_cast %swap3A_550 : vector<1x16xf32> to vector<16xf32>
        %swap3A_552 = vector.shape_cast %add3A_546 : vector<16xf32> to vector<1x16xf32>
        tpu.vector_store %arg8[%swap3A_548, %swap3A_549], %swap3A_552 {strides = array<i32>} : memref<32x1024xf32, #tpu.memory_space<vmem>>, vector<1x16xf32>,
        %get3A_553 = arith.constant 2 : i32
        %get3A_554 = arith.index_cast %get3A_553 : i32 to index
        %get3A_555 = arith.index_cast %mul3A_418 : i32 to index
        %get3A_556 = tpu.vector_load %arg11[%get3A_554, %get3A_555] {strides = array<i32>} : memref<8x1024xf32, #tpu.memory_space<vmem>>, vector<1x16xf32>,
        %get3A_557 = vector.shape_cast %get3A_556 : vector<1x16xf32> to vector<16xf32>
        %mul3A_558 = arith.constant 3.200000e+01 : f32
        %mul3A_559 = vector.broadcast %mul3A_558 : f32 to vector<16xf32>
        %mul3A_560 = arith.mulf %get3A_557, %mul3A_559 : vector<16xf32>
        %get3A_561 = arith.constant 2 : i32
        %get3A_562 = arith.index_cast %get3A_561 : i32 to index
        %get3A_563 = arith.index_cast %mul3A_418 : i32 to index
        %get3A_564 = tpu.vector_load %arg8[%get3A_562, %get3A_563] {strides = array<i32>} : memref<32x1024xf32, #tpu.memory_space<vmem>>, vector<1x16xf32>,
        %get3A_565 = vector.shape_cast %get3A_564 : vector<1x16xf32> to vector<16xf32>
        %mul3A_566 = arith.constant 3.200000e+01 : f32
        %mul3A_567 = vector.broadcast %mul3A_566 : f32 to vector<16xf32>
        %mul3A_568 = arith.mulf %get3A_565, %mul3A_567 : vector<16xf32>
        %add3A_569 = arith.addf %mul3A_568, %mul3A_560 : vector<16xf32>
        %swap3A_570 = arith.constant 2 : i32
        %swap3A_571 = arith.index_cast %swap3A_570 : i32 to index
        %swap3A_572 = arith.index_cast %mul3A_418 : i32 to index
        %swap3A_573 = tpu.vector_load %arg8[%swap3A_571, %swap3A_572] {strides = array<i32>} : memref<32x1024xf32, #tpu.memory_space<vmem>>, vector<1x16xf32>,
        %swap3A_574 = vector.shape_cast %swap3A_573 : vector<1x16xf32> to vector<16xf32>
        %swap3A_575 = vector.shape_cast %add3A_569 : vector<16xf32> to vector<1x16xf32>
        tpu.vector_store %arg8[%swap3A_571, %swap3A_572], %swap3A_575 {strides = array<i32>} : memref<32x1024xf32, #tpu.memory_space<vmem>>, vector<1x16xf32>,
        %get3A_576 = arith.constant 10 : i32
        %get3A_577 = arith.index_cast %get3A_576 : i32 to index
        %get3A_578 = arith.index_cast %mul3A_418 : i32 to index
        %get3A_579 = tpu.vector_load %arg8[%get3A_577, %get3A_578] {strides = array<i32>} : memref<32x1024xf32, #tpu.memory_space<vmem>>, vector<1x16xf32>,
        %get3A_580 = vector.shape_cast %get3A_579 : vector<1x16xf32> to vector<16xf32>
        %mul3A_581 = arith.constant 3.200000e+01 : f32
        %mul3A_582 = vector.broadcast %mul3A_581 : f32 to vector<16xf32>
        %mul3A_583 = arith.mulf %get3A_580, %mul3A_582 : vector<16xf32>
        %add3A_584 = arith.addf %mul3A_583, %mul3A_560 : vector<16xf32>
        %swap3A_585 = arith.constant 10 : i32
        %swap3A_586 = arith.index_cast %swap3A_585 : i32 to index
        %swap3A_587 = arith.index_cast %mul3A_418 : i32 to index
        %swap3A_588 = tpu.vector_load %arg8[%swap3A_586, %swap3A_587] {strides = array<i32>} : memref<32x1024xf32, #tpu.memory_space<vmem>>, vector<1x16xf32>,
        %swap3A_589 = vector.shape_cast %swap3A_588 : vector<1x16xf32> to vector<16xf32>
        %swap3A_590 = vector.shape_cast %add3A_584 : vector<16xf32> to vector<1x16xf32>
        tpu.vector_store %arg8[%swap3A_586, %swap3A_587], %swap3A_590 {strides = array<i32>} : memref<32x1024xf32, #tpu.memory_space<vmem>>, vector<1x16xf32>,
        %get3A_591 = arith.constant 18 : i32
        %get3A_592 = arith.index_cast %get3A_591 : i32 to index
        %get3A_593 = arith.index_cast %mul3A_418 : i32 to index
        %get3A_594 = tpu.vector_load %arg8[%get3A_592, %get3A_593] {strides = array<i32>} : memref<32x1024xf32, #tpu.memory_space<vmem>>, vector<1x16xf32>,
        %get3A_595 = vector.shape_cast %get3A_594 : vector<1x16xf32> to vector<16xf32>
        %mul3A_596 = arith.constant 3.200000e+01 : f32
        %mul3A_597 = vector.broadcast %mul3A_596 : f32 to vector<16xf32>
        %mul3A_598 = arith.mulf %get3A_595, %mul3A_597 : vector<16xf32>
        %add3A_599 = arith.addf %mul3A_598, %mul3A_560 : vector<16xf32>
        %swap3A_600 = arith.constant 18 : i32
        %swap3A_601 = arith.index_cast %swap3A_600 : i32 to index
        %swap3A_602 = arith.index_cast %mul3A_418 : i32 to index
        %swap3A_603 = tpu.vector_load %arg8[%swap3A_601, %swap3A_602] {strides = array<i32>} : memref<32x1024xf32, #tpu.memory_space<vmem>>, vector<1x16xf32>,
        %swap3A_604 = vector.shape_cast %swap3A_603 : vector<1x16xf32> to vector<16xf32>
        %swap3A_605 = vector.shape_cast %add3A_599 : vector<16xf32> to vector<1x16xf32>
        tpu.vector_store %arg8[%swap3A_601, %swap3A_602], %swap3A_605 {strides = array<i32>} : memref<32x1024xf32, #tpu.memory_space<vmem>>, vector<1x16xf32>,
        %get3A_606 = arith.constant 26 : i32
        %get3A_607 = arith.index_cast %get3A_606 : i32 to index
        %get3A_608 = arith.index_cast %mul3A_418 : i32 to index
        %get3A_609 = tpu.vector_load %arg8[%get3A_607, %get3A_608] {strides = array<i32>} : memref<32x1024xf32, #tpu.memory_space<vmem>>, vector<1x16xf32>,
        %get3A_610 = vector.shape_cast %get3A_609 : vector<1x16xf32> to vector<16xf32>
        %mul3A_611 = arith.constant 3.200000e+01 : f32
        %mul3A_612 = vector.broadcast %mul3A_611 : f32 to vector<16xf32>
        %mul3A_613 = arith.mulf %get3A_610, %mul3A_612 : vector<16xf32>
        %add3A_614 = arith.addf %mul3A_613, %mul3A_560 : vector<16xf32>
        %swap3A_615 = arith.constant 26 : i32
        %swap3A_616 = arith.index_cast %swap3A_615 : i32 to index
        %swap3A_617 = arith.index_cast %mul3A_418 : i32 to index
        %swap3A_618 = tpu.vector_load %arg8[%swap3A_616, %swap3A_617] {strides = array<i32>} : memref<32x1024xf32, #tpu.memory_space<vmem>>, vector<1x16xf32>,
        %swap3A_619 = vector.shape_cast %swap3A_618 : vector<1x16xf32> to vector<16xf32>
        %swap3A_620 = vector.shape_cast %add3A_614 : vector<16xf32> to vector<1x16xf32>
        tpu.vector_store %arg8[%swap3A_616, %swap3A_617], %swap3A_620 {strides = array<i32>} : memref<32x1024xf32, #tpu.memory_space<vmem>>, vector<1x16xf32>,
        %get3A_621 = arith.constant 3 : i32
        %get3A_622 = arith.index_cast %get3A_621 : i32 to index
        %get3A_623 = arith.index_cast %mul3A_418 : i32 to index
        %get3A_624 = tpu.vector_load %arg11[%get3A_622, %get3A_623] {strides = array<i32>} : memref<8x1024xf32, #tpu.memory_space<vmem>>, vector<1x16xf32>,
        %get3A_625 = vector.shape_cast %get3A_624 : vector<1x16xf32> to vector<16xf32>
        %mul3A_626 = arith.constant 3.200000e+01 : f32
        %mul3A_627 = vector.broadcast %mul3A_626 : f32 to vector<16xf32>
        %mul3A_628 = arith.mulf %get3A_625, %mul3A_627 : vector<16xf32>
        %get3A_629 = arith.constant 3 : i32
        %get3A_630 = arith.index_cast %get3A_629 : i32 to index
        %get3A_631 = arith.index_cast %mul3A_418 : i32 to index
        %get3A_632 = tpu.vector_load %arg8[%get3A_630, %get3A_631] {strides = array<i32>} : memref<32x1024xf32, #tpu.memory_space<vmem>>, vector<1x16xf32>,
        %get3A_633 = vector.shape_cast %get3A_632 : vector<1x16xf32> to vector<16xf32>
        %mul3A_634 = arith.constant 3.200000e+01 : f32
        %mul3A_635 = vector.broadcast %mul3A_634 : f32 to vector<16xf32>
        %mul3A_636 = arith.mulf %get3A_633, %mul3A_635 : vector<16xf32>
        %add3A_637 = arith.addf %mul3A_636, %mul3A_628 : vector<16xf32>
        %swap3A_638 = arith.constant 3 : i32
        %swap3A_639 = arith.index_cast %swap3A_638 : i32 to index
        %swap3A_640 = arith.index_cast %mul3A_418 : i32 to index
        %swap3A_641 = tpu.vector_load %arg8[%swap3A_639, %swap3A_640] {strides = array<i32>} : memref<32x1024xf32, #tpu.memory_space<vmem>>, vector<1x16xf32>,
        %swap3A_642 = vector.shape_cast %swap3A_641 : vector<1x16xf32> to vector<16xf32>
        %swap3A_643 = vector.shape_cast %add3A_637 : vector<16xf32> to vector<1x16xf32>
        tpu.vector_store %arg8[%swap3A_639, %swap3A_640], %swap3A_643 {strides = array<i32>} : memref<32x1024xf32, #tpu.memory_space<vmem>>, vector<1x16xf32>,
        %get3A_644 = arith.constant 11 : i32
        %get3A_645 = arith.index_cast %get3A_644 : i32 to index
        %get3A_646 = arith.index_cast %mul3A_418 : i32 to index
        %get3A_647 = tpu.vector_load %arg8[%get3A_645, %get3A_646] {strides = array<i32>} : memref<32x1024xf32, #tpu.memory_space<vmem>>, vector<1x16xf32>,
        %get3A_648 = vector.shape_cast %get3A_647 : vector<1x16xf32> to vector<16xf32>
        %mul3A_649 = arith.constant 3.200000e+01 : f32
        %mul3A_650 = vector.broadcast %mul3A_649 : f32 to vector<16xf32>
        %mul3A_651 = arith.mulf %get3A_648, %mul3A_650 : vector<16xf32>
        %add3A_652 = arith.addf %mul3A_651, %mul3A_628 : vector<16xf32>
        %swap3A_653 = arith.constant 11 : i32
        %swap3A_654 = arith.index_cast %swap3A_653 : i32 to index
        %swap3A_655 = arith.index_cast %mul3A_418 : i32 to index
        %swap3A_656 = tpu.vector_load %arg8[%swap3A_654, %swap3A_655] {strides = array<i32>} : memref<32x1024xf32, #tpu.memory_space<vmem>>, vector<1x16xf32>,
        %swap3A_657 = vector.shape_cast %swap3A_656 : vector<1x16xf32> to vector<16xf32>
        %swap3A_658 = vector.shape_cast %add3A_652 : vector<16xf32> to vector<1x16xf32>
        tpu.vector_store %arg8[%swap3A_654, %swap3A_655], %swap3A_658 {strides = array<i32>} : memref<32x1024xf32, #tpu.memory_space<vmem>>, vector<1x16xf32>,
        %get3A_659 = arith.constant 19 : i32
        %get3A_660 = arith.index_cast %get3A_659 : i32 to index
        %get3A_661 = arith.index_cast %mul3A_418 : i32 to index
        %get3A_662 = tpu.vector_load %arg8[%get3A_660, %get3A_661] {strides = array<i32>} : memref<32x1024xf32, #tpu.memory_space<vmem>>, vector<1x16xf32>,
        %get3A_663 = vector.shape_cast %get3A_662 : vector<1x16xf32> to vector<16xf32>
        %mul3A_664 = arith.constant 3.200000e+01 : f32
        %mul3A_665 = vector.broadcast %mul3A_664 : f32 to vector<16xf32>
        %mul3A_666 = arith.mulf %get3A_663, %mul3A_665 : vector<16xf32>
        %add3A_667 = arith.addf %mul3A_666, %mul3A_628 : vector<16xf32>
        %swap3A_668 = arith.constant 19 : i32
        %swap3A_669 = arith.index_cast %swap3A_668 : i32 to index
        %swap3A_670 = arith.index_cast %mul3A_418 : i32 to index
        %swap3A_671 = tpu.vector_load %arg8[%swap3A_669, %swap3A_670] {strides = array<i32>} : memref<32x1024xf32, #tpu.memory_space<vmem>>, vector<1x16xf32>,
        %swap3A_672 = vector.shape_cast %swap3A_671 : vector<1x16xf32> to vector<16xf32>
        %swap3A_673 = vector.shape_cast %add3A_667 : vector<16xf32> to vector<1x16xf32>
        tpu.vector_store %arg8[%swap3A_669, %swap3A_670], %swap3A_673 {strides = array<i32>} : memref<32x1024xf32, #tpu.memory_space<vmem>>, vector<1x16xf32>,
        %get3A_674 = arith.constant 27 : i32
        %get3A_675 = arith.index_cast %get3A_674 : i32 to index
        %get3A_676 = arith.index_cast %mul3A_418 : i32 to index
        %get3A_677 = tpu.vector_load %arg8[%get3A_675, %get3A_676] {strides = array<i32>} : memref<32x1024xf32, #tpu.memory_space<vmem>>, vector<1x16xf32>,
        %get3A_678 = vector.shape_cast %get3A_677 : vector<1x16xf32> to vector<16xf32>
        %mul3A_679 = arith.constant 3.200000e+01 : f32
        %mul3A_680 = vector.broadcast %mul3A_679 : f32 to vector<16xf32>
        %mul3A_681 = arith.mulf %get3A_678, %mul3A_680 : vector<16xf32>
        %add3A_682 = arith.addf %mul3A_681, %mul3A_628 : vector<16xf32>
        %swap3A_683 = arith.constant 27 : i32
        %swap3A_684 = arith.index_cast %swap3A_683 : i32 to index
        %swap3A_685 = arith.index_cast %mul3A_418 : i32 to index
        %swap3A_686 = tpu.vector_load %arg8[%swap3A_684, %swap3A_685] {strides = array<i32>} : memref<32x1024xf32, #tpu.memory_space<vmem>>, vector<1x16xf32>,
        %swap3A_687 = vector.shape_cast %swap3A_686 : vector<1x16xf32> to vector<16xf32>
        %swap3A_688 = vector.shape_cast %add3A_682 : vector<16xf32> to vector<1x16xf32>
        tpu.vector_store %arg8[%swap3A_684, %swap3A_685], %swap3A_688 {strides = array<i32>} : memref<32x1024xf32, #tpu.memory_space<vmem>>, vector<1x16xf32>,
        %get3A_689 = arith.constant 4 : i32
        %get3A_690 = arith.index_cast %get3A_689 : i32 to index
        %get3A_691 = arith.index_cast %mul3A_418 : i32 to index
        %get3A_692 = tpu.vector_load %arg11[%get3A_690, %get3A_691] {strides = array<i32>} : memref<8x1024xf32, #tpu.memory_space<vmem>>, vector<1x16xf32>,
        %get3A_693 = vector.shape_cast %get3A_692 : vector<1x16xf32> to vector<16xf32>
        %mul3A_694 = arith.constant 3.200000e+01 : f32
        %mul3A_695 = vector.broadcast %mul3A_694 : f32 to vector<16xf32>
        %mul3A_696 = arith.mulf %get3A_693, %mul3A_695 : vector<16xf32>
        %get3A_697 = arith.constant 4 : i32
        %get3A_698 = arith.index_cast %get3A_697 : i32 to index
        %get3A_699 = arith.index_cast %mul3A_418 : i32 to index
        %get3A_700 = tpu.vector_load %arg8[%get3A_698, %get3A_699] {strides = array<i32>} : memref<32x1024xf32, #tpu.memory_space<vmem>>, vector<1x16xf32>,
        %get3A_701 = vector.shape_cast %get3A_700 : vector<1x16xf32> to vector<16xf32>
        %mul3A_702 = arith.constant 3.200000e+01 : f32
        %mul3A_703 = vector.broadcast %mul3A_702 : f32 to vector<16xf32>
        %mul3A_704 = arith.mulf %get3A_701, %mul3A_703 : vector<16xf32>
        %add3A_705 = arith.addf %mul3A_704, %mul3A_696 : vector<16xf32>
        %swap3A_706 = arith.constant 4 : i32
        %swap3A_707 = arith.index_cast %swap3A_706 : i32 to index
        %swap3A_708 = arith.index_cast %mul3A_418 : i32 to index
        %swap3A_709 = tpu.vector_load %arg8[%swap3A_707, %swap3A_708] {strides = array<i32>} : memref<32x1024xf32, #tpu.memory_space<vmem>>, vector<1x16xf32>,
        %swap3A_710 = vector.shape_cast %swap3A_709 : vector<1x16xf32> to vector<16xf32>
        %swap3A_711 = vector.shape_cast %add3A_705 : vector<16xf32> to vector<1x16xf32>
        tpu.vector_store %arg8[%swap3A_707, %swap3A_708], %swap3A_711 {strides = array<i32>} : memref<32x1024xf32, #tpu.memory_space<vmem>>, vector<1x16xf32>,
        %get3A_712 = arith.constant 12 : i32
        %get3A_713 = arith.index_cast %get3A_712 : i32 to index
        %get3A_714 = arith.index_cast %mul3A_418 : i32 to index
        %get3A_715 = tpu.vector_load %arg8[%get3A_713, %get3A_714] {strides = array<i32>} : memref<32x1024xf32, #tpu.memory_space<vmem>>, vector<1x16xf32>,
        %get3A_716 = vector.shape_cast %get3A_715 : vector<1x16xf32> to vector<16xf32>
        %mul3A_717 = arith.constant 3.200000e+01 : f32
        %mul3A_718 = vector.broadcast %mul3A_717 : f32 to vector<16xf32>
        %mul3A_719 = arith.mulf %get3A_716, %mul3A_718 : vector<16xf32>
        %add3A_720 = arith.addf %mul3A_719, %mul3A_696 : vector<16xf32>
        %swap3A_721 = arith.constant 12 : i32
        %swap3A_722 = arith.index_cast %swap3A_721 : i32 to index
        %swap3A_723 = arith.index_cast %mul3A_418 : i32 to index
        %swap3A_724 = tpu.vector_load %arg8[%swap3A_722, %swap3A_723] {strides = array<i32>} : memref<32x1024xf32, #tpu.memory_space<vmem>>, vector<1x16xf32>,
        %swap3A_725 = vector.shape_cast %swap3A_724 : vector<1x16xf32> to vector<16xf32>
        %swap3A_726 = vector.shape_cast %add3A_720 : vector<16xf32> to vector<1x16xf32>
        tpu.vector_store %arg8[%swap3A_722, %swap3A_723], %swap3A_726 {strides = array<i32>} : memref<32x1024xf32, #tpu.memory_space<vmem>>, vector<1x16xf32>,
        %get3A_727 = arith.constant 20 : i32
        %get3A_728 = arith.index_cast %get3A_727 : i32 to index
        %get3A_729 = arith.index_cast %mul3A_418 : i32 to index
        %get3A_730 = tpu.vector_load %arg8[%get3A_728, %get3A_729] {strides = array<i32>} : memref<32x1024xf32, #tpu.memory_space<vmem>>, vector<1x16xf32>,
        %get3A_731 = vector.shape_cast %get3A_730 : vector<1x16xf32> to vector<16xf32>
        %mul3A_732 = arith.constant 3.200000e+01 : f32
        %mul3A_733 = vector.broadcast %mul3A_732 : f32 to vector<16xf32>
        %mul3A_734 = arith.mulf %get3A_731, %mul3A_733 : vector<16xf32>
        %add3A_735 = arith.addf %mul3A_734, %mul3A_696 : vector<16xf32>
        %swap3A_736 = arith.constant 20 : i32
        %swap3A_737 = arith.index_cast %swap3A_736 : i32 to index
        %swap3A_738 = arith.index_cast %mul3A_418 : i32 to index
        %swap3A_739 = tpu.vector_load %arg8[%swap3A_737, %swap3A_738] {strides = array<i32>} : memref<32x1024xf32, #tpu.memory_space<vmem>>, vector<1x16xf32>,
        %swap3A_740 = vector.shape_cast %swap3A_739 : vector<1x16xf32> to vector<16xf32>
        %swap3A_741 = vector.shape_cast %add3A_735 : vector<16xf32> to vector<1x16xf32>
        tpu.vector_store %arg8[%swap3A_737, %swap3A_738], %swap3A_741 {strides = array<i32>} : memref<32x1024xf32, #tpu.memory_space<vmem>>, vector<1x16xf32>,
        %get3A_742 = arith.constant 28 : i32
        %get3A_743 = arith.index_cast %get3A_742 : i32 to index
        %get3A_744 = arith.index_cast %mul3A_418 : i32 to index
        %get3A_745 = tpu.vector_load %arg8[%get3A_743, %get3A_744] {strides = array<i32>} : memref<32x1024xf32, #tpu.memory_space<vmem>>, vector<1x16xf32>,
        %get3A_746 = vector.shape_cast %get3A_745 : vector<1x16xf32> to vector<16xf32>
        %mul3A_747 = arith.constant 3.200000e+01 : f32
        %mul3A_748 = vector.broadcast %mul3A_747 : f32 to vector<16xf32>
        %mul3A_749 = arith.mulf %get3A_746, %mul3A_748 : vector<16xf32>
        %add3A_750 = arith.addf %mul3A_749, %mul3A_696 : vector<16xf32>
        %swap3A_751 = arith.constant 28 : i32
        %swap3A_752 = arith.index_cast %swap3A_751 : i32 to index
        %swap3A_753 = arith.index_cast %mul3A_418 : i32 to index
        %swap3A_754 = tpu.vector_load %arg8[%swap3A_752, %swap3A_753] {strides = array<i32>} : memref<32x1024xf32, #tpu.memory_space<vmem>>, vector<1x16xf32>,
        %swap3A_755 = vector.shape_cast %swap3A_754 : vector<1x16xf32> to vector<16xf32>
        %swap3A_756 = vector.shape_cast %add3A_750 : vector<16xf32> to vector<1x16xf32>
        tpu.vector_store %arg8[%swap3A_752, %swap3A_753], %swap3A_756 {strides = array<i32>} : memref<32x1024xf32, #tpu.memory_space<vmem>>, vector<1x16xf32>,
        %get3A_757 = arith.constant 5 : i32
        %get3A_758 = arith.index_cast %get3A_757 : i32 to index
        %get3A_759 = arith.index_cast %mul3A_418 : i32 to index
        %get3A_760 = tpu.vector_load %arg11[%get3A_758, %get3A_759] {strides = array<i32>} : memref<8x1024xf32, #tpu.memory_space<vmem>>, vector<1x16xf32>,
        %get3A_761 = vector.shape_cast %get3A_760 : vector<1x16xf32> to vector<16xf32>
        %mul3A_762 = arith.constant 3.200000e+01 : f32
        %mul3A_763 = vector.broadcast %mul3A_762 : f32 to vector<16xf32>
        %mul3A_764 = arith.mulf %get3A_761, %mul3A_763 : vector<16xf32>
        %get3A_765 = arith.constant 5 : i32
        %get3A_766 = arith.index_cast %get3A_765 : i32 to index
        %get3A_767 = arith.index_cast %mul3A_418 : i32 to index
        %get3A_768 = tpu.vector_load %arg8[%get3A_766, %get3A_767] {strides = array<i32>} : memref<32x1024xf32, #tpu.memory_space<vmem>>, vector<1x16xf32>,
        %get3A_769 = vector.shape_cast %get3A_768 : vector<1x16xf32> to vector<16xf32>
        %mul3A_770 = arith.constant 3.200000e+01 : f32
        %mul3A_771 = vector.broadcast %mul3A_770 : f32 to vector<16xf32>
        %mul3A_772 = arith.mulf %get3A_769, %mul3A_771 : vector<16xf32>
        %add3A_773 = arith.addf %mul3A_772, %mul3A_764 : vector<16xf32>
        %swap3A_774 = arith.constant 5 : i32
        %swap3A_775 = arith.index_cast %swap3A_774 : i32 to index
        %swap3A_776 = arith.index_cast %mul3A_418 : i32 to index
        %swap3A_777 = tpu.vector_load %arg8[%swap3A_775, %swap3A_776] {strides = array<i32>} : memref<32x1024xf32, #tpu.memory_space<vmem>>, vector<1x16xf32>,
        %swap3A_778 = vector.shape_cast %swap3A_777 : vector<1x16xf32> to vector<16xf32>
        %swap3A_779 = vector.shape_cast %add3A_773 : vector<16xf32> to vector<1x16xf32>
        tpu.vector_store %arg8[%swap3A_775, %swap3A_776], %swap3A_779 {strides = array<i32>} : memref<32x1024xf32, #tpu.memory_space<vmem>>, vector<1x16xf32>,
        %get3A_780 = arith.constant 13 : i32
        %get3A_781 = arith.index_cast %get3A_780 : i32 to index
        %get3A_782 = arith.index_cast %mul3A_418 : i32 to index
        %get3A_783 = tpu.vector_load %arg8[%get3A_781, %get3A_782] {strides = array<i32>} : memref<32x1024xf32, #tpu.memory_space<vmem>>, vector<1x16xf32>,
        %get3A_784 = vector.shape_cast %get3A_783 : vector<1x16xf32> to vector<16xf32>
        %mul3A_785 = arith.constant 3.200000e+01 : f32
        %mul3A_786 = vector.broadcast %mul3A_785 : f32 to vector<16xf32>
        %mul3A_787 = arith.mulf %get3A_784, %mul3A_786 : vector<16xf32>
        %add3A_788 = arith.addf %mul3A_787, %mul3A_764 : vector<16xf32>
        %swap3A_789 = arith.constant 13 : i32
        %swap3A_790 = arith.index_cast %swap3A_789 : i32 to index
        %swap3A_791 = arith.index_cast %mul3A_418 : i32 to index
        %swap3A_792 = tpu.vector_load %arg8[%swap3A_790, %swap3A_791] {strides = array<i32>} : memref<32x1024xf32, #tpu.memory_space<vmem>>, vector<1x16xf32>,
        %swap3A_793 = vector.shape_cast %swap3A_792 : vector<1x16xf32> to vector<16xf32>
        %swap3A_794 = vector.shape_cast %add3A_788 : vector<16xf32> to vector<1x16xf32>
        tpu.vector_store %arg8[%swap3A_790, %swap3A_791], %swap3A_794 {strides = array<i32>} : memref<32x1024xf32, #tpu.memory_space<vmem>>, vector<1x16xf32>,
        %get3A_795 = arith.constant 21 : i32
        %get3A_796 = arith.index_cast %get3A_795 : i32 to index
        %get3A_797 = arith.index_cast %mul3A_418 : i32 to index
        %get3A_798 = tpu.vector_load %arg8[%get3A_796, %get3A_797] {strides = array<i32>} : memref<32x1024xf32, #tpu.memory_space<vmem>>, vector<1x16xf32>,
        %get3A_799 = vector.shape_cast %get3A_798 : vector<1x16xf32> to vector<16xf32>
        %mul3A_800 = arith.constant 3.200000e+01 : f32
        %mul3A_801 = vector.broadcast %mul3A_800 : f32 to vector<16xf32>
        %mul3A_802 = arith.mulf %get3A_799, %mul3A_801 : vector<16xf32>
        %add3A_803 = arith.addf %mul3A_802, %mul3A_764 : vector<16xf32>
        %swap3A_804 = arith.constant 21 : i32
        %swap3A_805 = arith.index_cast %swap3A_804 : i32 to index
        %swap3A_806 = arith.index_cast %mul3A_418 : i32 to index
        %swap3A_807 = tpu.vector_load %arg8[%swap3A_805, %swap3A_806] {strides = array<i32>} : memref<32x1024xf32, #tpu.memory_space<vmem>>, vector<1x16xf32>,
        %swap3A_808 = vector.shape_cast %swap3A_807 : vector<1x16xf32> to vector<16xf32>
        %swap3A_809 = vector.shape_cast %add3A_803 : vector<16xf32> to vector<1x16xf32>
        tpu.vector_store %arg8[%swap3A_805, %swap3A_806], %swap3A_809 {strides = array<i32>} : memref<32x1024xf32, #tpu.memory_space<vmem>>, vector<1x16xf32>,
        %get3A_810 = arith.constant 29 : i32
        %get3A_811 = arith.index_cast %get3A_810 : i32 to index
        %get3A_812 = arith.index_cast %mul3A_418 : i32 to index
        %get3A_813 = tpu.vector_load %arg8[%get3A_811, %get3A_812] {strides = array<i32>} : memref<32x1024xf32, #tpu.memory_space<vmem>>, vector<1x16xf32>,
        %get3A_814 = vector.shape_cast %get3A_813 : vector<1x16xf32> to vector<16xf32>
        %mul3A_815 = arith.constant 3.200000e+01 : f32
        %mul3A_816 = vector.broadcast %mul3A_815 : f32 to vector<16xf32>
        %mul3A_817 = arith.mulf %get3A_814, %mul3A_816 : vector<16xf32>
        %add3A_818 = arith.addf %mul3A_817, %mul3A_764 : vector<16xf32>
        %swap3A_819 = arith.constant 29 : i32
        %swap3A_820 = arith.index_cast %swap3A_819 : i32 to index
        %swap3A_821 = arith.index_cast %mul3A_418 : i32 to index
        %swap3A_822 = tpu.vector_load %arg8[%swap3A_820, %swap3A_821] {strides = array<i32>} : memref<32x1024xf32, #tpu.memory_space<vmem>>, vector<1x16xf32>,
        %swap3A_823 = vector.shape_cast %swap3A_822 : vector<1x16xf32> to vector<16xf32>
        %swap3A_824 = vector.shape_cast %add3A_818 : vector<16xf32> to vector<1x16xf32>
        tpu.vector_store %arg8[%swap3A_820, %swap3A_821], %swap3A_824 {strides = array<i32>} : memref<32x1024xf32, #tpu.memory_space<vmem>>, vector<1x16xf32>,
        %get3A_825 = arith.constant 6 : i32
        %get3A_826 = arith.index_cast %get3A_825 : i32 to index
        %get3A_827 = arith.index_cast %mul3A_418 : i32 to index
        %get3A_828 = tpu.vector_load %arg11[%get3A_826, %get3A_827] {strides = array<i32>} : memref<8x1024xf32, #tpu.memory_space<vmem>>, vector<1x16xf32>,
        %get3A_829 = vector.shape_cast %get3A_828 : vector<1x16xf32> to vector<16xf32>
        %mul3A_830 = arith.constant 3.200000e+01 : f32
        %mul3A_831 = vector.broadcast %mul3A_830 : f32 to vector<16xf32>
        %mul3A_832 = arith.mulf %get3A_829, %mul3A_831 : vector<16xf32>
        %get3A_833 = arith.constant 6 : i32
        %get3A_834 = arith.index_cast %get3A_833 : i32 to index
        %get3A_835 = arith.index_cast %mul3A_418 : i32 to index
        %get3A_836 = tpu.vector_load %arg8[%get3A_834, %get3A_835] {strides = array<i32>} : memref<32x1024xf32, #tpu.memory_space<vmem>>, vector<1x16xf32>,
        %get3A_837 = vector.shape_cast %get3A_836 : vector<1x16xf32> to vector<16xf32>
        %mul3A_838 = arith.constant 3.200000e+01 : f32
        %mul3A_839 = vector.broadcast %mul3A_838 : f32 to vector<16xf32>
        %mul3A_840 = arith.mulf %get3A_837, %mul3A_839 : vector<16xf32>
        %add3A_841 = arith.addf %mul3A_840, %mul3A_832 : vector<16xf32>
        %swap3A_842 = arith.constant 6 : i32
        %swap3A_843 = arith.index_cast %swap3A_842 : i32 to index
        %swap3A_844 = arith.index_cast %mul3A_418 : i32 to index
        %swap3A_845 = tpu.vector_load %arg8[%swap3A_843, %swap3A_844] {strides = array<i32>} : memref<32x1024xf32, #tpu.memory_space<vmem>>, vector<1x16xf32>,
        %swap3A_846 = vector.shape_cast %swap3A_845 : vector<1x16xf32> to vector<16xf32>
        %swap3A_847 = vector.shape_cast %add3A_841 : vector<16xf32> to vector<1x16xf32>
        tpu.vector_store %arg8[%swap3A_843, %swap3A_844], %swap3A_847 {strides = array<i32>} : memref<32x1024xf32, #tpu.memory_space<vmem>>, vector<1x16xf32>,
        %get3A_848 = arith.constant 14 : i32
        %get3A_849 = arith.index_cast %get3A_848 : i32 to index
        %get3A_850 = arith.index_cast %mul3A_418 : i32 to index
        %get3A_851 = tpu.vector_load %arg8[%get3A_849, %get3A_850] {strides = array<i32>} : memref<32x1024xf32, #tpu.memory_space<vmem>>, vector<1x16xf32>,
        %get3A_852 = vector.shape_cast %get3A_851 : vector<1x16xf32> to vector<16xf32>
        %mul3A_853 = arith.constant 3.200000e+01 : f32
        %mul3A_854 = vector.broadcast %mul3A_853 : f32 to vector<16xf32>
        %mul3A_855 = arith.mulf %get3A_852, %mul3A_854 : vector<16xf32>
        %add3A_856 = arith.addf %mul3A_855, %mul3A_832 : vector<16xf32>
        %swap3A_857 = arith.constant 14 : i32
        %swap3A_858 = arith.index_cast %swap3A_857 : i32 to index
        %swap3A_859 = arith.index_cast %mul3A_418 : i32 to index
        %swap3A_860 = tpu.vector_load %arg8[%swap3A_858, %swap3A_859] {strides = array<i32>} : memref<32x1024xf32, #tpu.memory_space<vmem>>, vector<1x16xf32>,
        %swap3A_861 = vector.shape_cast %swap3A_860 : vector<1x16xf32> to vector<16xf32>
        %swap3A_862 = vector.shape_cast %add3A_856 : vector<16xf32> to vector<1x16xf32>
        tpu.vector_store %arg8[%swap3A_858, %swap3A_859], %swap3A_862 {strides = array<i32>} : memref<32x1024xf32, #tpu.memory_space<vmem>>, vector<1x16xf32>,
        %get3A_863 = arith.constant 22 : i32
        %get3A_864 = arith.index_cast %get3A_863 : i32 to index
        %get3A_865 = arith.index_cast %mul3A_418 : i32 to index
        %get3A_866 = tpu.vector_load %arg8[%get3A_864, %get3A_865] {strides = array<i32>} : memref<32x1024xf32, #tpu.memory_space<vmem>>, vector<1x16xf32>,
        %get3A_867 = vector.shape_cast %get3A_866 : vector<1x16xf32> to vector<16xf32>
        %mul3A_868 = arith.constant 3.200000e+01 : f32
        %mul3A_869 = vector.broadcast %mul3A_868 : f32 to vector<16xf32>
        %mul3A_870 = arith.mulf %get3A_867, %mul3A_869 : vector<16xf32>
        %add3A_871 = arith.addf %mul3A_870, %mul3A_832 : vector<16xf32>
        %swap3A_872 = arith.constant 22 : i32
        %swap3A_873 = arith.index_cast %swap3A_872 : i32 to index
        %swap3A_874 = arith.index_cast %mul3A_418 : i32 to index
        %swap3A_875 = tpu.vector_load %arg8[%swap3A_873, %swap3A_874] {strides = array<i32>} : memref<32x1024xf32, #tpu.memory_space<vmem>>, vector<1x16xf32>,
        %swap3A_876 = vector.shape_cast %swap3A_875 : vector<1x16xf32> to vector<16xf32>
        %swap3A_877 = vector.shape_cast %add3A_871 : vector<16xf32> to vector<1x16xf32>
        tpu.vector_store %arg8[%swap3A_873, %swap3A_874], %swap3A_877 {strides = array<i32>} : memref<32x1024xf32, #tpu.memory_space<vmem>>, vector<1x16xf32>,
        %get3A_878 = arith.constant 30 : i32
        %get3A_879 = arith.index_cast %get3A_878 : i32 to index
        %get3A_880 = arith.index_cast %mul3A_418 : i32 to index
        %get3A_881 = tpu.vector_load %arg8[%get3A_879, %get3A_880] {strides = array<i32>} : memref<32x1024xf32, #tpu.memory_space<vmem>>, vector<1x16xf32>,
        %get3A_882 = vector.shape_cast %get3A_881 : vector<1x16xf32> to vector<16xf32>
        %mul3A_883 = arith.constant 3.200000e+01 : f32
        %mul3A_884 = vector.broadcast %mul3A_883 : f32 to vector<16xf32>
        %mul3A_885 = arith.mulf %get3A_882, %mul3A_884 : vector<16xf32>
        %add3A_886 = arith.addf %mul3A_885, %mul3A_832 : vector<16xf32>
        %swap3A_887 = arith.constant 30 : i32
        %swap3A_888 = arith.index_cast %swap3A_887 : i32 to index
        %swap3A_889 = arith.index_cast %mul3A_418 : i32 to index
        %swap3A_890 = tpu.vector_load %arg8[%swap3A_888, %swap3A_889] {strides = array<i32>} : memref<32x1024xf32, #tpu.memory_space<vmem>>, vector<1x16xf32>,
        %swap3A_891 = vector.shape_cast %swap3A_890 : vector<1x16xf32> to vector<16xf32>
        %swap3A_892 = vector.shape_cast %add3A_886 : vector<16xf32> to vector<1x16xf32>
        tpu.vector_store %arg8[%swap3A_888, %swap3A_889], %swap3A_892 {strides = array<i32>} : memref<32x1024xf32, #tpu.memory_space<vmem>>, vector<1x16xf32>,
        %get3A_893 = arith.constant 7 : i32
        %get3A_894 = arith.index_cast %get3A_893 : i32 to index
        %get3A_895 = arith.index_cast %mul3A_418 : i32 to index
        %get3A_896 = tpu.vector_load %arg11[%get3A_894, %get3A_895] {strides = array<i32>} : memref<8x1024xf32, #tpu.memory_space<vmem>>, vector<1x16xf32>,
        %get3A_897 = vector.shape_cast %get3A_896 : vector<1x16xf32> to vector<16xf32>
        %mul3A_898 = arith.constant 3.200000e+01 : f32
        %mul3A_899 = vector.broadcast %mul3A_898 : f32 to vector<16xf32>
        %mul3A_900 = arith.mulf %get3A_897, %mul3A_899 : vector<16xf32>
        %get3A_901 = arith.constant 7 : i32
        %get3A_902 = arith.index_cast %get3A_901 : i32 to index
        %get3A_903 = arith.index_cast %mul3A_418 : i32 to index
        %get3A_904 = tpu.vector_load %arg8[%get3A_902, %get3A_903] {strides = array<i32>} : memref<32x1024xf32, #tpu.memory_space<vmem>>, vector<1x16xf32>,
        %get3A_905 = vector.shape_cast %get3A_904 : vector<1x16xf32> to vector<16xf32>
        %mul3A_906 = arith.constant 3.200000e+01 : f32
        %mul3A_907 = vector.broadcast %mul3A_906 : f32 to vector<16xf32>
        %mul3A_908 = arith.mulf %get3A_905, %mul3A_907 : vector<16xf32>
        %add3A_909 = arith.addf %mul3A_908, %mul3A_900 : vector<16xf32>
        %swap3A_910 = arith.constant 7 : i32
        %swap3A_911 = arith.index_cast %swap3A_910 : i32 to index
        %swap3A_912 = arith.index_cast %mul3A_418 : i32 to index
        %swap3A_913 = tpu.vector_load %arg8[%swap3A_911, %swap3A_912] {strides = array<i32>} : memref<32x1024xf32, #tpu.memory_space<vmem>>, vector<1x16xf32>,
        %swap3A_914 = vector.shape_cast %swap3A_913 : vector<1x16xf32> to vector<16xf32>
        %swap3A_915 = vector.shape_cast %add3A_909 : vector<16xf32> to vector<1x16xf32>
        tpu.vector_store %arg8[%swap3A_911, %swap3A_912], %swap3A_915 {strides = array<i32>} : memref<32x1024xf32, #tpu.memory_space<vmem>>, vector<1x16xf32>,
        %get3A_916 = arith.constant 15 : i32
        %get3A_917 = arith.index_cast %get3A_916 : i32 to index
        %get3A_918 = arith.index_cast %mul3A_418 : i32 to index
        %get3A_919 = tpu.vector_load %arg8[%get3A_917, %get3A_918] {strides = array<i32>} : memref<32x1024xf32, #tpu.memory_space<vmem>>, vector<1x16xf32>,
        %get3A_920 = vector.shape_cast %get3A_919 : vector<1x16xf32> to vector<16xf32>
        %mul3A_921 = arith.constant 3.200000e+01 : f32
        %mul3A_922 = vector.broadcast %mul3A_921 : f32 to vector<16xf32>
        %mul3A_923 = arith.mulf %get3A_920, %mul3A_922 : vector<16xf32>
        %add3A_924 = arith.addf %mul3A_923, %mul3A_900 : vector<16xf32>
        %swap3A_925 = arith.constant 15 : i32
        %swap3A_926 = arith.index_cast %swap3A_925 : i32 to index
        %swap3A_927 = arith.index_cast %mul3A_418 : i32 to index
        %swap3A_928 = tpu.vector_load %arg8[%swap3A_926, %swap3A_927] {strides = array<i32>} : memref<32x1024xf32, #tpu.memory_space<vmem>>, vector<1x16xf32>,
        %swap3A_929 = vector.shape_cast %swap3A_928 : vector<1x16xf32> to vector<16xf32>
        %swap3A_930 = vector.shape_cast %add3A_924 : vector<16xf32> to vector<1x16xf32>
        tpu.vector_store %arg8[%swap3A_926, %swap3A_927], %swap3A_930 {strides = array<i32>} : memref<32x1024xf32, #tpu.memory_space<vmem>>, vector<1x16xf32>,
        %get3A_931 = arith.constant 23 : i32
        %get3A_932 = arith.index_cast %get3A_931 : i32 to index
        %get3A_933 = arith.index_cast %mul3A_418 : i32 to index
        %get3A_934 = tpu.vector_load %arg8[%get3A_932, %get3A_933] {strides = array<i32>} : memref<32x1024xf32, #tpu.memory_space<vmem>>, vector<1x16xf32>,
        %get3A_935 = vector.shape_cast %get3A_934 : vector<1x16xf32> to vector<16xf32>
        %mul3A_936 = arith.constant 3.200000e+01 : f32
        %mul3A_937 = vector.broadcast %mul3A_936 : f32 to vector<16xf32>
        %mul3A_938 = arith.mulf %get3A_935, %mul3A_937 : vector<16xf32>
        %add3A_939 = arith.addf %mul3A_938, %mul3A_900 : vector<16xf32>
        %swap3A_940 = arith.constant 23 : i32
        %swap3A_941 = arith.index_cast %swap3A_940 : i32 to index
        %swap3A_942 = arith.index_cast %mul3A_418 : i32 to index
        %swap3A_943 = tpu.vector_load %arg8[%swap3A_941, %swap3A_942] {strides = array<i32>} : memref<32x1024xf32, #tpu.memory_space<vmem>>, vector<1x16xf32>,
        %swap3A_944 = vector.shape_cast %swap3A_943 : vector<1x16xf32> to vector<16xf32>
        %swap3A_945 = vector.shape_cast %add3A_939 : vector<16xf32> to vector<1x16xf32>
        tpu.vector_store %arg8[%swap3A_941, %swap3A_942], %swap3A_945 {strides = array<i32>} : memref<32x1024xf32, #tpu.memory_space<vmem>>, vector<1x16xf32>,
        %get3A_946 = arith.constant 31 : i32
        %get3A_947 = arith.index_cast %get3A_946 : i32 to index
        %get3A_948 = arith.index_cast %mul3A_418 : i32 to index
        %get3A_949 = tpu.vector_load %arg8[%get3A_947, %get3A_948] {strides = array<i32>} : memref<32x1024xf32, #tpu.memory_space<vmem>>, vector<1x16xf32>,
        %get3A_950 = vector.shape_cast %get3A_949 : vector<1x16xf32> to vector<16xf32>
        %mul3A_951 = arith.constant 3.200000e+01 : f32
        %mul3A_952 = vector.broadcast %mul3A_951 : f32 to vector<16xf32>
        %mul3A_953 = arith.mulf %get3A_950, %mul3A_952 : vector<16xf32>
        %add3A_954 = arith.addf %mul3A_953, %mul3A_900 : vector<16xf32>
        %swap3A_955 = arith.constant 31 : i32
        %swap3A_956 = arith.index_cast %swap3A_955 : i32 to index
        %swap3A_957 = arith.index_cast %mul3A_418 : i32 to index
        %swap3A_958 = tpu.vector_load %arg8[%swap3A_956, %swap3A_957] {strides = array<i32>} : memref<32x1024xf32, #tpu.memory_space<vmem>>, vector<1x16xf32>,
        %swap3A_959 = vector.shape_cast %swap3A_958 : vector<1x16xf32> to vector<16xf32>
        %swap3A_960 = vector.shape_cast %add3A_954 : vector<16xf32> to vector<1x16xf32>
        tpu.vector_store %arg8[%swap3A_956, %swap3A_957], %swap3A_960 {strides = array<i32>} : memref<32x1024xf32, #tpu.memory_space<vmem>>, vector<1x16xf32>,
        %scan3A_961 = arith.constant 0 : i32
        scf.yield %scan3A_961 : i32
      }
      %scan3A_238 = arith.constant 64 : i32
      %ge3A_239 = arith.constant 1 : i32
      %ge3A_240 = arith.cmpi sge, %add3A_219, %ge3A_239 : i32
      %add3A_241 = arith.constant 2 : i32
      %add3A_242 = arith.addi %add3A_219, %add3A_241 : i32
      %lt3A_243 = arith.constant 16 : i32
      %lt3A_244 = arith.cmpi slt, %add3A_242, %lt3A_243 : i32
      %and3A_245 = arith.andi %ge3A_240, %lt3A_244 : i1
      %convert_element_type3A_246 = arith.extui %and3A_245 : i1 to i32
      %cond3A_247 = arith.constant 0 : i32
      %cond3A_248 = arith.cmpi ne, %convert_element_type3A_246, %cond3A_247 : i32
      scf.if %cond3A_248 {
        %dma_wait3A_415 = arith.constant 0 : i32
        %dma_wait3A_416 = arith.constant 0 : i32
        %dma_wait3A_417 = tpu.memref_slice %arg5[%dma_wait3A_415, %dma_wait3A_416] : memref<16384x1024xf32, #tpu.memory_space<hbm>> -> memref<32x1024xf32, #tpu.memory_space<hbm>>
        %dma_wait3A_418 = arith.constant 0 : i32
        %dma_wait3A_419 = arith.constant 0 : i32
        %dma_wait3A_420 = tpu.memref_slice %arg5[%dma_wait3A_418, %dma_wait3A_419] : memref<16384x1024xf32, #tpu.memory_space<hbm>> -> memref<32x1024xf32, #tpu.memory_space<hbm>>
        tpu.wait_dma2 semaphore(%arg19 : memref<!tpu.dma_semaphore, #tpu.memory_space<semaphore_mem>>) src(%arg7 : memref<32x1024xf32, #tpu.memory_space<vmem>>) dst(%dma_wait3A_420 : memref<32x1024xf32, #tpu.memory_space<hbm>>)
      } else {
      }
      %add3A_249 = arith.constant 2 : i32
      %add3A_250 = arith.addi %add3A_219, %add3A_249 : i32
      %lt3A_251 = arith.constant 16 : i32
      %lt3A_252 = arith.cmpi slt, %add3A_250, %lt3A_251 : i32
      %convert_element_type3A_253 = arith.extui %lt3A_252 : i1 to i32
      %cond3A_254 = arith.constant 0 : i32
      %cond3A_255 = arith.cmpi ne, %convert_element_type3A_253, %cond3A_254 : i32
      scf.if %cond3A_255 {
        %add3A_415 = arith.constant 2 : i32
        %add3A_416 = arith.addi %add3A_219, %add3A_415 : i32
        %mul3A_417 = arith.constant 32 : i32
        %mul3A_418 = arith.muli %add3A_416, %mul3A_417 : i32
        %dma_start3A_419 = tpu.memref_slice %arg6[%mul3A_418] : memref<512xi32, #tpu.memory_space<vmem>> -> memref<32xi32, #tpu.memory_space<vmem>>
        %dma_start3A_420 = arith.constant 0 : i32
        %dma_start3A_421 = arith.constant 0 : i32
        %dma_start3A_422 = tpu.memref_slice %arg3[%dma_start3A_420, %dma_start3A_421] : memref<100000x1024xf32, #tpu.memory_space<hbm>> -> memref<100000x1024xf32, #tpu.memory_space<hbm>>
        tpu.enqueue_indirect_dma source(%dma_start3A_422 : memref<100000x1024xf32, #tpu.memory_space<hbm>>) target(%arg7 : memref<32x1024xf32, #tpu.memory_space<vmem>>) offsets(%dma_start3A_419 : memref<32xi32, #tpu.memory_space<vmem>>) semaphore(%arg13 : memref<!tpu.dma_semaphore, #tpu.memory_space<semaphore_mem>>)
        %mul3A_423 = arith.constant 8 : i32
        %mul3A_424 = arith.muli %add3A_416, %mul3A_423 : i32
        %add3A_425 = arith.addi %mul3A_2, %mul3A_424 : i32
        %dma_start3A_426 = arith.constant 0 : i32
        %dma_start3A_427 = tpu.memref_slice %arg4[%add3A_425, %dma_start3A_426] : memref<4096x1024xf32, #tpu.memory_space<hbm>> -> memref<8x1024xf32, #tpu.memory_space<hbm>>
        %dma_start3A_428 = arith.constant 0 : i32
        %dma_start3A_429 = tpu.memref_slice %arg4[%add3A_425, %dma_start3A_428] : memref<4096x1024xf32, #tpu.memory_space<hbm>> -> memref<8x1024xf32, #tpu.memory_space<hbm>>
        tpu.enqueue_dma source(%dma_start3A_429 : memref<8x1024xf32, #tpu.memory_space<hbm>>) target(%arg10 : memref<8x1024xf32, #tpu.memory_space<vmem>>) target_semaphore(%arg16 : memref<!tpu.dma_semaphore, #tpu.memory_space<semaphore_mem>>)
      } else {
      }
      %add3A_256 = arith.constant 0 : i32
      %add3A_257 = arith.addi %add3A_256, %mul3A_2 : i32
      %mul3A_258 = arith.constant 8 : i32
      %mul3A_259 = arith.muli %add3A_219, %mul3A_258 : i32
      %add3A_260 = arith.addi %add3A_257, %mul3A_259 : i32
      %dma_start3A_261 = arith.constant 0 : i32
      %dma_start3A_262 = arith.constant 0 : i32
      %dma_start3A_263 = tpu.memref_slice %arg8[%dma_start3A_261, %dma_start3A_262] : memref<32x1024xf32, #tpu.memory_space<vmem>> -> memref<8x1024xf32, #tpu.memory_space<vmem>>
      %dma_start3A_264 = arith.constant 0 : i32
      %dma_start3A_265 = tpu.memref_slice %arg5[%add3A_260, %dma_start3A_264] : memref<16384x1024xf32, #tpu.memory_space<hbm>> -> memref<8x1024xf32, #tpu.memory_space<hbm>>
      %dma_start3A_266 = arith.constant 0 : i32
      %dma_start3A_267 = tpu.memref_slice %arg5[%add3A_260, %dma_start3A_266] : memref<16384x1024xf32, #tpu.memory_space<hbm>> -> memref<8x1024xf32, #tpu.memory_space<hbm>>
      %dma_start3A_268 = arith.constant 0 : i32
      %dma_start3A_269 = arith.constant 0 : i32
      %dma_start3A_270 = tpu.memref_slice %arg8[%dma_start3A_268, %dma_start3A_269] : memref<32x1024xf32, #tpu.memory_space<vmem>> -> memref<8x1024xf32, #tpu.memory_space<vmem>>
      tpu.enqueue_dma source(%dma_start3A_270 : memref<8x1024xf32, #tpu.memory_space<vmem>>) target(%dma_start3A_267 : memref<8x1024xf32, #tpu.memory_space<hbm>>) target_semaphore(%arg20 : memref<!tpu.dma_semaphore, #tpu.memory_space<semaphore_mem>>)
      %add3A_271 = arith.constant 4096 : i32
      %add3A_272 = arith.addi %add3A_271, %mul3A_2 : i32
      %mul3A_273 = arith.constant 8 : i32
      %mul3A_274 = arith.muli %add3A_219, %mul3A_273 : i32
      %add3A_275 = arith.addi %add3A_272, %mul3A_274 : i32
      %dma_start3A_276 = arith.constant 8 : i32
      %dma_start3A_277 = arith.constant 0 : i32
      %dma_start3A_278 = tpu.memref_slice %arg8[%dma_start3A_276, %dma_start3A_277] : memref<32x1024xf32, #tpu.memory_space<vmem>> -> memref<8x1024xf32, #tpu.memory_space<vmem>>
      %dma_start3A_279 = arith.constant 0 : i32
      %dma_start3A_280 = tpu.memref_slice %arg5[%add3A_275, %dma_start3A_279] : memref<16384x1024xf32, #tpu.memory_space<hbm>> -> memref<8x1024xf32, #tpu.memory_space<hbm>>
      %dma_start3A_281 = arith.constant 0 : i32
      %dma_start3A_282 = tpu.memref_slice %arg5[%add3A_275, %dma_start3A_281] : memref<16384x1024xf32, #tpu.memory_space<hbm>> -> memref<8x1024xf32, #tpu.memory_space<hbm>>
      %dma_start3A_283 = arith.constant 8 : i32
      %dma_start3A_284 = arith.constant 0 : i32
      %dma_start3A_285 = tpu.memref_slice %arg8[%dma_start3A_283, %dma_start3A_284] : memref<32x1024xf32, #tpu.memory_space<vmem>> -> memref<8x1024xf32, #tpu.memory_space<vmem>>
      tpu.enqueue_dma source(%dma_start3A_285 : memref<8x1024xf32, #tpu.memory_space<vmem>>) target(%dma_start3A_282 : memref<8x1024xf32, #tpu.memory_space<hbm>>) target_semaphore(%arg20 : memref<!tpu.dma_semaphore, #tpu.memory_space<semaphore_mem>>)
      %add3A_286 = arith.constant 8192 : i32
      %add3A_287 = arith.addi %add3A_286, %mul3A_2 : i32
      %mul3A_288 = arith.constant 8 : i32
      %mul3A_289 = arith.muli %add3A_219, %mul3A_288 : i32
      %add3A_290 = arith.addi %add3A_287, %mul3A_289 : i32
      %dma_start3A_291 = arith.constant 16 : i32
      %dma_start3A_292 = arith.constant 0 : i32
      %dma_start3A_293 = tpu.memref_slice %arg8[%dma_start3A_291, %dma_start3A_292] : memref<32x1024xf32, #tpu.memory_space<vmem>> -> memref<8x1024xf32, #tpu.memory_space<vmem>>
      %dma_start3A_294 = arith.constant 0 : i32
      %dma_start3A_295 = tpu.memref_slice %arg5[%add3A_290, %dma_start3A_294] : memref<16384x1024xf32, #tpu.memory_space<hbm>> -> memref<8x1024xf32, #tpu.memory_space<hbm>>
      %dma_start3A_296 = arith.constant 0 : i32
      %dma_start3A_297 = tpu.memref_slice %arg5[%add3A_290, %dma_start3A_296] : memref<16384x1024xf32, #tpu.memory_space<hbm>> -> memref<8x1024xf32, #tpu.memory_space<hbm>>
      %dma_start3A_298 = arith.constant 16 : i32
      %dma_start3A_299 = arith.constant 0 : i32
      %dma_start3A_300 = tpu.memref_slice %arg8[%dma_start3A_298, %dma_start3A_299] : memref<32x1024xf32, #tpu.memory_space<vmem>> -> memref<8x1024xf32, #tpu.memory_space<vmem>>
      tpu.enqueue_dma source(%dma_start3A_300 : memref<8x1024xf32, #tpu.memory_space<vmem>>) target(%dma_start3A_297 : memref<8x1024xf32, #tpu.memory_space<hbm>>) target_semaphore(%arg20 : memref<!tpu.dma_semaphore, #tpu.memory_space<semaphore_mem>>)
      %add3A_301 = arith.constant 12288 : i32
      %add3A_302 = arith.addi %add3A_301, %mul3A_2 : i32
      %mul3A_303 = arith.constant 8 : i32
      %mul3A_304 = arith.muli %add3A_219, %mul3A_303 : i32
      %add3A_305 = arith.addi %add3A_302, %mul3A_304 : i32
      %dma_start3A_306 = arith.constant 24 : i32
      %dma_start3A_307 = arith.constant 0 : i32
      %dma_start3A_308 = tpu.memref_slice %arg8[%dma_start3A_306, %dma_start3A_307] : memref<32x1024xf32, #tpu.memory_space<vmem>> -> memref<8x1024xf32, #tpu.memory_space<vmem>>
      %dma_start3A_309 = arith.constant 0 : i32
      %dma_start3A_310 = tpu.memref_slice %arg5[%add3A_305, %dma_start3A_309] : memref<16384x1024xf32, #tpu.memory_space<hbm>> -> memref<8x1024xf32, #tpu.memory_space<hbm>>
      %dma_start3A_311 = arith.constant 0 : i32
      %dma_start3A_312 = tpu.memref_slice %arg5[%add3A_305, %dma_start3A_311] : memref<16384x1024xf32, #tpu.memory_space<hbm>> -> memref<8x1024xf32, #tpu.memory_space<hbm>>
      %dma_start3A_313 = arith.constant 24 : i32
      %dma_start3A_314 = arith.constant 0 : i32
      %dma_start3A_315 = tpu.memref_slice %arg8[%dma_start3A_313, %dma_start3A_314] : memref<32x1024xf32, #tpu.memory_space<vmem>> -> memref<8x1024xf32, #tpu.memory_space<vmem>>
      tpu.enqueue_dma source(%dma_start3A_315 : memref<8x1024xf32, #tpu.memory_space<vmem>>) target(%dma_start3A_312 : memref<8x1024xf32, #tpu.memory_space<hbm>>) target_semaphore(%arg20 : memref<!tpu.dma_semaphore, #tpu.memory_space<semaphore_mem>>)
      %add3A_316 = arith.constant 2 : i32
      %add3A_317 = arith.addi %mul3A_124, %add3A_316 : i32
      %mul3A_318 = arith.constant 32 : i32
      %mul3A_319 = arith.muli %add3A_317, %mul3A_318 : i32
      %dma_wait3A_320 = tpu.memref_slice %arg6[%mul3A_319] : memref<512xi32, #tpu.memory_space<vmem>> -> memref<32xi32, #tpu.memory_space<vmem>>
      %dma_wait3A_321 = arith.constant 0 : i32
      %dma_wait3A_322 = arith.constant 0 : i32
      %dma_wait3A_323 = tpu.memref_slice %arg3[%dma_wait3A_321, %dma_wait3A_322] : memref<100000x1024xf32, #tpu.memory_space<hbm>> -> memref<100000x1024xf32, #tpu.memory_space<hbm>>
      tpu.wait_indirect_dma semaphore(%arg15 : memref<!tpu.dma_semaphore, #tpu.memory_space<semaphore_mem>>) src(%dma_wait3A_323 : memref<100000x1024xf32, #tpu.memory_space<hbm>>) dst(%arg9 : memref<32x1024xf32, #tpu.memory_space<vmem>>)
      %dma_wait3A_324 = arith.constant 0 : i32
      %dma_wait3A_325 = arith.constant 0 : i32
      %dma_wait3A_326 = tpu.memref_slice %arg4[%dma_wait3A_324, %dma_wait3A_325] : memref<4096x1024xf32, #tpu.memory_space<hbm>> -> memref<8x1024xf32, #tpu.memory_space<hbm>>
      %dma_wait3A_327 = arith.constant 0 : i32
      %dma_wait3A_328 = arith.constant 0 : i32
      %dma_wait3A_329 = tpu.memref_slice %arg4[%dma_wait3A_327, %dma_wait3A_328] : memref<4096x1024xf32, #tpu.memory_space<hbm>> -> memref<8x1024xf32, #tpu.memory_space<hbm>>
      tpu.wait_dma2 semaphore(%arg18 : memref<!tpu.dma_semaphore, #tpu.memory_space<semaphore_mem>>) src(%dma_wait3A_329 : memref<8x1024xf32, #tpu.memory_space<hbm>>) dst(%arg12 : memref<8x1024xf32, #tpu.memory_space<vmem>>)
      %scan3A_330 = arith.constant 0 : i32
      %scan3A_331 = arith.constant 0 : i32
      %scan3A_332 = arith.constant 64 : i32
      %scan3A_333 = arith.addi %scan3A_331, %scan3A_332 : i32
      %scan3A_334 = arith.constant 1 : i32
      %scan3A_335 = scf.for %scan3A_415 = %scan3A_331 to %scan3A_333 step %scan3A_334 iter_args(%scan3A_416 = %scan3A_330) -> (i32)  : i32 {
        %mul3A_417 = arith.constant 16 : i32
        %mul3A_418 = arith.muli %scan3A_415, %mul3A_417 : i32
        %get3A = arith.constant 0 : i32
        %get3A_419 = arith.index_cast %get3A : i32 to index
        %get3A_420 = arith.index_cast %mul3A_418 : i32 to index
        %get3A_421 = tpu.vector_load %arg12[%get3A_419, %get3A_420] {strides = array<i32>} : memref<8x1024xf32, #tpu.memory_space<vmem>>, vector<1x16xf32>,
        %get3A_422 = vector.shape_cast %get3A_421 : vector<1x16xf32> to vector<16xf32>
        %mul3A_423 = arith.constant 3.200000e+01 : f32
        %mul3A_424 = vector.broadcast %mul3A_423 : f32 to vector<16xf32>
        %mul3A_425 = arith.mulf %get3A_422, %mul3A_424 : vector<16xf32>
        %get3A_426 = arith.constant 0 : i32
        %get3A_427 = arith.index_cast %get3A_426 : i32 to index
        %get3A_428 = arith.index_cast %mul3A_418 : i32 to index
        %get3A_429 = tpu.vector_load %arg9[%get3A_427, %get3A_428] {strides = array<i32>} : memref<32x1024xf32, #tpu.memory_space<vmem>>, vector<1x16xf32>,
        %get3A_430 = vector.shape_cast %get3A_429 : vector<1x16xf32> to vector<16xf32>
        %mul3A_431 = arith.constant 3.200000e+01 : f32
        %mul3A_432 = vector.broadcast %mul3A_431 : f32 to vector<16xf32>
        %mul3A_433 = arith.mulf %get3A_430, %mul3A_432 : vector<16xf32>
        %add3A_434 = arith.addf %mul3A_433, %mul3A_425 : vector<16xf32>
        %swap3A = arith.constant 0 : i32
        %swap3A_435 = arith.index_cast %swap3A : i32 to index
        %swap3A_436 = arith.index_cast %mul3A_418 : i32 to index
        %swap3A_437 = tpu.vector_load %arg9[%swap3A_435, %swap3A_436] {strides = array<i32>} : memref<32x1024xf32, #tpu.memory_space<vmem>>, vector<1x16xf32>,
        %swap3A_438 = vector.shape_cast %swap3A_437 : vector<1x16xf32> to vector<16xf32>
        %swap3A_439 = vector.shape_cast %add3A_434 : vector<16xf32> to vector<1x16xf32>
        tpu.vector_store %arg9[%swap3A_435, %swap3A_436], %swap3A_439 {strides = array<i32>} : memref<32x1024xf32, #tpu.memory_space<vmem>>, vector<1x16xf32>,
        %get3A_440 = arith.constant 8 : i32
        %get3A_441 = arith.index_cast %get3A_440 : i32 to index
        %get3A_442 = arith.index_cast %mul3A_418 : i32 to index
        %get3A_443 = tpu.vector_load %arg9[%get3A_441, %get3A_442] {strides = array<i32>} : memref<32x1024xf32, #tpu.memory_space<vmem>>, vector<1x16xf32>,
        %get3A_444 = vector.shape_cast %get3A_443 : vector<1x16xf32> to vector<16xf32>
        %mul3A_445 = arith.constant 3.200000e+01 : f32
        %mul3A_446 = vector.broadcast %mul3A_445 : f32 to vector<16xf32>
        %mul3A_447 = arith.mulf %get3A_444, %mul3A_446 : vector<16xf32>
        %add3A_448 = arith.addf %mul3A_447, %mul3A_425 : vector<16xf32>
        %swap3A_449 = arith.constant 8 : i32
        %swap3A_450 = arith.index_cast %swap3A_449 : i32 to index
        %swap3A_451 = arith.index_cast %mul3A_418 : i32 to index
        %swap3A_452 = tpu.vector_load %arg9[%swap3A_450, %swap3A_451] {strides = array<i32>} : memref<32x1024xf32, #tpu.memory_space<vmem>>, vector<1x16xf32>,
        %swap3A_453 = vector.shape_cast %swap3A_452 : vector<1x16xf32> to vector<16xf32>
        %swap3A_454 = vector.shape_cast %add3A_448 : vector<16xf32> to vector<1x16xf32>
        tpu.vector_store %arg9[%swap3A_450, %swap3A_451], %swap3A_454 {strides = array<i32>} : memref<32x1024xf32, #tpu.memory_space<vmem>>, vector<1x16xf32>,
        %get3A_455 = arith.constant 16 : i32
        %get3A_456 = arith.index_cast %get3A_455 : i32 to index
        %get3A_457 = arith.index_cast %mul3A_418 : i32 to index
        %get3A_458 = tpu.vector_load %arg9[%get3A_456, %get3A_457] {strides = array<i32>} : memref<32x1024xf32, #tpu.memory_space<vmem>>, vector<1x16xf32>,
        %get3A_459 = vector.shape_cast %get3A_458 : vector<1x16xf32> to vector<16xf32>
        %mul3A_460 = arith.constant 3.200000e+01 : f32
        %mul3A_461 = vector.broadcast %mul3A_460 : f32 to vector<16xf32>
        %mul3A_462 = arith.mulf %get3A_459, %mul3A_461 : vector<16xf32>
        %add3A_463 = arith.addf %mul3A_462, %mul3A_425 : vector<16xf32>
        %swap3A_464 = arith.constant 16 : i32
        %swap3A_465 = arith.index_cast %swap3A_464 : i32 to index
        %swap3A_466 = arith.index_cast %mul3A_418 : i32 to index
        %swap3A_467 = tpu.vector_load %arg9[%swap3A_465, %swap3A_466] {strides = array<i32>} : memref<32x1024xf32, #tpu.memory_space<vmem>>, vector<1x16xf32>,
        %swap3A_468 = vector.shape_cast %swap3A_467 : vector<1x16xf32> to vector<16xf32>
        %swap3A_469 = vector.shape_cast %add3A_463 : vector<16xf32> to vector<1x16xf32>
        tpu.vector_store %arg9[%swap3A_465, %swap3A_466], %swap3A_469 {strides = array<i32>} : memref<32x1024xf32, #tpu.memory_space<vmem>>, vector<1x16xf32>,
        %get3A_470 = arith.constant 24 : i32
        %get3A_471 = arith.index_cast %get3A_470 : i32 to index
        %get3A_472 = arith.index_cast %mul3A_418 : i32 to index
        %get3A_473 = tpu.vector_load %arg9[%get3A_471, %get3A_472] {strides = array<i32>} : memref<32x1024xf32, #tpu.memory_space<vmem>>, vector<1x16xf32>,
        %get3A_474 = vector.shape_cast %get3A_473 : vector<1x16xf32> to vector<16xf32>
        %mul3A_475 = arith.constant 3.200000e+01 : f32
        %mul3A_476 = vector.broadcast %mul3A_475 : f32 to vector<16xf32>
        %mul3A_477 = arith.mulf %get3A_474, %mul3A_476 : vector<16xf32>
        %add3A_478 = arith.addf %mul3A_477, %mul3A_425 : vector<16xf32>
        %swap3A_479 = arith.constant 24 : i32
        %swap3A_480 = arith.index_cast %swap3A_479 : i32 to index
        %swap3A_481 = arith.index_cast %mul3A_418 : i32 to index
        %swap3A_482 = tpu.vector_load %arg9[%swap3A_480, %swap3A_481] {strides = array<i32>} : memref<32x1024xf32, #tpu.memory_space<vmem>>, vector<1x16xf32>,
        %swap3A_483 = vector.shape_cast %swap3A_482 : vector<1x16xf32> to vector<16xf32>
        %swap3A_484 = vector.shape_cast %add3A_478 : vector<16xf32> to vector<1x16xf32>
        tpu.vector_store %arg9[%swap3A_480, %swap3A_481], %swap3A_484 {strides = array<i32>} : memref<32x1024xf32, #tpu.memory_space<vmem>>, vector<1x16xf32>,
        %get3A_485 = arith.constant 1 : i32
        %get3A_486 = arith.index_cast %get3A_485 : i32 to index
        %get3A_487 = arith.index_cast %mul3A_418 : i32 to index
        %get3A_488 = tpu.vector_load %arg12[%get3A_486, %get3A_487] {strides = array<i32>} : memref<8x1024xf32, #tpu.memory_space<vmem>>, vector<1x16xf32>,
        %get3A_489 = vector.shape_cast %get3A_488 : vector<1x16xf32> to vector<16xf32>
        %mul3A_490 = arith.constant 3.200000e+01 : f32
        %mul3A_491 = vector.broadcast %mul3A_490 : f32 to vector<16xf32>
        %mul3A_492 = arith.mulf %get3A_489, %mul3A_491 : vector<16xf32>
        %get3A_493 = arith.constant 1 : i32
        %get3A_494 = arith.index_cast %get3A_493 : i32 to index
        %get3A_495 = arith.index_cast %mul3A_418 : i32 to index
        %get3A_496 = tpu.vector_load %arg9[%get3A_494, %get3A_495] {strides = array<i32>} : memref<32x1024xf32, #tpu.memory_space<vmem>>, vector<1x16xf32>,
        %get3A_497 = vector.shape_cast %get3A_496 : vector<1x16xf32> to vector<16xf32>
        %mul3A_498 = arith.constant 3.200000e+01 : f32
        %mul3A_499 = vector.broadcast %mul3A_498 : f32 to vector<16xf32>
        %mul3A_500 = arith.mulf %get3A_497, %mul3A_499 : vector<16xf32>
        %add3A_501 = arith.addf %mul3A_500, %mul3A_492 : vector<16xf32>
        %swap3A_502 = arith.constant 1 : i32
        %swap3A_503 = arith.index_cast %swap3A_502 : i32 to index
        %swap3A_504 = arith.index_cast %mul3A_418 : i32 to index
        %swap3A_505 = tpu.vector_load %arg9[%swap3A_503, %swap3A_504] {strides = array<i32>} : memref<32x1024xf32, #tpu.memory_space<vmem>>, vector<1x16xf32>,
        %swap3A_506 = vector.shape_cast %swap3A_505 : vector<1x16xf32> to vector<16xf32>
        %swap3A_507 = vector.shape_cast %add3A_501 : vector<16xf32> to vector<1x16xf32>
        tpu.vector_store %arg9[%swap3A_503, %swap3A_504], %swap3A_507 {strides = array<i32>} : memref<32x1024xf32, #tpu.memory_space<vmem>>, vector<1x16xf32>,
        %get3A_508 = arith.constant 9 : i32
        %get3A_509 = arith.index_cast %get3A_508 : i32 to index
        %get3A_510 = arith.index_cast %mul3A_418 : i32 to index
        %get3A_511 = tpu.vector_load %arg9[%get3A_509, %get3A_510] {strides = array<i32>} : memref<32x1024xf32, #tpu.memory_space<vmem>>, vector<1x16xf32>,
        %get3A_512 = vector.shape_cast %get3A_511 : vector<1x16xf32> to vector<16xf32>
        %mul3A_513 = arith.constant 3.200000e+01 : f32
        %mul3A_514 = vector.broadcast %mul3A_513 : f32 to vector<16xf32>
        %mul3A_515 = arith.mulf %get3A_512, %mul3A_514 : vector<16xf32>
        %add3A_516 = arith.addf %mul3A_515, %mul3A_492 : vector<16xf32>
        %swap3A_517 = arith.constant 9 : i32
        %swap3A_518 = arith.index_cast %swap3A_517 : i32 to index
        %swap3A_519 = arith.index_cast %mul3A_418 : i32 to index
        %swap3A_520 = tpu.vector_load %arg9[%swap3A_518, %swap3A_519] {strides = array<i32>} : memref<32x1024xf32, #tpu.memory_space<vmem>>, vector<1x16xf32>,
        %swap3A_521 = vector.shape_cast %swap3A_520 : vector<1x16xf32> to vector<16xf32>
        %swap3A_522 = vector.shape_cast %add3A_516 : vector<16xf32> to vector<1x16xf32>
        tpu.vector_store %arg9[%swap3A_518, %swap3A_519], %swap3A_522 {strides = array<i32>} : memref<32x1024xf32, #tpu.memory_space<vmem>>, vector<1x16xf32>,
        %get3A_523 = arith.constant 17 : i32
        %get3A_524 = arith.index_cast %get3A_523 : i32 to index
        %get3A_525 = arith.index_cast %mul3A_418 : i32 to index
        %get3A_526 = tpu.vector_load %arg9[%get3A_524, %get3A_525] {strides = array<i32>} : memref<32x1024xf32, #tpu.memory_space<vmem>>, vector<1x16xf32>,
        %get3A_527 = vector.shape_cast %get3A_526 : vector<1x16xf32> to vector<16xf32>
        %mul3A_528 = arith.constant 3.200000e+01 : f32
        %mul3A_529 = vector.broadcast %mul3A_528 : f32 to vector<16xf32>
        %mul3A_530 = arith.mulf %get3A_527, %mul3A_529 : vector<16xf32>
        %add3A_531 = arith.addf %mul3A_530, %mul3A_492 : vector<16xf32>
        %swap3A_532 = arith.constant 17 : i32
        %swap3A_533 = arith.index_cast %swap3A_532 : i32 to index
        %swap3A_534 = arith.index_cast %mul3A_418 : i32 to index
        %swap3A_535 = tpu.vector_load %arg9[%swap3A_533, %swap3A_534] {strides = array<i32>} : memref<32x1024xf32, #tpu.memory_space<vmem>>, vector<1x16xf32>,
        %swap3A_536 = vector.shape_cast %swap3A_535 : vector<1x16xf32> to vector<16xf32>
        %swap3A_537 = vector.shape_cast %add3A_531 : vector<16xf32> to vector<1x16xf32>
        tpu.vector_store %arg9[%swap3A_533, %swap3A_534], %swap3A_537 {strides = array<i32>} : memref<32x1024xf32, #tpu.memory_space<vmem>>, vector<1x16xf32>,
        %get3A_538 = arith.constant 25 : i32
        %get3A_539 = arith.index_cast %get3A_538 : i32 to index
        %get3A_540 = arith.index_cast %mul3A_418 : i32 to index
        %get3A_541 = tpu.vector_load %arg9[%get3A_539, %get3A_540] {strides = array<i32>} : memref<32x1024xf32, #tpu.memory_space<vmem>>, vector<1x16xf32>,
        %get3A_542 = vector.shape_cast %get3A_541 : vector<1x16xf32> to vector<16xf32>
        %mul3A_543 = arith.constant 3.200000e+01 : f32
        %mul3A_544 = vector.broadcast %mul3A_543 : f32 to vector<16xf32>
        %mul3A_545 = arith.mulf %get3A_542, %mul3A_544 : vector<16xf32>
        %add3A_546 = arith.addf %mul3A_545, %mul3A_492 : vector<16xf32>
        %swap3A_547 = arith.constant 25 : i32
        %swap3A_548 = arith.index_cast %swap3A_547 : i32 to index
        %swap3A_549 = arith.index_cast %mul3A_418 : i32 to index
        %swap3A_550 = tpu.vector_load %arg9[%swap3A_548, %swap3A_549] {strides = array<i32>} : memref<32x1024xf32, #tpu.memory_space<vmem>>, vector<1x16xf32>,
        %swap3A_551 = vector.shape_cast %swap3A_550 : vector<1x16xf32> to vector<16xf32>
        %swap3A_552 = vector.shape_cast %add3A_546 : vector<16xf32> to vector<1x16xf32>
        tpu.vector_store %arg9[%swap3A_548, %swap3A_549], %swap3A_552 {strides = array<i32>} : memref<32x1024xf32, #tpu.memory_space<vmem>>, vector<1x16xf32>,
        %get3A_553 = arith.constant 2 : i32
        %get3A_554 = arith.index_cast %get3A_553 : i32 to index
        %get3A_555 = arith.index_cast %mul3A_418 : i32 to index
        %get3A_556 = tpu.vector_load %arg12[%get3A_554, %get3A_555] {strides = array<i32>} : memref<8x1024xf32, #tpu.memory_space<vmem>>, vector<1x16xf32>,
        %get3A_557 = vector.shape_cast %get3A_556 : vector<1x16xf32> to vector<16xf32>
        %mul3A_558 = arith.constant 3.200000e+01 : f32
        %mul3A_559 = vector.broadcast %mul3A_558 : f32 to vector<16xf32>
        %mul3A_560 = arith.mulf %get3A_557, %mul3A_559 : vector<16xf32>
        %get3A_561 = arith.constant 2 : i32
        %get3A_562 = arith.index_cast %get3A_561 : i32 to index
        %get3A_563 = arith.index_cast %mul3A_418 : i32 to index
        %get3A_564 = tpu.vector_load %arg9[%get3A_562, %get3A_563] {strides = array<i32>} : memref<32x1024xf32, #tpu.memory_space<vmem>>, vector<1x16xf32>,
        %get3A_565 = vector.shape_cast %get3A_564 : vector<1x16xf32> to vector<16xf32>
        %mul3A_566 = arith.constant 3.200000e+01 : f32
        %mul3A_567 = vector.broadcast %mul3A_566 : f32 to vector<16xf32>
        %mul3A_568 = arith.mulf %get3A_565, %mul3A_567 : vector<16xf32>
        %add3A_569 = arith.addf %mul3A_568, %mul3A_560 : vector<16xf32>
        %swap3A_570 = arith.constant 2 : i32
        %swap3A_571 = arith.index_cast %swap3A_570 : i32 to index
        %swap3A_572 = arith.index_cast %mul3A_418 : i32 to index
        %swap3A_573 = tpu.vector_load %arg9[%swap3A_571, %swap3A_572] {strides = array<i32>} : memref<32x1024xf32, #tpu.memory_space<vmem>>, vector<1x16xf32>,
        %swap3A_574 = vector.shape_cast %swap3A_573 : vector<1x16xf32> to vector<16xf32>
        %swap3A_575 = vector.shape_cast %add3A_569 : vector<16xf32> to vector<1x16xf32>
        tpu.vector_store %arg9[%swap3A_571, %swap3A_572], %swap3A_575 {strides = array<i32>} : memref<32x1024xf32, #tpu.memory_space<vmem>>, vector<1x16xf32>,
        %get3A_576 = arith.constant 10 : i32
        %get3A_577 = arith.index_cast %get3A_576 : i32 to index
        %get3A_578 = arith.index_cast %mul3A_418 : i32 to index
        %get3A_579 = tpu.vector_load %arg9[%get3A_577, %get3A_578] {strides = array<i32>} : memref<32x1024xf32, #tpu.memory_space<vmem>>, vector<1x16xf32>,
        %get3A_580 = vector.shape_cast %get3A_579 : vector<1x16xf32> to vector<16xf32>
        %mul3A_581 = arith.constant 3.200000e+01 : f32
        %mul3A_582 = vector.broadcast %mul3A_581 : f32 to vector<16xf32>
        %mul3A_583 = arith.mulf %get3A_580, %mul3A_582 : vector<16xf32>
        %add3A_584 = arith.addf %mul3A_583, %mul3A_560 : vector<16xf32>
        %swap3A_585 = arith.constant 10 : i32
        %swap3A_586 = arith.index_cast %swap3A_585 : i32 to index
        %swap3A_587 = arith.index_cast %mul3A_418 : i32 to index
        %swap3A_588 = tpu.vector_load %arg9[%swap3A_586, %swap3A_587] {strides = array<i32>} : memref<32x1024xf32, #tpu.memory_space<vmem>>, vector<1x16xf32>,
        %swap3A_589 = vector.shape_cast %swap3A_588 : vector<1x16xf32> to vector<16xf32>
        %swap3A_590 = vector.shape_cast %add3A_584 : vector<16xf32> to vector<1x16xf32>
        tpu.vector_store %arg9[%swap3A_586, %swap3A_587], %swap3A_590 {strides = array<i32>} : memref<32x1024xf32, #tpu.memory_space<vmem>>, vector<1x16xf32>,
        %get3A_591 = arith.constant 18 : i32
        %get3A_592 = arith.index_cast %get3A_591 : i32 to index
        %get3A_593 = arith.index_cast %mul3A_418 : i32 to index
        %get3A_594 = tpu.vector_load %arg9[%get3A_592, %get3A_593] {strides = array<i32>} : memref<32x1024xf32, #tpu.memory_space<vmem>>, vector<1x16xf32>,
        %get3A_595 = vector.shape_cast %get3A_594 : vector<1x16xf32> to vector<16xf32>
        %mul3A_596 = arith.constant 3.200000e+01 : f32
        %mul3A_597 = vector.broadcast %mul3A_596 : f32 to vector<16xf32>
        %mul3A_598 = arith.mulf %get3A_595, %mul3A_597 : vector<16xf32>
        %add3A_599 = arith.addf %mul3A_598, %mul3A_560 : vector<16xf32>
        %swap3A_600 = arith.constant 18 : i32
        %swap3A_601 = arith.index_cast %swap3A_600 : i32 to index
        %swap3A_602 = arith.index_cast %mul3A_418 : i32 to index
        %swap3A_603 = tpu.vector_load %arg9[%swap3A_601, %swap3A_602] {strides = array<i32>} : memref<32x1024xf32, #tpu.memory_space<vmem>>, vector<1x16xf32>,
        %swap3A_604 = vector.shape_cast %swap3A_603 : vector<1x16xf32> to vector<16xf32>
        %swap3A_605 = vector.shape_cast %add3A_599 : vector<16xf32> to vector<1x16xf32>
        tpu.vector_store %arg9[%swap3A_601, %swap3A_602], %swap3A_605 {strides = array<i32>} : memref<32x1024xf32, #tpu.memory_space<vmem>>, vector<1x16xf32>,
        %get3A_606 = arith.constant 26 : i32
        %get3A_607 = arith.index_cast %get3A_606 : i32 to index
        %get3A_608 = arith.index_cast %mul3A_418 : i32 to index
        %get3A_609 = tpu.vector_load %arg9[%get3A_607, %get3A_608] {strides = array<i32>} : memref<32x1024xf32, #tpu.memory_space<vmem>>, vector<1x16xf32>,
        %get3A_610 = vector.shape_cast %get3A_609 : vector<1x16xf32> to vector<16xf32>
        %mul3A_611 = arith.constant 3.200000e+01 : f32
        %mul3A_612 = vector.broadcast %mul3A_611 : f32 to vector<16xf32>
        %mul3A_613 = arith.mulf %get3A_610, %mul3A_612 : vector<16xf32>
        %add3A_614 = arith.addf %mul3A_613, %mul3A_560 : vector<16xf32>
        %swap3A_615 = arith.constant 26 : i32
        %swap3A_616 = arith.index_cast %swap3A_615 : i32 to index
        %swap3A_617 = arith.index_cast %mul3A_418 : i32 to index
        %swap3A_618 = tpu.vector_load %arg9[%swap3A_616, %swap3A_617] {strides = array<i32>} : memref<32x1024xf32, #tpu.memory_space<vmem>>, vector<1x16xf32>,
        %swap3A_619 = vector.shape_cast %swap3A_618 : vector<1x16xf32> to vector<16xf32>
        %swap3A_620 = vector.shape_cast %add3A_614 : vector<16xf32> to vector<1x16xf32>
        tpu.vector_store %arg9[%swap3A_616, %swap3A_617], %swap3A_620 {strides = array<i32>} : memref<32x1024xf32, #tpu.memory_space<vmem>>, vector<1x16xf32>,
        %get3A_621 = arith.constant 3 : i32
        %get3A_622 = arith.index_cast %get3A_621 : i32 to index
        %get3A_623 = arith.index_cast %mul3A_418 : i32 to index
        %get3A_624 = tpu.vector_load %arg12[%get3A_622, %get3A_623] {strides = array<i32>} : memref<8x1024xf32, #tpu.memory_space<vmem>>, vector<1x16xf32>,
        %get3A_625 = vector.shape_cast %get3A_624 : vector<1x16xf32> to vector<16xf32>
        %mul3A_626 = arith.constant 3.200000e+01 : f32
        %mul3A_627 = vector.broadcast %mul3A_626 : f32 to vector<16xf32>
        %mul3A_628 = arith.mulf %get3A_625, %mul3A_627 : vector<16xf32>
        %get3A_629 = arith.constant 3 : i32
        %get3A_630 = arith.index_cast %get3A_629 : i32 to index
        %get3A_631 = arith.index_cast %mul3A_418 : i32 to index
        %get3A_632 = tpu.vector_load %arg9[%get3A_630, %get3A_631] {strides = array<i32>} : memref<32x1024xf32, #tpu.memory_space<vmem>>, vector<1x16xf32>,
        %get3A_633 = vector.shape_cast %get3A_632 : vector<1x16xf32> to vector<16xf32>
        %mul3A_634 = arith.constant 3.200000e+01 : f32
        %mul3A_635 = vector.broadcast %mul3A_634 : f32 to vector<16xf32>
        %mul3A_636 = arith.mulf %get3A_633, %mul3A_635 : vector<16xf32>
        %add3A_637 = arith.addf %mul3A_636, %mul3A_628 : vector<16xf32>
        %swap3A_638 = arith.constant 3 : i32
        %swap3A_639 = arith.index_cast %swap3A_638 : i32 to index
        %swap3A_640 = arith.index_cast %mul3A_418 : i32 to index
        %swap3A_641 = tpu.vector_load %arg9[%swap3A_639, %swap3A_640] {strides = array<i32>} : memref<32x1024xf32, #tpu.memory_space<vmem>>, vector<1x16xf32>,
        %swap3A_642 = vector.shape_cast %swap3A_641 : vector<1x16xf32> to vector<16xf32>
        %swap3A_643 = vector.shape_cast %add3A_637 : vector<16xf32> to vector<1x16xf32>
        tpu.vector_store %arg9[%swap3A_639, %swap3A_640], %swap3A_643 {strides = array<i32>} : memref<32x1024xf32, #tpu.memory_space<vmem>>, vector<1x16xf32>,
        %get3A_644 = arith.constant 11 : i32
        %get3A_645 = arith.index_cast %get3A_644 : i32 to index
        %get3A_646 = arith.index_cast %mul3A_418 : i32 to index
        %get3A_647 = tpu.vector_load %arg9[%get3A_645, %get3A_646] {strides = array<i32>} : memref<32x1024xf32, #tpu.memory_space<vmem>>, vector<1x16xf32>,
        %get3A_648 = vector.shape_cast %get3A_647 : vector<1x16xf32> to vector<16xf32>
        %mul3A_649 = arith.constant 3.200000e+01 : f32
        %mul3A_650 = vector.broadcast %mul3A_649 : f32 to vector<16xf32>
        %mul3A_651 = arith.mulf %get3A_648, %mul3A_650 : vector<16xf32>
        %add3A_652 = arith.addf %mul3A_651, %mul3A_628 : vector<16xf32>
        %swap3A_653 = arith.constant 11 : i32
        %swap3A_654 = arith.index_cast %swap3A_653 : i32 to index
        %swap3A_655 = arith.index_cast %mul3A_418 : i32 to index
        %swap3A_656 = tpu.vector_load %arg9[%swap3A_654, %swap3A_655] {strides = array<i32>} : memref<32x1024xf32, #tpu.memory_space<vmem>>, vector<1x16xf32>,
        %swap3A_657 = vector.shape_cast %swap3A_656 : vector<1x16xf32> to vector<16xf32>
        %swap3A_658 = vector.shape_cast %add3A_652 : vector<16xf32> to vector<1x16xf32>
        tpu.vector_store %arg9[%swap3A_654, %swap3A_655], %swap3A_658 {strides = array<i32>} : memref<32x1024xf32, #tpu.memory_space<vmem>>, vector<1x16xf32>,
        %get3A_659 = arith.constant 19 : i32
        %get3A_660 = arith.index_cast %get3A_659 : i32 to index
        %get3A_661 = arith.index_cast %mul3A_418 : i32 to index
        %get3A_662 = tpu.vector_load %arg9[%get3A_660, %get3A_661] {strides = array<i32>} : memref<32x1024xf32, #tpu.memory_space<vmem>>, vector<1x16xf32>,
        %get3A_663 = vector.shape_cast %get3A_662 : vector<1x16xf32> to vector<16xf32>
        %mul3A_664 = arith.constant 3.200000e+01 : f32
        %mul3A_665 = vector.broadcast %mul3A_664 : f32 to vector<16xf32>
        %mul3A_666 = arith.mulf %get3A_663, %mul3A_665 : vector<16xf32>
        %add3A_667 = arith.addf %mul3A_666, %mul3A_628 : vector<16xf32>
        %swap3A_668 = arith.constant 19 : i32
        %swap3A_669 = arith.index_cast %swap3A_668 : i32 to index
        %swap3A_670 = arith.index_cast %mul3A_418 : i32 to index
        %swap3A_671 = tpu.vector_load %arg9[%swap3A_669, %swap3A_670] {strides = array<i32>} : memref<32x1024xf32, #tpu.memory_space<vmem>>, vector<1x16xf32>,
        %swap3A_672 = vector.shape_cast %swap3A_671 : vector<1x16xf32> to vector<16xf32>
        %swap3A_673 = vector.shape_cast %add3A_667 : vector<16xf32> to vector<1x16xf32>
        tpu.vector_store %arg9[%swap3A_669, %swap3A_670], %swap3A_673 {strides = array<i32>} : memref<32x1024xf32, #tpu.memory_space<vmem>>, vector<1x16xf32>,
        %get3A_674 = arith.constant 27 : i32
        %get3A_675 = arith.index_cast %get3A_674 : i32 to index
        %get3A_676 = arith.index_cast %mul3A_418 : i32 to index
        %get3A_677 = tpu.vector_load %arg9[%get3A_675, %get3A_676] {strides = array<i32>} : memref<32x1024xf32, #tpu.memory_space<vmem>>, vector<1x16xf32>,
        %get3A_678 = vector.shape_cast %get3A_677 : vector<1x16xf32> to vector<16xf32>
        %mul3A_679 = arith.constant 3.200000e+01 : f32
        %mul3A_680 = vector.broadcast %mul3A_679 : f32 to vector<16xf32>
        %mul3A_681 = arith.mulf %get3A_678, %mul3A_680 : vector<16xf32>
        %add3A_682 = arith.addf %mul3A_681, %mul3A_628 : vector<16xf32>
        %swap3A_683 = arith.constant 27 : i32
        %swap3A_684 = arith.index_cast %swap3A_683 : i32 to index
        %swap3A_685 = arith.index_cast %mul3A_418 : i32 to index
        %swap3A_686 = tpu.vector_load %arg9[%swap3A_684, %swap3A_685] {strides = array<i32>} : memref<32x1024xf32, #tpu.memory_space<vmem>>, vector<1x16xf32>,
        %swap3A_687 = vector.shape_cast %swap3A_686 : vector<1x16xf32> to vector<16xf32>
        %swap3A_688 = vector.shape_cast %add3A_682 : vector<16xf32> to vector<1x16xf32>
        tpu.vector_store %arg9[%swap3A_684, %swap3A_685], %swap3A_688 {strides = array<i32>} : memref<32x1024xf32, #tpu.memory_space<vmem>>, vector<1x16xf32>,
        %get3A_689 = arith.constant 4 : i32
        %get3A_690 = arith.index_cast %get3A_689 : i32 to index
        %get3A_691 = arith.index_cast %mul3A_418 : i32 to index
        %get3A_692 = tpu.vector_load %arg12[%get3A_690, %get3A_691] {strides = array<i32>} : memref<8x1024xf32, #tpu.memory_space<vmem>>, vector<1x16xf32>,
        %get3A_693 = vector.shape_cast %get3A_692 : vector<1x16xf32> to vector<16xf32>
        %mul3A_694 = arith.constant 3.200000e+01 : f32
        %mul3A_695 = vector.broadcast %mul3A_694 : f32 to vector<16xf32>
        %mul3A_696 = arith.mulf %get3A_693, %mul3A_695 : vector<16xf32>
        %get3A_697 = arith.constant 4 : i32
        %get3A_698 = arith.index_cast %get3A_697 : i32 to index
        %get3A_699 = arith.index_cast %mul3A_418 : i32 to index
        %get3A_700 = tpu.vector_load %arg9[%get3A_698, %get3A_699] {strides = array<i32>} : memref<32x1024xf32, #tpu.memory_space<vmem>>, vector<1x16xf32>,
        %get3A_701 = vector.shape_cast %get3A_700 : vector<1x16xf32> to vector<16xf32>
        %mul3A_702 = arith.constant 3.200000e+01 : f32
        %mul3A_703 = vector.broadcast %mul3A_702 : f32 to vector<16xf32>
        %mul3A_704 = arith.mulf %get3A_701, %mul3A_703 : vector<16xf32>
        %add3A_705 = arith.addf %mul3A_704, %mul3A_696 : vector<16xf32>
        %swap3A_706 = arith.constant 4 : i32
        %swap3A_707 = arith.index_cast %swap3A_706 : i32 to index
        %swap3A_708 = arith.index_cast %mul3A_418 : i32 to index
        %swap3A_709 = tpu.vector_load %arg9[%swap3A_707, %swap3A_708] {strides = array<i32>} : memref<32x1024xf32, #tpu.memory_space<vmem>>, vector<1x16xf32>,
        %swap3A_710 = vector.shape_cast %swap3A_709 : vector<1x16xf32> to vector<16xf32>
        %swap3A_711 = vector.shape_cast %add3A_705 : vector<16xf32> to vector<1x16xf32>
        tpu.vector_store %arg9[%swap3A_707, %swap3A_708], %swap3A_711 {strides = array<i32>} : memref<32x1024xf32, #tpu.memory_space<vmem>>, vector<1x16xf32>,
        %get3A_712 = arith.constant 12 : i32
        %get3A_713 = arith.index_cast %get3A_712 : i32 to index
        %get3A_714 = arith.index_cast %mul3A_418 : i32 to index
        %get3A_715 = tpu.vector_load %arg9[%get3A_713, %get3A_714] {strides = array<i32>} : memref<32x1024xf32, #tpu.memory_space<vmem>>, vector<1x16xf32>,
        %get3A_716 = vector.shape_cast %get3A_715 : vector<1x16xf32> to vector<16xf32>
        %mul3A_717 = arith.constant 3.200000e+01 : f32
        %mul3A_718 = vector.broadcast %mul3A_717 : f32 to vector<16xf32>
        %mul3A_719 = arith.mulf %get3A_716, %mul3A_718 : vector<16xf32>
        %add3A_720 = arith.addf %mul3A_719, %mul3A_696 : vector<16xf32>
        %swap3A_721 = arith.constant 12 : i32
        %swap3A_722 = arith.index_cast %swap3A_721 : i32 to index
        %swap3A_723 = arith.index_cast %mul3A_418 : i32 to index
        %swap3A_724 = tpu.vector_load %arg9[%swap3A_722, %swap3A_723] {strides = array<i32>} : memref<32x1024xf32, #tpu.memory_space<vmem>>, vector<1x16xf32>,
        %swap3A_725 = vector.shape_cast %swap3A_724 : vector<1x16xf32> to vector<16xf32>
        %swap3A_726 = vector.shape_cast %add3A_720 : vector<16xf32> to vector<1x16xf32>
        tpu.vector_store %arg9[%swap3A_722, %swap3A_723], %swap3A_726 {strides = array<i32>} : memref<32x1024xf32, #tpu.memory_space<vmem>>, vector<1x16xf32>,
        %get3A_727 = arith.constant 20 : i32
        %get3A_728 = arith.index_cast %get3A_727 : i32 to index
        %get3A_729 = arith.index_cast %mul3A_418 : i32 to index
        %get3A_730 = tpu.vector_load %arg9[%get3A_728, %get3A_729] {strides = array<i32>} : memref<32x1024xf32, #tpu.memory_space<vmem>>, vector<1x16xf32>,
        %get3A_731 = vector.shape_cast %get3A_730 : vector<1x16xf32> to vector<16xf32>
        %mul3A_732 = arith.constant 3.200000e+01 : f32
        %mul3A_733 = vector.broadcast %mul3A_732 : f32 to vector<16xf32>
        %mul3A_734 = arith.mulf %get3A_731, %mul3A_733 : vector<16xf32>
        %add3A_735 = arith.addf %mul3A_734, %mul3A_696 : vector<16xf32>
        %swap3A_736 = arith.constant 20 : i32
        %swap3A_737 = arith.index_cast %swap3A_736 : i32 to index
        %swap3A_738 = arith.index_cast %mul3A_418 : i32 to index
        %swap3A_739 = tpu.vector_load %arg9[%swap3A_737, %swap3A_738] {strides = array<i32>} : memref<32x1024xf32, #tpu.memory_space<vmem>>, vector<1x16xf32>,
        %swap3A_740 = vector.shape_cast %swap3A_739 : vector<1x16xf32> to vector<16xf32>
        %swap3A_741 = vector.shape_cast %add3A_735 : vector<16xf32> to vector<1x16xf32>
        tpu.vector_store %arg9[%swap3A_737, %swap3A_738], %swap3A_741 {strides = array<i32>} : memref<32x1024xf32, #tpu.memory_space<vmem>>, vector<1x16xf32>,
        %get3A_742 = arith.constant 28 : i32
        %get3A_743 = arith.index_cast %get3A_742 : i32 to index
        %get3A_744 = arith.index_cast %mul3A_418 : i32 to index
        %get3A_745 = tpu.vector_load %arg9[%get3A_743, %get3A_744] {strides = array<i32>} : memref<32x1024xf32, #tpu.memory_space<vmem>>, vector<1x16xf32>,
        %get3A_746 = vector.shape_cast %get3A_745 : vector<1x16xf32> to vector<16xf32>
        %mul3A_747 = arith.constant 3.200000e+01 : f32
        %mul3A_748 = vector.broadcast %mul3A_747 : f32 to vector<16xf32>
        %mul3A_749 = arith.mulf %get3A_746, %mul3A_748 : vector<16xf32>
        %add3A_750 = arith.addf %mul3A_749, %mul3A_696 : vector<16xf32>
        %swap3A_751 = arith.constant 28 : i32
        %swap3A_752 = arith.index_cast %swap3A_751 : i32 to index
        %swap3A_753 = arith.index_cast %mul3A_418 : i32 to index
        %swap3A_754 = tpu.vector_load %arg9[%swap3A_752, %swap3A_753] {strides = array<i32>} : memref<32x1024xf32, #tpu.memory_space<vmem>>, vector<1x16xf32>,
        %swap3A_755 = vector.shape_cast %swap3A_754 : vector<1x16xf32> to vector<16xf32>
        %swap3A_756 = vector.shape_cast %add3A_750 : vector<16xf32> to vector<1x16xf32>
        tpu.vector_store %arg9[%swap3A_752, %swap3A_753], %swap3A_756 {strides = array<i32>} : memref<32x1024xf32, #tpu.memory_space<vmem>>, vector<1x16xf32>,
        %get3A_757 = arith.constant 5 : i32
        %get3A_758 = arith.index_cast %get3A_757 : i32 to index
        %get3A_759 = arith.index_cast %mul3A_418 : i32 to index
        %get3A_760 = tpu.vector_load %arg12[%get3A_758, %get3A_759] {strides = array<i32>} : memref<8x1024xf32, #tpu.memory_space<vmem>>, vector<1x16xf32>,
        %get3A_761 = vector.shape_cast %get3A_760 : vector<1x16xf32> to vector<16xf32>
        %mul3A_762 = arith.constant 3.200000e+01 : f32
        %mul3A_763 = vector.broadcast %mul3A_762 : f32 to vector<16xf32>
        %mul3A_764 = arith.mulf %get3A_761, %mul3A_763 : vector<16xf32>
        %get3A_765 = arith.constant 5 : i32
        %get3A_766 = arith.index_cast %get3A_765 : i32 to index
        %get3A_767 = arith.index_cast %mul3A_418 : i32 to index
        %get3A_768 = tpu.vector_load %arg9[%get3A_766, %get3A_767] {strides = array<i32>} : memref<32x1024xf32, #tpu.memory_space<vmem>>, vector<1x16xf32>,
        %get3A_769 = vector.shape_cast %get3A_768 : vector<1x16xf32> to vector<16xf32>
        %mul3A_770 = arith.constant 3.200000e+01 : f32
        %mul3A_771 = vector.broadcast %mul3A_770 : f32 to vector<16xf32>
        %mul3A_772 = arith.mulf %get3A_769, %mul3A_771 : vector<16xf32>
        %add3A_773 = arith.addf %mul3A_772, %mul3A_764 : vector<16xf32>
        %swap3A_774 = arith.constant 5 : i32
        %swap3A_775 = arith.index_cast %swap3A_774 : i32 to index
        %swap3A_776 = arith.index_cast %mul3A_418 : i32 to index
        %swap3A_777 = tpu.vector_load %arg9[%swap3A_775, %swap3A_776] {strides = array<i32>} : memref<32x1024xf32, #tpu.memory_space<vmem>>, vector<1x16xf32>,
        %swap3A_778 = vector.shape_cast %swap3A_777 : vector<1x16xf32> to vector<16xf32>
        %swap3A_779 = vector.shape_cast %add3A_773 : vector<16xf32> to vector<1x16xf32>
        tpu.vector_store %arg9[%swap3A_775, %swap3A_776], %swap3A_779 {strides = array<i32>} : memref<32x1024xf32, #tpu.memory_space<vmem>>, vector<1x16xf32>,
        %get3A_780 = arith.constant 13 : i32
        %get3A_781 = arith.index_cast %get3A_780 : i32 to index
        %get3A_782 = arith.index_cast %mul3A_418 : i32 to index
        %get3A_783 = tpu.vector_load %arg9[%get3A_781, %get3A_782] {strides = array<i32>} : memref<32x1024xf32, #tpu.memory_space<vmem>>, vector<1x16xf32>,
        %get3A_784 = vector.shape_cast %get3A_783 : vector<1x16xf32> to vector<16xf32>
        %mul3A_785 = arith.constant 3.200000e+01 : f32
        %mul3A_786 = vector.broadcast %mul3A_785 : f32 to vector<16xf32>
        %mul3A_787 = arith.mulf %get3A_784, %mul3A_786 : vector<16xf32>
        %add3A_788 = arith.addf %mul3A_787, %mul3A_764 : vector<16xf32>
        %swap3A_789 = arith.constant 13 : i32
        %swap3A_790 = arith.index_cast %swap3A_789 : i32 to index
        %swap3A_791 = arith.index_cast %mul3A_418 : i32 to index
        %swap3A_792 = tpu.vector_load %arg9[%swap3A_790, %swap3A_791] {strides = array<i32>} : memref<32x1024xf32, #tpu.memory_space<vmem>>, vector<1x16xf32>,
        %swap3A_793 = vector.shape_cast %swap3A_792 : vector<1x16xf32> to vector<16xf32>
        %swap3A_794 = vector.shape_cast %add3A_788 : vector<16xf32> to vector<1x16xf32>
        tpu.vector_store %arg9[%swap3A_790, %swap3A_791], %swap3A_794 {strides = array<i32>} : memref<32x1024xf32, #tpu.memory_space<vmem>>, vector<1x16xf32>,
        %get3A_795 = arith.constant 21 : i32
        %get3A_796 = arith.index_cast %get3A_795 : i32 to index
        %get3A_797 = arith.index_cast %mul3A_418 : i32 to index
        %get3A_798 = tpu.vector_load %arg9[%get3A_796, %get3A_797] {strides = array<i32>} : memref<32x1024xf32, #tpu.memory_space<vmem>>, vector<1x16xf32>,
        %get3A_799 = vector.shape_cast %get3A_798 : vector<1x16xf32> to vector<16xf32>
        %mul3A_800 = arith.constant 3.200000e+01 : f32
        %mul3A_801 = vector.broadcast %mul3A_800 : f32 to vector<16xf32>
        %mul3A_802 = arith.mulf %get3A_799, %mul3A_801 : vector<16xf32>
        %add3A_803 = arith.addf %mul3A_802, %mul3A_764 : vector<16xf32>
        %swap3A_804 = arith.constant 21 : i32
        %swap3A_805 = arith.index_cast %swap3A_804 : i32 to index
        %swap3A_806 = arith.index_cast %mul3A_418 : i32 to index
        %swap3A_807 = tpu.vector_load %arg9[%swap3A_805, %swap3A_806] {strides = array<i32>} : memref<32x1024xf32, #tpu.memory_space<vmem>>, vector<1x16xf32>,
        %swap3A_808 = vector.shape_cast %swap3A_807 : vector<1x16xf32> to vector<16xf32>
        %swap3A_809 = vector.shape_cast %add3A_803 : vector<16xf32> to vector<1x16xf32>
        tpu.vector_store %arg9[%swap3A_805, %swap3A_806], %swap3A_809 {strides = array<i32>} : memref<32x1024xf32, #tpu.memory_space<vmem>>, vector<1x16xf32>,
        %get3A_810 = arith.constant 29 : i32
        %get3A_811 = arith.index_cast %get3A_810 : i32 to index
        %get3A_812 = arith.index_cast %mul3A_418 : i32 to index
        %get3A_813 = tpu.vector_load %arg9[%get3A_811, %get3A_812] {strides = array<i32>} : memref<32x1024xf32, #tpu.memory_space<vmem>>, vector<1x16xf32>,
        %get3A_814 = vector.shape_cast %get3A_813 : vector<1x16xf32> to vector<16xf32>
        %mul3A_815 = arith.constant 3.200000e+01 : f32
        %mul3A_816 = vector.broadcast %mul3A_815 : f32 to vector<16xf32>
        %mul3A_817 = arith.mulf %get3A_814, %mul3A_816 : vector<16xf32>
        %add3A_818 = arith.addf %mul3A_817, %mul3A_764 : vector<16xf32>
        %swap3A_819 = arith.constant 29 : i32
        %swap3A_820 = arith.index_cast %swap3A_819 : i32 to index
        %swap3A_821 = arith.index_cast %mul3A_418 : i32 to index
        %swap3A_822 = tpu.vector_load %arg9[%swap3A_820, %swap3A_821] {strides = array<i32>} : memref<32x1024xf32, #tpu.memory_space<vmem>>, vector<1x16xf32>,
        %swap3A_823 = vector.shape_cast %swap3A_822 : vector<1x16xf32> to vector<16xf32>
        %swap3A_824 = vector.shape_cast %add3A_818 : vector<16xf32> to vector<1x16xf32>
        tpu.vector_store %arg9[%swap3A_820, %swap3A_821], %swap3A_824 {strides = array<i32>} : memref<32x1024xf32, #tpu.memory_space<vmem>>, vector<1x16xf32>,
        %get3A_825 = arith.constant 6 : i32
        %get3A_826 = arith.index_cast %get3A_825 : i32 to index
        %get3A_827 = arith.index_cast %mul3A_418 : i32 to index
        %get3A_828 = tpu.vector_load %arg12[%get3A_826, %get3A_827] {strides = array<i32>} : memref<8x1024xf32, #tpu.memory_space<vmem>>, vector<1x16xf32>,
        %get3A_829 = vector.shape_cast %get3A_828 : vector<1x16xf32> to vector<16xf32>
        %mul3A_830 = arith.constant 3.200000e+01 : f32
        %mul3A_831 = vector.broadcast %mul3A_830 : f32 to vector<16xf32>
        %mul3A_832 = arith.mulf %get3A_829, %mul3A_831 : vector<16xf32>
        %get3A_833 = arith.constant 6 : i32
        %get3A_834 = arith.index_cast %get3A_833 : i32 to index
        %get3A_835 = arith.index_cast %mul3A_418 : i32 to index
        %get3A_836 = tpu.vector_load %arg9[%get3A_834, %get3A_835] {strides = array<i32>} : memref<32x1024xf32, #tpu.memory_space<vmem>>, vector<1x16xf32>,
        %get3A_837 = vector.shape_cast %get3A_836 : vector<1x16xf32> to vector<16xf32>
        %mul3A_838 = arith.constant 3.200000e+01 : f32
        %mul3A_839 = vector.broadcast %mul3A_838 : f32 to vector<16xf32>
        %mul3A_840 = arith.mulf %get3A_837, %mul3A_839 : vector<16xf32>
        %add3A_841 = arith.addf %mul3A_840, %mul3A_832 : vector<16xf32>
        %swap3A_842 = arith.constant 6 : i32
        %swap3A_843 = arith.index_cast %swap3A_842 : i32 to index
        %swap3A_844 = arith.index_cast %mul3A_418 : i32 to index
        %swap3A_845 = tpu.vector_load %arg9[%swap3A_843, %swap3A_844] {strides = array<i32>} : memref<32x1024xf32, #tpu.memory_space<vmem>>, vector<1x16xf32>,
        %swap3A_846 = vector.shape_cast %swap3A_845 : vector<1x16xf32> to vector<16xf32>
        %swap3A_847 = vector.shape_cast %add3A_841 : vector<16xf32> to vector<1x16xf32>
        tpu.vector_store %arg9[%swap3A_843, %swap3A_844], %swap3A_847 {strides = array<i32>} : memref<32x1024xf32, #tpu.memory_space<vmem>>, vector<1x16xf32>,
        %get3A_848 = arith.constant 14 : i32
        %get3A_849 = arith.index_cast %get3A_848 : i32 to index
        %get3A_850 = arith.index_cast %mul3A_418 : i32 to index
        %get3A_851 = tpu.vector_load %arg9[%get3A_849, %get3A_850] {strides = array<i32>} : memref<32x1024xf32, #tpu.memory_space<vmem>>, vector<1x16xf32>,
        %get3A_852 = vector.shape_cast %get3A_851 : vector<1x16xf32> to vector<16xf32>
        %mul3A_853 = arith.constant 3.200000e+01 : f32
        %mul3A_854 = vector.broadcast %mul3A_853 : f32 to vector<16xf32>
        %mul3A_855 = arith.mulf %get3A_852, %mul3A_854 : vector<16xf32>
        %add3A_856 = arith.addf %mul3A_855, %mul3A_832 : vector<16xf32>
        %swap3A_857 = arith.constant 14 : i32
        %swap3A_858 = arith.index_cast %swap3A_857 : i32 to index
        %swap3A_859 = arith.index_cast %mul3A_418 : i32 to index
        %swap3A_860 = tpu.vector_load %arg9[%swap3A_858, %swap3A_859] {strides = array<i32>} : memref<32x1024xf32, #tpu.memory_space<vmem>>, vector<1x16xf32>,
        %swap3A_861 = vector.shape_cast %swap3A_860 : vector<1x16xf32> to vector<16xf32>
        %swap3A_862 = vector.shape_cast %add3A_856 : vector<16xf32> to vector<1x16xf32>
        tpu.vector_store %arg9[%swap3A_858, %swap3A_859], %swap3A_862 {strides = array<i32>} : memref<32x1024xf32, #tpu.memory_space<vmem>>, vector<1x16xf32>,
        %get3A_863 = arith.constant 22 : i32
        %get3A_864 = arith.index_cast %get3A_863 : i32 to index
        %get3A_865 = arith.index_cast %mul3A_418 : i32 to index
        %get3A_866 = tpu.vector_load %arg9[%get3A_864, %get3A_865] {strides = array<i32>} : memref<32x1024xf32, #tpu.memory_space<vmem>>, vector<1x16xf32>,
        %get3A_867 = vector.shape_cast %get3A_866 : vector<1x16xf32> to vector<16xf32>
        %mul3A_868 = arith.constant 3.200000e+01 : f32
        %mul3A_869 = vector.broadcast %mul3A_868 : f32 to vector<16xf32>
        %mul3A_870 = arith.mulf %get3A_867, %mul3A_869 : vector<16xf32>
        %add3A_871 = arith.addf %mul3A_870, %mul3A_832 : vector<16xf32>
        %swap3A_872 = arith.constant 22 : i32
        %swap3A_873 = arith.index_cast %swap3A_872 : i32 to index
        %swap3A_874 = arith.index_cast %mul3A_418 : i32 to index
        %swap3A_875 = tpu.vector_load %arg9[%swap3A_873, %swap3A_874] {strides = array<i32>} : memref<32x1024xf32, #tpu.memory_space<vmem>>, vector<1x16xf32>,
        %swap3A_876 = vector.shape_cast %swap3A_875 : vector<1x16xf32> to vector<16xf32>
        %swap3A_877 = vector.shape_cast %add3A_871 : vector<16xf32> to vector<1x16xf32>
        tpu.vector_store %arg9[%swap3A_873, %swap3A_874], %swap3A_877 {strides = array<i32>} : memref<32x1024xf32, #tpu.memory_space<vmem>>, vector<1x16xf32>,
        %get3A_878 = arith.constant 30 : i32
        %get3A_879 = arith.index_cast %get3A_878 : i32 to index
        %get3A_880 = arith.index_cast %mul3A_418 : i32 to index
        %get3A_881 = tpu.vector_load %arg9[%get3A_879, %get3A_880] {strides = array<i32>} : memref<32x1024xf32, #tpu.memory_space<vmem>>, vector<1x16xf32>,
        %get3A_882 = vector.shape_cast %get3A_881 : vector<1x16xf32> to vector<16xf32>
        %mul3A_883 = arith.constant 3.200000e+01 : f32
        %mul3A_884 = vector.broadcast %mul3A_883 : f32 to vector<16xf32>
        %mul3A_885 = arith.mulf %get3A_882, %mul3A_884 : vector<16xf32>
        %add3A_886 = arith.addf %mul3A_885, %mul3A_832 : vector<16xf32>
        %swap3A_887 = arith.constant 30 : i32
        %swap3A_888 = arith.index_cast %swap3A_887 : i32 to index
        %swap3A_889 = arith.index_cast %mul3A_418 : i32 to index
        %swap3A_890 = tpu.vector_load %arg9[%swap3A_888, %swap3A_889] {strides = array<i32>} : memref<32x1024xf32, #tpu.memory_space<vmem>>, vector<1x16xf32>,
        %swap3A_891 = vector.shape_cast %swap3A_890 : vector<1x16xf32> to vector<16xf32>
        %swap3A_892 = vector.shape_cast %add3A_886 : vector<16xf32> to vector<1x16xf32>
        tpu.vector_store %arg9[%swap3A_888, %swap3A_889], %swap3A_892 {strides = array<i32>} : memref<32x1024xf32, #tpu.memory_space<vmem>>, vector<1x16xf32>,
        %get3A_893 = arith.constant 7 : i32
        %get3A_894 = arith.index_cast %get3A_893 : i32 to index
        %get3A_895 = arith.index_cast %mul3A_418 : i32 to index
        %get3A_896 = tpu.vector_load %arg12[%get3A_894, %get3A_895] {strides = array<i32>} : memref<8x1024xf32, #tpu.memory_space<vmem>>, vector<1x16xf32>,
        %get3A_897 = vector.shape_cast %get3A_896 : vector<1x16xf32> to vector<16xf32>
        %mul3A_898 = arith.constant 3.200000e+01 : f32
        %mul3A_899 = vector.broadcast %mul3A_898 : f32 to vector<16xf32>
        %mul3A_900 = arith.mulf %get3A_897, %mul3A_899 : vector<16xf32>
        %get3A_901 = arith.constant 7 : i32
        %get3A_902 = arith.index_cast %get3A_901 : i32 to index
        %get3A_903 = arith.index_cast %mul3A_418 : i32 to index
        %get3A_904 = tpu.vector_load %arg9[%get3A_902, %get3A_903] {strides = array<i32>} : memref<32x1024xf32, #tpu.memory_space<vmem>>, vector<1x16xf32>,
        %get3A_905 = vector.shape_cast %get3A_904 : vector<1x16xf32> to vector<16xf32>
        %mul3A_906 = arith.constant 3.200000e+01 : f32
        %mul3A_907 = vector.broadcast %mul3A_906 : f32 to vector<16xf32>
        %mul3A_908 = arith.mulf %get3A_905, %mul3A_907 : vector<16xf32>
        %add3A_909 = arith.addf %mul3A_908, %mul3A_900 : vector<16xf32>
        %swap3A_910 = arith.constant 7 : i32
        %swap3A_911 = arith.index_cast %swap3A_910 : i32 to index
        %swap3A_912 = arith.index_cast %mul3A_418 : i32 to index
        %swap3A_913 = tpu.vector_load %arg9[%swap3A_911, %swap3A_912] {strides = array<i32>} : memref<32x1024xf32, #tpu.memory_space<vmem>>, vector<1x16xf32>,
        %swap3A_914 = vector.shape_cast %swap3A_913 : vector<1x16xf32> to vector<16xf32>
        %swap3A_915 = vector.shape_cast %add3A_909 : vector<16xf32> to vector<1x16xf32>
        tpu.vector_store %arg9[%swap3A_911, %swap3A_912], %swap3A_915 {strides = array<i32>} : memref<32x1024xf32, #tpu.memory_space<vmem>>, vector<1x16xf32>,
        %get3A_916 = arith.constant 15 : i32
        %get3A_917 = arith.index_cast %get3A_916 : i32 to index
        %get3A_918 = arith.index_cast %mul3A_418 : i32 to index
        %get3A_919 = tpu.vector_load %arg9[%get3A_917, %get3A_918] {strides = array<i32>} : memref<32x1024xf32, #tpu.memory_space<vmem>>, vector<1x16xf32>,
        %get3A_920 = vector.shape_cast %get3A_919 : vector<1x16xf32> to vector<16xf32>
        %mul3A_921 = arith.constant 3.200000e+01 : f32
        %mul3A_922 = vector.broadcast %mul3A_921 : f32 to vector<16xf32>
        %mul3A_923 = arith.mulf %get3A_920, %mul3A_922 : vector<16xf32>
        %add3A_924 = arith.addf %mul3A_923, %mul3A_900 : vector<16xf32>
        %swap3A_925 = arith.constant 15 : i32
        %swap3A_926 = arith.index_cast %swap3A_925 : i32 to index
        %swap3A_927 = arith.index_cast %mul3A_418 : i32 to index
        %swap3A_928 = tpu.vector_load %arg9[%swap3A_926, %swap3A_927] {strides = array<i32>} : memref<32x1024xf32, #tpu.memory_space<vmem>>, vector<1x16xf32>,
        %swap3A_929 = vector.shape_cast %swap3A_928 : vector<1x16xf32> to vector<16xf32>
        %swap3A_930 = vector.shape_cast %add3A_924 : vector<16xf32> to vector<1x16xf32>
        tpu.vector_store %arg9[%swap3A_926, %swap3A_927], %swap3A_930 {strides = array<i32>} : memref<32x1024xf32, #tpu.memory_space<vmem>>, vector<1x16xf32>,
        %get3A_931 = arith.constant 23 : i32
        %get3A_932 = arith.index_cast %get3A_931 : i32 to index
        %get3A_933 = arith.index_cast %mul3A_418 : i32 to index
        %get3A_934 = tpu.vector_load %arg9[%get3A_932, %get3A_933] {strides = array<i32>} : memref<32x1024xf32, #tpu.memory_space<vmem>>, vector<1x16xf32>,
        %get3A_935 = vector.shape_cast %get3A_934 : vector<1x16xf32> to vector<16xf32>
        %mul3A_936 = arith.constant 3.200000e+01 : f32
        %mul3A_937 = vector.broadcast %mul3A_936 : f32 to vector<16xf32>
        %mul3A_938 = arith.mulf %get3A_935, %mul3A_937 : vector<16xf32>
        %add3A_939 = arith.addf %mul3A_938, %mul3A_900 : vector<16xf32>
        %swap3A_940 = arith.constant 23 : i32
        %swap3A_941 = arith.index_cast %swap3A_940 : i32 to index
        %swap3A_942 = arith.index_cast %mul3A_418 : i32 to index
        %swap3A_943 = tpu.vector_load %arg9[%swap3A_941, %swap3A_942] {strides = array<i32>} : memref<32x1024xf32, #tpu.memory_space<vmem>>, vector<1x16xf32>,
        %swap3A_944 = vector.shape_cast %swap3A_943 : vector<1x16xf32> to vector<16xf32>
        %swap3A_945 = vector.shape_cast %add3A_939 : vector<16xf32> to vector<1x16xf32>
        tpu.vector_store %arg9[%swap3A_941, %swap3A_942], %swap3A_945 {strides = array<i32>} : memref<32x1024xf32, #tpu.memory_space<vmem>>, vector<1x16xf32>,
        %get3A_946 = arith.constant 31 : i32
        %get3A_947 = arith.index_cast %get3A_946 : i32 to index
        %get3A_948 = arith.index_cast %mul3A_418 : i32 to index
        %get3A_949 = tpu.vector_load %arg9[%get3A_947, %get3A_948] {strides = array<i32>} : memref<32x1024xf32, #tpu.memory_space<vmem>>, vector<1x16xf32>,
        %get3A_950 = vector.shape_cast %get3A_949 : vector<1x16xf32> to vector<16xf32>
        %mul3A_951 = arith.constant 3.200000e+01 : f32
        %mul3A_952 = vector.broadcast %mul3A_951 : f32 to vector<16xf32>
        %mul3A_953 = arith.mulf %get3A_950, %mul3A_952 : vector<16xf32>
        %add3A_954 = arith.addf %mul3A_953, %mul3A_900 : vector<16xf32>
        %swap3A_955 = arith.constant 31 : i32
        %swap3A_956 = arith.index_cast %swap3A_955 : i32 to index
        %swap3A_957 = arith.index_cast %mul3A_418 : i32 to index
        %swap3A_958 = tpu.vector_load %arg9[%swap3A_956, %swap3A_957] {strides = array<i32>} : memref<32x1024xf32, #tpu.memory_space<vmem>>, vector<1x16xf32>,
        %swap3A_959 = vector.shape_cast %swap3A_958 : vector<1x16xf32> to vector<16xf32>
        %swap3A_960 = vector.shape_cast %add3A_954 : vector<16xf32> to vector<1x16xf32>
        tpu.vector_store %arg9[%swap3A_956, %swap3A_957], %swap3A_960 {strides = array<i32>} : memref<32x1024xf32, #tpu.memory_space<vmem>>, vector<1x16xf32>,
        %scan3A_961 = arith.constant 0 : i32
        scf.yield %scan3A_961 : i32
      }
      %scan3A_336 = arith.constant 64 : i32
      %ge3A_337 = arith.constant 1 : i32
      %ge3A_338 = arith.cmpi sge, %add3A_317, %ge3A_337 : i32
      %add3A_339 = arith.constant 2 : i32
      %add3A_340 = arith.addi %add3A_317, %add3A_339 : i32
      %lt3A_341 = arith.constant 16 : i32
      %lt3A_342 = arith.cmpi slt, %add3A_340, %lt3A_341 : i32
      %and3A_343 = arith.andi %ge3A_338, %lt3A_342 : i1
      %convert_element_type3A_344 = arith.extui %and3A_343 : i1 to i32
      %cond3A_345 = arith.constant 0 : i32
      %cond3A_346 = arith.cmpi ne, %convert_element_type3A_344, %cond3A_345 : i32
      scf.if %cond3A_346 {
        %dma_wait3A_415 = arith.constant 0 : i32
        %dma_wait3A_416 = arith.constant 0 : i32
        %dma_wait3A_417 = tpu.memref_slice %arg5[%dma_wait3A_415, %dma_wait3A_416] : memref<16384x1024xf32, #tpu.memory_space<hbm>> -> memref<32x1024xf32, #tpu.memory_space<hbm>>
        %dma_wait3A_418 = arith.constant 0 : i32
        %dma_wait3A_419 = arith.constant 0 : i32
        %dma_wait3A_420 = tpu.memref_slice %arg5[%dma_wait3A_418, %dma_wait3A_419] : memref<16384x1024xf32, #tpu.memory_space<hbm>> -> memref<32x1024xf32, #tpu.memory_space<hbm>>
        tpu.wait_dma2 semaphore(%arg20 : memref<!tpu.dma_semaphore, #tpu.memory_space<semaphore_mem>>) src(%arg8 : memref<32x1024xf32, #tpu.memory_space<vmem>>) dst(%dma_wait3A_420 : memref<32x1024xf32, #tpu.memory_space<hbm>>)
      } else {
      }
      %add3A_347 = arith.constant 2 : i32
      %add3A_348 = arith.addi %add3A_317, %add3A_347 : i32
      %lt3A_349 = arith.constant 16 : i32
      %lt3A_350 = arith.cmpi slt, %add3A_348, %lt3A_349 : i32
      %convert_element_type3A_351 = arith.extui %lt3A_350 : i1 to i32
      %cond3A_352 = arith.constant 0 : i32
      %cond3A_353 = arith.cmpi ne, %convert_element_type3A_351, %cond3A_352 : i32
      scf.if %cond3A_353 {
        %add3A_415 = arith.constant 2 : i32
        %add3A_416 = arith.addi %add3A_317, %add3A_415 : i32
        %mul3A_417 = arith.constant 32 : i32
        %mul3A_418 = arith.muli %add3A_416, %mul3A_417 : i32
        %dma_start3A_419 = tpu.memref_slice %arg6[%mul3A_418] : memref<512xi32, #tpu.memory_space<vmem>> -> memref<32xi32, #tpu.memory_space<vmem>>
        %dma_start3A_420 = arith.constant 0 : i32
        %dma_start3A_421 = arith.constant 0 : i32
        %dma_start3A_422 = tpu.memref_slice %arg3[%dma_start3A_420, %dma_start3A_421] : memref<100000x1024xf32, #tpu.memory_space<hbm>> -> memref<100000x1024xf32, #tpu.memory_space<hbm>>
        tpu.enqueue_indirect_dma source(%dma_start3A_422 : memref<100000x1024xf32, #tpu.memory_space<hbm>>) target(%arg8 : memref<32x1024xf32, #tpu.memory_space<vmem>>) offsets(%dma_start3A_419 : memref<32xi32, #tpu.memory_space<vmem>>) semaphore(%arg14 : memref<!tpu.dma_semaphore, #tpu.memory_space<semaphore_mem>>)
        %mul3A_423 = arith.constant 8 : i32
        %mul3A_424 = arith.muli %add3A_416, %mul3A_423 : i32
        %add3A_425 = arith.addi %mul3A_2, %mul3A_424 : i32
        %dma_start3A_426 = arith.constant 0 : i32
        %dma_start3A_427 = tpu.memref_slice %arg4[%add3A_425, %dma_start3A_426] : memref<4096x1024xf32, #tpu.memory_space<hbm>> -> memref<8x1024xf32, #tpu.memory_space<hbm>>
        %dma_start3A_428 = arith.constant 0 : i32
        %dma_start3A_429 = tpu.memref_slice %arg4[%add3A_425, %dma_start3A_428] : memref<4096x1024xf32, #tpu.memory_space<hbm>> -> memref<8x1024xf32, #tpu.memory_space<hbm>>
        tpu.enqueue_dma source(%dma_start3A_429 : memref<8x1024xf32, #tpu.memory_space<hbm>>) target(%arg11 : memref<8x1024xf32, #tpu.memory_space<vmem>>) target_semaphore(%arg17 : memref<!tpu.dma_semaphore, #tpu.memory_space<semaphore_mem>>)
      } else {
      }
      %add3A_354 = arith.constant 0 : i32
      %add3A_355 = arith.addi %add3A_354, %mul3A_2 : i32
      %mul3A_356 = arith.constant 8 : i32
      %mul3A_357 = arith.muli %add3A_317, %mul3A_356 : i32
      %add3A_358 = arith.addi %add3A_355, %mul3A_357 : i32
      %dma_start3A_359 = arith.constant 0 : i32
      %dma_start3A_360 = arith.constant 0 : i32
      %dma_start3A_361 = tpu.memref_slice %arg9[%dma_start3A_359, %dma_start3A_360] : memref<32x1024xf32, #tpu.memory_space<vmem>> -> memref<8x1024xf32, #tpu.memory_space<vmem>>
      %dma_start3A_362 = arith.constant 0 : i32
      %dma_start3A_363 = tpu.memref_slice %arg5[%add3A_358, %dma_start3A_362] : memref<16384x1024xf32, #tpu.memory_space<hbm>> -> memref<8x1024xf32, #tpu.memory_space<hbm>>
      %dma_start3A_364 = arith.constant 0 : i32
      %dma_start3A_365 = tpu.memref_slice %arg5[%add3A_358, %dma_start3A_364] : memref<16384x1024xf32, #tpu.memory_space<hbm>> -> memref<8x1024xf32, #tpu.memory_space<hbm>>
      %dma_start3A_366 = arith.constant 0 : i32
      %dma_start3A_367 = arith.constant 0 : i32
      %dma_start3A_368 = tpu.memref_slice %arg9[%dma_start3A_366, %dma_start3A_367] : memref<32x1024xf32, #tpu.memory_space<vmem>> -> memref<8x1024xf32, #tpu.memory_space<vmem>>
      tpu.enqueue_dma source(%dma_start3A_368 : memref<8x1024xf32, #tpu.memory_space<vmem>>) target(%dma_start3A_365 : memref<8x1024xf32, #tpu.memory_space<hbm>>) target_semaphore(%arg21 : memref<!tpu.dma_semaphore, #tpu.memory_space<semaphore_mem>>)
      %add3A_369 = arith.constant 4096 : i32
      %add3A_370 = arith.addi %add3A_369, %mul3A_2 : i32
      %mul3A_371 = arith.constant 8 : i32
      %mul3A_372 = arith.muli %add3A_317, %mul3A_371 : i32
      %add3A_373 = arith.addi %add3A_370, %mul3A_372 : i32
      %dma_start3A_374 = arith.constant 8 : i32
      %dma_start3A_375 = arith.constant 0 : i32
      %dma_start3A_376 = tpu.memref_slice %arg9[%dma_start3A_374, %dma_start3A_375] : memref<32x1024xf32, #tpu.memory_space<vmem>> -> memref<8x1024xf32, #tpu.memory_space<vmem>>
      %dma_start3A_377 = arith.constant 0 : i32
      %dma_start3A_378 = tpu.memref_slice %arg5[%add3A_373, %dma_start3A_377] : memref<16384x1024xf32, #tpu.memory_space<hbm>> -> memref<8x1024xf32, #tpu.memory_space<hbm>>
      %dma_start3A_379 = arith.constant 0 : i32
      %dma_start3A_380 = tpu.memref_slice %arg5[%add3A_373, %dma_start3A_379] : memref<16384x1024xf32, #tpu.memory_space<hbm>> -> memref<8x1024xf32, #tpu.memory_space<hbm>>
      %dma_start3A_381 = arith.constant 8 : i32
      %dma_start3A_382 = arith.constant 0 : i32
      %dma_start3A_383 = tpu.memref_slice %arg9[%dma_start3A_381, %dma_start3A_382] : memref<32x1024xf32, #tpu.memory_space<vmem>> -> memref<8x1024xf32, #tpu.memory_space<vmem>>
      tpu.enqueue_dma source(%dma_start3A_383 : memref<8x1024xf32, #tpu.memory_space<vmem>>) target(%dma_start3A_380 : memref<8x1024xf32, #tpu.memory_space<hbm>>) target_semaphore(%arg21 : memref<!tpu.dma_semaphore, #tpu.memory_space<semaphore_mem>>)
      %add3A_384 = arith.constant 8192 : i32
      %add3A_385 = arith.addi %add3A_384, %mul3A_2 : i32
      %mul3A_386 = arith.constant 8 : i32
      %mul3A_387 = arith.muli %add3A_317, %mul3A_386 : i32
      %add3A_388 = arith.addi %add3A_385, %mul3A_387 : i32
      %dma_start3A_389 = arith.constant 16 : i32
      %dma_start3A_390 = arith.constant 0 : i32
      %dma_start3A_391 = tpu.memref_slice %arg9[%dma_start3A_389, %dma_start3A_390] : memref<32x1024xf32, #tpu.memory_space<vmem>> -> memref<8x1024xf32, #tpu.memory_space<vmem>>
      %dma_start3A_392 = arith.constant 0 : i32
      %dma_start3A_393 = tpu.memref_slice %arg5[%add3A_388, %dma_start3A_392] : memref<16384x1024xf32, #tpu.memory_space<hbm>> -> memref<8x1024xf32, #tpu.memory_space<hbm>>
      %dma_start3A_394 = arith.constant 0 : i32
      %dma_start3A_395 = tpu.memref_slice %arg5[%add3A_388, %dma_start3A_394] : memref<16384x1024xf32, #tpu.memory_space<hbm>> -> memref<8x1024xf32, #tpu.memory_space<hbm>>
      %dma_start3A_396 = arith.constant 16 : i32
      %dma_start3A_397 = arith.constant 0 : i32
      %dma_start3A_398 = tpu.memref_slice %arg9[%dma_start3A_396, %dma_start3A_397] : memref<32x1024xf32, #tpu.memory_space<vmem>> -> memref<8x1024xf32, #tpu.memory_space<vmem>>
      tpu.enqueue_dma source(%dma_start3A_398 : memref<8x1024xf32, #tpu.memory_space<vmem>>) target(%dma_start3A_395 : memref<8x1024xf32, #tpu.memory_space<hbm>>) target_semaphore(%arg21 : memref<!tpu.dma_semaphore, #tpu.memory_space<semaphore_mem>>)
      %add3A_399 = arith.constant 12288 : i32
      %add3A_400 = arith.addi %add3A_399, %mul3A_2 : i32
      %mul3A_401 = arith.constant 8 : i32
      %mul3A_402 = arith.muli %add3A_317, %mul3A_401 : i32
      %add3A_403 = arith.addi %add3A_400, %mul3A_402 : i32
      %dma_start3A_404 = arith.constant 24 : i32
      %dma_start3A_405 = arith.constant 0 : i32
      %dma_start3A_406 = tpu.memref_slice %arg9[%dma_start3A_404, %dma_start3A_405] : memref<32x1024xf32, #tpu.memory_space<vmem>> -> memref<8x1024xf32, #tpu.memory_space<vmem>>
      %dma_start3A_407 = arith.constant 0 : i32
      %dma_start3A_408 = tpu.memref_slice %arg5[%add3A_403, %dma_start3A_407] : memref<16384x1024xf32, #tpu.memory_space<hbm>> -> memref<8x1024xf32, #tpu.memory_space<hbm>>
      %dma_start3A_409 = arith.constant 0 : i32
      %dma_start3A_410 = tpu.memref_slice %arg5[%add3A_403, %dma_start3A_409] : memref<16384x1024xf32, #tpu.memory_space<hbm>> -> memref<8x1024xf32, #tpu.memory_space<hbm>>
      %dma_start3A_411 = arith.constant 24 : i32
      %dma_start3A_412 = arith.constant 0 : i32
      %dma_start3A_413 = tpu.memref_slice %arg9[%dma_start3A_411, %dma_start3A_412] : memref<32x1024xf32, #tpu.memory_space<vmem>> -> memref<8x1024xf32, #tpu.memory_space<vmem>>
      tpu.enqueue_dma source(%dma_start3A_413 : memref<8x1024xf32, #tpu.memory_space<vmem>>) target(%dma_start3A_410 : memref<8x1024xf32, #tpu.memory_space<hbm>>) target_semaphore(%arg21 : memref<!tpu.dma_semaphore, #tpu.memory_space<semaphore_mem>>)
      %scan3A_414 = arith.constant 0 : i32
      scf.yield %scan3A_414 : i32
    }
    %scan3A_29 = arith.constant 5 : i32
    %dma_wait3A = arith.constant 480 : i32
    %dma_wait3A_30 = tpu.memref_slice %arg6[%dma_wait3A] : memref<512xi32, #tpu.memory_space<vmem>> -> memref<32xi32, #tpu.memory_space<vmem>>
    %dma_wait3A_31 = arith.constant 0 : i32
    %dma_wait3A_32 = arith.constant 0 : i32
    %dma_wait3A_33 = tpu.memref_slice %arg3[%dma_wait3A_31, %dma_wait3A_32] : memref<100000x1024xf32, #tpu.memory_space<hbm>> -> memref<100000x1024xf32, #tpu.memory_space<hbm>>
    tpu.wait_indirect_dma semaphore(%arg13 : memref<!tpu.dma_semaphore, #tpu.memory_space<semaphore_mem>>) src(%dma_wait3A_33 : memref<100000x1024xf32, #tpu.memory_space<hbm>>) dst(%arg7 : memref<32x1024xf32, #tpu.memory_space<vmem>>)
    %dma_wait3A_34 = arith.constant 0 : i32
    %dma_wait3A_35 = arith.constant 0 : i32
    %dma_wait3A_36 = tpu.memref_slice %arg4[%dma_wait3A_34, %dma_wait3A_35] : memref<4096x1024xf32, #tpu.memory_space<hbm>> -> memref<8x1024xf32, #tpu.memory_space<hbm>>
    %dma_wait3A_37 = arith.constant 0 : i32
    %dma_wait3A_38 = arith.constant 0 : i32
    %dma_wait3A_39 = tpu.memref_slice %arg4[%dma_wait3A_37, %dma_wait3A_38] : memref<4096x1024xf32, #tpu.memory_space<hbm>> -> memref<8x1024xf32, #tpu.memory_space<hbm>>
    tpu.wait_dma2 semaphore(%arg16 : memref<!tpu.dma_semaphore, #tpu.memory_space<semaphore_mem>>) src(%dma_wait3A_39 : memref<8x1024xf32, #tpu.memory_space<hbm>>) dst(%arg10 : memref<8x1024xf32, #tpu.memory_space<vmem>>)
    %scan3A_40 = arith.constant 0 : i32
    %scan3A_41 = arith.constant 0 : i32
    %scan3A_42 = arith.constant 64 : i32
    %scan3A_43 = arith.addi %scan3A_41, %scan3A_42 : i32
    %scan3A_44 = arith.constant 1 : i32
    %scan3A_45 = scf.for %scan3A_121 = %scan3A_41 to %scan3A_43 step %scan3A_44 iter_args(%scan3A_122 = %scan3A_40) -> (i32)  : i32 {
      %mul3A_123 = arith.constant 16 : i32
      %mul3A_124 = arith.muli %scan3A_121, %mul3A_123 : i32
      %get3A = arith.constant 0 : i32
      %get3A_125 = arith.index_cast %get3A : i32 to index
      %get3A_126 = arith.index_cast %mul3A_124 : i32 to index
      %get3A_127 = tpu.vector_load %arg10[%get3A_125, %get3A_126] {strides = array<i32>} : memref<8x1024xf32, #tpu.memory_space<vmem>>, vector<1x16xf32>,
      %get3A_128 = vector.shape_cast %get3A_127 : vector<1x16xf32> to vector<16xf32>
      %mul3A_129 = arith.constant 3.200000e+01 : f32
      %mul3A_130 = vector.broadcast %mul3A_129 : f32 to vector<16xf32>
      %mul3A_131 = arith.mulf %get3A_128, %mul3A_130 : vector<16xf32>
      %get3A_132 = arith.constant 0 : i32
      %get3A_133 = arith.index_cast %get3A_132 : i32 to index
      %get3A_134 = arith.index_cast %mul3A_124 : i32 to index
      %get3A_135 = tpu.vector_load %arg7[%get3A_133, %get3A_134] {strides = array<i32>} : memref<32x1024xf32, #tpu.memory_space<vmem>>, vector<1x16xf32>,
      %get3A_136 = vector.shape_cast %get3A_135 : vector<1x16xf32> to vector<16xf32>
      %mul3A_137 = arith.constant 3.200000e+01 : f32
      %mul3A_138 = vector.broadcast %mul3A_137 : f32 to vector<16xf32>
      %mul3A_139 = arith.mulf %get3A_136, %mul3A_138 : vector<16xf32>
      %add3A_140 = arith.addf %mul3A_139, %mul3A_131 : vector<16xf32>
      %swap3A = arith.constant 0 : i32
      %swap3A_141 = arith.index_cast %swap3A : i32 to index
      %swap3A_142 = arith.index_cast %mul3A_124 : i32 to index
      %swap3A_143 = tpu.vector_load %arg7[%swap3A_141, %swap3A_142] {strides = array<i32>} : memref<32x1024xf32, #tpu.memory_space<vmem>>, vector<1x16xf32>,
      %swap3A_144 = vector.shape_cast %swap3A_143 : vector<1x16xf32> to vector<16xf32>
      %swap3A_145 = vector.shape_cast %add3A_140 : vector<16xf32> to vector<1x16xf32>
      tpu.vector_store %arg7[%swap3A_141, %swap3A_142], %swap3A_145 {strides = array<i32>} : memref<32x1024xf32, #tpu.memory_space<vmem>>, vector<1x16xf32>,
      %get3A_146 = arith.constant 8 : i32
      %get3A_147 = arith.index_cast %get3A_146 : i32 to index
      %get3A_148 = arith.index_cast %mul3A_124 : i32 to index
      %get3A_149 = tpu.vector_load %arg7[%get3A_147, %get3A_148] {strides = array<i32>} : memref<32x1024xf32, #tpu.memory_space<vmem>>, vector<1x16xf32>,
      %get3A_150 = vector.shape_cast %get3A_149 : vector<1x16xf32> to vector<16xf32>
      %mul3A_151 = arith.constant 3.200000e+01 : f32
      %mul3A_152 = vector.broadcast %mul3A_151 : f32 to vector<16xf32>
      %mul3A_153 = arith.mulf %get3A_150, %mul3A_152 : vector<16xf32>
      %add3A_154 = arith.addf %mul3A_153, %mul3A_131 : vector<16xf32>
      %swap3A_155 = arith.constant 8 : i32
      %swap3A_156 = arith.index_cast %swap3A_155 : i32 to index
      %swap3A_157 = arith.index_cast %mul3A_124 : i32 to index
      %swap3A_158 = tpu.vector_load %arg7[%swap3A_156, %swap3A_157] {strides = array<i32>} : memref<32x1024xf32, #tpu.memory_space<vmem>>, vector<1x16xf32>,
      %swap3A_159 = vector.shape_cast %swap3A_158 : vector<1x16xf32> to vector<16xf32>
      %swap3A_160 = vector.shape_cast %add3A_154 : vector<16xf32> to vector<1x16xf32>
      tpu.vector_store %arg7[%swap3A_156, %swap3A_157], %swap3A_160 {strides = array<i32>} : memref<32x1024xf32, #tpu.memory_space<vmem>>, vector<1x16xf32>,
      %get3A_161 = arith.constant 16 : i32
      %get3A_162 = arith.index_cast %get3A_161 : i32 to index
      %get3A_163 = arith.index_cast %mul3A_124 : i32 to index
      %get3A_164 = tpu.vector_load %arg7[%get3A_162, %get3A_163] {strides = array<i32>} : memref<32x1024xf32, #tpu.memory_space<vmem>>, vector<1x16xf32>,
      %get3A_165 = vector.shape_cast %get3A_164 : vector<1x16xf32> to vector<16xf32>
      %mul3A_166 = arith.constant 3.200000e+01 : f32
      %mul3A_167 = vector.broadcast %mul3A_166 : f32 to vector<16xf32>
      %mul3A_168 = arith.mulf %get3A_165, %mul3A_167 : vector<16xf32>
      %add3A_169 = arith.addf %mul3A_168, %mul3A_131 : vector<16xf32>
      %swap3A_170 = arith.constant 16 : i32
      %swap3A_171 = arith.index_cast %swap3A_170 : i32 to index
      %swap3A_172 = arith.index_cast %mul3A_124 : i32 to index
      %swap3A_173 = tpu.vector_load %arg7[%swap3A_171, %swap3A_172] {strides = array<i32>} : memref<32x1024xf32, #tpu.memory_space<vmem>>, vector<1x16xf32>,
      %swap3A_174 = vector.shape_cast %swap3A_173 : vector<1x16xf32> to vector<16xf32>
      %swap3A_175 = vector.shape_cast %add3A_169 : vector<16xf32> to vector<1x16xf32>
      tpu.vector_store %arg7[%swap3A_171, %swap3A_172], %swap3A_175 {strides = array<i32>} : memref<32x1024xf32, #tpu.memory_space<vmem>>, vector<1x16xf32>,
      %get3A_176 = arith.constant 24 : i32
      %get3A_177 = arith.index_cast %get3A_176 : i32 to index
      %get3A_178 = arith.index_cast %mul3A_124 : i32 to index
      %get3A_179 = tpu.vector_load %arg7[%get3A_177, %get3A_178] {strides = array<i32>} : memref<32x1024xf32, #tpu.memory_space<vmem>>, vector<1x16xf32>,
      %get3A_180 = vector.shape_cast %get3A_179 : vector<1x16xf32> to vector<16xf32>
      %mul3A_181 = arith.constant 3.200000e+01 : f32
      %mul3A_182 = vector.broadcast %mul3A_181 : f32 to vector<16xf32>
      %mul3A_183 = arith.mulf %get3A_180, %mul3A_182 : vector<16xf32>
      %add3A_184 = arith.addf %mul3A_183, %mul3A_131 : vector<16xf32>
      %swap3A_185 = arith.constant 24 : i32
      %swap3A_186 = arith.index_cast %swap3A_185 : i32 to index
      %swap3A_187 = arith.index_cast %mul3A_124 : i32 to index
      %swap3A_188 = tpu.vector_load %arg7[%swap3A_186, %swap3A_187] {strides = array<i32>} : memref<32x1024xf32, #tpu.memory_space<vmem>>, vector<1x16xf32>,
      %swap3A_189 = vector.shape_cast %swap3A_188 : vector<1x16xf32> to vector<16xf32>
      %swap3A_190 = vector.shape_cast %add3A_184 : vector<16xf32> to vector<1x16xf32>
      tpu.vector_store %arg7[%swap3A_186, %swap3A_187], %swap3A_190 {strides = array<i32>} : memref<32x1024xf32, #tpu.memory_space<vmem>>, vector<1x16xf32>,
      %get3A_191 = arith.constant 1 : i32
      %get3A_192 = arith.index_cast %get3A_191 : i32 to index
      %get3A_193 = arith.index_cast %mul3A_124 : i32 to index
      %get3A_194 = tpu.vector_load %arg10[%get3A_192, %get3A_193] {strides = array<i32>} : memref<8x1024xf32, #tpu.memory_space<vmem>>, vector<1x16xf32>,
      %get3A_195 = vector.shape_cast %get3A_194 : vector<1x16xf32> to vector<16xf32>
      %mul3A_196 = arith.constant 3.200000e+01 : f32
      %mul3A_197 = vector.broadcast %mul3A_196 : f32 to vector<16xf32>
      %mul3A_198 = arith.mulf %get3A_195, %mul3A_197 : vector<16xf32>
      %get3A_199 = arith.constant 1 : i32
      %get3A_200 = arith.index_cast %get3A_199 : i32 to index
      %get3A_201 = arith.index_cast %mul3A_124 : i32 to index
      %get3A_202 = tpu.vector_load %arg7[%get3A_200, %get3A_201] {strides = array<i32>} : memref<32x1024xf32, #tpu.memory_space<vmem>>, vector<1x16xf32>,
      %get3A_203 = vector.shape_cast %get3A_202 : vector<1x16xf32> to vector<16xf32>
      %mul3A_204 = arith.constant 3.200000e+01 : f32
      %mul3A_205 = vector.broadcast %mul3A_204 : f32 to vector<16xf32>
      %mul3A_206 = arith.mulf %get3A_203, %mul3A_205 : vector<16xf32>
      %add3A_207 = arith.addf %mul3A_206, %mul3A_198 : vector<16xf32>
      %swap3A_208 = arith.constant 1 : i32
      %swap3A_209 = arith.index_cast %swap3A_208 : i32 to index
      %swap3A_210 = arith.index_cast %mul3A_124 : i32 to index
      %swap3A_211 = tpu.vector_load %arg7[%swap3A_209, %swap3A_210] {strides = array<i32>} : memref<32x1024xf32, #tpu.memory_space<vmem>>, vector<1x16xf32>,
      %swap3A_212 = vector.shape_cast %swap3A_211 : vector<1x16xf32> to vector<16xf32>
      %swap3A_213 = vector.shape_cast %add3A_207 : vector<16xf32> to vector<1x16xf32>
      tpu.vector_store %arg7[%swap3A_209, %swap3A_210], %swap3A_213 {strides = array<i32>} : memref<32x1024xf32, #tpu.memory_space<vmem>>, vector<1x16xf32>,
      %get3A_214 = arith.constant 9 : i32
      %get3A_215 = arith.index_cast %get3A_214 : i32 to index
      %get3A_216 = arith.index_cast %mul3A_124 : i32 to index
      %get3A_217 = tpu.vector_load %arg7[%get3A_215, %get3A_216] {strides = array<i32>} : memref<32x1024xf32, #tpu.memory_space<vmem>>, vector<1x16xf32>,
      %get3A_218 = vector.shape_cast %get3A_217 : vector<1x16xf32> to vector<16xf32>
      %mul3A_219 = arith.constant 3.200000e+01 : f32
      %mul3A_220 = vector.broadcast %mul3A_219 : f32 to vector<16xf32>
      %mul3A_221 = arith.mulf %get3A_218, %mul3A_220 : vector<16xf32>
      %add3A_222 = arith.addf %mul3A_221, %mul3A_198 : vector<16xf32>
      %swap3A_223 = arith.constant 9 : i32
      %swap3A_224 = arith.index_cast %swap3A_223 : i32 to index
      %swap3A_225 = arith.index_cast %mul3A_124 : i32 to index
      %swap3A_226 = tpu.vector_load %arg7[%swap3A_224, %swap3A_225] {strides = array<i32>} : memref<32x1024xf32, #tpu.memory_space<vmem>>, vector<1x16xf32>,
      %swap3A_227 = vector.shape_cast %swap3A_226 : vector<1x16xf32> to vector<16xf32>
      %swap3A_228 = vector.shape_cast %add3A_222 : vector<16xf32> to vector<1x16xf32>
      tpu.vector_store %arg7[%swap3A_224, %swap3A_225], %swap3A_228 {strides = array<i32>} : memref<32x1024xf32, #tpu.memory_space<vmem>>, vector<1x16xf32>,
      %get3A_229 = arith.constant 17 : i32
      %get3A_230 = arith.index_cast %get3A_229 : i32 to index
      %get3A_231 = arith.index_cast %mul3A_124 : i32 to index
      %get3A_232 = tpu.vector_load %arg7[%get3A_230, %get3A_231] {strides = array<i32>} : memref<32x1024xf32, #tpu.memory_space<vmem>>, vector<1x16xf32>,
      %get3A_233 = vector.shape_cast %get3A_232 : vector<1x16xf32> to vector<16xf32>
      %mul3A_234 = arith.constant 3.200000e+01 : f32
      %mul3A_235 = vector.broadcast %mul3A_234 : f32 to vector<16xf32>
      %mul3A_236 = arith.mulf %get3A_233, %mul3A_235 : vector<16xf32>
      %add3A_237 = arith.addf %mul3A_236, %mul3A_198 : vector<16xf32>
      %swap3A_238 = arith.constant 17 : i32
      %swap3A_239 = arith.index_cast %swap3A_238 : i32 to index
      %swap3A_240 = arith.index_cast %mul3A_124 : i32 to index
      %swap3A_241 = tpu.vector_load %arg7[%swap3A_239, %swap3A_240] {strides = array<i32>} : memref<32x1024xf32, #tpu.memory_space<vmem>>, vector<1x16xf32>,
      %swap3A_242 = vector.shape_cast %swap3A_241 : vector<1x16xf32> to vector<16xf32>
      %swap3A_243 = vector.shape_cast %add3A_237 : vector<16xf32> to vector<1x16xf32>
      tpu.vector_store %arg7[%swap3A_239, %swap3A_240], %swap3A_243 {strides = array<i32>} : memref<32x1024xf32, #tpu.memory_space<vmem>>, vector<1x16xf32>,
      %get3A_244 = arith.constant 25 : i32
      %get3A_245 = arith.index_cast %get3A_244 : i32 to index
      %get3A_246 = arith.index_cast %mul3A_124 : i32 to index
      %get3A_247 = tpu.vector_load %arg7[%get3A_245, %get3A_246] {strides = array<i32>} : memref<32x1024xf32, #tpu.memory_space<vmem>>, vector<1x16xf32>,
      %get3A_248 = vector.shape_cast %get3A_247 : vector<1x16xf32> to vector<16xf32>
      %mul3A_249 = arith.constant 3.200000e+01 : f32
      %mul3A_250 = vector.broadcast %mul3A_249 : f32 to vector<16xf32>
      %mul3A_251 = arith.mulf %get3A_248, %mul3A_250 : vector<16xf32>
      %add3A_252 = arith.addf %mul3A_251, %mul3A_198 : vector<16xf32>
      %swap3A_253 = arith.constant 25 : i32
      %swap3A_254 = arith.index_cast %swap3A_253 : i32 to index
      %swap3A_255 = arith.index_cast %mul3A_124 : i32 to index
      %swap3A_256 = tpu.vector_load %arg7[%swap3A_254, %swap3A_255] {strides = array<i32>} : memref<32x1024xf32, #tpu.memory_space<vmem>>, vector<1x16xf32>,
      %swap3A_257 = vector.shape_cast %swap3A_256 : vector<1x16xf32> to vector<16xf32>
      %swap3A_258 = vector.shape_cast %add3A_252 : vector<16xf32> to vector<1x16xf32>
      tpu.vector_store %arg7[%swap3A_254, %swap3A_255], %swap3A_258 {strides = array<i32>} : memref<32x1024xf32, #tpu.memory_space<vmem>>, vector<1x16xf32>,
      %get3A_259 = arith.constant 2 : i32
      %get3A_260 = arith.index_cast %get3A_259 : i32 to index
      %get3A_261 = arith.index_cast %mul3A_124 : i32 to index
      %get3A_262 = tpu.vector_load %arg10[%get3A_260, %get3A_261] {strides = array<i32>} : memref<8x1024xf32, #tpu.memory_space<vmem>>, vector<1x16xf32>,
      %get3A_263 = vector.shape_cast %get3A_262 : vector<1x16xf32> to vector<16xf32>
      %mul3A_264 = arith.constant 3.200000e+01 : f32
      %mul3A_265 = vector.broadcast %mul3A_264 : f32 to vector<16xf32>
      %mul3A_266 = arith.mulf %get3A_263, %mul3A_265 : vector<16xf32>
      %get3A_267 = arith.constant 2 : i32
      %get3A_268 = arith.index_cast %get3A_267 : i32 to index
      %get3A_269 = arith.index_cast %mul3A_124 : i32 to index
      %get3A_270 = tpu.vector_load %arg7[%get3A_268, %get3A_269] {strides = array<i32>} : memref<32x1024xf32, #tpu.memory_space<vmem>>, vector<1x16xf32>,
      %get3A_271 = vector.shape_cast %get3A_270 : vector<1x16xf32> to vector<16xf32>
      %mul3A_272 = arith.constant 3.200000e+01 : f32
      %mul3A_273 = vector.broadcast %mul3A_272 : f32 to vector<16xf32>
      %mul3A_274 = arith.mulf %get3A_271, %mul3A_273 : vector<16xf32>
      %add3A_275 = arith.addf %mul3A_274, %mul3A_266 : vector<16xf32>
      %swap3A_276 = arith.constant 2 : i32
      %swap3A_277 = arith.index_cast %swap3A_276 : i32 to index
      %swap3A_278 = arith.index_cast %mul3A_124 : i32 to index
      %swap3A_279 = tpu.vector_load %arg7[%swap3A_277, %swap3A_278] {strides = array<i32>} : memref<32x1024xf32, #tpu.memory_space<vmem>>, vector<1x16xf32>,
      %swap3A_280 = vector.shape_cast %swap3A_279 : vector<1x16xf32> to vector<16xf32>
      %swap3A_281 = vector.shape_cast %add3A_275 : vector<16xf32> to vector<1x16xf32>
      tpu.vector_store %arg7[%swap3A_277, %swap3A_278], %swap3A_281 {strides = array<i32>} : memref<32x1024xf32, #tpu.memory_space<vmem>>, vector<1x16xf32>,
      %get3A_282 = arith.constant 10 : i32
      %get3A_283 = arith.index_cast %get3A_282 : i32 to index
      %get3A_284 = arith.index_cast %mul3A_124 : i32 to index
      %get3A_285 = tpu.vector_load %arg7[%get3A_283, %get3A_284] {strides = array<i32>} : memref<32x1024xf32, #tpu.memory_space<vmem>>, vector<1x16xf32>,
      %get3A_286 = vector.shape_cast %get3A_285 : vector<1x16xf32> to vector<16xf32>
      %mul3A_287 = arith.constant 3.200000e+01 : f32
      %mul3A_288 = vector.broadcast %mul3A_287 : f32 to vector<16xf32>
      %mul3A_289 = arith.mulf %get3A_286, %mul3A_288 : vector<16xf32>
      %add3A_290 = arith.addf %mul3A_289, %mul3A_266 : vector<16xf32>
      %swap3A_291 = arith.constant 10 : i32
      %swap3A_292 = arith.index_cast %swap3A_291 : i32 to index
      %swap3A_293 = arith.index_cast %mul3A_124 : i32 to index
      %swap3A_294 = tpu.vector_load %arg7[%swap3A_292, %swap3A_293] {strides = array<i32>} : memref<32x1024xf32, #tpu.memory_space<vmem>>, vector<1x16xf32>,
      %swap3A_295 = vector.shape_cast %swap3A_294 : vector<1x16xf32> to vector<16xf32>
      %swap3A_296 = vector.shape_cast %add3A_290 : vector<16xf32> to vector<1x16xf32>
      tpu.vector_store %arg7[%swap3A_292, %swap3A_293], %swap3A_296 {strides = array<i32>} : memref<32x1024xf32, #tpu.memory_space<vmem>>, vector<1x16xf32>,
      %get3A_297 = arith.constant 18 : i32
      %get3A_298 = arith.index_cast %get3A_297 : i32 to index
      %get3A_299 = arith.index_cast %mul3A_124 : i32 to index
      %get3A_300 = tpu.vector_load %arg7[%get3A_298, %get3A_299] {strides = array<i32>} : memref<32x1024xf32, #tpu.memory_space<vmem>>, vector<1x16xf32>,
      %get3A_301 = vector.shape_cast %get3A_300 : vector<1x16xf32> to vector<16xf32>
      %mul3A_302 = arith.constant 3.200000e+01 : f32
      %mul3A_303 = vector.broadcast %mul3A_302 : f32 to vector<16xf32>
      %mul3A_304 = arith.mulf %get3A_301, %mul3A_303 : vector<16xf32>
      %add3A_305 = arith.addf %mul3A_304, %mul3A_266 : vector<16xf32>
      %swap3A_306 = arith.constant 18 : i32
      %swap3A_307 = arith.index_cast %swap3A_306 : i32 to index
      %swap3A_308 = arith.index_cast %mul3A_124 : i32 to index
      %swap3A_309 = tpu.vector_load %arg7[%swap3A_307, %swap3A_308] {strides = array<i32>} : memref<32x1024xf32, #tpu.memory_space<vmem>>, vector<1x16xf32>,
      %swap3A_310 = vector.shape_cast %swap3A_309 : vector<1x16xf32> to vector<16xf32>
      %swap3A_311 = vector.shape_cast %add3A_305 : vector<16xf32> to vector<1x16xf32>
      tpu.vector_store %arg7[%swap3A_307, %swap3A_308], %swap3A_311 {strides = array<i32>} : memref<32x1024xf32, #tpu.memory_space<vmem>>, vector<1x16xf32>,
      %get3A_312 = arith.constant 26 : i32
      %get3A_313 = arith.index_cast %get3A_312 : i32 to index
      %get3A_314 = arith.index_cast %mul3A_124 : i32 to index
      %get3A_315 = tpu.vector_load %arg7[%get3A_313, %get3A_314] {strides = array<i32>} : memref<32x1024xf32, #tpu.memory_space<vmem>>, vector<1x16xf32>,
      %get3A_316 = vector.shape_cast %get3A_315 : vector<1x16xf32> to vector<16xf32>
      %mul3A_317 = arith.constant 3.200000e+01 : f32
      %mul3A_318 = vector.broadcast %mul3A_317 : f32 to vector<16xf32>
      %mul3A_319 = arith.mulf %get3A_316, %mul3A_318 : vector<16xf32>
      %add3A_320 = arith.addf %mul3A_319, %mul3A_266 : vector<16xf32>
      %swap3A_321 = arith.constant 26 : i32
      %swap3A_322 = arith.index_cast %swap3A_321 : i32 to index
      %swap3A_323 = arith.index_cast %mul3A_124 : i32 to index
      %swap3A_324 = tpu.vector_load %arg7[%swap3A_322, %swap3A_323] {strides = array<i32>} : memref<32x1024xf32, #tpu.memory_space<vmem>>, vector<1x16xf32>,
      %swap3A_325 = vector.shape_cast %swap3A_324 : vector<1x16xf32> to vector<16xf32>
      %swap3A_326 = vector.shape_cast %add3A_320 : vector<16xf32> to vector<1x16xf32>
      tpu.vector_store %arg7[%swap3A_322, %swap3A_323], %swap3A_326 {strides = array<i32>} : memref<32x1024xf32, #tpu.memory_space<vmem>>, vector<1x16xf32>,
      %get3A_327 = arith.constant 3 : i32
      %get3A_328 = arith.index_cast %get3A_327 : i32 to index
      %get3A_329 = arith.index_cast %mul3A_124 : i32 to index
      %get3A_330 = tpu.vector_load %arg10[%get3A_328, %get3A_329] {strides = array<i32>} : memref<8x1024xf32, #tpu.memory_space<vmem>>, vector<1x16xf32>,
      %get3A_331 = vector.shape_cast %get3A_330 : vector<1x16xf32> to vector<16xf32>
      %mul3A_332 = arith.constant 3.200000e+01 : f32
      %mul3A_333 = vector.broadcast %mul3A_332 : f32 to vector<16xf32>
      %mul3A_334 = arith.mulf %get3A_331, %mul3A_333 : vector<16xf32>
      %get3A_335 = arith.constant 3 : i32
      %get3A_336 = arith.index_cast %get3A_335 : i32 to index
      %get3A_337 = arith.index_cast %mul3A_124 : i32 to index
      %get3A_338 = tpu.vector_load %arg7[%get3A_336, %get3A_337] {strides = array<i32>} : memref<32x1024xf32, #tpu.memory_space<vmem>>, vector<1x16xf32>,
      %get3A_339 = vector.shape_cast %get3A_338 : vector<1x16xf32> to vector<16xf32>
      %mul3A_340 = arith.constant 3.200000e+01 : f32
      %mul3A_341 = vector.broadcast %mul3A_340 : f32 to vector<16xf32>
      %mul3A_342 = arith.mulf %get3A_339, %mul3A_341 : vector<16xf32>
      %add3A_343 = arith.addf %mul3A_342, %mul3A_334 : vector<16xf32>
      %swap3A_344 = arith.constant 3 : i32
      %swap3A_345 = arith.index_cast %swap3A_344 : i32 to index
      %swap3A_346 = arith.index_cast %mul3A_124 : i32 to index
      %swap3A_347 = tpu.vector_load %arg7[%swap3A_345, %swap3A_346] {strides = array<i32>} : memref<32x1024xf32, #tpu.memory_space<vmem>>, vector<1x16xf32>,
      %swap3A_348 = vector.shape_cast %swap3A_347 : vector<1x16xf32> to vector<16xf32>
      %swap3A_349 = vector.shape_cast %add3A_343 : vector<16xf32> to vector<1x16xf32>
      tpu.vector_store %arg7[%swap3A_345, %swap3A_346], %swap3A_349 {strides = array<i32>} : memref<32x1024xf32, #tpu.memory_space<vmem>>, vector<1x16xf32>,
      %get3A_350 = arith.constant 11 : i32
      %get3A_351 = arith.index_cast %get3A_350 : i32 to index
      %get3A_352 = arith.index_cast %mul3A_124 : i32 to index
      %get3A_353 = tpu.vector_load %arg7[%get3A_351, %get3A_352] {strides = array<i32>} : memref<32x1024xf32, #tpu.memory_space<vmem>>, vector<1x16xf32>,
      %get3A_354 = vector.shape_cast %get3A_353 : vector<1x16xf32> to vector<16xf32>
      %mul3A_355 = arith.constant 3.200000e+01 : f32
      %mul3A_356 = vector.broadcast %mul3A_355 : f32 to vector<16xf32>
      %mul3A_357 = arith.mulf %get3A_354, %mul3A_356 : vector<16xf32>
      %add3A_358 = arith.addf %mul3A_357, %mul3A_334 : vector<16xf32>
      %swap3A_359 = arith.constant 11 : i32
      %swap3A_360 = arith.index_cast %swap3A_359 : i32 to index
      %swap3A_361 = arith.index_cast %mul3A_124 : i32 to index
      %swap3A_362 = tpu.vector_load %arg7[%swap3A_360, %swap3A_361] {strides = array<i32>} : memref<32x1024xf32, #tpu.memory_space<vmem>>, vector<1x16xf32>,
      %swap3A_363 = vector.shape_cast %swap3A_362 : vector<1x16xf32> to vector<16xf32>
      %swap3A_364 = vector.shape_cast %add3A_358 : vector<16xf32> to vector<1x16xf32>
      tpu.vector_store %arg7[%swap3A_360, %swap3A_361], %swap3A_364 {strides = array<i32>} : memref<32x1024xf32, #tpu.memory_space<vmem>>, vector<1x16xf32>,
      %get3A_365 = arith.constant 19 : i32
      %get3A_366 = arith.index_cast %get3A_365 : i32 to index
      %get3A_367 = arith.index_cast %mul3A_124 : i32 to index
      %get3A_368 = tpu.vector_load %arg7[%get3A_366, %get3A_367] {strides = array<i32>} : memref<32x1024xf32, #tpu.memory_space<vmem>>, vector<1x16xf32>,
      %get3A_369 = vector.shape_cast %get3A_368 : vector<1x16xf32> to vector<16xf32>
      %mul3A_370 = arith.constant 3.200000e+01 : f32
      %mul3A_371 = vector.broadcast %mul3A_370 : f32 to vector<16xf32>
      %mul3A_372 = arith.mulf %get3A_369, %mul3A_371 : vector<16xf32>
      %add3A_373 = arith.addf %mul3A_372, %mul3A_334 : vector<16xf32>
      %swap3A_374 = arith.constant 19 : i32
      %swap3A_375 = arith.index_cast %swap3A_374 : i32 to index
      %swap3A_376 = arith.index_cast %mul3A_124 : i32 to index
      %swap3A_377 = tpu.vector_load %arg7[%swap3A_375, %swap3A_376] {strides = array<i32>} : memref<32x1024xf32, #tpu.memory_space<vmem>>, vector<1x16xf32>,
      %swap3A_378 = vector.shape_cast %swap3A_377 : vector<1x16xf32> to vector<16xf32>
      %swap3A_379 = vector.shape_cast %add3A_373 : vector<16xf32> to vector<1x16xf32>
      tpu.vector_store %arg7[%swap3A_375, %swap3A_376], %swap3A_379 {strides = array<i32>} : memref<32x1024xf32, #tpu.memory_space<vmem>>, vector<1x16xf32>,
      %get3A_380 = arith.constant 27 : i32
      %get3A_381 = arith.index_cast %get3A_380 : i32 to index
      %get3A_382 = arith.index_cast %mul3A_124 : i32 to index
      %get3A_383 = tpu.vector_load %arg7[%get3A_381, %get3A_382] {strides = array<i32>} : memref<32x1024xf32, #tpu.memory_space<vmem>>, vector<1x16xf32>,
      %get3A_384 = vector.shape_cast %get3A_383 : vector<1x16xf32> to vector<16xf32>
      %mul3A_385 = arith.constant 3.200000e+01 : f32
      %mul3A_386 = vector.broadcast %mul3A_385 : f32 to vector<16xf32>
      %mul3A_387 = arith.mulf %get3A_384, %mul3A_386 : vector<16xf32>
      %add3A_388 = arith.addf %mul3A_387, %mul3A_334 : vector<16xf32>
      %swap3A_389 = arith.constant 27 : i32
      %swap3A_390 = arith.index_cast %swap3A_389 : i32 to index
      %swap3A_391 = arith.index_cast %mul3A_124 : i32 to index
      %swap3A_392 = tpu.vector_load %arg7[%swap3A_390, %swap3A_391] {strides = array<i32>} : memref<32x1024xf32, #tpu.memory_space<vmem>>, vector<1x16xf32>,
      %swap3A_393 = vector.shape_cast %swap3A_392 : vector<1x16xf32> to vector<16xf32>
      %swap3A_394 = vector.shape_cast %add3A_388 : vector<16xf32> to vector<1x16xf32>
      tpu.vector_store %arg7[%swap3A_390, %swap3A_391], %swap3A_394 {strides = array<i32>} : memref<32x1024xf32, #tpu.memory_space<vmem>>, vector<1x16xf32>,
      %get3A_395 = arith.constant 4 : i32
      %get3A_396 = arith.index_cast %get3A_395 : i32 to index
      %get3A_397 = arith.index_cast %mul3A_124 : i32 to index
      %get3A_398 = tpu.vector_load %arg10[%get3A_396, %get3A_397] {strides = array<i32>} : memref<8x1024xf32, #tpu.memory_space<vmem>>, vector<1x16xf32>,
      %get3A_399 = vector.shape_cast %get3A_398 : vector<1x16xf32> to vector<16xf32>
      %mul3A_400 = arith.constant 3.200000e+01 : f32
      %mul3A_401 = vector.broadcast %mul3A_400 : f32 to vector<16xf32>
      %mul3A_402 = arith.mulf %get3A_399, %mul3A_401 : vector<16xf32>
      %get3A_403 = arith.constant 4 : i32
      %get3A_404 = arith.index_cast %get3A_403 : i32 to index
      %get3A_405 = arith.index_cast %mul3A_124 : i32 to index
      %get3A_406 = tpu.vector_load %arg7[%get3A_404, %get3A_405] {strides = array<i32>} : memref<32x1024xf32, #tpu.memory_space<vmem>>, vector<1x16xf32>,
      %get3A_407 = vector.shape_cast %get3A_406 : vector<1x16xf32> to vector<16xf32>
      %mul3A_408 = arith.constant 3.200000e+01 : f32
      %mul3A_409 = vector.broadcast %mul3A_408 : f32 to vector<16xf32>
      %mul3A_410 = arith.mulf %get3A_407, %mul3A_409 : vector<16xf32>
      %add3A_411 = arith.addf %mul3A_410, %mul3A_402 : vector<16xf32>
      %swap3A_412 = arith.constant 4 : i32
      %swap3A_413 = arith.index_cast %swap3A_412 : i32 to index
      %swap3A_414 = arith.index_cast %mul3A_124 : i32 to index
      %swap3A_415 = tpu.vector_load %arg7[%swap3A_413, %swap3A_414] {strides = array<i32>} : memref<32x1024xf32, #tpu.memory_space<vmem>>, vector<1x16xf32>,
      %swap3A_416 = vector.shape_cast %swap3A_415 : vector<1x16xf32> to vector<16xf32>
      %swap3A_417 = vector.shape_cast %add3A_411 : vector<16xf32> to vector<1x16xf32>
      tpu.vector_store %arg7[%swap3A_413, %swap3A_414], %swap3A_417 {strides = array<i32>} : memref<32x1024xf32, #tpu.memory_space<vmem>>, vector<1x16xf32>,
      %get3A_418 = arith.constant 12 : i32
      %get3A_419 = arith.index_cast %get3A_418 : i32 to index
      %get3A_420 = arith.index_cast %mul3A_124 : i32 to index
      %get3A_421 = tpu.vector_load %arg7[%get3A_419, %get3A_420] {strides = array<i32>} : memref<32x1024xf32, #tpu.memory_space<vmem>>, vector<1x16xf32>,
      %get3A_422 = vector.shape_cast %get3A_421 : vector<1x16xf32> to vector<16xf32>
      %mul3A_423 = arith.constant 3.200000e+01 : f32
      %mul3A_424 = vector.broadcast %mul3A_423 : f32 to vector<16xf32>
      %mul3A_425 = arith.mulf %get3A_422, %mul3A_424 : vector<16xf32>
      %add3A_426 = arith.addf %mul3A_425, %mul3A_402 : vector<16xf32>
      %swap3A_427 = arith.constant 12 : i32
      %swap3A_428 = arith.index_cast %swap3A_427 : i32 to index
      %swap3A_429 = arith.index_cast %mul3A_124 : i32 to index
      %swap3A_430 = tpu.vector_load %arg7[%swap3A_428, %swap3A_429] {strides = array<i32>} : memref<32x1024xf32, #tpu.memory_space<vmem>>, vector<1x16xf32>,
      %swap3A_431 = vector.shape_cast %swap3A_430 : vector<1x16xf32> to vector<16xf32>
      %swap3A_432 = vector.shape_cast %add3A_426 : vector<16xf32> to vector<1x16xf32>
      tpu.vector_store %arg7[%swap3A_428, %swap3A_429], %swap3A_432 {strides = array<i32>} : memref<32x1024xf32, #tpu.memory_space<vmem>>, vector<1x16xf32>,
      %get3A_433 = arith.constant 20 : i32
      %get3A_434 = arith.index_cast %get3A_433 : i32 to index
      %get3A_435 = arith.index_cast %mul3A_124 : i32 to index
      %get3A_436 = tpu.vector_load %arg7[%get3A_434, %get3A_435] {strides = array<i32>} : memref<32x1024xf32, #tpu.memory_space<vmem>>, vector<1x16xf32>,
      %get3A_437 = vector.shape_cast %get3A_436 : vector<1x16xf32> to vector<16xf32>
      %mul3A_438 = arith.constant 3.200000e+01 : f32
      %mul3A_439 = vector.broadcast %mul3A_438 : f32 to vector<16xf32>
      %mul3A_440 = arith.mulf %get3A_437, %mul3A_439 : vector<16xf32>
      %add3A_441 = arith.addf %mul3A_440, %mul3A_402 : vector<16xf32>
      %swap3A_442 = arith.constant 20 : i32
      %swap3A_443 = arith.index_cast %swap3A_442 : i32 to index
      %swap3A_444 = arith.index_cast %mul3A_124 : i32 to index
      %swap3A_445 = tpu.vector_load %arg7[%swap3A_443, %swap3A_444] {strides = array<i32>} : memref<32x1024xf32, #tpu.memory_space<vmem>>, vector<1x16xf32>,
      %swap3A_446 = vector.shape_cast %swap3A_445 : vector<1x16xf32> to vector<16xf32>
      %swap3A_447 = vector.shape_cast %add3A_441 : vector<16xf32> to vector<1x16xf32>
      tpu.vector_store %arg7[%swap3A_443, %swap3A_444], %swap3A_447 {strides = array<i32>} : memref<32x1024xf32, #tpu.memory_space<vmem>>, vector<1x16xf32>,
      %get3A_448 = arith.constant 28 : i32
      %get3A_449 = arith.index_cast %get3A_448 : i32 to index
      %get3A_450 = arith.index_cast %mul3A_124 : i32 to index
      %get3A_451 = tpu.vector_load %arg7[%get3A_449, %get3A_450] {strides = array<i32>} : memref<32x1024xf32, #tpu.memory_space<vmem>>, vector<1x16xf32>,
      %get3A_452 = vector.shape_cast %get3A_451 : vector<1x16xf32> to vector<16xf32>
      %mul3A_453 = arith.constant 3.200000e+01 : f32
      %mul3A_454 = vector.broadcast %mul3A_453 : f32 to vector<16xf32>
      %mul3A_455 = arith.mulf %get3A_452, %mul3A_454 : vector<16xf32>
      %add3A_456 = arith.addf %mul3A_455, %mul3A_402 : vector<16xf32>
      %swap3A_457 = arith.constant 28 : i32
      %swap3A_458 = arith.index_cast %swap3A_457 : i32 to index
      %swap3A_459 = arith.index_cast %mul3A_124 : i32 to index
      %swap3A_460 = tpu.vector_load %arg7[%swap3A_458, %swap3A_459] {strides = array<i32>} : memref<32x1024xf32, #tpu.memory_space<vmem>>, vector<1x16xf32>,
      %swap3A_461 = vector.shape_cast %swap3A_460 : vector<1x16xf32> to vector<16xf32>
      %swap3A_462 = vector.shape_cast %add3A_456 : vector<16xf32> to vector<1x16xf32>
      tpu.vector_store %arg7[%swap3A_458, %swap3A_459], %swap3A_462 {strides = array<i32>} : memref<32x1024xf32, #tpu.memory_space<vmem>>, vector<1x16xf32>,
      %get3A_463 = arith.constant 5 : i32
      %get3A_464 = arith.index_cast %get3A_463 : i32 to index
      %get3A_465 = arith.index_cast %mul3A_124 : i32 to index
      %get3A_466 = tpu.vector_load %arg10[%get3A_464, %get3A_465] {strides = array<i32>} : memref<8x1024xf32, #tpu.memory_space<vmem>>, vector<1x16xf32>,
      %get3A_467 = vector.shape_cast %get3A_466 : vector<1x16xf32> to vector<16xf32>
      %mul3A_468 = arith.constant 3.200000e+01 : f32
      %mul3A_469 = vector.broadcast %mul3A_468 : f32 to vector<16xf32>
      %mul3A_470 = arith.mulf %get3A_467, %mul3A_469 : vector<16xf32>
      %get3A_471 = arith.constant 5 : i32
      %get3A_472 = arith.index_cast %get3A_471 : i32 to index
      %get3A_473 = arith.index_cast %mul3A_124 : i32 to index
      %get3A_474 = tpu.vector_load %arg7[%get3A_472, %get3A_473] {strides = array<i32>} : memref<32x1024xf32, #tpu.memory_space<vmem>>, vector<1x16xf32>,
      %get3A_475 = vector.shape_cast %get3A_474 : vector<1x16xf32> to vector<16xf32>
      %mul3A_476 = arith.constant 3.200000e+01 : f32
      %mul3A_477 = vector.broadcast %mul3A_476 : f32 to vector<16xf32>
      %mul3A_478 = arith.mulf %get3A_475, %mul3A_477 : vector<16xf32>
      %add3A_479 = arith.addf %mul3A_478, %mul3A_470 : vector<16xf32>
      %swap3A_480 = arith.constant 5 : i32
      %swap3A_481 = arith.index_cast %swap3A_480 : i32 to index
      %swap3A_482 = arith.index_cast %mul3A_124 : i32 to index
      %swap3A_483 = tpu.vector_load %arg7[%swap3A_481, %swap3A_482] {strides = array<i32>} : memref<32x1024xf32, #tpu.memory_space<vmem>>, vector<1x16xf32>,
      %swap3A_484 = vector.shape_cast %swap3A_483 : vector<1x16xf32> to vector<16xf32>
      %swap3A_485 = vector.shape_cast %add3A_479 : vector<16xf32> to vector<1x16xf32>
      tpu.vector_store %arg7[%swap3A_481, %swap3A_482], %swap3A_485 {strides = array<i32>} : memref<32x1024xf32, #tpu.memory_space<vmem>>, vector<1x16xf32>,
      %get3A_486 = arith.constant 13 : i32
      %get3A_487 = arith.index_cast %get3A_486 : i32 to index
      %get3A_488 = arith.index_cast %mul3A_124 : i32 to index
      %get3A_489 = tpu.vector_load %arg7[%get3A_487, %get3A_488] {strides = array<i32>} : memref<32x1024xf32, #tpu.memory_space<vmem>>, vector<1x16xf32>,
      %get3A_490 = vector.shape_cast %get3A_489 : vector<1x16xf32> to vector<16xf32>
      %mul3A_491 = arith.constant 3.200000e+01 : f32
      %mul3A_492 = vector.broadcast %mul3A_491 : f32 to vector<16xf32>
      %mul3A_493 = arith.mulf %get3A_490, %mul3A_492 : vector<16xf32>
      %add3A_494 = arith.addf %mul3A_493, %mul3A_470 : vector<16xf32>
      %swap3A_495 = arith.constant 13 : i32
      %swap3A_496 = arith.index_cast %swap3A_495 : i32 to index
      %swap3A_497 = arith.index_cast %mul3A_124 : i32 to index
      %swap3A_498 = tpu.vector_load %arg7[%swap3A_496, %swap3A_497] {strides = array<i32>} : memref<32x1024xf32, #tpu.memory_space<vmem>>, vector<1x16xf32>,
      %swap3A_499 = vector.shape_cast %swap3A_498 : vector<1x16xf32> to vector<16xf32>
      %swap3A_500 = vector.shape_cast %add3A_494 : vector<16xf32> to vector<1x16xf32>
      tpu.vector_store %arg7[%swap3A_496, %swap3A_497], %swap3A_500 {strides = array<i32>} : memref<32x1024xf32, #tpu.memory_space<vmem>>, vector<1x16xf32>,
      %get3A_501 = arith.constant 21 : i32
      %get3A_502 = arith.index_cast %get3A_501 : i32 to index
      %get3A_503 = arith.index_cast %mul3A_124 : i32 to index
      %get3A_504 = tpu.vector_load %arg7[%get3A_502, %get3A_503] {strides = array<i32>} : memref<32x1024xf32, #tpu.memory_space<vmem>>, vector<1x16xf32>,
      %get3A_505 = vector.shape_cast %get3A_504 : vector<1x16xf32> to vector<16xf32>
      %mul3A_506 = arith.constant 3.200000e+01 : f32
      %mul3A_507 = vector.broadcast %mul3A_506 : f32 to vector<16xf32>
      %mul3A_508 = arith.mulf %get3A_505, %mul3A_507 : vector<16xf32>
      %add3A_509 = arith.addf %mul3A_508, %mul3A_470 : vector<16xf32>
      %swap3A_510 = arith.constant 21 : i32
      %swap3A_511 = arith.index_cast %swap3A_510 : i32 to index
      %swap3A_512 = arith.index_cast %mul3A_124 : i32 to index
      %swap3A_513 = tpu.vector_load %arg7[%swap3A_511, %swap3A_512] {strides = array<i32>} : memref<32x1024xf32, #tpu.memory_space<vmem>>, vector<1x16xf32>,
      %swap3A_514 = vector.shape_cast %swap3A_513 : vector<1x16xf32> to vector<16xf32>
      %swap3A_515 = vector.shape_cast %add3A_509 : vector<16xf32> to vector<1x16xf32>
      tpu.vector_store %arg7[%swap3A_511, %swap3A_512], %swap3A_515 {strides = array<i32>} : memref<32x1024xf32, #tpu.memory_space<vmem>>, vector<1x16xf32>,
      %get3A_516 = arith.constant 29 : i32
      %get3A_517 = arith.index_cast %get3A_516 : i32 to index
      %get3A_518 = arith.index_cast %mul3A_124 : i32 to index
      %get3A_519 = tpu.vector_load %arg7[%get3A_517, %get3A_518] {strides = array<i32>} : memref<32x1024xf32, #tpu.memory_space<vmem>>, vector<1x16xf32>,
      %get3A_520 = vector.shape_cast %get3A_519 : vector<1x16xf32> to vector<16xf32>
      %mul3A_521 = arith.constant 3.200000e+01 : f32
      %mul3A_522 = vector.broadcast %mul3A_521 : f32 to vector<16xf32>
      %mul3A_523 = arith.mulf %get3A_520, %mul3A_522 : vector<16xf32>
      %add3A_524 = arith.addf %mul3A_523, %mul3A_470 : vector<16xf32>
      %swap3A_525 = arith.constant 29 : i32
      %swap3A_526 = arith.index_cast %swap3A_525 : i32 to index
      %swap3A_527 = arith.index_cast %mul3A_124 : i32 to index
      %swap3A_528 = tpu.vector_load %arg7[%swap3A_526, %swap3A_527] {strides = array<i32>} : memref<32x1024xf32, #tpu.memory_space<vmem>>, vector<1x16xf32>,
      %swap3A_529 = vector.shape_cast %swap3A_528 : vector<1x16xf32> to vector<16xf32>
      %swap3A_530 = vector.shape_cast %add3A_524 : vector<16xf32> to vector<1x16xf32>
      tpu.vector_store %arg7[%swap3A_526, %swap3A_527], %swap3A_530 {strides = array<i32>} : memref<32x1024xf32, #tpu.memory_space<vmem>>, vector<1x16xf32>,
      %get3A_531 = arith.constant 6 : i32
      %get3A_532 = arith.index_cast %get3A_531 : i32 to index
      %get3A_533 = arith.index_cast %mul3A_124 : i32 to index
      %get3A_534 = tpu.vector_load %arg10[%get3A_532, %get3A_533] {strides = array<i32>} : memref<8x1024xf32, #tpu.memory_space<vmem>>, vector<1x16xf32>,
      %get3A_535 = vector.shape_cast %get3A_534 : vector<1x16xf32> to vector<16xf32>
      %mul3A_536 = arith.constant 3.200000e+01 : f32
      %mul3A_537 = vector.broadcast %mul3A_536 : f32 to vector<16xf32>
      %mul3A_538 = arith.mulf %get3A_535, %mul3A_537 : vector<16xf32>
      %get3A_539 = arith.constant 6 : i32
      %get3A_540 = arith.index_cast %get3A_539 : i32 to index
      %get3A_541 = arith.index_cast %mul3A_124 : i32 to index
      %get3A_542 = tpu.vector_load %arg7[%get3A_540, %get3A_541] {strides = array<i32>} : memref<32x1024xf32, #tpu.memory_space<vmem>>, vector<1x16xf32>,
      %get3A_543 = vector.shape_cast %get3A_542 : vector<1x16xf32> to vector<16xf32>
      %mul3A_544 = arith.constant 3.200000e+01 : f32
      %mul3A_545 = vector.broadcast %mul3A_544 : f32 to vector<16xf32>
      %mul3A_546 = arith.mulf %get3A_543, %mul3A_545 : vector<16xf32>
      %add3A_547 = arith.addf %mul3A_546, %mul3A_538 : vector<16xf32>
      %swap3A_548 = arith.constant 6 : i32
      %swap3A_549 = arith.index_cast %swap3A_548 : i32 to index
      %swap3A_550 = arith.index_cast %mul3A_124 : i32 to index
      %swap3A_551 = tpu.vector_load %arg7[%swap3A_549, %swap3A_550] {strides = array<i32>} : memref<32x1024xf32, #tpu.memory_space<vmem>>, vector<1x16xf32>,
      %swap3A_552 = vector.shape_cast %swap3A_551 : vector<1x16xf32> to vector<16xf32>
      %swap3A_553 = vector.shape_cast %add3A_547 : vector<16xf32> to vector<1x16xf32>
      tpu.vector_store %arg7[%swap3A_549, %swap3A_550], %swap3A_553 {strides = array<i32>} : memref<32x1024xf32, #tpu.memory_space<vmem>>, vector<1x16xf32>,
      %get3A_554 = arith.constant 14 : i32
      %get3A_555 = arith.index_cast %get3A_554 : i32 to index
      %get3A_556 = arith.index_cast %mul3A_124 : i32 to index
      %get3A_557 = tpu.vector_load %arg7[%get3A_555, %get3A_556] {strides = array<i32>} : memref<32x1024xf32, #tpu.memory_space<vmem>>, vector<1x16xf32>,
      %get3A_558 = vector.shape_cast %get3A_557 : vector<1x16xf32> to vector<16xf32>
      %mul3A_559 = arith.constant 3.200000e+01 : f32
      %mul3A_560 = vector.broadcast %mul3A_559 : f32 to vector<16xf32>
      %mul3A_561 = arith.mulf %get3A_558, %mul3A_560 : vector<16xf32>
      %add3A_562 = arith.addf %mul3A_561, %mul3A_538 : vector<16xf32>
      %swap3A_563 = arith.constant 14 : i32
      %swap3A_564 = arith.index_cast %swap3A_563 : i32 to index
      %swap3A_565 = arith.index_cast %mul3A_124 : i32 to index
      %swap3A_566 = tpu.vector_load %arg7[%swap3A_564, %swap3A_565] {strides = array<i32>} : memref<32x1024xf32, #tpu.memory_space<vmem>>, vector<1x16xf32>,
      %swap3A_567 = vector.shape_cast %swap3A_566 : vector<1x16xf32> to vector<16xf32>
      %swap3A_568 = vector.shape_cast %add3A_562 : vector<16xf32> to vector<1x16xf32>
      tpu.vector_store %arg7[%swap3A_564, %swap3A_565], %swap3A_568 {strides = array<i32>} : memref<32x1024xf32, #tpu.memory_space<vmem>>, vector<1x16xf32>,
      %get3A_569 = arith.constant 22 : i32
      %get3A_570 = arith.index_cast %get3A_569 : i32 to index
      %get3A_571 = arith.index_cast %mul3A_124 : i32 to index
      %get3A_572 = tpu.vector_load %arg7[%get3A_570, %get3A_571] {strides = array<i32>} : memref<32x1024xf32, #tpu.memory_space<vmem>>, vector<1x16xf32>,
      %get3A_573 = vector.shape_cast %get3A_572 : vector<1x16xf32> to vector<16xf32>
      %mul3A_574 = arith.constant 3.200000e+01 : f32
      %mul3A_575 = vector.broadcast %mul3A_574 : f32 to vector<16xf32>
      %mul3A_576 = arith.mulf %get3A_573, %mul3A_575 : vector<16xf32>
      %add3A_577 = arith.addf %mul3A_576, %mul3A_538 : vector<16xf32>
      %swap3A_578 = arith.constant 22 : i32
      %swap3A_579 = arith.index_cast %swap3A_578 : i32 to index
      %swap3A_580 = arith.index_cast %mul3A_124 : i32 to index
      %swap3A_581 = tpu.vector_load %arg7[%swap3A_579, %swap3A_580] {strides = array<i32>} : memref<32x1024xf32, #tpu.memory_space<vmem>>, vector<1x16xf32>,
      %swap3A_582 = vector.shape_cast %swap3A_581 : vector<1x16xf32> to vector<16xf32>
      %swap3A_583 = vector.shape_cast %add3A_577 : vector<16xf32> to vector<1x16xf32>
      tpu.vector_store %arg7[%swap3A_579, %swap3A_580], %swap3A_583 {strides = array<i32>} : memref<32x1024xf32, #tpu.memory_space<vmem>>, vector<1x16xf32>,
      %get3A_584 = arith.constant 30 : i32
      %get3A_585 = arith.index_cast %get3A_584 : i32 to index
      %get3A_586 = arith.index_cast %mul3A_124 : i32 to index
      %get3A_587 = tpu.vector_load %arg7[%get3A_585, %get3A_586] {strides = array<i32>} : memref<32x1024xf32, #tpu.memory_space<vmem>>, vector<1x16xf32>,
      %get3A_588 = vector.shape_cast %get3A_587 : vector<1x16xf32> to vector<16xf32>
      %mul3A_589 = arith.constant 3.200000e+01 : f32
      %mul3A_590 = vector.broadcast %mul3A_589 : f32 to vector<16xf32>
      %mul3A_591 = arith.mulf %get3A_588, %mul3A_590 : vector<16xf32>
      %add3A_592 = arith.addf %mul3A_591, %mul3A_538 : vector<16xf32>
      %swap3A_593 = arith.constant 30 : i32
      %swap3A_594 = arith.index_cast %swap3A_593 : i32 to index
      %swap3A_595 = arith.index_cast %mul3A_124 : i32 to index
      %swap3A_596 = tpu.vector_load %arg7[%swap3A_594, %swap3A_595] {strides = array<i32>} : memref<32x1024xf32, #tpu.memory_space<vmem>>, vector<1x16xf32>,
      %swap3A_597 = vector.shape_cast %swap3A_596 : vector<1x16xf32> to vector<16xf32>
      %swap3A_598 = vector.shape_cast %add3A_592 : vector<16xf32> to vector<1x16xf32>
      tpu.vector_store %arg7[%swap3A_594, %swap3A_595], %swap3A_598 {strides = array<i32>} : memref<32x1024xf32, #tpu.memory_space<vmem>>, vector<1x16xf32>,
      %get3A_599 = arith.constant 7 : i32
      %get3A_600 = arith.index_cast %get3A_599 : i32 to index
      %get3A_601 = arith.index_cast %mul3A_124 : i32 to index
      %get3A_602 = tpu.vector_load %arg10[%get3A_600, %get3A_601] {strides = array<i32>} : memref<8x1024xf32, #tpu.memory_space<vmem>>, vector<1x16xf32>,
      %get3A_603 = vector.shape_cast %get3A_602 : vector<1x16xf32> to vector<16xf32>
      %mul3A_604 = arith.constant 3.200000e+01 : f32
      %mul3A_605 = vector.broadcast %mul3A_604 : f32 to vector<16xf32>
      %mul3A_606 = arith.mulf %get3A_603, %mul3A_605 : vector<16xf32>
      %get3A_607 = arith.constant 7 : i32
      %get3A_608 = arith.index_cast %get3A_607 : i32 to index
      %get3A_609 = arith.index_cast %mul3A_124 : i32 to index
      %get3A_610 = tpu.vector_load %arg7[%get3A_608, %get3A_609] {strides = array<i32>} : memref<32x1024xf32, #tpu.memory_space<vmem>>, vector<1x16xf32>,
      %get3A_611 = vector.shape_cast %get3A_610 : vector<1x16xf32> to vector<16xf32>
      %mul3A_612 = arith.constant 3.200000e+01 : f32
      %mul3A_613 = vector.broadcast %mul3A_612 : f32 to vector<16xf32>
      %mul3A_614 = arith.mulf %get3A_611, %mul3A_613 : vector<16xf32>
      %add3A_615 = arith.addf %mul3A_614, %mul3A_606 : vector<16xf32>
      %swap3A_616 = arith.constant 7 : i32
      %swap3A_617 = arith.index_cast %swap3A_616 : i32 to index
      %swap3A_618 = arith.index_cast %mul3A_124 : i32 to index
      %swap3A_619 = tpu.vector_load %arg7[%swap3A_617, %swap3A_618] {strides = array<i32>} : memref<32x1024xf32, #tpu.memory_space<vmem>>, vector<1x16xf32>,
      %swap3A_620 = vector.shape_cast %swap3A_619 : vector<1x16xf32> to vector<16xf32>
      %swap3A_621 = vector.shape_cast %add3A_615 : vector<16xf32> to vector<1x16xf32>
      tpu.vector_store %arg7[%swap3A_617, %swap3A_618], %swap3A_621 {strides = array<i32>} : memref<32x1024xf32, #tpu.memory_space<vmem>>, vector<1x16xf32>,
      %get3A_622 = arith.constant 15 : i32
      %get3A_623 = arith.index_cast %get3A_622 : i32 to index
      %get3A_624 = arith.index_cast %mul3A_124 : i32 to index
      %get3A_625 = tpu.vector_load %arg7[%get3A_623, %get3A_624] {strides = array<i32>} : memref<32x1024xf32, #tpu.memory_space<vmem>>, vector<1x16xf32>,
      %get3A_626 = vector.shape_cast %get3A_625 : vector<1x16xf32> to vector<16xf32>
      %mul3A_627 = arith.constant 3.200000e+01 : f32
      %mul3A_628 = vector.broadcast %mul3A_627 : f32 to vector<16xf32>
      %mul3A_629 = arith.mulf %get3A_626, %mul3A_628 : vector<16xf32>
      %add3A_630 = arith.addf %mul3A_629, %mul3A_606 : vector<16xf32>
      %swap3A_631 = arith.constant 15 : i32
      %swap3A_632 = arith.index_cast %swap3A_631 : i32 to index
      %swap3A_633 = arith.index_cast %mul3A_124 : i32 to index
      %swap3A_634 = tpu.vector_load %arg7[%swap3A_632, %swap3A_633] {strides = array<i32>} : memref<32x1024xf32, #tpu.memory_space<vmem>>, vector<1x16xf32>,
      %swap3A_635 = vector.shape_cast %swap3A_634 : vector<1x16xf32> to vector<16xf32>
      %swap3A_636 = vector.shape_cast %add3A_630 : vector<16xf32> to vector<1x16xf32>
      tpu.vector_store %arg7[%swap3A_632, %swap3A_633], %swap3A_636 {strides = array<i32>} : memref<32x1024xf32, #tpu.memory_space<vmem>>, vector<1x16xf32>,
      %get3A_637 = arith.constant 23 : i32
      %get3A_638 = arith.index_cast %get3A_637 : i32 to index
      %get3A_639 = arith.index_cast %mul3A_124 : i32 to index
      %get3A_640 = tpu.vector_load %arg7[%get3A_638, %get3A_639] {strides = array<i32>} : memref<32x1024xf32, #tpu.memory_space<vmem>>, vector<1x16xf32>,
      %get3A_641 = vector.shape_cast %get3A_640 : vector<1x16xf32> to vector<16xf32>
      %mul3A_642 = arith.constant 3.200000e+01 : f32
      %mul3A_643 = vector.broadcast %mul3A_642 : f32 to vector<16xf32>
      %mul3A_644 = arith.mulf %get3A_641, %mul3A_643 : vector<16xf32>
      %add3A_645 = arith.addf %mul3A_644, %mul3A_606 : vector<16xf32>
      %swap3A_646 = arith.constant 23 : i32
      %swap3A_647 = arith.index_cast %swap3A_646 : i32 to index
      %swap3A_648 = arith.index_cast %mul3A_124 : i32 to index
      %swap3A_649 = tpu.vector_load %arg7[%swap3A_647, %swap3A_648] {strides = array<i32>} : memref<32x1024xf32, #tpu.memory_space<vmem>>, vector<1x16xf32>,
      %swap3A_650 = vector.shape_cast %swap3A_649 : vector<1x16xf32> to vector<16xf32>
      %swap3A_651 = vector.shape_cast %add3A_645 : vector<16xf32> to vector<1x16xf32>
      tpu.vector_store %arg7[%swap3A_647, %swap3A_648], %swap3A_651 {strides = array<i32>} : memref<32x1024xf32, #tpu.memory_space<vmem>>, vector<1x16xf32>,
      %get3A_652 = arith.constant 31 : i32
      %get3A_653 = arith.index_cast %get3A_652 : i32 to index
      %get3A_654 = arith.index_cast %mul3A_124 : i32 to index
      %get3A_655 = tpu.vector_load %arg7[%get3A_653, %get3A_654] {strides = array<i32>} : memref<32x1024xf32, #tpu.memory_space<vmem>>, vector<1x16xf32>,
      %get3A_656 = vector.shape_cast %get3A_655 : vector<1x16xf32> to vector<16xf32>
      %mul3A_657 = arith.constant 3.200000e+01 : f32
      %mul3A_658 = vector.broadcast %mul3A_657 : f32 to vector<16xf32>
      %mul3A_659 = arith.mulf %get3A_656, %mul3A_658 : vector<16xf32>
      %add3A_660 = arith.addf %mul3A_659, %mul3A_606 : vector<16xf32>
      %swap3A_661 = arith.constant 31 : i32
      %swap3A_662 = arith.index_cast %swap3A_661 : i32 to index
      %swap3A_663 = arith.index_cast %mul3A_124 : i32 to index
      %swap3A_664 = tpu.vector_load %arg7[%swap3A_662, %swap3A_663] {strides = array<i32>} : memref<32x1024xf32, #tpu.memory_space<vmem>>, vector<1x16xf32>,
      %swap3A_665 = vector.shape_cast %swap3A_664 : vector<1x16xf32> to vector<16xf32>
      %swap3A_666 = vector.shape_cast %add3A_660 : vector<16xf32> to vector<1x16xf32>
      tpu.vector_store %arg7[%swap3A_662, %swap3A_663], %swap3A_666 {strides = array<i32>} : memref<32x1024xf32, #tpu.memory_space<vmem>>, vector<1x16xf32>,
      %scan3A_667 = arith.constant 0 : i32
      scf.yield %scan3A_667 : i32
    }
    %scan3A_46 = arith.constant 64 : i32
    %add3A_47 = arith.constant 0 : i32
    %add3A_48 = arith.addi %add3A_47, %mul3A_2 : i32
    %add3A_49 = arith.constant 120 : i32
    %add3A_50 = arith.addi %add3A_48, %add3A_49 : i32
    %dma_start3A_51 = arith.constant 0 : i32
    %dma_start3A_52 = arith.constant 0 : i32
    %dma_start3A_53 = tpu.memref_slice %arg7[%dma_start3A_51, %dma_start3A_52] : memref<32x1024xf32, #tpu.memory_space<vmem>> -> memref<8x1024xf32, #tpu.memory_space<vmem>>
    %dma_start3A_54 = arith.constant 0 : i32
    %dma_start3A_55 = tpu.memref_slice %arg5[%add3A_50, %dma_start3A_54] : memref<16384x1024xf32, #tpu.memory_space<hbm>> -> memref<8x1024xf32, #tpu.memory_space<hbm>>
    %dma_start3A_56 = arith.constant 0 : i32
    %dma_start3A_57 = tpu.memref_slice %arg5[%add3A_50, %dma_start3A_56] : memref<16384x1024xf32, #tpu.memory_space<hbm>> -> memref<8x1024xf32, #tpu.memory_space<hbm>>
    %dma_start3A_58 = arith.constant 0 : i32
    %dma_start3A_59 = arith.constant 0 : i32
    %dma_start3A_60 = tpu.memref_slice %arg7[%dma_start3A_58, %dma_start3A_59] : memref<32x1024xf32, #tpu.memory_space<vmem>> -> memref<8x1024xf32, #tpu.memory_space<vmem>>
    tpu.enqueue_dma source(%dma_start3A_60 : memref<8x1024xf32, #tpu.memory_space<vmem>>) target(%dma_start3A_57 : memref<8x1024xf32, #tpu.memory_space<hbm>>) target_semaphore(%arg19 : memref<!tpu.dma_semaphore, #tpu.memory_space<semaphore_mem>>)
    %add3A_61 = arith.constant 4096 : i32
    %add3A_62 = arith.addi %add3A_61, %mul3A_2 : i32
    %add3A_63 = arith.constant 120 : i32
    %add3A_64 = arith.addi %add3A_62, %add3A_63 : i32
    %dma_start3A_65 = arith.constant 8 : i32
    %dma_start3A_66 = arith.constant 0 : i32
    %dma_start3A_67 = tpu.memref_slice %arg7[%dma_start3A_65, %dma_start3A_66] : memref<32x1024xf32, #tpu.memory_space<vmem>> -> memref<8x1024xf32, #tpu.memory_space<vmem>>
    %dma_start3A_68 = arith.constant 0 : i32
    %dma_start3A_69 = tpu.memref_slice %arg5[%add3A_64, %dma_start3A_68] : memref<16384x1024xf32, #tpu.memory_space<hbm>> -> memref<8x1024xf32, #tpu.memory_space<hbm>>
    %dma_start3A_70 = arith.constant 0 : i32
    %dma_start3A_71 = tpu.memref_slice %arg5[%add3A_64, %dma_start3A_70] : memref<16384x1024xf32, #tpu.memory_space<hbm>> -> memref<8x1024xf32, #tpu.memory_space<hbm>>
    %dma_start3A_72 = arith.constant 8 : i32
    %dma_start3A_73 = arith.constant 0 : i32
    %dma_start3A_74 = tpu.memref_slice %arg7[%dma_start3A_72, %dma_start3A_73] : memref<32x1024xf32, #tpu.memory_space<vmem>> -> memref<8x1024xf32, #tpu.memory_space<vmem>>
    tpu.enqueue_dma source(%dma_start3A_74 : memref<8x1024xf32, #tpu.memory_space<vmem>>) target(%dma_start3A_71 : memref<8x1024xf32, #tpu.memory_space<hbm>>) target_semaphore(%arg19 : memref<!tpu.dma_semaphore, #tpu.memory_space<semaphore_mem>>)
    %add3A_75 = arith.constant 8192 : i32
    %add3A_76 = arith.addi %add3A_75, %mul3A_2 : i32
    %add3A_77 = arith.constant 120 : i32
    %add3A_78 = arith.addi %add3A_76, %add3A_77 : i32
    %dma_start3A_79 = arith.constant 16 : i32
    %dma_start3A_80 = arith.constant 0 : i32
    %dma_start3A_81 = tpu.memref_slice %arg7[%dma_start3A_79, %dma_start3A_80] : memref<32x1024xf32, #tpu.memory_space<vmem>> -> memref<8x1024xf32, #tpu.memory_space<vmem>>
    %dma_start3A_82 = arith.constant 0 : i32
    %dma_start3A_83 = tpu.memref_slice %arg5[%add3A_78, %dma_start3A_82] : memref<16384x1024xf32, #tpu.memory_space<hbm>> -> memref<8x1024xf32, #tpu.memory_space<hbm>>
    %dma_start3A_84 = arith.constant 0 : i32
    %dma_start3A_85 = tpu.memref_slice %arg5[%add3A_78, %dma_start3A_84] : memref<16384x1024xf32, #tpu.memory_space<hbm>> -> memref<8x1024xf32, #tpu.memory_space<hbm>>
    %dma_start3A_86 = arith.constant 16 : i32
    %dma_start3A_87 = arith.constant 0 : i32
    %dma_start3A_88 = tpu.memref_slice %arg7[%dma_start3A_86, %dma_start3A_87] : memref<32x1024xf32, #tpu.memory_space<vmem>> -> memref<8x1024xf32, #tpu.memory_space<vmem>>
    tpu.enqueue_dma source(%dma_start3A_88 : memref<8x1024xf32, #tpu.memory_space<vmem>>) target(%dma_start3A_85 : memref<8x1024xf32, #tpu.memory_space<hbm>>) target_semaphore(%arg19 : memref<!tpu.dma_semaphore, #tpu.memory_space<semaphore_mem>>)
    %add3A_89 = arith.constant 12288 : i32
    %add3A_90 = arith.addi %add3A_89, %mul3A_2 : i32
    %add3A_91 = arith.constant 120 : i32
    %add3A_92 = arith.addi %add3A_90, %add3A_91 : i32
    %dma_start3A_93 = arith.constant 24 : i32
    %dma_start3A_94 = arith.constant 0 : i32
    %dma_start3A_95 = tpu.memref_slice %arg7[%dma_start3A_93, %dma_start3A_94] : memref<32x1024xf32, #tpu.memory_space<vmem>> -> memref<8x1024xf32, #tpu.memory_space<vmem>>
    %dma_start3A_96 = arith.constant 0 : i32
    %dma_start3A_97 = tpu.memref_slice %arg5[%add3A_92, %dma_start3A_96] : memref<16384x1024xf32, #tpu.memory_space<hbm>> -> memref<8x1024xf32, #tpu.memory_space<hbm>>
    %dma_start3A_98 = arith.constant 0 : i32
    %dma_start3A_99 = tpu.memref_slice %arg5[%add3A_92, %dma_start3A_98] : memref<16384x1024xf32, #tpu.memory_space<hbm>> -> memref<8x1024xf32, #tpu.memory_space<hbm>>
    %dma_start3A_100 = arith.constant 24 : i32
    %dma_start3A_101 = arith.constant 0 : i32
    %dma_start3A_102 = tpu.memref_slice %arg7[%dma_start3A_100, %dma_start3A_101] : memref<32x1024xf32, #tpu.memory_space<vmem>> -> memref<8x1024xf32, #tpu.memory_space<vmem>>
    tpu.enqueue_dma source(%dma_start3A_102 : memref<8x1024xf32, #tpu.memory_space<vmem>>) target(%dma_start3A_99 : memref<8x1024xf32, #tpu.memory_space<hbm>>) target_semaphore(%arg19 : memref<!tpu.dma_semaphore, #tpu.memory_space<semaphore_mem>>)
    %dma_wait3A_103 = arith.constant 0 : i32
    %dma_wait3A_104 = arith.constant 0 : i32
    %dma_wait3A_105 = tpu.memref_slice %arg5[%dma_wait3A_103, %dma_wait3A_104] : memref<16384x1024xf32, #tpu.memory_space<hbm>> -> memref<32x1024xf32, #tpu.memory_space<hbm>>
    %dma_wait3A_106 = arith.constant 0 : i32
    %dma_wait3A_107 = arith.constant 0 : i32
    %dma_wait3A_108 = tpu.memref_slice %arg5[%dma_wait3A_106, %dma_wait3A_107] : memref<16384x1024xf32, #tpu.memory_space<hbm>> -> memref<32x1024xf32, #tpu.memory_space<hbm>>
    tpu.wait_dma2 semaphore(%arg20 : memref<!tpu.dma_semaphore, #tpu.memory_space<semaphore_mem>>) src(%arg8 : memref<32x1024xf32, #tpu.memory_space<vmem>>) dst(%dma_wait3A_108 : memref<32x1024xf32, #tpu.memory_space<hbm>>)
    %dma_wait3A_109 = arith.constant 0 : i32
    %dma_wait3A_110 = arith.constant 0 : i32
    %dma_wait3A_111 = tpu.memref_slice %arg5[%dma_wait3A_109, %dma_wait3A_110] : memref<16384x1024xf32, #tpu.memory_space<hbm>> -> memref<32x1024xf32, #tpu.memory_space<hbm>>
    %dma_wait3A_112 = arith.constant 0 : i32
    %dma_wait3A_113 = arith.constant 0 : i32
    %dma_wait3A_114 = tpu.memref_slice %arg5[%dma_wait3A_112, %dma_wait3A_113] : memref<16384x1024xf32, #tpu.memory_space<hbm>> -> memref<32x1024xf32, #tpu.memory_space<hbm>>
    tpu.wait_dma2 semaphore(%arg21 : memref<!tpu.dma_semaphore, #tpu.memory_space<semaphore_mem>>) src(%arg9 : memref<32x1024xf32, #tpu.memory_space<vmem>>) dst(%dma_wait3A_114 : memref<32x1024xf32, #tpu.memory_space<hbm>>)
    %dma_wait3A_115 = arith.constant 0 : i32
    %dma_wait3A_116 = arith.constant 0 : i32
    %dma_wait3A_117 = tpu.memref_slice %arg5[%dma_wait3A_115, %dma_wait3A_116] : memref<16384x1024xf32, #tpu.memory_space<hbm>> -> memref<32x1024xf32, #tpu.memory_space<hbm>>
    %dma_wait3A_118 = arith.constant 0 : i32
    %dma_wait3A_119 = arith.constant 0 : i32
    %dma_wait3A_120 = tpu.memref_slice %arg5[%dma_wait3A_118, %dma_wait3A_119] : memref<16384x1024xf32, #tpu.memory_space<hbm>> -> memref<32x1024xf32, #tpu.memory_space<hbm>>
    tpu.wait_dma2 semaphore(%arg19 : memref<!tpu.dma_semaphore, #tpu.memory_space<semaphore_mem>>) src(%arg7 : memref<32x1024xf32, #tpu.memory_space<vmem>>) dst(%dma_wait3A_120 : memref<32x1024xf32, #tpu.memory_space<hbm>>)
    return
  }
}

</mosaic_0001>

<sc_bundles>
// kernel: kernel.3.cloned.1.call-start
scs
__scs_entry_jumppad:
0x0: {  	(pc) =	sbr.rel $0x88, $3  }
0x1: {  	(tag) =	ssettag $0x0;
	lr =	simm.s32 $0x1  }
0x2: {  	[smem:$0x3F9E] =	sst lr;
	_ =	strace $0xD0000000  }
0x3: {  	_ = 	snop  }
0x4: {  	_ = 	snop  }
0x5: {  	_ = 	snop  }
0x6: {  	_ = 	snop  }
0x7: {  	_ = 	snop  }
__scs_overlays_trampoline_lowered:
0x8: {  	[smem:$0x3FAD] =	sst s0  }
0x9: {  	[smem:$0x3FAE] =	sst s1  }
0xa: {  	[smem:$0x3FAF] =	sst s2  }
0xb: {  	[smem:$0x3FB0] =	sst s3  }
0xc: {  	[smem:$0x3FB1] =	sst s4  }
0xd: {  	[smem:$0x3FB2] =	sst s5  }
0xe: {  	[smem:$0x3FB3] =	sst s6  }
0xf: {  	[smem:$0x3FB4] =	sst s7  }
0x10: {  	[smem:$0x3FB5] =	sst s8  }
0x11: {  	[smem:$0x3FB6] =	sst s9;
	s0 =	simm.s32 @!p0 $0x0  }
0x12: {  	s1 =	sld [smem:$0x3F9C];
	s0 =	simm.s32 @p0 $0x1  }
0x13: {  	[smem:$0x3FB7] =	sst s0;
	s0 =	simm.s32 @!p1 $0x0  }
0x14: {  	s2 =	sld [smem:$0x3F9B];
	s0 =	simm.s32 @p1 $0x1  }
0x15: {  	[smem:$0x3FB8] =	sst s0;
	s0 =	simm.s32 @!p2 $0x0  }
0x16: {  	s3 =	sld [smem:$0x3FDB];
	s0 =	simm.s32 @p2 $0x1  }
0x17: {  	s4 =	simm.s32 $0x1BF5;
	[smem:$0x3FBA] =	sst s0  }
0x18: {  	s0 =	sld [smem:$0x3F9D];
	_ =	swait.ge [sflag:s4], $0x0  }
0x19: {  	s7 =	sld [smem:$0x3F9E]  }
0x1a: {  	s8 =	sadd.s32 $0xFFFFE003, lr  }
0x1b: {  	s9 =	sadd.s32 $0xFFFFFEF7, lr;
	s5 =	simm.s32 $0xFFFFFFFF;
	p2 =	slt.u32 s8, $0xFFFFF086  }
0x1c: {  	p1 =	slt.u32 s9, $0xF7A;
	s5 =	simm.s32 @!p2 $0x0  }
0x1d: {  	s5 =	simm.s32 @p1 $0x1;
	p0 =	seq.s32 s7, s2  }
0x1e: {  	s7 =	smul.u32 @!p0 $0xF7A, s2;
	p2 =	seq.s32 @!p0 s5, $0x0  }
0x1f: {  	s9 =	smul.u32 $0xF7A, s1;
	s8 =	simm.s32 @!p0 $0x1BF5;
	p2 =	por !p2, p0  }
0x20: {  	[sflag:s8] =	ssyncset.s32 @!p0 $0xFFFFF086;
	s6 =	sadd.s32 @!p0 s3, s7;
	s7 =	simm.s32 @!p0 $0x108  }
0x21: {  	s3 =	sadd.s32 s3, s9;
	s6 =	sadd.s32 @!p0 $0x88, s6;
	s7 =	simm.s32 @p2 $0x1082  }
0x22: {  	[simem:s7], [sflag:s8] =	dma.local @!p0 [hbm:s6], $0xF7A  }
0x23: {  	s9 =	sor.u32 $0xD0000000, s2;
	s6 =	simm.s32 $0x108;
	_ =	swait.ge @!p0 [sflag:s8], $0x0  }
0x24: {  	s3 =	sadd.s32 $0x88, s3;
	s6 =	simm.s32 @!p1 $0x1082;
	[sflag:s4] =	ssyncset.s32 $0xFFFFF086  }
0x25: {  	[simem:s6], [sflag:s4] =	dma.local [hbm:s3], $0xF7A  }
0x26: {  	[smem:$0x3F9E] =	sst s1;
	(tag) =	ssettag s2;
	_ =	strace s9  }
0x27: {  	s1 =	sld [smem:$0x3FAE]  }
0x28: {  	s2 =	sld [smem:$0x3FAF]  }
0x29: {  	s4 =	sld [smem:$0x3FB1]  }
0x2a: {  	p0 =	seq.s32 s5, $0x0;
	s5 =	sld [smem:$0x3FB2]  }
0x2b: {  	s6 =	sld [smem:$0x3FB3]  }
0x2c: {  	s7 =	sld [smem:$0x3FB4]  }
0x2d: {  	s3 =	simm.s32 $0x108;
	s8 =	sld [smem:$0x3FB5]  }
0x2e: {  	s3 =	simm.s32 @!p0 $0x1082;
	s9 =	sld [smem:$0x3FB6]  }
0x2f: {  	lr =	sadd.s32 s0, s3;
	s0 =	sld [smem:$0x3FAD]  }
0x30: {  	s3 =	sld [smem:$0x3FB0]  }
0x31: {  	[smem:$0x3FB9] =	sst s10  }
0x32: {  	s10 =	sld [smem:$0x3FB7];
	_ =	sdelay $0x3  }
0x33: {  	p0 =	seq.s32 s10, $0x1;
	s10 =	sld [smem:$0x3FB9];
	_ =	sdelay $0x3  }
0x34: {  	[smem:$0x3FB9] =	sst s10  }
0x35: {  	s10 =	sld [smem:$0x3FB8];
	_ =	sdelay $0x3  }
0x36: {  	p1 =	seq.s32 s10, $0x1;
	s10 =	sld [smem:$0x3FB9];
	_ =	sdelay $0x3  }
0x37: {  	[smem:$0x3FB9] =	sst s10  }
0x38: {  	s10 =	sld [smem:$0x3FBA]  }
0x39: {  	_ = 	snop;
	(pc) =	sbr.ind lr, $3  }
0x3a: {  	_ = 	snop  }
0x3b: {  	_ = 	snop  }
0x3c: {  	p2 =	seq.s32 s10, $0x1;
	s10 =	sld [smem:$0x3FB9]  }
0x3d: {  	_ =	shalt  }
0x3e: {  	_ =	shalt  }
0x3f: {  	_ =	shalt  }
0x40: {  	_ =	shalt  }
0x41: {  	_ =	shalt  }
0x42: {  	_ =	shalt  }
0x43: {  	_ =	shalt  }
0x44: {  	_ =	shalt  }
0x45: {  	_ =	shalt  }
0x46: {  	_ =	shalt  }
0x47: {  	_ =	shalt  }
0x48: {  	_ =	shalt  }
0x49: {  	_ =	shalt  }
0x4a: {  	_ =	shalt  }
0x4b: {  	_ =	shalt  }
0x4c: {  	_ =	shalt  }
0x4d: {  	_ =	shalt  }
0x4e: {  	_ =	shalt  }
0x4f: {  	_ =	shalt  }
0x50: {  	_ =	shalt  }
0x51: {  	_ =	shalt  }
0x52: {  	_ =	shalt  }
0x53: {  	_ =	shalt  }
0x54: {  	_ =	shalt  }
0x55: {  	_ =	shalt  }
0x56: {  	_ =	shalt  }
0x57: {  	_ =	shalt  }
0x58: {  	_ =	shalt  }
0x59: {  	_ =	shalt  }
0x5a: {  	_ =	shalt  }
0x5b: {  	_ =	shalt  }
0x5c: {  	_ =	shalt  }
0x5d: {  	_ =	shalt  }
0x5e: {  	_ =	shalt  }
0x5f: {  	_ =	shalt  }
0x60: {  	_ =	shalt  }
0x61: {  	_ =	shalt  }
0x62: {  	_ =	shalt  }
0x63: {  	_ =	shalt  }
0x64: {  	_ =	shalt  }
0x65: {  	_ =	shalt  }
0x66: {  	_ =	shalt  }
0x67: {  	_ =	shalt  }
0x68: {  	_ =	shalt  }
0x69: {  	_ =	shalt  }
0x6a: {  	_ =	shalt  }
0x6b: {  	_ =	shalt  }
0x6c: {  	_ =	shalt  }
0x6d: {  	_ =	shalt  }
0x6e: {  	_ =	shalt  }
0x6f: {  	_ =	shalt  }
0x70: {  	_ =	shalt  }
0x71: {  	_ =	shalt  }
0x72: {  	_ =	shalt  }
0x73: {  	_ =	shalt  }
0x74: {  	_ =	shalt  }
0x75: {  	_ =	shalt  }
0x76: {  	_ =	shalt  }
0x77: {  	_ =	shalt  }
0x78: {  	_ =	shalt  }
0x79: {  	_ =	shalt  }
0x7a: {  	_ =	shalt  }
0x7b: {  	_ =	shalt  }
0x7c: {  	_ =	shalt  }
0x7d: {  	_ =	shalt  }
0x7e: {  	_ =	shalt  }
0x7f: {  	_ =	shalt  }
0x80: {  	_ =	shalt  }
0x81: {  	_ =	shalt  }
0x82: {  	_ =	shalt  }
0x83: {  	_ =	shalt  }
0x84: {  	_ =	shalt  }
0x85: {  	_ =	shalt  }
0x86: {  	_ =	shalt  }
0x87: {  	_ =	shalt  }
.Lfunc_end0:
.L_simem_size_0:
called_computation_lowered:
.L_overlay_start_0:
0x88: {  	s2 =	sld [smem:$0x3FD9]  }
0x89: {  	s3 =	sld [smem:$0x3FFE];
	_ =	sdelay $0x1  }
0x8a: {  	s1 =	srdreg.scid  }
0x8b: {  	s0 =	sand.u32 $0x1, s1  }
0x8c: {  	s17 =	sshll.u32 s0, $0xA;
	s2 =	sadd.s32 s3, s2  }
0x8d: {  	s2 =	sadd.s32 s2, s17  }
0x8e: {  	[smem:$0x3FC5] =	sst s2  }
0x8f: {  	_ = 	snop  }
0x90: {  	s2 =	sld [smem:$0x3FC8]  }
0x91: {  	s18 =	sld [smem:$0x3FC7]  }
0x92: {  	s4 =	sld [smem:$0x3FD0];
	(tm) =	ssettm $0x1  }
0x93: {  	s5 =	sld [smem:$0x3FFB];
	_ =	sdelay $0x3  }
0x94: {  	_ =	strace s5  }
0x95: {  	s5 =	sld [smem:$0x3FFC];
	_ =	sdelay $0x3  }
0x96: {  	_ =	strace s5  }
0x97: {  	s5 =	sld [smem:$0x3FFD];
	_ =	sdelay $0x3  }
0x98: {  	_ =	strace s5  }
0x99: {  	_ =	strace $0x8FFFFFFF  }
0x9a: {  	s19 =	sld [smem:$0x3FDB];
	_ =	sdelay $0x1  }
0x9b: {  	s6 =	simm.s32 $_scs_section_size  }
0x9c: {  	s7 =	simm.s32 $_size__tile_overlayer_lowered;
	s8 =	simm.s32 $_tile_overlayer_lowered  }
0x9d: {  	s22 =	simm.s32 $0x1BFF;
	s21 =	sshll.u32 s8, $0x1;
	s5 =	sadd.s32 s6, s19  }
0x9e: {  	s9 =	simm.s32 $0x0;
	s20 =	sshll.u32 s7, $0x1;
	s7 =	sadd.s32 s21, s5  }
0x9f: {  	[timem:s9], [sflag:s22] =	dma.local [hbm:s7], s20  }
0xa0: {  	_ =	swait.ge [sflag:s22], s20  }
0xa1: {  	s6 =	ssub.s32 $0x0, s20;
	[sflag:s22] =	ssyncset.done $0x0  }
0xa2: {  	[sflag:s22] =	ssyncadd.s32 s6;
	_ =	sdelay $0x1  }
0xa3: {  	s23 =	simm.s32 $0x1B8B  }
0xa4: {  	_ =	swait.ge [sflag:s23], $0x1  }
0xa5: {  	[sflag:s23] =	ssyncset.done $0x0  }
0xa6: {  	s25 =	simm.s32 $0x1B8E;
	s24 =	sld [smem:$0x3FFE];
	[sflag:s23] =	ssyncadd.s32 $0xFFFFFFFF  }
0xa7: {  	s26 =	simm.s32 $execute0_lowered;
	[smem:$0x3FD2] =	sst s25  }
0xa8: {  	s7 =	sshll.u32 s26, $0x1;
	_ =	strace $0x80000046;
	[dreg:$0x1] =	wrdreg $0xFFFFFFFF  }
0xa9: {  	s28 =	simm.s32 $_size_execute0_lowered;
	s5 =	sadd.s32 s5, s7;
	[dreg:$0x0] =	wrdreg $0x0  }
0xaa: {  	s7 =	sshll.u32 s28, $0x1;
	[dreg:$0x2] =	wrdreg s5  }
0xab: {  	[dreg:$0x3] =	wrdreg s7  }
0xac: {  	[dreg:$0x4] =	wrdreg $0xC0  }
0xad: {  	_ =	task [dreg:s9], $0x5FFFF  }
0xae: {  	[dreg:$0x1] =	wrdreg $0xFFFFFFFF  }
0xaf: {  	[dreg:$0x0] =	wrdreg $0x60  }
0xb0: {  	[dreg:$0x2] =	wrdreg s24  }
0xb1: {  	[dreg:$0x3] =	wrdreg s2  }
0xb2: {  	[dreg:$0x4] =	wrdreg s18  }
0xb3: {  	[dreg:$0x5] =	wrdreg s4  }
0xb4: {  	[dreg:$0x6] =	wrdreg $0x9  }
0xb5: {  	_ =	task.clear_ibuf [dreg:s9], $0x7FFFF;
	_ =	strace $0x90000046  }
0xb6: {  	s29 =	simm.s32 $0x9;
	_ =	strace $0x80000048  }
0xb7: {  	_ =	swait.ge [sflag:s29], $0x1  }
0xb8: {  	[sflag:s29] =	ssyncadd.s32 $0xFFFFFFFF  }
0xb9: {  	_ =	strace $0x90000048  }
0xba: {  	_ =	sfence  }
0xbb: {  	s30 =	sld [smem:$0x0];
	_ =	sdelay $0x2  }
0xbc: {  	s31 =	sshll.u32 s1, $0xD;
	s1 =	sshrl.u32 s1, $0x2  }
0xbd: {  	s3 =	sand.u32 $0x4000, s31;
	s1 =	sadd.s32 s1, s30  }
0xbe: {  	s0 =	sor.u32 s3, s0;
	s1 =	sshll.u32 s1, $0x11  }
0xbf: {  	s0 =	sor.u32 s1, s0  }
0xc0: {  	s0 =	sadd.s32 $0x8F2B, s0  }
0xc1: {  	[sflag:s0] =	ssyncadd.remote.s32 $0x1  }
0xc2: {  	_ =	sfence.sel $0xFFFF  }
0xc3: {  	[dreg:$0x0] =	wrdreg $0xFFFFFFFF;
	(pc) =	sbr.abs _section_cstart, $3  }
0xc4: {  	[dreg:$0x1] =	wrdreg $0xFFFFFFFF  }
0xc5: {  	_ =	task.clear_ibuf [dreg:s9], $0x2FFFF;
	_ =	strace $0x9FFFFFFF  }
0xc6: {  	(tm) =	ssettm $0x7FFFFFFF  }
0xc7: {  	_ =	shalt  }
tec
execute0_lowered:
.L_overlay_start_1:
0x0: {  	(tag) =	ssettag $0x1  }
0x1: {  	s2 =	rddreg [dreg:$0x0]  }
0x2: {  	s0 =	srdreg.scid;
	s1 =	rddreg [dreg:$0x1]  }
0x3: {  	s4 =	stileid.u32;
	s9 =	rddreg [dreg:$0x2]  }
0x4: {  	s31 =	simm.s32 $0x200;
	s28 =	simm.s32 $0x2200;
	s20 =	simm.s32 $0x2  }
0x5: {  	s21 =	simm.s32 $0x5;
	s11 =	simm.s32 $0x7;
	s15 =	simm.s32 $0x3  }
0x6: {  	s16 =	simm.s32 $0x6;
	s17 =	simm.s32 $0x0;
	s0 =	sand.u32 $0x1, s0  }
0x7: {  	s3 =	sshll.u32 s4, $0x1;
	s5 =	sshll.u32 s4, $0xA;
	s4 =	rddreg [dreg:$0x3]  }
0x8: {  	s8 =	sadd.s32 $0x200, s1;
	s6 =	sor.u32 s0, s3;
	s0 =	ssub.s32 $0x2, s0  }
0x9: {  	s10 =	sadd.s32 $0x300, s1;
	s3 =	sshll.u32 s6, $0x7;
	s23 =	sshrl.u32 s0, $0x1  }
0xa: {  	s24 =	sshll.u32 s6, $0xE;
	s6 =	simm.s32 $0x6200;
	s7 =	sor.u32 s5, s3  }
0xb: {  	s5 =	simm.s32 $0x0;
	s0 =	ssub.s32 s0, s23;
	s7 =	sand.u32 $0x3380, s7  }
0xc: {  	s9 =	sadd.s32 s9, s24;
	s12 =	sor.u32 $0x1000, s3;
	s7 =	sshrl.u32 s7, $0x3  }
0xd: {  	[smem:$0x7FF] =	sst s5;
	s25 =	sadd.s32 $0x400, s9;
	s2 =	sadd.s32 s7, s2  }
0xe: {  	_ =	strace $0x80000047;
	[dreg:$0x6] =	wrdreg s25;
	s2 =	sadd.s32 $0x400, s2  }
0xf: {  	s0 =	smax.u32 s0, $0x1;
	[dreg:$0x5] =	wrdreg s2;
	s2 =	sadd.s32 s24, s4  }
0x10: {  	s13 =	sor.u32 $0x2000, s3;
	[dreg:$0xb] =	wrdreg s0;
	s26 =	sadd.s32 $0x3C00, s2  }
0x11: {  	s14 =	sor.u32 $0x3000, s3;
	s29 =	sadd.s32 $0x83C00, s2;
	[dreg:$0x7] =	wrdreg s26  }
0x12: {  	v2 =	vlaneseq.u32;
	s25 =	simm.s32 $0x1;
	s30 =	sadd.s32 $0x103C00, s2;
	[dreg:$0x8] =	wrdreg s29  }
0x13: {  	vm0 =	vmmov $0xffff;
	v1 =	vshrl.u32 v2, $0x3;
	s7 =	sadd.s32 $0x100, s1;
	s2 =	sadd.s32 $0x183C00, s2;
	[dreg:$0x9] =	wrdreg s30  }
0x14: {  	v0 =	vand.u32 $0x7, v2;
	v2 =	vor.u32 $0x8, v2;
	v1 =	vmul.u32 $0x8, v1;
	[dreg:$0xa] =	wrdreg s2;
	s2 =	simm.s32 $0x4200;
	s26 =	simm.s32 $0x4  }
.LBB2_1:
0x15: {  	[dreg:$0xc] =	wrdreg s17  }
0x16: {  	s0 =	rddreg [dreg:$0x5]  }
0x17: {  	s30 =	simm.s32 $0x80;
	s18 =	simm.s32 $0x400;
	s19 =	simm.s32 $0xA  }
0x18: {  	[tilespmem:s5], [sflag:$0xA] =	stream.strided.gather [hbm4b:s0+s30], $0x200, s18, s30, $0x38;
	[tilespmem:$0x1E200] =	vst v63  }
0x19: {  	_ =	swait.ge [sflag:s19], $0x200  }
0x1a: {  	[sflag:s19] =	ssyncset.done $0x0  }
0x1b: {  	[sflag:s19] =	ssyncadd.s32 $0xFFFFFE00  }
0x1c: {  	v3 =	vld [tilespmem:$0x0];
	_ =	sdelay $0x4  }
0x1d: {  	v4 =	vshll.u32 v3, $0x3  }
0x1e: {  	v3 =	vand.u32 $0x7, v3;
	v4 =	vand.u32 $0xFFFFFFC0, v4  }
0x1f: {  	v3 =	vor.u32 v3, v4  }
0x20: {  	v4 =	vperm.xlane v3, v0;
	_ =	sdelay $0x1  }
0x21: {  	v4 =	vadd.s32 v1, v4;
	_ =	sdelay $0x4  }
0x22: {  	[tilespmem:s31], [sflag:$0x1] =	stream.indirect_vreg.gather [hbm4b:s1+s5], $0x80, v4, vm0, $0xb8;
	[tilespmem:$0x1E200] =	vst v63  }
0x23: {  	s22 =	simm.s32 $0xA00;
	v3 =	vperm.xlane v3, v2  }
0x24: {  	[tilespmem:s22], [sflag:$0x1] =	stream.indirect_vreg.gather [hbm4b:s7+s5], $0x80, v4, vm0, $0xb8;
	[tilespmem:$0x1E200] =	vst v63  }
0x25: {  	s23 =	simm.s32 $0x1200;
	v3 =	vadd.s32 v1, v3  }
0x26: {  	[tilespmem:s23], [sflag:$0x1] =	stream.indirect_vreg.gather [hbm4b:s8+s5], $0x80, v4, vm0, $0xb8;
	[tilespmem:$0x1E200] =	vst v63  }
0x27: {  	s24 =	simm.s32 $0x1A00  }
0x28: {  	[tilespmem:s24], [sflag:$0x1] =	stream.indirect_vreg.gather [hbm4b:s10+s5], $0x80, v4, vm0, $0xb8;
	[tilespmem:$0x1E200] =	vst v63  }
0x29: {  	_ = 	snop  }
0x2a: {  	[tilespmem:s28], [sflag:$0x1] =	stream.indirect_vreg.gather [hbm4b:s1+s5], $0x80, v3, vm0, $0xb8;
	[tilespmem:$0x1E200] =	vst v63  }
0x2b: {  	s29 =	simm.s32 $0x2A00  }
0x2c: {  	[tilespmem:s29], [sflag:$0x1] =	stream.indirect_vreg.gather [hbm4b:s7+s5], $0x80, v3, vm0, $0xb8;
	[tilespmem:$0x1E200] =	vst v63  }
0x2d: {  	s30 =	simm.s32 $0x3200  }
0x2e: {  	[tilespmem:s30], [sflag:$0x1] =	stream.indirect_vreg.gather [hbm4b:s8+s5], $0x80, v3, vm0, $0xb8;
	[tilespmem:$0x1E200] =	vst v63  }
0x2f: {  	s17 =	simm.s32 $0x3A00  }
0x30: {  	[tilespmem:s17], [sflag:$0x1] =	stream.indirect_vreg.gather [hbm4b:s10+s5], $0x80, v3, vm0, $0xb8;
	[tilespmem:$0x1E200] =	vst v63  }
0x31: {  	v3 =	vld [tilespmem:$0x10];
	_ =	sdelay $0x4  }
0x32: {  	v61 =	vshll.u32 v3, $0x3  }
0x33: {  	v3 =	vand.u32 $0x7, v3;
	v4 =	vand.u32 $0xFFFFFFC0, v61  }
0x34: {  	v3 =	vor.u32 v3, v4  }
0x35: {  	v4 =	vperm.xlane v3, v0;
	_ =	sdelay $0x1  }
0x36: {  	v4 =	vadd.s32 v1, v4;
	_ =	sdelay $0x4  }
0x37: {  	[tilespmem:s2], [sflag:$0x1] =	stream.indirect_vreg.gather [hbm4b:s1+s5], $0x80, v4, vm0, $0xb8;
	[tilespmem:$0x1E200] =	vst v63  }
0x38: {  	s18 =	simm.s32 $0x4A00;
	v3 =	vperm.xlane v3, v2  }
0x39: {  	[tilespmem:s18], [sflag:$0x1] =	stream.indirect_vreg.gather [hbm4b:s7+s5], $0x80, v4, vm0, $0xb8;
	[tilespmem:$0x1E200] =	vst v63  }
0x3a: {  	s19 =	simm.s32 $0x5200;
	v3 =	vadd.s32 v1, v3  }
0x3b: {  	[tilespmem:s19], [sflag:$0x1] =	stream.indirect_vreg.gather [hbm4b:s8+s5], $0x80, v4, vm0, $0xb8;
	[tilespmem:$0x1E200] =	vst v63  }
0x3c: {  	s22 =	simm.s32 $0x5A00  }
0x3d: {  	[tilespmem:s22], [sflag:$0x1] =	stream.indirect_vreg.gather [hbm4b:s10+s5], $0x80, v4, vm0, $0xb8;
	[tilespmem:$0x1E200] =	vst v63  }
0x3e: {  	_ = 	snop  }
0x3f: {  	[tilespmem:s6], [sflag:$0x1] =	stream.indirect_vreg.gather [hbm4b:s1+s5], $0x80, v3, vm0, $0xb8;
	[tilespmem:$0x1E200] =	vst v63  }
0x40: {  	s23 =	simm.s32 $0x6A00  }
0x41: {  	[tilespmem:s23], [sflag:$0x1] =	stream.indirect_vreg.gather [hbm4b:s7+s5], $0x80, v3, vm0, $0xb8;
	[tilespmem:$0x1E200] =	vst v63  }
0x42: {  	s24 =	simm.s32 $0x7200  }
0x43: {  	[tilespmem:s24], [sflag:$0x1] =	stream.indirect_vreg.gather [hbm4b:s8+s5], $0x80, v3, vm0, $0xb8;
	[tilespmem:$0x1E200] =	vst v63  }
0x44: {  	s29 =	simm.s32 $0x7A00  }
0x45: {  	[tilespmem:s29], [sflag:$0x1] =	stream.indirect_vreg.gather [hbm4b:s10+s5], $0x80, v3, vm0, $0xb8;
	[tilespmem:$0x1E200] =	vst v63  }
0x46: {  	s30 =	simm.s32 $0x18200  }
0x47: {  	[tilespmem:s30], [sflag:$0x4] =	stream.linear.gather [hbm4b:s9+s5], $0x2000, $0x38;
	[tilespmem:$0x1E200] =	vst v63  }
0x48: {  	v3 =	vld [tilespmem:$0x20];
	_ =	sdelay $0x4  }
0x49: {  	v62 =	vshll.u32 v3, $0x3  }
0x4a: {  	v3 =	vand.u32 $0x7, v3;
	v4 =	vand.u32 $0xFFFFFFC0, v62  }
0x4b: {  	v3 =	vor.u32 v3, v4  }
0x4c: {  	v4 =	vperm.xlane v3, v0;
	_ =	sdelay $0x1  }
0x4d: {  	v4 =	vadd.s32 v1, v4;
	_ =	sdelay $0x3  }
0x4e: {  	s2 =	simm.s32 $0x8200  }
0x4f: {  	[tilespmem:s2], [sflag:$0x2] =	stream.indirect_vreg.gather [hbm4b:s1+s5], $0x80, v4, vm0, $0xb8;
	[tilespmem:$0x1E200] =	vst v63  }
0x50: {  	s17 =	simm.s32 $0x8A00;
	v3 =	vperm.xlane v3, v2  }
0x51: {  	[tilespmem:s17], [sflag:$0x2] =	stream.indirect_vreg.gather [hbm4b:s7+s5], $0x80, v4, vm0, $0xb8;
	[tilespmem:$0x1E200] =	vst v63  }
0x52: {  	s18 =	simm.s32 $0x9200;
	v3 =	vadd.s32 v1, v3  }
0x53: {  	[tilespmem:s18], [sflag:$0x2] =	stream.indirect_vreg.gather [hbm4b:s8+s5], $0x80, v4, vm0, $0xb8;
	[tilespmem:$0x1E200] =	vst v63  }
0x54: {  	s19 =	simm.s32 $0x9A00  }
0x55: {  	[tilespmem:s19], [sflag:$0x2] =	stream.indirect_vreg.gather [hbm4b:s10+s5], $0x80, v4, vm0, $0xb8;
	[tilespmem:$0x1E200] =	vst v63  }
0x56: {  	s22 =	simm.s32 $0xA200  }
0x57: {  	[tilespmem:s22], [sflag:$0x2] =	stream.indirect_vreg.gather [hbm4b:s1+s5], $0x80, v3, vm0, $0xb8;
	[tilespmem:$0x1E200] =	vst v63  }
0x58: {  	s23 =	simm.s32 $0xAA00  }
0x59: {  	[tilespmem:s23], [sflag:$0x2] =	stream.indirect_vreg.gather [hbm4b:s7+s5], $0x80, v3, vm0, $0xb8;
	[tilespmem:$0x1E200] =	vst v63  }
0x5a: {  	s24 =	simm.s32 $0xB200  }
0x5b: {  	[tilespmem:s24], [sflag:$0x2] =	stream.indirect_vreg.gather [hbm4b:s8+s5], $0x80, v3, vm0, $0xb8;
	[tilespmem:$0x1E200] =	vst v63  }
0x5c: {  	s29 =	simm.s32 $0xBA00  }
0x5d: {  	[tilespmem:s29], [sflag:$0x2] =	stream.indirect_vreg.gather [hbm4b:s10+s5], $0x80, v3, vm0, $0xb8;
	[tilespmem:$0x1E200] =	vst v63  }
0x5e: {  	v3 =	vld [tilespmem:$0x30];
	_ =	sdelay $0x4  }
0x5f: {  	v63 =	vshll.u32 v3, $0x3  }
0x60: {  	v3 =	vand.u32 $0x7, v3;
	v4 =	vand.u32 $0xFFFFFFC0, v63  }
0x61: {  	v3 =	vor.u32 v3, v4  }
0x62: {  	v4 =	vperm.xlane v3, v0;
	_ =	sdelay $0x1  }
0x63: {  	v4 =	vadd.s32 v1, v4;
	_ =	sdelay $0x3  }
0x64: {  	s30 =	simm.s32 $0xC200  }
0x65: {  	[tilespmem:s30], [sflag:$0x2] =	stream.indirect_vreg.gather [hbm4b:s1+s5], $0x80, v4, vm0, $0xb8;
	[tilespmem:$0x1E200] =	vst v63  }
0x66: {  	s2 =	simm.s32 $0xCA00;
	v3 =	vperm.xlane v3, v2  }
0x67: {  	[tilespmem:s2], [sflag:$0x2] =	stream.indirect_vreg.gather [hbm4b:s7+s5], $0x80, v4, vm0, $0xb8;
	[tilespmem:$0x1E200] =	vst v63  }
0x68: {  	s17 =	simm.s32 $0xD200;
	v3 =	vadd.s32 v1, v3  }
0x69: {  	[tilespmem:s17], [sflag:$0x2] =	stream.indirect_vreg.gather [hbm4b:s8+s5], $0x80, v4, vm0, $0xb8;
	[tilespmem:$0x1E200] =	vst v63  }
0x6a: {  	s18 =	simm.s32 $0xDA00  }
0x6b: {  	[tilespmem:s18], [sflag:$0x2] =	stream.indirect_vreg.gather [hbm4b:s10+s5], $0x80, v4, vm0, $0xb8;
	[tilespmem:$0x1E200] =	vst v63  }
0x6c: {  	s19 =	simm.s32 $0xE200  }
0x6d: {  	[tilespmem:s19], [sflag:$0x2] =	stream.indirect_vreg.gather [hbm4b:s1+s5], $0x80, v3, vm0, $0xb8;
	[tilespmem:$0x1E200] =	vst v63  }
0x6e: {  	s22 =	simm.s32 $0xEA00  }
0x6f: {  	[tilespmem:s22], [sflag:$0x2] =	stream.indirect_vreg.gather [hbm4b:s7+s5], $0x80, v3, vm0, $0xb8;
	[tilespmem:$0x1E200] =	vst v63  }
0x70: {  	s23 =	simm.s32 $0xF200  }
0x71: {  	[tilespmem:s23], [sflag:$0x2] =	stream.indirect_vreg.gather [hbm4b:s8+s5], $0x80, v3, vm0, $0xb8;
	[tilespmem:$0x1E200] =	vst v63  }
.Ltmp0:
0x72: {  	_ = 	snop;
	(pc) =	sbr.rel .LBB2_2-.Ltmp0, $4  }
0x73: {  	s24 =	simm.s32 $0xFA00  }
0x74: {  	[tilespmem:s24], [sflag:$0x2] =	stream.indirect_vreg.gather [hbm4b:s10+s5], $0x80, v3, vm0, $0xb8;
	[tilespmem:$0x1E200] =	vst v63  }
0x75: {  	s29 =	rddreg [dreg:$0x6];
	s30 =	simm.s32 $0x1A200;
	s18 =	simm.s32 $0x0  }
0x76: {  	[tilespmem:s30], [sflag:$0x5] =	stream.linear.gather [hbm4b:s29+s5], $0x2000, $0x38;
	[tilespmem:$0x1E200] =	vst v63  }
.LBB2_10:
0x77: {  	s0 =	sshll.u32 s22, $0x3  }
0x78: {  	s17 =	sadd.s32 s3, s0  }
0x79: {  	s17 =	sshll.u32 s17, $0x7  }
0x7a: {  	s19 =	simm.s32 $0x10200;
	s22 =	sadd.s32 s12, s0;
	s17 =	sadd.s32 s4, s17  }
0x7b: {  	[hbm4b:s17+s5] =	stream.linear.scatter [tilespmem:s19], [sflag:$0x9], $0x2000, $0x38;
	[tilespmem:$0x1E200] =	vst v63  }
0x7c: {  	s23 =	simm.s32 $0x12200;
	s18 =	sadd.s32 $0x1, s18;
	s17 =	sshll.u32 s22, $0x7  }
0x7d: {  	s24 =	sadd.s32 s13, s0;
	p0 =	sne.s32 s18, $0x5;
	s17 =	sadd.s32 s4, s17  }
0x7e: {  	[hbm4b:s17+s5] =	stream.linear.scatter [tilespmem:s23], [sflag:$0x9], $0x2000, $0x38;
	[tilespmem:$0x1E200] =	vst v63  }
.Ltmp1:
0x7f: {  	s0 =	sadd.s32 s14, s0;
	s17 =	sshll.u32 s24, $0x7;
	(pc) =	sbr.rel @!p0 .LBB2_11-.Ltmp1, $4  }
0x80: {  	s29 =	simm.s32 $0x14200;
	s0 =	sshll.u32 s0, $0x7;
	s17 =	sadd.s32 s4, s17  }
0x81: {  	[hbm4b:s17+s5] =	stream.linear.scatter [tilespmem:s29], [sflag:$0x9], $0x2000, $0x38;
	[tilespmem:$0x1E200] =	vst v63  }
0x82: {  	s30 =	simm.s32 $0x16200;
	s28 =	simm.s32 $0x2200;
	s0 =	sadd.s32 s4, s0  }
0x83: {  	[hbm4b:s0+s5] =	stream.linear.scatter [tilespmem:s30], [sflag:$0x9], $0x2000, $0x38;
	[tilespmem:$0x1E200] =	vst v63  }
.LBB2_2:
0x84: {  	_ =	swait.ge [sflag:s25], $0x8000  }
0x85: {  	[sflag:s25] =	ssyncset.done $0x0  }
0x86: {  	[sflag:s25] =	ssyncadd.s32 $0xFFFF8000  }
0x87: {  	s17 =	simm.s32 $0x0;
	_ =	swait.ge [sflag:s26], $0x2000  }
0x88: {  	s0 =	sand.u32 $0x70, s17;
	s19 =	sand.u32 $0x1C00, s17;
	[sflag:s26] =	ssyncset.done $0x0  }
0x89: {  	s22 =	sor.u32 s0, s19;
	[sflag:s26] =	ssyncadd.s32 $0xFFFFE000  }
0x8a: {  	v3 =	vld [tilespmem:s22+$0x6500]  }
0x8b: {  	v4 =	vld [tilespmem:s22+$0x280]  }
0x8c: {  	v5 =	vld [tilespmem:s22+$0x6280]  }
0x8d: {  	v6 =	vld [tilespmem:s22+$0x4500]  }
0x8e: {  	v7 =	vld [tilespmem:s22+$0x2280]  }
0x8f: {  	v8 =	vld [tilespmem:s22+$0x2200]  }
0x90: {  	v9 =	vld [tilespmem:s22+$0x4200]  }
0x91: {  	v10 =	vld [tilespmem:s22+$0x6200]  }
0x92: {  	v11 =	vld [tilespmem:s22+$0x18500]  }
0x93: {  	v12 =	vld [tilespmem:s22+$0x18200]  }
0x94: {  	v13 =	vld [tilespmem:s22+$0x200]  }
0x95: {  	v16 =	vld [tilespmem:s22+$0x18280]  }
0x96: {  	v14 =	vld [tilespmem:s22+$0x500]  }
0x97: {  	v15 =	vld [tilespmem:s22+$0x2500]  }
0x98: {  	v17 =	vld [tilespmem:s22+$0x4280];
	v12 =	vmul.f32 $3.200000000e+01, v12;
	v10 =	vmul.f32 $3.200000000e+01, v10  }
0x99: {  	v18 =	vld [tilespmem:s22+$0x4300];
	v11 =	vmul.f32 $3.200000000e+01, v11;
	v3 =	vmul.f32 $3.200000000e+01, v3  }
0x9a: {  	v19 =	vld [tilespmem:s22+$0x2300];
	v7 =	vmul.f32 $3.200000000e+01, v7;
	v16 =	vmul.f32 $3.200000000e+01, v16;
	v10 =	vadd.f32 v10, v12  }
0x9b: {  	v20 =	vld [tilespmem:s22+$0x300];
	v6 =	vmul.f32 $3.200000000e+01, v6;
	v3 =	vadd.f32 v3, v11  }
0x9c: {  	v21 =	vld [tilespmem:s22+$0x18300];
	v14 =	vmul.f32 $3.200000000e+01, v14;
	v7 =	vadd.f32 v7, v16;
	[tilespmem:s22+$0x6200] =	vst v10  }
0x9d: {  	v22 =	vld [tilespmem:s22+$0x4380];
	v4 =	vmul.f32 $3.200000000e+01, v4;
	v6 =	vadd.f32 v6, v11;
	[tilespmem:s22+$0x6500] =	vst v3  }
0x9e: {  	v25 =	vld [tilespmem:s22+$0x18380];
	v5 =	vmul.f32 $3.200000000e+01, v5;
	v10 =	vadd.f32 v14, v11;
	v3 =	vmul.f32 $3.200000000e+01, v9;
	[tilespmem:s22+$0x2280] =	vst v7  }
0x9f: {  	v14 =	vld [tilespmem:s22+$0x6300];
	v7 =	vmul.f32 $3.200000000e+01, v8;
	[tilespmem:s22+$0x4500] =	vst v6;
	v6 =	vmul.f32 $3.200000000e+01, v13;
	v13 =	vadd.f32 v4, v16  }
0xa0: {  	v23 =	vld [tilespmem:s22+$0x2380];
	v9 =	vmul.f32 $3.200000000e+01, v15;
	v15 =	vmul.f32 $3.200000000e+01, v20;
	[tilespmem:s22+$0x500] =	vst v10;
	v3 =	vadd.f32 v3, v12  }
0xa1: {  	v24 =	vld [tilespmem:s22+$0x380];
	v4 =	vadd.f32 v5, v16;
	v5 =	vmul.f32 $3.200000000e+01, v18;
	v7 =	vadd.f32 v7, v12;
	[tilespmem:s22+$0x280] =	vst v13  }
0xa2: {  	v8 =	vld [tilespmem:s22+$0x18400];
	v10 =	vmul.f32 $3.200000000e+01, v17;
	v6 =	vadd.f32 v6, v12;
	v17 =	vmul.f32 $3.200000000e+01, v21;
	[tilespmem:s22+$0x4200] =	vst v3  }
0xa3: {  	v12 =	vmul.f32 $3.200000000e+01, v19;
	v11 =	vadd.f32 v9, v11;
	v13 =	vmul.f32 $3.200000000e+01, v25;
	v3 =	vld [tilespmem:s22+$0x6380];
	[tilespmem:s22+$0x2200] =	vst v7  }
0xa4: {  	v9 =	vld [tilespmem:s22+$0x400];
	[tilespmem:s22+$0x200] =	vst v6;
	v7 =	vadd.f32 v10, v16;
	v15 =	vadd.f32 v15, v17;
	v14 =	vmul.f32 $3.200000000e+01, v14  }
0xa5: {  	v10 =	vld [tilespmem:s22+$0x2400];
	v12 =	vadd.f32 v12, v17;
	[tilespmem:s22+$0x2500] =	vst v11;
	v6 =	vmul.f32 $3.200000000e+01, v22;
	v11 =	vadd.f32 v5, v17  }
0xa6: {  	s23 =	simm.s32 $0x4200;
	s24 =	simm.s32 $0x10;
	s19 =	sor.u32 s17, s17;
	v16 =	vmul.f32 $3.200000000e+01, v23;
	v5 =	vadd.f32 v14, v17;
	v17 =	vmul.f32 $3.200000000e+01, v24;
	v14 =	vld [tilespmem:s22+$0x4400]  }
.LBB2_3:
0xa7: {  	p0 =	sne.s32 s24, $0x3F0  }
0xa8: {  	[tilespmem:s22+$0x4280] =	vst v7;
	v3 =	vmul.f32 $3.200000000e+01, v3;
	v7 =	vld [tilespmem:s22+$0x6400];
	s17 =	sadd.s32 $0x80, s17;
	s29 =	smov.u32 s24;
	s24 =	sadd.s32 $0x10, s24  }
0xa9: {  	s0 =	sor.u32 s17, s29;
	[tilespmem:s22+$0x300] =	vst v15;
	v15 =	vadd.f32 v17, v13;
	v16 =	vadd.f32 v16, v13;
	v8 =	vmul.f32 $3.200000000e+01, v8;
	v17 =	vld [tilespmem:s22+$0x6480]  }
0xaa: {  	[tilespmem:s22+$0x6280] =	vst v4;
	v4 =	vadd.f32 v6, v13;
	v3 =	vadd.f32 v3, v13;
	v6 =	vmul.f32 $3.200000000e+01, v9;
	v9 =	vld [tilespmem:s22+$0x2480]  }
0xab: {  	[tilespmem:s22+$0x2300] =	vst v12;
	v10 =	vmul.f32 $3.200000000e+01, v10;
	v12 =	vld [tilespmem:s22+$0x480]  }
0xac: {  	[tilespmem:s22+$0x4300] =	vst v11;
	v6 =	vadd.f32 v6, v8;
	v11 =	vmul.f32 $3.200000000e+01, v14;
	v13 =	vld [tilespmem:s22+$0x18480]  }
0xad: {  	[tilespmem:s22+$0x2380] =	vst v16;
	v10 =	vadd.f32 v10, v8;
	v7 =	vmul.f32 $3.200000000e+01, v7;
	v14 =	vld [tilespmem:s22+$0x4480]  }
0xae: {  	[tilespmem:s22+$0x400] =	vst v6;
	v6 =	vadd.f32 v11, v8  }
0xaf: {  	[tilespmem:s22+$0x6300] =	vst v5;
	v5 =	vadd.f32 v7, v8  }
0xb0: {  	[tilespmem:s22+$0x2400] =	vst v10;
	v7 =	vmul.f32 $3.200000000e+01, v12  }
0xb1: {  	v9 =	vmul.f32 $3.200000000e+01, v9;
	[tilespmem:s22+$0x380] =	vst v15;
	v8 =	vmul.f32 $3.200000000e+01, v13  }
0xb2: {  	v10 =	vmul.f32 $3.200000000e+01, v17;
	[tilespmem:s22+$0x4400] =	vst v6;
	v6 =	vmul.f32 $3.200000000e+01, v14  }
0xb3: {  	[tilespmem:s22+$0x4380] =	vst v4;
	v4 =	vadd.f32 v7, v8;
	v7 =	vadd.f32 v9, v8  }
0xb4: {  	[tilespmem:s22+$0x6380] =	vst v3;
	v3 =	vadd.f32 v6, v8;
	v6 =	vadd.f32 v10, v8  }
0xb5: {  	[tilespmem:s22+$0x480] =	vst v4  }
0xb6: {  	[tilespmem:s22+$0x6400] =	vst v5  }
0xb7: {  	[tilespmem:s22+$0x2480] =	vst v7  }
0xb8: {  	[tilespmem:s22+$0x4480] =	vst v3  }
0xb9: {  	s30 =	sor.u32 $0x380, s19;
	s19 =	smov.u32 s0;
	[tilespmem:s22+$0x6480] =	vst v6  }
0xba: {  	v3 =	vld [tilespmem:s30+$0x18200]  }
0xbb: {  	v4 =	vld [tilespmem:s30+$0x200];
	_ =	sdelay $0x3  }
0xbc: {  	v3 =	vmul.f32 $3.200000000e+01, v3  }
0xbd: {  	v4 =	vmul.f32 $3.200000000e+01, v4;
	_ =	sdelay $0x1  }
0xbe: {  	v4 =	vadd.f32 v4, v3;
	_ =	sdelay $0x1  }
0xbf: {  	[tilespmem:s30+$0x200] =	vst v4  }
0xc0: {  	v4 =	vld [tilespmem:s22+$0x2580]  }
0xc1: {  	s0 =	sand.u32 $0x70, s29;
	s29 =	sand.u32 $0x1C00, s17;
	v5 =	vld [tilespmem:s22+$0x6580]  }
0xc2: {  	s0 =	sor.u32 s0, s29;
	v6 =	vld [tilespmem:s22+$0x4580]  }
0xc3: {  	v7 =	vld [tilespmem:s0+$0x6500]  }
0xc4: {  	v8 =	vld [tilespmem:s0+$0x280]  }
0xc5: {  	v9 =	vld [tilespmem:s0+$0x6280];
	v4 =	vmul.f32 $3.200000000e+01, v4  }
0xc6: {  	v10 =	vld [tilespmem:s0+$0x4500];
	v5 =	vmul.f32 $3.200000000e+01, v5  }
0xc7: {  	v11 =	vld [tilespmem:s0+$0x2280];
	v4 =	vadd.f32 v4, v3;
	v6 =	vmul.f32 $3.200000000e+01, v6  }
0xc8: {  	v12 =	vld [tilespmem:s0+$0x2200];
	v7 =	vmul.f32 $3.200000000e+01, v7;
	v5 =	vadd.f32 v5, v3  }
0xc9: {  	v13 =	vld [tilespmem:s0+$0x4200];
	[tilespmem:s22+$0x2580] =	vst v4;
	v3 =	vadd.f32 v6, v3  }
0xca: {  	v4 =	vld [tilespmem:s0+$0x6200];
	[tilespmem:s22+$0x6580] =	vst v5  }
0xcb: {  	v5 =	vld [tilespmem:s0+$0x18500];
	[tilespmem:s22+$0x4580] =	vst v3;
	s22 =	smov.u32 s0  }
0xcc: {  	v3 =	vld [tilespmem:s22+$0x18200]  }
0xcd: {  	v6 =	vld [tilespmem:s22+$0x200]  }
0xce: {  	v13 =	vmul.f32 $3.200000000e+01, v13;
	v14 =	vld [tilespmem:s22+$0x500]  }
0xcf: {  	v15 =	vld [tilespmem:s22+$0x2500]  }
0xd0: {  	v16 =	vld [tilespmem:s22+$0x18280]  }
0xd1: {  	v4 =	vmul.f32 $3.200000000e+01, v4;
	v3 =	vmul.f32 $3.200000000e+01, v3;
	v17 =	vld [tilespmem:s22+$0x4280]  }
0xd2: {  	v5 =	vmul.f32 $3.200000000e+01, v5;
	v6 =	vmul.f32 $3.200000000e+01, v6;
	v18 =	vld [tilespmem:s22+$0x4300]  }
0xd3: {  	v10 =	vmul.f32 $3.200000000e+01, v10;
	v4 =	vadd.f32 v4, v3;
	v19 =	vld [tilespmem:s22+$0x2300];
	v14 =	vmul.f32 $3.200000000e+01, v14  }
0xd4: {  	v11 =	vmul.f32 $3.200000000e+01, v11;
	v21 =	vadd.f32 v7, v5;
	v20 =	vld [tilespmem:s22+$0x300];
	v15 =	vmul.f32 $3.200000000e+01, v15  }
0xd5: {  	v7 =	vmul.f32 $3.200000000e+01, v8;
	v16 =	vmul.f32 $3.200000000e+01, v16;
	v8 =	vld [tilespmem:s22+$0x18300];
	v14 =	vadd.f32 v14, v5  }
0xd6: {  	v9 =	vmul.f32 $3.200000000e+01, v9;
	v10 =	vadd.f32 v10, v5;
	[tilespmem:s22+$0x6200] =	vst v4;
	v4 =	vmul.f32 $3.200000000e+01, v17;
	v17 =	vld [tilespmem:s22+$0x6300]  }
0xd7: {  	v12 =	vmul.f32 $3.200000000e+01, v12;
	v22 =	vadd.f32 v7, v16;
	v11 =	vadd.f32 v11, v16;
	v23 =	vld [tilespmem:s22+$0x4380];
	[tilespmem:s22+$0x500] =	vst v14  }
0xd8: {  	v7 =	vadd.f32 v4, v16;
	v4 =	vadd.f32 v9, v16;
	v14 =	vld [tilespmem:s22+$0x2380];
	[tilespmem:s22+$0x6500] =	vst v21  }
0xd9: {  	v9 =	vadd.f32 v12, v3;
	v12 =	vadd.f32 v13, v3;
	[tilespmem:s22+$0x2280] =	vst v11;
	v11 =	vmul.f32 $3.200000000e+01, v19;
	v19 =	vld [tilespmem:s22+$0x380]  }
0xda: {  	v21 =	vadd.f32 v15, v5;
	v13 =	vmul.f32 $3.200000000e+01, v8;
	v8 =	vmul.f32 $3.200000000e+01, v20;
	v20 =	vld [tilespmem:s22+$0x18380];
	[tilespmem:s22+$0x4500] =	vst v10  }
.Ltmp2:
0xdb: {  	v5 =	vadd.f32 v6, v3;
	v10 =	vmul.f32 $3.200000000e+01, v18;
	[tilespmem:s22+$0x4200] =	vst v12;
	v16 =	vmul.f32 $3.200000000e+01, v17;
	v3 =	vld [tilespmem:s22+$0x6380];
	(pc) =	sbr.rel @p0 .LBB2_3-.Ltmp2, $4  }
0xdc: {  	[tilespmem:s22+$0x2200] =	vst v9;
	v15 =	vadd.f32 v8, v13;
	v12 =	vadd.f32 v11, v13;
	v6 =	vmul.f32 $3.200000000e+01, v23;
	v8 =	vld [tilespmem:s22+$0x18400]  }
0xdd: {  	v11 =	vadd.f32 v10, v13;
	[tilespmem:s22+$0x200] =	vst v5;
	v5 =	vadd.f32 v16, v13;
	v9 =	vld [tilespmem:s22+$0x400]  }
0xde: {  	v16 =	vmul.f32 $3.200000000e+01, v14;
	v10 =	vld [tilespmem:s22+$0x2400];
	[tilespmem:s22+$0x2500] =	vst v21  }
0xdf: {  	v17 =	vmul.f32 $3.200000000e+01, v19;
	[tilespmem:s22+$0x280] =	vst v22;
	v13 =	vmul.f32 $3.200000000e+01, v20;
	v14 =	vld [tilespmem:s22+$0x4400]  }
0xe0: {  	[tilespmem:s22+$0x4280] =	vst v7  }
0xe1: {  	[tilespmem:s22+$0x300] =	vst v15  }
0xe2: {  	[tilespmem:s22+$0x6280] =	vst v4  }
0xe3: {  	v7 =	vld [tilespmem:s22+$0x6400];
	[tilespmem:s22+$0x2300] =	vst v12  }
0xe4: {  	v12 =	vld [tilespmem:s22+$0x480];
	[tilespmem:s22+$0x4300] =	vst v11;
	v16 =	vadd.f32 v16, v13;
	v8 =	vmul.f32 $3.200000000e+01, v8;
	v9 =	vmul.f32 $3.200000000e+01, v9  }
0xe5: {  	v11 =	vld [tilespmem:s22+$0x18480];
	[tilespmem:s22+$0x6300] =	vst v5;
	v6 =	vadd.f32 v6, v13;
	v10 =	vmul.f32 $3.200000000e+01, v10  }
0xe6: {  	v4 =	vld [tilespmem:s22+$0x2480];
	[tilespmem:s22+$0x2380] =	vst v16;
	v9 =	vadd.f32 v9, v8  }
0xe7: {  	v15 =	vld [tilespmem:s22+$0x6480];
	v3 =	vmul.f32 $3.200000000e+01, v3;
	[tilespmem:s22+$0x4380] =	vst v6;
	v10 =	vadd.f32 v10, v8  }
0xe8: {  	v16 =	vld [tilespmem:s22+$0x4480];
	v14 =	vmul.f32 $3.200000000e+01, v14;
	[tilespmem:s22+$0x400] =	vst v9;
	v9 =	vadd.f32 v17, v13  }
0xe9: {  	v3 =	vadd.f32 v3, v13;
	v7 =	vmul.f32 $3.200000000e+01, v7;
	[tilespmem:s22+$0x2400] =	vst v10  }
0xea: {  	v5 =	vadd.f32 v14, v8;
	v10 =	vmul.f32 $3.200000000e+01, v12;
	[tilespmem:s22+$0x380] =	vst v9;
	v9 =	vmul.f32 $3.200000000e+01, v11  }
0xeb: {  	[tilespmem:s22+$0x6380] =	vst v3;
	v4 =	vmul.f32 $3.200000000e+01, v4;
	v6 =	vadd.f32 v7, v8  }
0xec: {  	v3 =	vmul.f32 $3.200000000e+01, v15;
	[tilespmem:s22+$0x4400] =	vst v5;
	v5 =	vadd.f32 v10, v9  }
0xed: {  	v7 =	vmul.f32 $3.200000000e+01, v16;
	[tilespmem:s22+$0x6400] =	vst v6;
	v4 =	vadd.f32 v4, v9  }
0xee: {  	v3 =	vadd.f32 v3, v9;
	[tilespmem:s22+$0x480] =	vst v5  }
0xef: {  	v5 =	vadd.f32 v7, v9;
	[tilespmem:s22+$0x2480] =	vst v4  }
0xf0: {  	[tilespmem:s22+$0x6480] =	vst v3  }
0xf1: {  	s0 =	sor.u32 $0x380, s19;
	[tilespmem:s22+$0x4480] =	vst v5  }
0xf2: {  	v3 =	vld [tilespmem:s0+$0x18200]  }
0xf3: {  	v4 =	vld [tilespmem:s0+$0x200];
	_ =	sdelay $0x4  }
0xf4: {  	v3 =	vmul.f32 $3.200000000e+01, v3;
	v4 =	vmul.f32 $3.200000000e+01, v4;
	_ =	sdelay $0x1  }
0xf5: {  	v4 =	vadd.f32 v4, v3;
	_ =	sdelay $0x1  }
0xf6: {  	[tilespmem:s0+$0x200] =	vst v4  }
0xf7: {  	v4 =	vld [tilespmem:s22+$0x2580]  }
0xf8: {  	v5 =	vld [tilespmem:s22+$0x6580]  }
0xf9: {  	v6 =	vld [tilespmem:s22+$0x4580];
	_ =	sdelay $0x2  }
0xfa: {  	v4 =	vmul.f32 $3.200000000e+01, v4  }
0xfb: {  	v5 =	vmul.f32 $3.200000000e+01, v5  }
0xfc: {  	v6 =	vmul.f32 $3.200000000e+01, v6;
	v4 =	vadd.f32 v4, v3  }
0xfd: {  	v5 =	vadd.f32 v5, v3  }
0xfe: {  	v3 =	vadd.f32 v6, v3;
	[tilespmem:s22+$0x2580] =	vst v4  }
0xff: {  	s19 =	smul.u32 $0x3, s18;
	p0 =	seq.s32 s18, $0x0;
	[tilespmem:s22+$0x6580] =	vst v5  }
0x100: {  	s0 =	simm.s32 @!p0 $0x9;
	[tilespmem:s22+$0x4580] =	vst v3  }
0x101: {  	s22 =	sadd.s32 $0x2, s19;
	_ =	swait.ge @!p0 [sflag:s0], $0x8000  }
0x102: {  	s17 =	sshll.u32 s22, $0x5;
	[sflag:s0] =	ssyncset.done @!p0 $0x0  }
0x103: {  	[sflag:s0] =	ssyncadd.s32 @!p0 $0xFFFF8000;
	s0 =	sand.u32 $0x3FFFFFE0, s17  }
0x104: {  	v3 =	vld [tilespmem:s0+$0x0];
	_ =	sdelay $0x4  }
0x105: {  	v4 =	vshll.u32 v3, $0x3  }
0x106: {  	v3 =	vand.u32 $0x7, v3;
	v4 =	vand.u32 $0xFFFFFFC0, v4  }
0x107: {  	v3 =	vor.u32 v3, v4  }
0x108: {  	v4 =	vperm.xlane v3, v0;
	_ =	sdelay $0x1  }
0x109: {  	v4 =	vadd.s32 v1, v4;
	_ =	sdelay $0x3  }
0x10a: {  	s29 =	simm.s32 $0x0;
	s2 =	simm.s32 $0x10200  }
0x10b: {  	[tilespmem:s2], [sflag:$0x3] =	stream.indirect_vreg.gather [hbm4b:s1+s29], $0x80, v4, vm0, $0xb8;
	[tilespmem:$0x1E200] =	vst v63  }
0x10c: {  	s24 =	simm.s32 $0x10A00;
	v3 =	vperm.xlane v3, v2  }
0x10d: {  	[tilespmem:s24], [sflag:$0x3] =	stream.indirect_vreg.gather [hbm4b:s7+s29], $0x80, v4, vm0, $0xb8;
	[tilespmem:$0x1E200] =	vst v63  }
0x10e: {  	s17 =	simm.s32 $0x11200;
	v3 =	vadd.s32 v1, v3  }
0x10f: {  	[tilespmem:s17], [sflag:$0x3] =	stream.indirect_vreg.gather [hbm4b:s8+s29], $0x80, v4, vm0, $0xb8;
	[tilespmem:$0x1E200] =	vst v63  }
0x110: {  	s24 =	simm.s32 $0x11A00  }
0x111: {  	[tilespmem:s24], [sflag:$0x3] =	stream.indirect_vreg.gather [hbm4b:s10+s29], $0x80, v4, vm0, $0xb8;
	[tilespmem:$0x1E200] =	vst v63  }
0x112: {  	s17 =	simm.s32 $0x12200  }
0x113: {  	[tilespmem:s17], [sflag:$0x3] =	stream.indirect_vreg.gather [hbm4b:s1+s29], $0x80, v3, vm0, $0xb8;
	[tilespmem:$0x1E200] =	vst v63  }
0x114: {  	s24 =	simm.s32 $0x12A00  }
0x115: {  	[tilespmem:s24], [sflag:$0x3] =	stream.indirect_vreg.gather [hbm4b:s7+s29], $0x80, v3, vm0, $0xb8;
	[tilespmem:$0x1E200] =	vst v63  }
0x116: {  	s17 =	simm.s32 $0x13200  }
0x117: {  	[tilespmem:s17], [sflag:$0x3] =	stream.indirect_vreg.gather [hbm4b:s8+s29], $0x80, v3, vm0, $0xb8;
	[tilespmem:$0x1E200] =	vst v63  }
0x118: {  	s24 =	simm.s32 $0x13A00  }
0x119: {  	[tilespmem:s24], [sflag:$0x3] =	stream.indirect_vreg.gather [hbm4b:s10+s29], $0x80, v3, vm0, $0xb8;
	[tilespmem:$0x1E200] =	vst v63  }
0x11a: {  	v3 =	vld [tilespmem:s0+$0x10];
	_ =	sdelay $0x4  }
0x11b: {  	v4 =	vshll.u32 v3, $0x3  }
0x11c: {  	v3 =	vand.u32 $0x7, v3;
	v4 =	vand.u32 $0xFFFFFFC0, v4  }
0x11d: {  	v3 =	vor.u32 v3, v4  }
0x11e: {  	v4 =	vperm.xlane v3, v0;
	_ =	sdelay $0x1  }
0x11f: {  	v4 =	vadd.s32 v1, v4;
	_ =	sdelay $0x3  }
0x120: {  	s17 =	simm.s32 $0x14200  }
0x121: {  	[tilespmem:s17], [sflag:$0x3] =	stream.indirect_vreg.gather [hbm4b:s1+s29], $0x80, v4, vm0, $0xb8;
	[tilespmem:$0x1E200] =	vst v63  }
0x122: {  	s24 =	simm.s32 $0x14A00;
	v3 =	vperm.xlane v3, v2  }
0x123: {  	[tilespmem:s24], [sflag:$0x3] =	stream.indirect_vreg.gather [hbm4b:s7+s29], $0x80, v4, vm0, $0xb8;
	[tilespmem:$0x1E200] =	vst v63  }
0x124: {  	s2 =	simm.s32 $0x15200;
	v3 =	vadd.s32 v1, v3  }
0x125: {  	[tilespmem:s2], [sflag:$0x3] =	stream.indirect_vreg.gather [hbm4b:s8+s29], $0x80, v4, vm0, $0xb8;
	[tilespmem:$0x1E200] =	vst v63  }
0x126: {  	s17 =	simm.s32 $0x15A00  }
0x127: {  	[tilespmem:s17], [sflag:$0x3] =	stream.indirect_vreg.gather [hbm4b:s10+s29], $0x80, v4, vm0, $0xb8;
	[tilespmem:$0x1E200] =	vst v63  }
0x128: {  	s24 =	simm.s32 $0x16200  }
0x129: {  	[tilespmem:s24], [sflag:$0x3] =	stream.indirect_vreg.gather [hbm4b:s1+s29], $0x80, v3, vm0, $0xb8;
	[tilespmem:$0x1E200] =	vst v63  }
0x12a: {  	s2 =	simm.s32 $0x16A00  }
0x12b: {  	[tilespmem:s2], [sflag:$0x3] =	stream.indirect_vreg.gather [hbm4b:s7+s29], $0x80, v3, vm0, $0xb8;
	[tilespmem:$0x1E200] =	vst v63  }
0x12c: {  	s17 =	simm.s32 $0x17200  }
0x12d: {  	[tilespmem:s17], [sflag:$0x3] =	stream.indirect_vreg.gather [hbm4b:s8+s29], $0x80, v3, vm0, $0xb8;
	[tilespmem:$0x1E200] =	vst v63  }
0x12e: {  	s24 =	simm.s32 $0x17A00;
	s2 =	sshll.u32 s22, $0xA  }
0x12f: {  	[tilespmem:s24], [sflag:$0x3] =	stream.indirect_vreg.gather [hbm4b:s10+s29], $0x80, v3, vm0, $0xb8;
	[tilespmem:$0x1E200] =	vst v63  }
0x130: {  	s0 =	sadd.s32 s2, s9;
	s17 =	simm.s32 $0x1C200;
	s24 =	smul.u32 $0x18, s18  }
0x131: {  	[tilespmem:s17], [sflag:$0x6] =	stream.linear.gather [hbm4b:s0+s29], $0x2000, $0x38;
	[tilespmem:$0x1E200] =	vst v63  }
0x132: {  	s2 =	sadd.s32 s3, s24  }
0x133: {  	s0 =	sshll.u32 s2, $0x7  }
0x134: {  	s17 =	sadd.s32 s12, s24;
	s0 =	sadd.s32 s4, s0  }
0x135: {  	[hbm4b:s0+s29] =	stream.linear.scatter [tilespmem:s31], [sflag:$0x7], $0x2000, $0x38;
	[tilespmem:$0x1E200] =	vst v63  }
0x136: {  	s0 =	sshll.u32 s17, $0x7  }
0x137: {  	s0 =	sadd.s32 s4, s0  }
0x138: {  	[hbm4b:s0+s29] =	stream.linear.scatter [tilespmem:s28], [sflag:$0x7], $0x2000, $0x38;
	[tilespmem:$0x1E200] =	vst v63  }
0x139: {  	s28 =	sadd.s32 s13, s24  }
0x13a: {  	s0 =	sshll.u32 s28, $0x7  }
0x13b: {  	s17 =	sadd.s32 s14, s24;
	s0 =	sadd.s32 s4, s0  }
0x13c: {  	[hbm4b:s0+s29] =	stream.linear.scatter [tilespmem:s23], [sflag:$0x7], $0x2000, $0x38;
	[tilespmem:$0x1E200] =	vst v63  }
0x13d: {  	s0 =	sshll.u32 s17, $0x7  }
0x13e: {  	s0 =	sadd.s32 s4, s0  }
0x13f: {  	[hbm4b:s0+s29] =	stream.linear.scatter [tilespmem:s6], [sflag:$0x7], $0x2000, $0x38;
	[tilespmem:$0x1E200] =	vst v63  }
0x140: {  	_ =	swait.ge [sflag:s20], $0x8000  }
0x141: {  	[sflag:s20] =	ssyncset.done $0x0  }
0x142: {  	[sflag:s20] =	ssyncadd.s32 $0xFFFF8000  }
0x143: {  	_ =	swait.ge [sflag:s21], $0x2000  }
0x144: {  	s28 =	sand.u32 $0x1C00, s29;
	s23 =	sand.u32 $0x70, s29;
	[sflag:s21] =	ssyncset.done $0x0  }
0x145: {  	s17 =	sor.u32 s23, s28;
	[sflag:s21] =	ssyncadd.s32 $0xFFFFE000  }
0x146: {  	v3 =	vld [tilespmem:s17+$0xE500]  }
0x147: {  	v4 =	vld [tilespmem:s17+$0x8280]  }
0x148: {  	v5 =	vld [tilespmem:s17+$0xE280]  }
0x149: {  	v6 =	vld [tilespmem:s17+$0xC500]  }
0x14a: {  	v7 =	vld [tilespmem:s17+$0xA280]  }
0x14b: {  	v8 =	vld [tilespmem:s17+$0xA200]  }
0x14c: {  	v9 =	vld [tilespmem:s17+$0xC200]  }
0x14d: {  	v10 =	vld [tilespmem:s17+$0xE200]  }
0x14e: {  	v11 =	vld [tilespmem:s17+$0x1A500]  }
0x14f: {  	v12 =	vld [tilespmem:s17+$0x1A200]  }
0x150: {  	v13 =	vld [tilespmem:s17+$0x8200]  }
0x151: {  	v16 =	vld [tilespmem:s17+$0x1A280]  }
0x152: {  	v14 =	vld [tilespmem:s17+$0x8500]  }
0x153: {  	v15 =	vld [tilespmem:s17+$0xA500]  }
0x154: {  	v17 =	vld [tilespmem:s17+$0xC280];
	v12 =	vmul.f32 $3.200000000e+01, v12;
	v10 =	vmul.f32 $3.200000000e+01, v10  }
0x155: {  	v18 =	vld [tilespmem:s17+$0xC300];
	v11 =	vmul.f32 $3.200000000e+01, v11;
	v3 =	vmul.f32 $3.200000000e+01, v3  }
0x156: {  	v19 =	vld [tilespmem:s17+$0xA300];
	v7 =	vmul.f32 $3.200000000e+01, v7;
	v16 =	vmul.f32 $3.200000000e+01, v16;
	v10 =	vadd.f32 v10, v12  }
0x157: {  	v20 =	vld [tilespmem:s17+$0x8300];
	v6 =	vmul.f32 $3.200000000e+01, v6;
	v3 =	vadd.f32 v3, v11  }
0x158: {  	v21 =	vld [tilespmem:s17+$0x1A300];
	v14 =	vmul.f32 $3.200000000e+01, v14;
	v7 =	vadd.f32 v7, v16;
	[tilespmem:s17+$0xE200] =	vst v10  }
0x159: {  	v22 =	vld [tilespmem:s17+$0xC380];
	v4 =	vmul.f32 $3.200000000e+01, v4;
	v6 =	vadd.f32 v6, v11;
	[tilespmem:s17+$0xE500] =	vst v3  }
0x15a: {  	v25 =	vld [tilespmem:s17+$0x1A380];
	v5 =	vmul.f32 $3.200000000e+01, v5;
	v10 =	vadd.f32 v14, v11;
	v3 =	vmul.f32 $3.200000000e+01, v9;
	[tilespmem:s17+$0xA280] =	vst v7  }
0x15b: {  	v14 =	vld [tilespmem:s17+$0xE300];
	v7 =	vmul.f32 $3.200000000e+01, v8;
	[tilespmem:s17+$0xC500] =	vst v6;
	v6 =	vmul.f32 $3.200000000e+01, v13;
	v13 =	vadd.f32 v4, v16  }
0x15c: {  	v23 =	vld [tilespmem:s17+$0xA380];
	v9 =	vmul.f32 $3.200000000e+01, v15;
	v15 =	vmul.f32 $3.200000000e+01, v20;
	[tilespmem:s17+$0x8500] =	vst v10;
	v3 =	vadd.f32 v3, v12  }
0x15d: {  	v24 =	vld [tilespmem:s17+$0x8380];
	v4 =	vadd.f32 v5, v16;
	v5 =	vmul.f32 $3.200000000e+01, v18;
	v7 =	vadd.f32 v7, v12;
	[tilespmem:s17+$0x8280] =	vst v13  }
0x15e: {  	v8 =	vld [tilespmem:s17+$0x1A400];
	v10 =	vmul.f32 $3.200000000e+01, v17;
	v6 =	vadd.f32 v6, v12;
	v17 =	vmul.f32 $3.200000000e+01, v21;
	[tilespmem:s17+$0xC200] =	vst v3  }
0x15f: {  	v12 =	vmul.f32 $3.200000000e+01, v19;
	v11 =	vadd.f32 v9, v11;
	v13 =	vmul.f32 $3.200000000e+01, v25;
	v3 =	vld [tilespmem:s17+$0xE380];
	[tilespmem:s17+$0xA200] =	vst v7  }
0x160: {  	v9 =	vld [tilespmem:s17+$0x8400];
	[tilespmem:s17+$0x8200] =	vst v6;
	v7 =	vadd.f32 v10, v16;
	v15 =	vadd.f32 v15, v17;
	v14 =	vmul.f32 $3.200000000e+01, v14  }
0x161: {  	v10 =	vld [tilespmem:s17+$0xA400];
	v12 =	vadd.f32 v12, v17;
	[tilespmem:s17+$0xA500] =	vst v11;
	v6 =	vmul.f32 $3.200000000e+01, v22;
	v11 =	vadd.f32 v5, v17  }
0x162: {  	s30 =	sor.u32 s29, s29;
	s2 =	simm.s32 $0x2200;
	s31 =	simm.s32 $0x10;
	v16 =	vmul.f32 $3.200000000e+01, v23;
	v5 =	vadd.f32 v14, v17;
	v17 =	vmul.f32 $3.200000000e+01, v24;
	v14 =	vld [tilespmem:s17+$0xC400]  }
.LBB2_5:
0x163: {  	p0 =	sne.s32 s31, $0x3F0  }
0x164: {  	[tilespmem:s17+$0xC280] =	vst v7;
	v3 =	vmul.f32 $3.200000000e+01, v3;
	v7 =	vld [tilespmem:s17+$0xE400];
	s29 =	sadd.s32 $0x80, s29;
	s0 =	smov.u32 s31;
	s31 =	sadd.s32 $0x10, s31  }
0x165: {  	s23 =	sor.u32 s29, s0;
	[tilespmem:s17+$0x8300] =	vst v15;
	v15 =	vadd.f32 v17, v13;
	v16 =	vadd.f32 v16, v13;
	v8 =	vmul.f32 $3.200000000e+01, v8;
	v17 =	vld [tilespmem:s17+$0xE480]  }
0x166: {  	[tilespmem:s17+$0xE280] =	vst v4;
	v4 =	vadd.f32 v6, v13;
	v3 =	vadd.f32 v3, v13;
	v6 =	vmul.f32 $3.200000000e+01, v9;
	v9 =	vld [tilespmem:s17+$0xA480]  }
0x167: {  	[tilespmem:s17+$0xA300] =	vst v12;
	v10 =	vmul.f32 $3.200000000e+01, v10;
	v12 =	vld [tilespmem:s17+$0x8480]  }
0x168: {  	[tilespmem:s17+$0xC300] =	vst v11;
	v6 =	vadd.f32 v6, v8;
	v11 =	vmul.f32 $3.200000000e+01, v14;
	v13 =	vld [tilespmem:s17+$0x1A480]  }
0x169: {  	[tilespmem:s17+$0xA380] =	vst v16;
	v10 =	vadd.f32 v10, v8;
	v7 =	vmul.f32 $3.200000000e+01, v7;
	v14 =	vld [tilespmem:s17+$0xC480]  }
0x16a: {  	[tilespmem:s17+$0x8400] =	vst v6;
	v6 =	vadd.f32 v11, v8  }
0x16b: {  	[tilespmem:s17+$0xE300] =	vst v5;
	v5 =	vadd.f32 v7, v8  }
0x16c: {  	[tilespmem:s17+$0xA400] =	vst v10;
	v7 =	vmul.f32 $3.200000000e+01, v12  }
0x16d: {  	v9 =	vmul.f32 $3.200000000e+01, v9;
	[tilespmem:s17+$0x8380] =	vst v15;
	v8 =	vmul.f32 $3.200000000e+01, v13  }
0x16e: {  	v10 =	vmul.f32 $3.200000000e+01, v17;
	[tilespmem:s17+$0xC400] =	vst v6;
	v6 =	vmul.f32 $3.200000000e+01, v14  }
0x16f: {  	[tilespmem:s17+$0xC380] =	vst v4;
	v4 =	vadd.f32 v7, v8;
	v7 =	vadd.f32 v9, v8  }
0x170: {  	[tilespmem:s17+$0xE380] =	vst v3;
	v3 =	vadd.f32 v6, v8;
	v6 =	vadd.f32 v10, v8  }
0x171: {  	[tilespmem:s17+$0x8480] =	vst v4  }
0x172: {  	[tilespmem:s17+$0xE400] =	vst v5  }
0x173: {  	[tilespmem:s17+$0xA480] =	vst v7  }
0x174: {  	[tilespmem:s17+$0xC480] =	vst v3  }
0x175: {  	s28 =	sor.u32 $0x380, s30;
	s30 =	smov.u32 s23;
	[tilespmem:s17+$0xE480] =	vst v6  }
0x176: {  	v3 =	vld [tilespmem:s28+$0x1A200]  }
0x177: {  	v4 =	vld [tilespmem:s28+$0x8200];
	_ =	sdelay $0x3  }
0x178: {  	v3 =	vmul.f32 $3.200000000e+01, v3  }
0x179: {  	v4 =	vmul.f32 $3.200000000e+01, v4;
	_ =	sdelay $0x1  }
0x17a: {  	v4 =	vadd.f32 v4, v3;
	_ =	sdelay $0x1  }
0x17b: {  	[tilespmem:s28+$0x8200] =	vst v4  }
0x17c: {  	v4 =	vld [tilespmem:s17+$0xA580]  }
0x17d: {  	s0 =	sand.u32 $0x70, s0;
	s23 =	sand.u32 $0x1C00, s29;
	v5 =	vld [tilespmem:s17+$0xE580]  }
0x17e: {  	s0 =	sor.u32 s0, s23;
	v6 =	vld [tilespmem:s17+$0xC580]  }
0x17f: {  	v7 =	vld [tilespmem:s0+$0xE500]  }
0x180: {  	v8 =	vld [tilespmem:s0+$0x8280]  }
0x181: {  	v9 =	vld [tilespmem:s0+$0xE280];
	v4 =	vmul.f32 $3.200000000e+01, v4  }
0x182: {  	v10 =	vld [tilespmem:s0+$0xC500];
	v5 =	vmul.f32 $3.200000000e+01, v5  }
0x183: {  	v11 =	vld [tilespmem:s0+$0xA280];
	v4 =	vadd.f32 v4, v3;
	v6 =	vmul.f32 $3.200000000e+01, v6  }
0x184: {  	v12 =	vld [tilespmem:s0+$0xA200];
	v7 =	vmul.f32 $3.200000000e+01, v7;
	v5 =	vadd.f32 v5, v3  }
0x185: {  	v13 =	vld [tilespmem:s0+$0xC200];
	[tilespmem:s17+$0xA580] =	vst v4;
	v3 =	vadd.f32 v6, v3  }
0x186: {  	v4 =	vld [tilespmem:s0+$0xE200];
	[tilespmem:s17+$0xE580] =	vst v5  }
0x187: {  	v5 =	vld [tilespmem:s0+$0x1A500];
	[tilespmem:s17+$0xC580] =	vst v3;
	s17 =	smov.u32 s0  }
0x188: {  	v3 =	vld [tilespmem:s17+$0x1A200]  }
0x189: {  	v6 =	vld [tilespmem:s17+$0x8200]  }
0x18a: {  	v13 =	vmul.f32 $3.200000000e+01, v13;
	v14 =	vld [tilespmem:s17+$0x8500]  }
0x18b: {  	v15 =	vld [tilespmem:s17+$0xA500]  }
0x18c: {  	v16 =	vld [tilespmem:s17+$0x1A280]  }
0x18d: {  	v4 =	vmul.f32 $3.200000000e+01, v4;
	v3 =	vmul.f32 $3.200000000e+01, v3;
	v17 =	vld [tilespmem:s17+$0xC280]  }
0x18e: {  	v5 =	vmul.f32 $3.200000000e+01, v5;
	v6 =	vmul.f32 $3.200000000e+01, v6;
	v18 =	vld [tilespmem:s17+$0xC300]  }
0x18f: {  	v10 =	vmul.f32 $3.200000000e+01, v10;
	v4 =	vadd.f32 v4, v3;
	v19 =	vld [tilespmem:s17+$0xA300];
	v14 =	vmul.f32 $3.200000000e+01, v14  }
0x190: {  	v11 =	vmul.f32 $3.200000000e+01, v11;
	v21 =	vadd.f32 v7, v5;
	v20 =	vld [tilespmem:s17+$0x8300];
	v15 =	vmul.f32 $3.200000000e+01, v15  }
0x191: {  	v7 =	vmul.f32 $3.200000000e+01, v8;
	v16 =	vmul.f32 $3.200000000e+01, v16;
	v8 =	vld [tilespmem:s17+$0x1A300];
	v14 =	vadd.f32 v14, v5  }
0x192: {  	v9 =	vmul.f32 $3.200000000e+01, v9;
	v10 =	vadd.f32 v10, v5;
	[tilespmem:s17+$0xE200] =	vst v4;
	v4 =	vmul.f32 $3.200000000e+01, v17;
	v17 =	vld [tilespmem:s17+$0xE300]  }
0x193: {  	v12 =	vmul.f32 $3.200000000e+01, v12;
	v22 =	vadd.f32 v7, v16;
	v11 =	vadd.f32 v11, v16;
	v23 =	vld [tilespmem:s17+$0xC380];
	[tilespmem:s17+$0x8500] =	vst v14  }
0x194: {  	v7 =	vadd.f32 v4, v16;
	v4 =	vadd.f32 v9, v16;
	v14 =	vld [tilespmem:s17+$0xA380];
	[tilespmem:s17+$0xE500] =	vst v21  }
0x195: {  	v9 =	vadd.f32 v12, v3;
	v12 =	vadd.f32 v13, v3;
	[tilespmem:s17+$0xA280] =	vst v11;
	v11 =	vmul.f32 $3.200000000e+01, v19;
	v19 =	vld [tilespmem:s17+$0x8380]  }
0x196: {  	v21 =	vadd.f32 v15, v5;
	v13 =	vmul.f32 $3.200000000e+01, v8;
	v8 =	vmul.f32 $3.200000000e+01, v20;
	v20 =	vld [tilespmem:s17+$0x1A380];
	[tilespmem:s17+$0xC500] =	vst v10  }
.Ltmp3:
0x197: {  	v5 =	vadd.f32 v6, v3;
	v10 =	vmul.f32 $3.200000000e+01, v18;
	[tilespmem:s17+$0xC200] =	vst v12;
	v16 =	vmul.f32 $3.200000000e+01, v17;
	v3 =	vld [tilespmem:s17+$0xE380];
	(pc) =	sbr.rel @p0 .LBB2_5-.Ltmp3, $4  }
0x198: {  	[tilespmem:s17+$0xA200] =	vst v9;
	v15 =	vadd.f32 v8, v13;
	v12 =	vadd.f32 v11, v13;
	v6 =	vmul.f32 $3.200000000e+01, v23;
	v8 =	vld [tilespmem:s17+$0x1A400]  }
0x199: {  	v11 =	vadd.f32 v10, v13;
	[tilespmem:s17+$0x8200] =	vst v5;
	v5 =	vadd.f32 v16, v13;
	v9 =	vld [tilespmem:s17+$0x8400]  }
0x19a: {  	v16 =	vmul.f32 $3.200000000e+01, v14;
	v10 =	vld [tilespmem:s17+$0xA400];
	[tilespmem:s17+$0xA500] =	vst v21  }
0x19b: {  	v17 =	vmul.f32 $3.200000000e+01, v19;
	[tilespmem:s17+$0x8280] =	vst v22;
	v13 =	vmul.f32 $3.200000000e+01, v20;
	v14 =	vld [tilespmem:s17+$0xC400]  }
0x19c: {  	[tilespmem:s17+$0xC280] =	vst v7  }
0x19d: {  	[tilespmem:s17+$0x8300] =	vst v15  }
0x19e: {  	[tilespmem:s17+$0xE280] =	vst v4  }
0x19f: {  	v7 =	vld [tilespmem:s17+$0xE400];
	[tilespmem:s17+$0xA300] =	vst v12  }
0x1a0: {  	v12 =	vld [tilespmem:s17+$0x8480];
	[tilespmem:s17+$0xC300] =	vst v11;
	v16 =	vadd.f32 v16, v13;
	v8 =	vmul.f32 $3.200000000e+01, v8;
	v9 =	vmul.f32 $3.200000000e+01, v9  }
0x1a1: {  	v11 =	vld [tilespmem:s17+$0x1A480];
	[tilespmem:s17+$0xE300] =	vst v5;
	v6 =	vadd.f32 v6, v13;
	v10 =	vmul.f32 $3.200000000e+01, v10  }
0x1a2: {  	v4 =	vld [tilespmem:s17+$0xA480];
	[tilespmem:s17+$0xA380] =	vst v16;
	v9 =	vadd.f32 v9, v8  }
0x1a3: {  	v15 =	vld [tilespmem:s17+$0xE480];
	v3 =	vmul.f32 $3.200000000e+01, v3;
	[tilespmem:s17+$0xC380] =	vst v6;
	v10 =	vadd.f32 v10, v8  }
0x1a4: {  	v16 =	vld [tilespmem:s17+$0xC480];
	v14 =	vmul.f32 $3.200000000e+01, v14;
	[tilespmem:s17+$0x8400] =	vst v9;
	v9 =	vadd.f32 v17, v13  }
0x1a5: {  	v3 =	vadd.f32 v3, v13;
	v7 =	vmul.f32 $3.200000000e+01, v7;
	[tilespmem:s17+$0xA400] =	vst v10  }
0x1a6: {  	v5 =	vadd.f32 v14, v8;
	v10 =	vmul.f32 $3.200000000e+01, v12;
	[tilespmem:s17+$0x8380] =	vst v9;
	v9 =	vmul.f32 $3.200000000e+01, v11  }
0x1a7: {  	[tilespmem:s17+$0xE380] =	vst v3;
	v4 =	vmul.f32 $3.200000000e+01, v4;
	v6 =	vadd.f32 v7, v8  }
0x1a8: {  	v3 =	vmul.f32 $3.200000000e+01, v15;
	[tilespmem:s17+$0xC400] =	vst v5;
	v5 =	vadd.f32 v10, v9  }
0x1a9: {  	v7 =	vmul.f32 $3.200000000e+01, v16;
	[tilespmem:s17+$0xE400] =	vst v6;
	v4 =	vadd.f32 v4, v9  }
0x1aa: {  	v3 =	vadd.f32 v3, v9;
	[tilespmem:s17+$0x8480] =	vst v5  }
0x1ab: {  	v5 =	vadd.f32 v7, v9;
	[tilespmem:s17+$0xA480] =	vst v4  }
0x1ac: {  	[tilespmem:s17+$0xE480] =	vst v3  }
0x1ad: {  	s0 =	sor.u32 $0x380, s30;
	[tilespmem:s17+$0xC480] =	vst v5  }
0x1ae: {  	v3 =	vld [tilespmem:s0+$0x1A200]  }
0x1af: {  	v4 =	vld [tilespmem:s0+$0x8200];
	_ =	sdelay $0x4  }
0x1b0: {  	v3 =	vmul.f32 $3.200000000e+01, v3;
	v4 =	vmul.f32 $3.200000000e+01, v4;
	_ =	sdelay $0x1  }
0x1b1: {  	v4 =	vadd.f32 v4, v3;
	_ =	sdelay $0x1  }
0x1b2: {  	[tilespmem:s0+$0x8200] =	vst v4  }
0x1b3: {  	v4 =	vld [tilespmem:s17+$0xA580]  }
0x1b4: {  	v5 =	vld [tilespmem:s17+$0xE580]  }
0x1b5: {  	v6 =	vld [tilespmem:s17+$0xC580];
	_ =	sdelay $0x2  }
0x1b6: {  	v4 =	vmul.f32 $3.200000000e+01, v4  }
0x1b7: {  	v5 =	vmul.f32 $3.200000000e+01, v5  }
0x1b8: {  	v6 =	vmul.f32 $3.200000000e+01, v6;
	v4 =	vadd.f32 v4, v3  }
0x1b9: {  	v5 =	vadd.f32 v5, v3  }
0x1ba: {  	v3 =	vadd.f32 v6, v3;
	[tilespmem:s17+$0xA580] =	vst v4  }
0x1bb: {  	[tilespmem:s17+$0xE580] =	vst v5  }
0x1bc: {  	[tilespmem:s17+$0xC580] =	vst v3  }
0x1bd: {  	s0 =	sadd.s32 $0x3, s19;
	_ =	swait.ge [sflag:s11], $0x8000  }
0x1be: {  	s23 =	sshll.u32 s0, $0x5;
	[sflag:s11] =	ssyncset.done $0x0  }
0x1bf: {  	s23 =	sand.u32 $0x3FFFFFE0, s23;
	[sflag:s11] =	ssyncadd.s32 $0xFFFF8000  }
0x1c0: {  	v3 =	vld [tilespmem:s23+$0x0];
	_ =	sdelay $0x4  }
0x1c1: {  	v4 =	vshll.u32 v3, $0x3  }
0x1c2: {  	v3 =	vand.u32 $0x7, v3;
	v4 =	vand.u32 $0xFFFFFFC0, v4  }
0x1c3: {  	v3 =	vor.u32 v3, v4  }
0x1c4: {  	v4 =	vperm.xlane v3, v0;
	_ =	sdelay $0x1  }
0x1c5: {  	v4 =	vadd.s32 v1, v4;
	_ =	sdelay $0x3  }
0x1c6: {  	s31 =	simm.s32 $0x200;
	s17 =	simm.s32 $0x0  }
0x1c7: {  	[tilespmem:s31], [sflag:$0x1] =	stream.indirect_vreg.gather [hbm4b:s1+s17], $0x80, v4, vm0, $0xb8;
	[tilespmem:$0x1E200] =	vst v63  }
0x1c8: {  	s28 =	simm.s32 $0xA00;
	v3 =	vperm.xlane v3, v2  }
0x1c9: {  	[tilespmem:s28], [sflag:$0x1] =	stream.indirect_vreg.gather [hbm4b:s7+s17], $0x80, v4, vm0, $0xb8;
	[tilespmem:$0x1E200] =	vst v63  }
0x1ca: {  	v3 =	vadd.s32 v1, v3;
	s28 =	simm.s32 $0x1200  }
0x1cb: {  	[tilespmem:s28], [sflag:$0x1] =	stream.indirect_vreg.gather [hbm4b:s8+s17], $0x80, v4, vm0, $0xb8;
	[tilespmem:$0x1E200] =	vst v63  }
0x1cc: {  	s28 =	simm.s32 $0x1A00  }
0x1cd: {  	[tilespmem:s28], [sflag:$0x1] =	stream.indirect_vreg.gather [hbm4b:s10+s17], $0x80, v4, vm0, $0xb8;
	[tilespmem:$0x1E200] =	vst v63  }
0x1ce: {  	_ = 	snop  }
0x1cf: {  	[tilespmem:s2], [sflag:$0x1] =	stream.indirect_vreg.gather [hbm4b:s1+s17], $0x80, v3, vm0, $0xb8;
	[tilespmem:$0x1E200] =	vst v63  }
0x1d0: {  	s28 =	simm.s32 $0x2A00  }
0x1d1: {  	[tilespmem:s28], [sflag:$0x1] =	stream.indirect_vreg.gather [hbm4b:s7+s17], $0x80, v3, vm0, $0xb8;
	[tilespmem:$0x1E200] =	vst v63  }
0x1d2: {  	s28 =	simm.s32 $0x3200  }
0x1d3: {  	[tilespmem:s28], [sflag:$0x1] =	stream.indirect_vreg.gather [hbm4b:s8+s17], $0x80, v3, vm0, $0xb8;
	[tilespmem:$0x1E200] =	vst v63  }
0x1d4: {  	s28 =	simm.s32 $0x3A00  }
0x1d5: {  	[tilespmem:s28], [sflag:$0x1] =	stream.indirect_vreg.gather [hbm4b:s10+s17], $0x80, v3, vm0, $0xb8;
	[tilespmem:$0x1E200] =	vst v63  }
0x1d6: {  	v3 =	vld [tilespmem:s23+$0x10];
	_ =	sdelay $0x4  }
0x1d7: {  	v4 =	vshll.u32 v3, $0x3  }
0x1d8: {  	v3 =	vand.u32 $0x7, v3;
	v4 =	vand.u32 $0xFFFFFFC0, v4  }
0x1d9: {  	v3 =	vor.u32 v3, v4  }
0x1da: {  	v4 =	vperm.xlane v3, v0;
	_ =	sdelay $0x1  }
0x1db: {  	v4 =	vadd.s32 v1, v4;
	_ =	sdelay $0x3  }
0x1dc: {  	s2 =	simm.s32 $0x4200  }
0x1dd: {  	[tilespmem:s2], [sflag:$0x1] =	stream.indirect_vreg.gather [hbm4b:s1+s17], $0x80, v4, vm0, $0xb8;
	[tilespmem:$0x1E200] =	vst v63  }
0x1de: {  	s28 =	simm.s32 $0x4A00;
	v3 =	vperm.xlane v3, v2  }
0x1df: {  	[tilespmem:s28], [sflag:$0x1] =	stream.indirect_vreg.gather [hbm4b:s7+s17], $0x80, v4, vm0, $0xb8;
	[tilespmem:$0x1E200] =	vst v63  }
0x1e0: {  	v3 =	vadd.s32 v1, v3;
	s28 =	simm.s32 $0x5200  }
0x1e1: {  	[tilespmem:s28], [sflag:$0x1] =	stream.indirect_vreg.gather [hbm4b:s8+s17], $0x80, v4, vm0, $0xb8;
	[tilespmem:$0x1E200] =	vst v63  }
0x1e2: {  	s28 =	simm.s32 $0x5A00  }
0x1e3: {  	[tilespmem:s28], [sflag:$0x1] =	stream.indirect_vreg.gather [hbm4b:s10+s17], $0x80, v4, vm0, $0xb8;
	[tilespmem:$0x1E200] =	vst v63  }
0x1e4: {  	_ = 	snop  }
0x1e5: {  	[tilespmem:s6], [sflag:$0x1] =	stream.indirect_vreg.gather [hbm4b:s1+s17], $0x80, v3, vm0, $0xb8;
	[tilespmem:$0x1E200] =	vst v63  }
0x1e6: {  	s28 =	simm.s32 $0x6A00  }
0x1e7: {  	[tilespmem:s28], [sflag:$0x1] =	stream.indirect_vreg.gather [hbm4b:s7+s17], $0x80, v3, vm0, $0xb8;
	[tilespmem:$0x1E200] =	vst v63  }
0x1e8: {  	s28 =	simm.s32 $0x7200  }
0x1e9: {  	[tilespmem:s28], [sflag:$0x1] =	stream.indirect_vreg.gather [hbm4b:s8+s17], $0x80, v3, vm0, $0xb8;
	[tilespmem:$0x1E200] =	vst v63  }
0x1ea: {  	s0 =	sshll.u32 s0, $0xA;
	s28 =	simm.s32 $0x7A00  }
0x1eb: {  	[tilespmem:s28], [sflag:$0x1] =	stream.indirect_vreg.gather [hbm4b:s10+s17], $0x80, v3, vm0, $0xb8;
	[tilespmem:$0x1E200] =	vst v63  }
0x1ec: {  	s0 =	sadd.s32 s0, s9;
	s28 =	simm.s32 $0x18200  }
0x1ed: {  	[tilespmem:s28], [sflag:$0x4] =	stream.linear.gather [hbm4b:s0+s17], $0x2000, $0x38;
	[tilespmem:$0x1E200] =	vst v63  }
0x1ee: {  	s0 =	sadd.s32 $0x8, s24  }
0x1ef: {  	s24 =	sadd.s32 s3, s0  }
0x1f0: {  	s23 =	sshll.u32 s24, $0x7  }
0x1f1: {  	s28 =	simm.s32 $0x8200;
	s24 =	sadd.s32 s12, s0;
	s23 =	sadd.s32 s4, s23  }
0x1f2: {  	[hbm4b:s23+s17] =	stream.linear.scatter [tilespmem:s28], [sflag:$0x8], $0x2000, $0x38;
	[tilespmem:$0x1E200] =	vst v63  }
0x1f3: {  	s23 =	sshll.u32 s24, $0x7  }
0x1f4: {  	s28 =	simm.s32 $0xA200;
	s24 =	sadd.s32 s13, s0;
	s23 =	sadd.s32 s4, s23  }
0x1f5: {  	[hbm4b:s23+s17] =	stream.linear.scatter [tilespmem:s28], [sflag:$0x8], $0x2000, $0x38;
	[tilespmem:$0x1E200] =	vst v63  }
0x1f6: {  	s0 =	sadd.s32 s14, s0;
	s23 =	sshll.u32 s24, $0x7  }
0x1f7: {  	s0 =	sshll.u32 s0, $0x7;
	s28 =	simm.s32 $0xC200;
	s23 =	sadd.s32 s4, s23  }
0x1f8: {  	[hbm4b:s23+s17] =	stream.linear.scatter [tilespmem:s28], [sflag:$0x8], $0x2000, $0x38;
	[tilespmem:$0x1E200] =	vst v63  }
0x1f9: {  	s0 =	sadd.s32 s4, s0;
	s28 =	simm.s32 $0xE200  }
0x1fa: {  	[hbm4b:s0+s17] =	stream.linear.scatter [tilespmem:s28], [sflag:$0x8], $0x2000, $0x38;
	[tilespmem:$0x1E200] =	vst v63  }
0x1fb: {  	_ =	swait.ge [sflag:s15], $0x8000  }
0x1fc: {  	[sflag:s15] =	ssyncset.done $0x0  }
0x1fd: {  	[sflag:s15] =	ssyncadd.s32 $0xFFFF8000  }
0x1fe: {  	_ =	swait.ge [sflag:s16], $0x2000  }
0x1ff: {  	s24 =	sand.u32 $0x70, s17;
	s28 =	sand.u32 $0x1C00, s17;
	[sflag:s16] =	ssyncset.done $0x0  }
0x200: {  	s24 =	sor.u32 s24, s28;
	[sflag:s16] =	ssyncadd.s32 $0xFFFFE000  }
0x201: {  	v3 =	vld [tilespmem:s24+$0x16500]  }
0x202: {  	v4 =	vld [tilespmem:s24+$0x10280]  }
0x203: {  	v5 =	vld [tilespmem:s24+$0x16280]  }
0x204: {  	v6 =	vld [tilespmem:s24+$0x14500]  }
0x205: {  	v7 =	vld [tilespmem:s24+$0x12280]  }
0x206: {  	v8 =	vld [tilespmem:s24+$0x12200]  }
0x207: {  	v9 =	vld [tilespmem:s24+$0x14200]  }
0x208: {  	v10 =	vld [tilespmem:s24+$0x16200]  }
0x209: {  	v11 =	vld [tilespmem:s24+$0x1C500]  }
0x20a: {  	v12 =	vld [tilespmem:s24+$0x1C200]  }
0x20b: {  	v13 =	vld [tilespmem:s24+$0x10200]  }
0x20c: {  	v16 =	vld [tilespmem:s24+$0x1C280]  }
0x20d: {  	v14 =	vld [tilespmem:s24+$0x10500]  }
0x20e: {  	v15 =	vld [tilespmem:s24+$0x12500]  }
0x20f: {  	v17 =	vld [tilespmem:s24+$0x14280];
	v12 =	vmul.f32 $3.200000000e+01, v12;
	v10 =	vmul.f32 $3.200000000e+01, v10  }
0x210: {  	v18 =	vld [tilespmem:s24+$0x14300];
	v11 =	vmul.f32 $3.200000000e+01, v11;
	v3 =	vmul.f32 $3.200000000e+01, v3  }
0x211: {  	v19 =	vld [tilespmem:s24+$0x12300];
	v7 =	vmul.f32 $3.200000000e+01, v7;
	v16 =	vmul.f32 $3.200000000e+01, v16;
	v10 =	vadd.f32 v10, v12  }
0x212: {  	v20 =	vld [tilespmem:s24+$0x10300];
	v6 =	vmul.f32 $3.200000000e+01, v6;
	v3 =	vadd.f32 v3, v11  }
0x213: {  	v21 =	vld [tilespmem:s24+$0x1C300];
	v14 =	vmul.f32 $3.200000000e+01, v14;
	v7 =	vadd.f32 v7, v16;
	[tilespmem:s24+$0x16200] =	vst v10  }
0x214: {  	v22 =	vld [tilespmem:s24+$0x14380];
	v4 =	vmul.f32 $3.200000000e+01, v4;
	v6 =	vadd.f32 v6, v11;
	[tilespmem:s24+$0x16500] =	vst v3  }
0x215: {  	v25 =	vld [tilespmem:s24+$0x1C380];
	v5 =	vmul.f32 $3.200000000e+01, v5;
	v10 =	vadd.f32 v14, v11;
	v3 =	vmul.f32 $3.200000000e+01, v9;
	[tilespmem:s24+$0x12280] =	vst v7  }
0x216: {  	v14 =	vld [tilespmem:s24+$0x16300];
	v7 =	vmul.f32 $3.200000000e+01, v8;
	[tilespmem:s24+$0x14500] =	vst v6;
	v6 =	vmul.f32 $3.200000000e+01, v13;
	v13 =	vadd.f32 v4, v16  }
0x217: {  	v23 =	vld [tilespmem:s24+$0x12380];
	v9 =	vmul.f32 $3.200000000e+01, v15;
	v15 =	vmul.f32 $3.200000000e+01, v20;
	[tilespmem:s24+$0x10500] =	vst v10;
	v3 =	vadd.f32 v3, v12  }
0x218: {  	v24 =	vld [tilespmem:s24+$0x10380];
	v4 =	vadd.f32 v5, v16;
	v5 =	vmul.f32 $3.200000000e+01, v18;
	v7 =	vadd.f32 v7, v12;
	[tilespmem:s24+$0x10280] =	vst v13  }
0x219: {  	v8 =	vld [tilespmem:s24+$0x1C400];
	v10 =	vmul.f32 $3.200000000e+01, v17;
	v6 =	vadd.f32 v6, v12;
	v17 =	vmul.f32 $3.200000000e+01, v21;
	[tilespmem:s24+$0x14200] =	vst v3  }
0x21a: {  	v12 =	vmul.f32 $3.200000000e+01, v19;
	v11 =	vadd.f32 v9, v11;
	v13 =	vmul.f32 $3.200000000e+01, v25;
	v3 =	vld [tilespmem:s24+$0x16380];
	[tilespmem:s24+$0x12200] =	vst v7  }
0x21b: {  	v9 =	vld [tilespmem:s24+$0x10400];
	[tilespmem:s24+$0x10200] =	vst v6;
	v7 =	vadd.f32 v10, v16;
	v15 =	vadd.f32 v15, v17;
	v14 =	vmul.f32 $3.200000000e+01, v14  }
0x21c: {  	v10 =	vld [tilespmem:s24+$0x12400];
	v12 =	vadd.f32 v12, v17;
	[tilespmem:s24+$0x12500] =	vst v11;
	v6 =	vmul.f32 $3.200000000e+01, v22;
	v11 =	vadd.f32 v5, v17  }
0x21d: {  	s30 =	simm.s32 $0x10;
	s29 =	sor.u32 s17, s17;
	v16 =	vmul.f32 $3.200000000e+01, v23;
	v5 =	vadd.f32 v14, v17;
	v17 =	vmul.f32 $3.200000000e+01, v24;
	v14 =	vld [tilespmem:s24+$0x14400]  }
.LBB2_7:
0x21e: {  	p0 =	sne.s32 s30, $0x3F0  }
0x21f: {  	[tilespmem:s24+$0x14280] =	vst v7;
	v3 =	vmul.f32 $3.200000000e+01, v3;
	v7 =	vld [tilespmem:s24+$0x16400];
	s17 =	sadd.s32 $0x80, s17;
	s0 =	smov.u32 s30;
	s30 =	sadd.s32 $0x10, s30  }
0x220: {  	s23 =	sor.u32 s17, s0;
	[tilespmem:s24+$0x10300] =	vst v15;
	v15 =	vadd.f32 v17, v13;
	v16 =	vadd.f32 v16, v13;
	v8 =	vmul.f32 $3.200000000e+01, v8;
	v17 =	vld [tilespmem:s24+$0x16480]  }
0x221: {  	[tilespmem:s24+$0x16280] =	vst v4;
	v4 =	vadd.f32 v6, v13;
	v3 =	vadd.f32 v3, v13;
	v6 =	vmul.f32 $3.200000000e+01, v9;
	v9 =	vld [tilespmem:s24+$0x12480]  }
0x222: {  	[tilespmem:s24+$0x12300] =	vst v12;
	v10 =	vmul.f32 $3.200000000e+01, v10;
	v12 =	vld [tilespmem:s24+$0x10480]  }
0x223: {  	[tilespmem:s24+$0x14300] =	vst v11;
	v6 =	vadd.f32 v6, v8;
	v11 =	vmul.f32 $3.200000000e+01, v14;
	v13 =	vld [tilespmem:s24+$0x1C480]  }
0x224: {  	[tilespmem:s24+$0x12380] =	vst v16;
	v10 =	vadd.f32 v10, v8;
	v7 =	vmul.f32 $3.200000000e+01, v7;
	v14 =	vld [tilespmem:s24+$0x14480]  }
0x225: {  	[tilespmem:s24+$0x10400] =	vst v6;
	v6 =	vadd.f32 v11, v8  }
0x226: {  	[tilespmem:s24+$0x16300] =	vst v5;
	v5 =	vadd.f32 v7, v8  }
0x227: {  	[tilespmem:s24+$0x12400] =	vst v10;
	v7 =	vmul.f32 $3.200000000e+01, v12  }
0x228: {  	v9 =	vmul.f32 $3.200000000e+01, v9;
	[tilespmem:s24+$0x10380] =	vst v15;
	v8 =	vmul.f32 $3.200000000e+01, v13  }
0x229: {  	v10 =	vmul.f32 $3.200000000e+01, v17;
	[tilespmem:s24+$0x14400] =	vst v6;
	v6 =	vmul.f32 $3.200000000e+01, v14  }
0x22a: {  	[tilespmem:s24+$0x14380] =	vst v4;
	v4 =	vadd.f32 v7, v8;
	v7 =	vadd.f32 v9, v8  }
0x22b: {  	[tilespmem:s24+$0x16380] =	vst v3;
	v3 =	vadd.f32 v6, v8;
	v6 =	vadd.f32 v10, v8  }
0x22c: {  	[tilespmem:s24+$0x10480] =	vst v4  }
0x22d: {  	[tilespmem:s24+$0x16400] =	vst v5  }
0x22e: {  	[tilespmem:s24+$0x12480] =	vst v7  }
0x22f: {  	[tilespmem:s24+$0x14480] =	vst v3  }
0x230: {  	s28 =	sor.u32 $0x380, s29;
	s29 =	smov.u32 s23;
	[tilespmem:s24+$0x16480] =	vst v6  }
0x231: {  	v3 =	vld [tilespmem:s28+$0x1C200]  }
0x232: {  	v4 =	vld [tilespmem:s28+$0x10200];
	_ =	sdelay $0x3  }
0x233: {  	v3 =	vmul.f32 $3.200000000e+01, v3  }
0x234: {  	v4 =	vmul.f32 $3.200000000e+01, v4;
	_ =	sdelay $0x1  }
0x235: {  	v4 =	vadd.f32 v4, v3;
	_ =	sdelay $0x1  }
0x236: {  	[tilespmem:s28+$0x10200] =	vst v4  }
0x237: {  	v4 =	vld [tilespmem:s24+$0x12580]  }
0x238: {  	s0 =	sand.u32 $0x70, s0;
	s23 =	sand.u32 $0x1C00, s17;
	v5 =	vld [tilespmem:s24+$0x16580]  }
0x239: {  	s0 =	sor.u32 s0, s23;
	v6 =	vld [tilespmem:s24+$0x14580]  }
0x23a: {  	v7 =	vld [tilespmem:s0+$0x16500]  }
0x23b: {  	v8 =	vld [tilespmem:s0+$0x10280]  }
0x23c: {  	v9 =	vld [tilespmem:s0+$0x16280];
	v4 =	vmul.f32 $3.200000000e+01, v4  }
0x23d: {  	v10 =	vld [tilespmem:s0+$0x14500];
	v5 =	vmul.f32 $3.200000000e+01, v5  }
0x23e: {  	v11 =	vld [tilespmem:s0+$0x12280];
	v4 =	vadd.f32 v4, v3;
	v6 =	vmul.f32 $3.200000000e+01, v6  }
0x23f: {  	v12 =	vld [tilespmem:s0+$0x12200];
	v7 =	vmul.f32 $3.200000000e+01, v7;
	v5 =	vadd.f32 v5, v3  }
0x240: {  	v13 =	vld [tilespmem:s0+$0x14200];
	[tilespmem:s24+$0x12580] =	vst v4;
	v3 =	vadd.f32 v6, v3  }
0x241: {  	v4 =	vld [tilespmem:s0+$0x16200];
	[tilespmem:s24+$0x16580] =	vst v5  }
0x242: {  	v5 =	vld [tilespmem:s0+$0x1C500];
	[tilespmem:s24+$0x14580] =	vst v3;
	s24 =	smov.u32 s0  }
0x243: {  	v3 =	vld [tilespmem:s24+$0x1C200]  }
0x244: {  	v6 =	vld [tilespmem:s24+$0x10200]  }
0x245: {  	v13 =	vmul.f32 $3.200000000e+01, v13;
	v14 =	vld [tilespmem:s24+$0x10500]  }
0x246: {  	v15 =	vld [tilespmem:s24+$0x12500]  }
0x247: {  	v16 =	vld [tilespmem:s24+$0x1C280]  }
0x248: {  	v4 =	vmul.f32 $3.200000000e+01, v4;
	v3 =	vmul.f32 $3.200000000e+01, v3;
	v17 =	vld [tilespmem:s24+$0x14280]  }
0x249: {  	v5 =	vmul.f32 $3.200000000e+01, v5;
	v6 =	vmul.f32 $3.200000000e+01, v6;
	v18 =	vld [tilespmem:s24+$0x14300]  }
0x24a: {  	v10 =	vmul.f32 $3.200000000e+01, v10;
	v4 =	vadd.f32 v4, v3;
	v19 =	vld [tilespmem:s24+$0x12300];
	v14 =	vmul.f32 $3.200000000e+01, v14  }
0x24b: {  	v11 =	vmul.f32 $3.200000000e+01, v11;
	v21 =	vadd.f32 v7, v5;
	v20 =	vld [tilespmem:s24+$0x10300];
	v15 =	vmul.f32 $3.200000000e+01, v15  }
0x24c: {  	v7 =	vmul.f32 $3.200000000e+01, v8;
	v16 =	vmul.f32 $3.200000000e+01, v16;
	v8 =	vld [tilespmem:s24+$0x1C300];
	v14 =	vadd.f32 v14, v5  }
0x24d: {  	v9 =	vmul.f32 $3.200000000e+01, v9;
	v10 =	vadd.f32 v10, v5;
	[tilespmem:s24+$0x16200] =	vst v4;
	v4 =	vmul.f32 $3.200000000e+01, v17;
	v17 =	vld [tilespmem:s24+$0x16300]  }
0x24e: {  	v12 =	vmul.f32 $3.200000000e+01, v12;
	v22 =	vadd.f32 v7, v16;
	v11 =	vadd.f32 v11, v16;
	v23 =	vld [tilespmem:s24+$0x14380];
	[tilespmem:s24+$0x10500] =	vst v14  }
0x24f: {  	v7 =	vadd.f32 v4, v16;
	v4 =	vadd.f32 v9, v16;
	v14 =	vld [tilespmem:s24+$0x12380];
	[tilespmem:s24+$0x16500] =	vst v21  }
0x250: {  	v9 =	vadd.f32 v12, v3;
	v12 =	vadd.f32 v13, v3;
	[tilespmem:s24+$0x12280] =	vst v11;
	v11 =	vmul.f32 $3.200000000e+01, v19;
	v19 =	vld [tilespmem:s24+$0x10380]  }
0x251: {  	v21 =	vadd.f32 v15, v5;
	v13 =	vmul.f32 $3.200000000e+01, v8;
	v8 =	vmul.f32 $3.200000000e+01, v20;
	v20 =	vld [tilespmem:s24+$0x1C380];
	[tilespmem:s24+$0x14500] =	vst v10  }
.Ltmp4:
0x252: {  	v5 =	vadd.f32 v6, v3;
	v10 =	vmul.f32 $3.200000000e+01, v18;
	[tilespmem:s24+$0x14200] =	vst v12;
	v16 =	vmul.f32 $3.200000000e+01, v17;
	v3 =	vld [tilespmem:s24+$0x16380];
	(pc) =	sbr.rel @p0 .LBB2_7-.Ltmp4, $4  }
0x253: {  	[tilespmem:s24+$0x12200] =	vst v9;
	v15 =	vadd.f32 v8, v13;
	v12 =	vadd.f32 v11, v13;
	v6 =	vmul.f32 $3.200000000e+01, v23;
	v8 =	vld [tilespmem:s24+$0x1C400]  }
0x254: {  	v11 =	vadd.f32 v10, v13;
	[tilespmem:s24+$0x10200] =	vst v5;
	v5 =	vadd.f32 v16, v13;
	v9 =	vld [tilespmem:s24+$0x10400]  }
0x255: {  	v16 =	vmul.f32 $3.200000000e+01, v14;
	v10 =	vld [tilespmem:s24+$0x12400];
	[tilespmem:s24+$0x12500] =	vst v21  }
0x256: {  	v17 =	vmul.f32 $3.200000000e+01, v19;
	[tilespmem:s24+$0x10280] =	vst v22;
	v13 =	vmul.f32 $3.200000000e+01, v20;
	v14 =	vld [tilespmem:s24+$0x14400]  }
0x257: {  	[tilespmem:s24+$0x14280] =	vst v7  }
0x258: {  	[tilespmem:s24+$0x10300] =	vst v15  }
0x259: {  	[tilespmem:s24+$0x16280] =	vst v4  }
0x25a: {  	[tilespmem:s24+$0x12300] =	vst v12;
	v51 =	vld [tilespmem:s24+$0x10480]  }
0x25b: {  	[tilespmem:s24+$0x14300] =	vst v11;
	v52 =	vld [tilespmem:s24+$0x1C480];
	v16 =	vadd.f32 v16, v13  }
0x25c: {  	v48 =	vld [tilespmem:s24+$0x16400];
	[tilespmem:s24+$0x16300] =	vst v5;
	v3 =	vmul.f32 $3.200000000e+01, v3;
	v54 =	vadd.f32 v17, v13  }
0x25d: {  	v50 =	vld [tilespmem:s24+$0x12480];
	v8 =	vmul.f32 $3.200000000e+01, v8;
	v6 =	vadd.f32 v6, v13;
	v9 =	vmul.f32 $3.200000000e+01, v9;
	[tilespmem:s24+$0x12380] =	vst v16  }
0x25e: {  	v53 =	vld [tilespmem:s24+$0x14480];
	v3 =	vadd.f32 v3, v13;
	v10 =	vmul.f32 $3.200000000e+01, v10;
	[tilespmem:s24+$0x10380] =	vst v54  }
0x25f: {  	v49 =	vld [tilespmem:s24+$0x16480];
	[tilespmem:s24+$0x14380] =	vst v6;
	v9 =	vadd.f32 v9, v8;
	v14 =	vmul.f32 $3.200000000e+01, v14  }
0x260: {  	[tilespmem:s24+$0x16380] =	vst v3;
	v10 =	vadd.f32 v10, v8;
	v56 =	vmul.f32 $3.200000000e+01, v51;
	v57 =	vmul.f32 $3.200000000e+01, v52  }
0x261: {  	v7 =	vmul.f32 $3.200000000e+01, v48;
	[tilespmem:s24+$0x10400] =	vst v9;
	v55 =	vadd.f32 v14, v8  }
0x262: {  	v4 =	vmul.f32 $3.200000000e+01, v50;
	[tilespmem:s24+$0x12400] =	vst v10;
	v58 =	vadd.f32 v56, v57  }
0x263: {  	v60 =	vmul.f32 $3.200000000e+01, v53;
	v59 =	vadd.f32 v7, v8;
	[tilespmem:s24+$0x14400] =	vst v55  }
0x264: {  	v3 =	vmul.f32 $3.200000000e+01, v49;
	v4 =	vadd.f32 v4, v57;
	[tilespmem:s24+$0x10480] =	vst v58  }
0x265: {  	v61 =	vadd.f32 v60, v57;
	[tilespmem:s24+$0x16400] =	vst v59  }
0x266: {  	v3 =	vadd.f32 v3, v57;
	[tilespmem:s24+$0x12480] =	vst v4  }
0x267: {  	[tilespmem:s24+$0x14480] =	vst v61  }
0x268: {  	s0 =	sor.u32 $0x380, s29;
	[tilespmem:s24+$0x16480] =	vst v3  }
0x269: {  	v3 =	vld [tilespmem:s0+$0x1C200]  }
0x26a: {  	v4 =	vld [tilespmem:s0+$0x10200];
	_ =	sdelay $0x4  }
0x26b: {  	v3 =	vmul.f32 $3.200000000e+01, v3;
	v4 =	vmul.f32 $3.200000000e+01, v4;
	_ =	sdelay $0x1  }
0x26c: {  	v4 =	vadd.f32 v4, v3;
	_ =	sdelay $0x1  }
0x26d: {  	[tilespmem:s0+$0x10200] =	vst v4  }
0x26e: {  	v4 =	vld [tilespmem:s24+$0x12580]  }
0x26f: {  	v62 =	vld [tilespmem:s24+$0x16580]  }
0x270: {  	v63 =	vld [tilespmem:s24+$0x14580];
	_ =	sdelay $0x2  }
0x271: {  	v4 =	vmul.f32 $3.200000000e+01, v4  }
0x272: {  	p0 =	seq.s32 s18, $0x4;
	v5 =	vmul.f32 $3.200000000e+01, v62  }
.Ltmp5:
0x273: {  	v6 =	vmul.f32 $3.200000000e+01, v63;
	v4 =	vadd.f32 v4, v3;
	(pc) =	sbr.rel @p0 .LBB2_10-.Ltmp5, $4  }
0x274: {  	v5 =	vadd.f32 v5, v3  }
0x275: {  	v3 =	vadd.f32 v6, v3;
	[tilespmem:s24+$0x12580] =	vst v4  }
0x276: {  	[tilespmem:s24+$0x16580] =	vst v5  }
0x277: {  	[tilespmem:s24+$0x14580] =	vst v3  }
0x278: {  	s29 =	simm.s32 $0x8  }
0x279: {  	s0 =	sadd.s32 $0x4, s19;
	_ =	swait.ge [sflag:s29], $0x8000  }
0x27a: {  	s17 =	sshll.u32 s0, $0x5;
	[sflag:s29] =	ssyncset.done $0x0  }
0x27b: {  	s17 =	sand.u32 $0x3FFFFFE0, s17;
	[sflag:s29] =	ssyncadd.s32 $0xFFFF8000  }
0x27c: {  	v3 =	vld [tilespmem:s17+$0x0];
	_ =	sdelay $0x4  }
0x27d: {  	v4 =	vshll.u32 v3, $0x3  }
0x27e: {  	v3 =	vand.u32 $0x7, v3;
	v4 =	vand.u32 $0xFFFFFFC0, v4  }
0x27f: {  	v3 =	vor.u32 v3, v4  }
0x280: {  	v4 =	vperm.xlane v3, v0;
	_ =	sdelay $0x1  }
0x281: {  	v4 =	vadd.s32 v1, v4;
	_ =	sdelay $0x3  }
0x282: {  	s30 =	simm.s32 $0x8200  }
0x283: {  	[tilespmem:s30], [sflag:$0x2] =	stream.indirect_vreg.gather [hbm4b:s1+s5], $0x80, v4, vm0, $0xb8;
	[tilespmem:$0x1E200] =	vst v63  }
0x284: {  	s23 =	simm.s32 $0x8A00;
	v3 =	vperm.xlane v3, v2  }
0x285: {  	[tilespmem:s23], [sflag:$0x2] =	stream.indirect_vreg.gather [hbm4b:s7+s5], $0x80, v4, vm0, $0xb8;
	[tilespmem:$0x1E200] =	vst v63  }
0x286: {  	s24 =	simm.s32 $0x9200;
	v3 =	vadd.s32 v1, v3  }
0x287: {  	[tilespmem:s24], [sflag:$0x2] =	stream.indirect_vreg.gather [hbm4b:s8+s5], $0x80, v4, vm0, $0xb8;
	[tilespmem:$0x1E200] =	vst v63  }
0x288: {  	s28 =	simm.s32 $0x9A00  }
0x289: {  	[tilespmem:s28], [sflag:$0x2] =	stream.indirect_vreg.gather [hbm4b:s10+s5], $0x80, v4, vm0, $0xb8;
	[tilespmem:$0x1E200] =	vst v63  }
0x28a: {  	s29 =	simm.s32 $0xA200  }
0x28b: {  	[tilespmem:s29], [sflag:$0x2] =	stream.indirect_vreg.gather [hbm4b:s1+s5], $0x80, v3, vm0, $0xb8;
	[tilespmem:$0x1E200] =	vst v63  }
0x28c: {  	s30 =	simm.s32 $0xAA00  }
0x28d: {  	[tilespmem:s30], [sflag:$0x2] =	stream.indirect_vreg.gather [hbm4b:s7+s5], $0x80, v3, vm0, $0xb8;
	[tilespmem:$0x1E200] =	vst v63  }
0x28e: {  	s23 =	simm.s32 $0xB200  }
0x28f: {  	[tilespmem:s23], [sflag:$0x2] =	stream.indirect_vreg.gather [hbm4b:s8+s5], $0x80, v3, vm0, $0xb8;
	[tilespmem:$0x1E200] =	vst v63  }
0x290: {  	s24 =	simm.s32 $0xBA00  }
0x291: {  	[tilespmem:s24], [sflag:$0x2] =	stream.indirect_vreg.gather [hbm4b:s10+s5], $0x80, v3, vm0, $0xb8;
	[tilespmem:$0x1E200] =	vst v63  }
0x292: {  	v3 =	vld [tilespmem:s17+$0x10];
	_ =	sdelay $0x4  }
0x293: {  	v63 =	vshll.u32 v3, $0x3  }
0x294: {  	v3 =	vand.u32 $0x7, v3;
	v4 =	vand.u32 $0xFFFFFFC0, v63  }
0x295: {  	v3 =	vor.u32 v3, v4  }
0x296: {  	v4 =	vperm.xlane v3, v0;
	_ =	sdelay $0x1  }
0x297: {  	v4 =	vadd.s32 v1, v4;
	_ =	sdelay $0x3  }
0x298: {  	s28 =	simm.s32 $0xC200  }
0x299: {  	[tilespmem:s28], [sflag:$0x2] =	stream.indirect_vreg.gather [hbm4b:s1+s5], $0x80, v4, vm0, $0xb8;
	[tilespmem:$0x1E200] =	vst v63  }
0x29a: {  	s29 =	simm.s32 $0xCA00;
	v3 =	vperm.xlane v3, v2  }
0x29b: {  	[tilespmem:s29], [sflag:$0x2] =	stream.indirect_vreg.gather [hbm4b:s7+s5], $0x80, v4, vm0, $0xb8;
	[tilespmem:$0x1E200] =	vst v63  }
0x29c: {  	s30 =	simm.s32 $0xD200;
	v3 =	vadd.s32 v1, v3  }
0x29d: {  	[tilespmem:s30], [sflag:$0x2] =	stream.indirect_vreg.gather [hbm4b:s8+s5], $0x80, v4, vm0, $0xb8;
	[tilespmem:$0x1E200] =	vst v63  }
0x29e: {  	s19 =	simm.s32 $0xDA00  }
0x29f: {  	[tilespmem:s19], [sflag:$0x2] =	stream.indirect_vreg.gather [hbm4b:s10+s5], $0x80, v4, vm0, $0xb8;
	[tilespmem:$0x1E200] =	vst v63  }
0x2a0: {  	s23 =	simm.s32 $0xE200  }
0x2a1: {  	[tilespmem:s23], [sflag:$0x2] =	stream.indirect_vreg.gather [hbm4b:s1+s5], $0x80, v3, vm0, $0xb8;
	[tilespmem:$0x1E200] =	vst v63  }
0x2a2: {  	s24 =	simm.s32 $0xEA00  }
0x2a3: {  	[tilespmem:s24], [sflag:$0x2] =	stream.indirect_vreg.gather [hbm4b:s7+s5], $0x80, v3, vm0, $0xb8;
	[tilespmem:$0x1E200] =	vst v63  }
0x2a4: {  	s28 =	simm.s32 $0xF200  }
0x2a5: {  	[tilespmem:s28], [sflag:$0x2] =	stream.indirect_vreg.gather [hbm4b:s8+s5], $0x80, v3, vm0, $0xb8;
	[tilespmem:$0x1E200] =	vst v63  }
.Ltmp6:
0x2a6: {  	_ = 	snop;
	(pc) =	sbr.rel .LBB2_10-.Ltmp6, $4  }
0x2a7: {  	s0 =	sshll.u32 s0, $0xA;
	s29 =	simm.s32 $0xFA00  }
0x2a8: {  	[tilespmem:s29], [sflag:$0x2] =	stream.indirect_vreg.gather [hbm4b:s10+s5], $0x80, v3, vm0, $0xb8;
	[tilespmem:$0x1E200] =	vst v63  }
0x2a9: {  	s0 =	sadd.s32 s0, s9;
	s30 =	simm.s32 $0x1A200  }
0x2aa: {  	[tilespmem:s30], [sflag:$0x5] =	stream.linear.gather [hbm4b:s0+s5], $0x2000, $0x38;
	[tilespmem:$0x1E200] =	vst v63  }
.LBB2_11:
0x2ab: {  	_ =	swait.ge [sflag:s25], $0x8000  }
0x2ac: {  	[sflag:s25] =	ssyncset.done $0x0  }
0x2ad: {  	[sflag:s25] =	ssyncadd.s32 $0xFFFF8000  }
0x2ae: {  	s18 =	simm.s32 $0x0;
	_ =	swait.ge [sflag:s26], $0x2000  }
0x2af: {  	s0 =	sand.u32 $0x70, s18;
	s17 =	sand.u32 $0x1C00, s18;
	[sflag:s26] =	ssyncset.done $0x0  }
0x2b0: {  	s17 =	sor.u32 s0, s17;
	[sflag:s26] =	ssyncadd.s32 $0xFFFFE000  }
0x2b1: {  	v3 =	vld [tilespmem:s17+$0x6500]  }
0x2b2: {  	v4 =	vld [tilespmem:s17+$0x280]  }
0x2b3: {  	v5 =	vld [tilespmem:s17+$0x6280]  }
0x2b4: {  	v6 =	vld [tilespmem:s17+$0x4500]  }
0x2b5: {  	v7 =	vld [tilespmem:s17+$0x2280]  }
0x2b6: {  	v8 =	vld [tilespmem:s17+$0x2200]  }
0x2b7: {  	v9 =	vld [tilespmem:s17+$0x4200]  }
0x2b8: {  	v10 =	vld [tilespmem:s17+$0x6200]  }
0x2b9: {  	v11 =	vld [tilespmem:s17+$0x18500]  }
0x2ba: {  	v12 =	vld [tilespmem:s17+$0x18200]  }
0x2bb: {  	v13 =	vld [tilespmem:s17+$0x200]  }
0x2bc: {  	v16 =	vld [tilespmem:s17+$0x18280]  }
0x2bd: {  	v14 =	vld [tilespmem:s17+$0x500]  }
0x2be: {  	v15 =	vld [tilespmem:s17+$0x2500]  }
0x2bf: {  	v17 =	vld [tilespmem:s17+$0x4280];
	v12 =	vmul.f32 $3.200000000e+01, v12;
	v10 =	vmul.f32 $3.200000000e+01, v10  }
0x2c0: {  	v18 =	vld [tilespmem:s17+$0x4300];
	v11 =	vmul.f32 $3.200000000e+01, v11;
	v3 =	vmul.f32 $3.200000000e+01, v3  }
0x2c1: {  	v19 =	vld [tilespmem:s17+$0x2300];
	v7 =	vmul.f32 $3.200000000e+01, v7;
	v16 =	vmul.f32 $3.200000000e+01, v16;
	v10 =	vadd.f32 v10, v12  }
0x2c2: {  	v20 =	vld [tilespmem:s17+$0x300];
	v6 =	vmul.f32 $3.200000000e+01, v6;
	v3 =	vadd.f32 v3, v11  }
0x2c3: {  	v21 =	vld [tilespmem:s17+$0x18300];
	v14 =	vmul.f32 $3.200000000e+01, v14;
	v7 =	vadd.f32 v7, v16;
	[tilespmem:s17+$0x6200] =	vst v10  }
0x2c4: {  	v22 =	vld [tilespmem:s17+$0x4380];
	v4 =	vmul.f32 $3.200000000e+01, v4;
	v6 =	vadd.f32 v6, v11;
	[tilespmem:s17+$0x6500] =	vst v3  }
0x2c5: {  	v25 =	vld [tilespmem:s17+$0x18380];
	v5 =	vmul.f32 $3.200000000e+01, v5;
	v10 =	vadd.f32 v14, v11;
	v3 =	vmul.f32 $3.200000000e+01, v9;
	[tilespmem:s17+$0x2280] =	vst v7  }
0x2c6: {  	v14 =	vld [tilespmem:s17+$0x6300];
	v7 =	vmul.f32 $3.200000000e+01, v8;
	[tilespmem:s17+$0x4500] =	vst v6;
	v6 =	vmul.f32 $3.200000000e+01, v13;
	v13 =	vadd.f32 v4, v16  }
0x2c7: {  	v23 =	vld [tilespmem:s17+$0x2380];
	v9 =	vmul.f32 $3.200000000e+01, v15;
	v15 =	vmul.f32 $3.200000000e+01, v20;
	[tilespmem:s17+$0x500] =	vst v10;
	v3 =	vadd.f32 v3, v12  }
0x2c8: {  	v24 =	vld [tilespmem:s17+$0x380];
	v4 =	vadd.f32 v5, v16;
	v5 =	vmul.f32 $3.200000000e+01, v18;
	v7 =	vadd.f32 v7, v12;
	[tilespmem:s17+$0x280] =	vst v13  }
0x2c9: {  	v8 =	vld [tilespmem:s17+$0x18400];
	v10 =	vmul.f32 $3.200000000e+01, v17;
	v6 =	vadd.f32 v6, v12;
	v17 =	vmul.f32 $3.200000000e+01, v21;
	[tilespmem:s17+$0x4200] =	vst v3  }
0x2ca: {  	v12 =	vmul.f32 $3.200000000e+01, v19;
	v11 =	vadd.f32 v9, v11;
	v13 =	vmul.f32 $3.200000000e+01, v25;
	v3 =	vld [tilespmem:s17+$0x6380];
	[tilespmem:s17+$0x2200] =	vst v7  }
0x2cb: {  	v9 =	vld [tilespmem:s17+$0x400];
	[tilespmem:s17+$0x200] =	vst v6;
	v7 =	vadd.f32 v10, v16;
	v15 =	vadd.f32 v15, v17;
	v14 =	vmul.f32 $3.200000000e+01, v14  }
0x2cc: {  	v10 =	vld [tilespmem:s17+$0x2400];
	v12 =	vadd.f32 v12, v17;
	[tilespmem:s17+$0x2500] =	vst v11;
	v6 =	vmul.f32 $3.200000000e+01, v22;
	v11 =	vadd.f32 v5, v17  }
0x2cd: {  	s22 =	simm.s32 $0x10;
	s19 =	sor.u32 s18, s18;
	v16 =	vmul.f32 $3.200000000e+01, v23;
	v5 =	vadd.f32 v14, v17;
	v17 =	vmul.f32 $3.200000000e+01, v24;
	v14 =	vld [tilespmem:s17+$0x4400]  }
.LBB2_12:
0x2ce: {  	p0 =	sne.s32 s22, $0x3F0  }
0x2cf: {  	[tilespmem:s17+$0x4280] =	vst v7;
	v3 =	vmul.f32 $3.200000000e+01, v3;
	v7 =	vld [tilespmem:s17+$0x6400];
	s18 =	sadd.s32 $0x80, s18;
	s0 =	smov.u32 s22;
	s22 =	sadd.s32 $0x10, s22  }
0x2d0: {  	s23 =	sor.u32 s18, s0;
	[tilespmem:s17+$0x300] =	vst v15;
	v15 =	vadd.f32 v17, v13;
	v16 =	vadd.f32 v16, v13;
	v8 =	vmul.f32 $3.200000000e+01, v8;
	v17 =	vld [tilespmem:s17+$0x6480]  }
0x2d1: {  	[tilespmem:s17+$0x6280] =	vst v4;
	v4 =	vadd.f32 v6, v13;
	v3 =	vadd.f32 v3, v13;
	v6 =	vmul.f32 $3.200000000e+01, v9;
	v9 =	vld [tilespmem:s17+$0x2480]  }
0x2d2: {  	[tilespmem:s17+$0x2300] =	vst v12;
	v10 =	vmul.f32 $3.200000000e+01, v10;
	v12 =	vld [tilespmem:s17+$0x480]  }
0x2d3: {  	[tilespmem:s17+$0x4300] =	vst v11;
	v6 =	vadd.f32 v6, v8;
	v11 =	vmul.f32 $3.200000000e+01, v14;
	v13 =	vld [tilespmem:s17+$0x18480]  }
0x2d4: {  	[tilespmem:s17+$0x2380] =	vst v16;
	v10 =	vadd.f32 v10, v8;
	v7 =	vmul.f32 $3.200000000e+01, v7;
	v14 =	vld [tilespmem:s17+$0x4480]  }
0x2d5: {  	[tilespmem:s17+$0x400] =	vst v6;
	v6 =	vadd.f32 v11, v8  }
0x2d6: {  	[tilespmem:s17+$0x6300] =	vst v5;
	v5 =	vadd.f32 v7, v8  }
0x2d7: {  	[tilespmem:s17+$0x2400] =	vst v10;
	v7 =	vmul.f32 $3.200000000e+01, v12  }
0x2d8: {  	v9 =	vmul.f32 $3.200000000e+01, v9;
	[tilespmem:s17+$0x380] =	vst v15;
	v8 =	vmul.f32 $3.200000000e+01, v13  }
0x2d9: {  	v10 =	vmul.f32 $3.200000000e+01, v17;
	[tilespmem:s17+$0x4400] =	vst v6;
	v6 =	vmul.f32 $3.200000000e+01, v14  }
0x2da: {  	[tilespmem:s17+$0x4380] =	vst v4;
	v4 =	vadd.f32 v7, v8;
	v7 =	vadd.f32 v9, v8  }
0x2db: {  	[tilespmem:s17+$0x6380] =	vst v3;
	v3 =	vadd.f32 v6, v8;
	v6 =	vadd.f32 v10, v8  }
0x2dc: {  	[tilespmem:s17+$0x480] =	vst v4  }
0x2dd: {  	[tilespmem:s17+$0x6400] =	vst v5  }
0x2de: {  	[tilespmem:s17+$0x2480] =	vst v7  }
0x2df: {  	[tilespmem:s17+$0x4480] =	vst v3  }
0x2e0: {  	s24 =	sor.u32 $0x380, s19;
	s19 =	smov.u32 s23;
	[tilespmem:s17+$0x6480] =	vst v6  }
0x2e1: {  	v3 =	vld [tilespmem:s24+$0x18200]  }
0x2e2: {  	v4 =	vld [tilespmem:s24+$0x200];
	_ =	sdelay $0x3  }
0x2e3: {  	v3 =	vmul.f32 $3.200000000e+01, v3  }
0x2e4: {  	v4 =	vmul.f32 $3.200000000e+01, v4;
	_ =	sdelay $0x1  }
0x2e5: {  	v4 =	vadd.f32 v4, v3;
	_ =	sdelay $0x1  }
0x2e6: {  	[tilespmem:s24+$0x200] =	vst v4  }
0x2e7: {  	v4 =	vld [tilespmem:s17+$0x2580]  }
0x2e8: {  	s0 =	sand.u32 $0x70, s0;
	s23 =	sand.u32 $0x1C00, s18;
	v5 =	vld [tilespmem:s17+$0x6580]  }
0x2e9: {  	s0 =	sor.u32 s0, s23;
	v6 =	vld [tilespmem:s17+$0x4580]  }
0x2ea: {  	v7 =	vld [tilespmem:s0+$0x6500]  }
0x2eb: {  	v8 =	vld [tilespmem:s0+$0x280]  }
0x2ec: {  	v9 =	vld [tilespmem:s0+$0x6280];
	v4 =	vmul.f32 $3.200000000e+01, v4  }
0x2ed: {  	v10 =	vld [tilespmem:s0+$0x4500];
	v5 =	vmul.f32 $3.200000000e+01, v5  }
0x2ee: {  	v11 =	vld [tilespmem:s0+$0x2280];
	v4 =	vadd.f32 v4, v3;
	v6 =	vmul.f32 $3.200000000e+01, v6  }
0x2ef: {  	v12 =	vld [tilespmem:s0+$0x2200];
	v7 =	vmul.f32 $3.200000000e+01, v7;
	v5 =	vadd.f32 v5, v3  }
0x2f0: {  	v13 =	vld [tilespmem:s0+$0x4200];
	[tilespmem:s17+$0x2580] =	vst v4;
	v3 =	vadd.f32 v6, v3  }
0x2f1: {  	v4 =	vld [tilespmem:s0+$0x6200];
	[tilespmem:s17+$0x6580] =	vst v5  }
0x2f2: {  	v5 =	vld [tilespmem:s0+$0x18500];
	[tilespmem:s17+$0x4580] =	vst v3;
	s17 =	smov.u32 s0  }
0x2f3: {  	v3 =	vld [tilespmem:s17+$0x18200]  }
0x2f4: {  	v6 =	vld [tilespmem:s17+$0x200]  }
0x2f5: {  	v13 =	vmul.f32 $3.200000000e+01, v13;
	v14 =	vld [tilespmem:s17+$0x500]  }
0x2f6: {  	v15 =	vld [tilespmem:s17+$0x2500]  }
0x2f7: {  	v16 =	vld [tilespmem:s17+$0x18280]  }
0x2f8: {  	v4 =	vmul.f32 $3.200000000e+01, v4;
	v3 =	vmul.f32 $3.200000000e+01, v3;
	v17 =	vld [tilespmem:s17+$0x4280]  }
0x2f9: {  	v5 =	vmul.f32 $3.200000000e+01, v5;
	v6 =	vmul.f32 $3.200000000e+01, v6;
	v18 =	vld [tilespmem:s17+$0x4300]  }
0x2fa: {  	v10 =	vmul.f32 $3.200000000e+01, v10;
	v4 =	vadd.f32 v4, v3;
	v19 =	vld [tilespmem:s17+$0x2300];
	v14 =	vmul.f32 $3.200000000e+01, v14  }
0x2fb: {  	v11 =	vmul.f32 $3.200000000e+01, v11;
	v21 =	vadd.f32 v7, v5;
	v20 =	vld [tilespmem:s17+$0x300];
	v15 =	vmul.f32 $3.200000000e+01, v15  }
0x2fc: {  	v7 =	vmul.f32 $3.200000000e+01, v8;
	v16 =	vmul.f32 $3.200000000e+01, v16;
	v8 =	vld [tilespmem:s17+$0x18300];
	v14 =	vadd.f32 v14, v5  }
0x2fd: {  	v9 =	vmul.f32 $3.200000000e+01, v9;
	v10 =	vadd.f32 v10, v5;
	[tilespmem:s17+$0x6200] =	vst v4;
	v4 =	vmul.f32 $3.200000000e+01, v17;
	v17 =	vld [tilespmem:s17+$0x6300]  }
0x2fe: {  	v12 =	vmul.f32 $3.200000000e+01, v12;
	v22 =	vadd.f32 v7, v16;
	v11 =	vadd.f32 v11, v16;
	v23 =	vld [tilespmem:s17+$0x4380];
	[tilespmem:s17+$0x500] =	vst v14  }
0x2ff: {  	v7 =	vadd.f32 v4, v16;
	v4 =	vadd.f32 v9, v16;
	v14 =	vld [tilespmem:s17+$0x2380];
	[tilespmem:s17+$0x6500] =	vst v21  }
0x300: {  	v9 =	vadd.f32 v12, v3;
	v12 =	vadd.f32 v13, v3;
	[tilespmem:s17+$0x2280] =	vst v11;
	v11 =	vmul.f32 $3.200000000e+01, v19;
	v19 =	vld [tilespmem:s17+$0x380]  }
0x301: {  	v21 =	vadd.f32 v15, v5;
	v13 =	vmul.f32 $3.200000000e+01, v8;
	v8 =	vmul.f32 $3.200000000e+01, v20;
	v20 =	vld [tilespmem:s17+$0x18380];
	[tilespmem:s17+$0x4500] =	vst v10  }
.Ltmp7:
0x302: {  	v5 =	vadd.f32 v6, v3;
	v10 =	vmul.f32 $3.200000000e+01, v18;
	[tilespmem:s17+$0x4200] =	vst v12;
	v16 =	vmul.f32 $3.200000000e+01, v17;
	v3 =	vld [tilespmem:s17+$0x6380];
	(pc) =	sbr.rel @p0 .LBB2_12-.Ltmp7, $4  }
0x303: {  	[tilespmem:s17+$0x2200] =	vst v9;
	v15 =	vadd.f32 v8, v13;
	v12 =	vadd.f32 v11, v13;
	v6 =	vmul.f32 $3.200000000e+01, v23;
	v8 =	vld [tilespmem:s17+$0x18400]  }
0x304: {  	v11 =	vadd.f32 v10, v13;
	[tilespmem:s17+$0x200] =	vst v5;
	v5 =	vadd.f32 v16, v13;
	v9 =	vld [tilespmem:s17+$0x400]  }
0x305: {  	v16 =	vmul.f32 $3.200000000e+01, v14;
	v10 =	vld [tilespmem:s17+$0x2400];
	[tilespmem:s17+$0x2500] =	vst v21  }
0x306: {  	v17 =	vmul.f32 $3.200000000e+01, v19;
	[tilespmem:s17+$0x280] =	vst v22;
	v13 =	vmul.f32 $3.200000000e+01, v20;
	v14 =	vld [tilespmem:s17+$0x4400]  }
0x307: {  	[tilespmem:s17+$0x4280] =	vst v7  }
0x308: {  	[tilespmem:s17+$0x300] =	vst v15  }
0x309: {  	[tilespmem:s17+$0x6280] =	vst v4  }
0x30a: {  	[tilespmem:s17+$0x2300] =	vst v12;
	v51 =	vld [tilespmem:s17+$0x480]  }
0x30b: {  	[tilespmem:s17+$0x4300] =	vst v11;
	v52 =	vld [tilespmem:s17+$0x18480];
	v16 =	vadd.f32 v16, v13  }
0x30c: {  	v48 =	vld [tilespmem:s17+$0x6400];
	[tilespmem:s17+$0x6300] =	vst v5;
	v3 =	vmul.f32 $3.200000000e+01, v3;
	v54 =	vadd.f32 v17, v13  }
0x30d: {  	v50 =	vld [tilespmem:s17+$0x2480];
	v8 =	vmul.f32 $3.200000000e+01, v8;
	v6 =	vadd.f32 v6, v13;
	v9 =	vmul.f32 $3.200000000e+01, v9;
	[tilespmem:s17+$0x2380] =	vst v16  }
0x30e: {  	v53 =	vld [tilespmem:s17+$0x4480];
	v3 =	vadd.f32 v3, v13;
	v10 =	vmul.f32 $3.200000000e+01, v10;
	[tilespmem:s17+$0x380] =	vst v54  }
0x30f: {  	v49 =	vld [tilespmem:s17+$0x6480];
	[tilespmem:s17+$0x4380] =	vst v6;
	v9 =	vadd.f32 v9, v8;
	v14 =	vmul.f32 $3.200000000e+01, v14  }
0x310: {  	[tilespmem:s17+$0x6380] =	vst v3;
	v10 =	vadd.f32 v10, v8;
	v56 =	vmul.f32 $3.200000000e+01, v51;
	v57 =	vmul.f32 $3.200000000e+01, v52  }
0x311: {  	v7 =	vmul.f32 $3.200000000e+01, v48;
	[tilespmem:s17+$0x400] =	vst v9;
	v55 =	vadd.f32 v14, v8  }
0x312: {  	v4 =	vmul.f32 $3.200000000e+01, v50;
	[tilespmem:s17+$0x2400] =	vst v10;
	v58 =	vadd.f32 v56, v57  }
0x313: {  	v60 =	vmul.f32 $3.200000000e+01, v53;
	v59 =	vadd.f32 v7, v8;
	[tilespmem:s17+$0x4400] =	vst v55  }
0x314: {  	v3 =	vmul.f32 $3.200000000e+01, v49;
	v4 =	vadd.f32 v4, v57;
	[tilespmem:s17+$0x480] =	vst v58  }
0x315: {  	v61 =	vadd.f32 v60, v57;
	[tilespmem:s17+$0x6400] =	vst v59  }
0x316: {  	v3 =	vadd.f32 v3, v57;
	[tilespmem:s17+$0x2480] =	vst v4  }
0x317: {  	[tilespmem:s17+$0x4480] =	vst v61  }
0x318: {  	s0 =	sor.u32 $0x380, s19;
	[tilespmem:s17+$0x6480] =	vst v3  }
0x319: {  	v3 =	vld [tilespmem:s0+$0x18200]  }
0x31a: {  	v4 =	vld [tilespmem:s0+$0x200];
	_ =	sdelay $0x4  }
0x31b: {  	v3 =	vmul.f32 $3.200000000e+01, v3;
	v4 =	vmul.f32 $3.200000000e+01, v4;
	_ =	sdelay $0x1  }
0x31c: {  	v4 =	vadd.f32 v4, v3;
	_ =	sdelay $0x1  }
0x31d: {  	[tilespmem:s0+$0x200] =	vst v4  }
0x31e: {  	v4 =	vld [tilespmem:s17+$0x2580]  }
0x31f: {  	v62 =	vld [tilespmem:s17+$0x6580]  }
0x320: {  	v63 =	vld [tilespmem:s17+$0x4580];
	_ =	sdelay $0x2  }
0x321: {  	v4 =	vmul.f32 $3.200000000e+01, v4  }
0x322: {  	v5 =	vmul.f32 $3.200000000e+01, v62  }
0x323: {  	v6 =	vmul.f32 $3.200000000e+01, v63;
	v4 =	vadd.f32 v4, v3  }
0x324: {  	v5 =	vadd.f32 v5, v3  }
0x325: {  	v3 =	vadd.f32 v6, v3;
	[tilespmem:s17+$0x2580] =	vst v4  }
0x326: {  	[tilespmem:s17+$0x6580] =	vst v5  }
0x327: {  	[tilespmem:s17+$0x4580] =	vst v3;
	s17 =	rddreg [dreg:$0x7]  }
0x328: {  	[hbm4b:s17+s5] =	stream.linear.scatter [tilespmem:s31], [sflag:$0x7], $0x2000, $0x38;
	[tilespmem:$0x1E200] =	vst v63  }
0x329: {  	s18 =	rddreg [dreg:$0x8]  }
0x32a: {  	[hbm4b:s18+s5] =	stream.linear.scatter [tilespmem:s28], [sflag:$0x7], $0x2000, $0x38;
	[tilespmem:$0x1E200] =	vst v63  }
0x32b: {  	s19 =	rddreg [dreg:$0x9]  }
0x32c: {  	[hbm4b:s19+s5] =	stream.linear.scatter [tilespmem:s2], [sflag:$0x7], $0x2000, $0x38;
	[tilespmem:$0x1E200] =	vst v63  }
0x32d: {  	s22 =	rddreg [dreg:$0xa];
	s23 =	simm.s32 $0x8  }
0x32e: {  	[hbm4b:s22+s5] =	stream.linear.scatter [tilespmem:s6], [sflag:$0x7], $0x2000, $0x38;
	[tilespmem:$0x1E200] =	vst v63  }
0x32f: {  	_ =	swait.ge [sflag:s23], $0x8000  }
0x330: {  	[sflag:s23] =	ssyncset.done $0x0  }
0x331: {  	s24 =	simm.s32 $0x9;
	[sflag:s23] =	ssyncadd.s32 $0xFFFF8000  }
0x332: {  	_ =	swait.ge [sflag:s24], $0x8000  }
0x333: {  	[sflag:s24] =	ssyncset.done $0x0  }
0x334: {  	[sflag:s24] =	ssyncadd.s32 $0xFFFF8000  }
0x335: {  	_ =	swait.ge [sflag:s11], $0x8000  }
0x336: {  	s29 =	rddreg [dreg:$0xc]  }
0x337: {  	s30 =	rddreg [dreg:$0xb];
	s17 =	sadd.s32 $0x1, s29  }
0x338: {  	p0 =	sne.s32 s17, s30  }
.Ltmp8:
0x339: {  	_ = 	snop;
	(pc) =	sbr.rel @p0 .LBB2_1-.Ltmp8, $3  }
0x33a: {  	_ =	sdelay $0x1  }
0x33b: {  	[sflag:s11] =	ssyncset.done $0x0  }
0x33c: {  	[sflag:s11] =	ssyncadd.s32 $0xFFFF8000  }
0x33d: {  	_ =	sfence.sel $0x180000  }
0x33e: {  	[bflag:$0x0] =	sbarrier.arrive $0xFFFF  }
0x33f: {  	_ =	strace $0x90000047  }
0x340: {  	s0 =	stileid.u32;
	[bflag:$0x2] =	sbarrier.arrive $0xFFFF  }
0x341: {  	p0 =	sne.s32 s0, $0x0;
	s0 =	rddreg [dreg:$0x4]  }
0x342: {  	s0 =	sadd.s32 @!p0 $0x100000, s0  }
0x343: {  	[sflag:s0] =	ssyncadd.tile.s32 @!p0 $0x1;
	_ =	shalt  }
.Lfunc_end2:
_tile_overlayer_lowered:
.L_overlay_start_2:
0x344: {  	(tag) =	ssettag $0x2  }
0x345: {  	s0 =	rddreg [dreg:$0x0];
	s2 =	stileid.u32  }
0x346: {  	s1 =	rddreg [dreg:$0x1];
	p0 =	sne.s32 s2, $0x0  }
0x347: {  	s3 =	rddreg [dreg:$0x2];
	[bflag:$0x3] =	sbarrier.arrive $0xFFFF;
	s2 =	simm.s32 @!p0 $0x1C0A  }
0x348: {  	[timem:s3], [sflag:s2] =	dma.local @!p0 [hbm:s0], s1  }
0x349: {  	s0 =	simm.s32 @!p0 $0xA  }
0x34a: {  	_ =	swait.ge @!p0 [sflag:s0], s1  }
0x34b: {  	s1 =	ssub.s32 @!p0 $0x0, s1;
	[sflag:s0] =	ssyncset.done @!p0 $0x0  }
0x34c: {  	[sflag:s0] =	ssyncadd.s32 @!p0 s1  }
0x34d: {  	[bflag:$0x3] =	sbarrier.arrive $0xFFFF  }
0x34e: {  	_ =	shalt  }

</sc_bundles>
